<compile_context>
chip_gen: v7x
topology: tpu7x:2x2x1
jax: 0.10.2.dev20260603
libtpu: 0.0.44.dev20260713+nightly
codegen_flags: <defaults>
</compile_context>

<pallas_src>
import jax
import jax.numpy as jnp
from jax import lax
from jax.experimental import pallas as pl
from jax.experimental.pallas import tpu as pltpu
from jax.experimental.pallas import tpu_sc as plsc

N = 10000
E = 320000
D = 128
D2 = D // 2

NC = 2
NS = 16
CH = 128
NCHT = 159
EPAD = NS * NCHT * CH
PADE = EPAD - E
NPAD = 10240
RPS = NPAD // NS
DEGW = 8
ZR = 80
NZ = RPS // ZR

_MESH = plsc.VectorSubcoreMesh(core_axis_name="c", subcore_axis_name="s")


def _make_sc_layer(with_deg):
    out_type = [jax.ShapeDtypeStruct((NC, NPAD, D2), jnp.float32)]
    scratch = [
        pltpu.VMEM_SHARED((NPAD, D2), jnp.float32),
        pltpu.VMEM((NCHT, CH), jnp.int32),
        pltpu.VMEM((NCHT, CH), jnp.int32),
        pltpu.VMEM((CH, D2), jnp.float32),
        pltpu.VMEM((CH, D2), jnp.float32),
        pltpu.VMEM((CH, D2), jnp.float32),
        pltpu.VMEM((ZR, D2), jnp.float32),
        pltpu.SemaphoreType.DMA,
        pltpu.SemaphoreType.DMA,
        pltpu.SemaphoreType.DMA,
        pltpu.SemaphoreType.DMA,
        pltpu.SemaphoreType.DMA,
    ]
    if with_deg:
        out_type.append(jax.ShapeDtypeStruct((NC, NPAD, DEGW), jnp.float32))
        scratch.insert(1, pltpu.VMEM_SHARED((NPAD, DEGW), jnp.float32))
        scratch.append(pltpu.VMEM((CH, DEGW), jnp.float32))
        scratch.append(pltpu.VMEM((ZR, DEGW), jnp.float32))

    def edge_phase(h_half, src3_hbm, dst3_hbm, sid, src_big, dst_big,
                   rows, gsems, agg_sh,
                   deg_lo=None, deg_hi=None, deg_sh=None, ones_v=None):
        pltpu.sync_copy(src3_hbm.at[sid], src_big)
        pltpu.sync_copy(dst3_hbm.at[sid], dst_big)
        for j in range(3):
            pltpu.async_copy(h_half.at[src_big.at[j]], rows[j], gsems[j])

        def ring(i, carry):
            c = 3 * i
            for j in range(3):
                pltpu.make_async_copy(h_half.at[src_big.at[0]], rows[j],
                                      gsems[j]).wait()
                pltpu.sync_copy(rows[j], agg_sh.at[dst_big.at[c + j]],
                                add=True)
                if deg_sh is not None:
                    @pl.when(jnp.logical_and(c + j >= deg_lo,
                                             c + j < deg_hi))
                    def _(j=j, c=c):
                        pltpu.sync_copy(ones_v, deg_sh.at[dst_big.at[c + j]],
                                        add=True)

                @pl.when(c + 3 + j < NCHT)
                def _(j=j, c=c):
                    pltpu.async_copy(h_half.at[src_big.at[c + 3 + j]],
                                     rows[j], gsems[j])
            return carry

        lax.fori_loop(0, NCHT // 3, ring, 0)

    def init_zero(stage_v, sh_ref, row0, sems):
        for k in range(NZ):
            pltpu.async_copy(stage_v, sh_ref.at[pl.ds(row0 + k * ZR, ZR)],
                             sems[k % 3])
        for k in range(NZ):
            pltpu.make_async_copy(stage_v, sh_ref.at[pl.ds(row0, ZR)],
                                  sems[k % 3]).wait()

    def pp_writeout(sh_ref, out_at, row0, rows, lsems, wsems):
        wb = (rows[0].at[pl.ds(0, ZR)], rows[1].at[pl.ds(0, ZR)])
        pltpu.async_copy(sh_ref.at[pl.ds(row0, ZR)], wb[0], lsems[0])
        for k in range(NZ):
            j = k % 2
            pltpu.make_async_copy(sh_ref.at[pl.ds(row0, ZR)], wb[j],
                                  lsems[j]).wait()
            pltpu.async_copy(wb[j], out_at(row0 + k * ZR), wsems[j])
            if k + 1 < NZ:
                jn = (k + 1) % 2
                if k >= 1:
                    pltpu.make_async_copy(wb[jn], out_at(row0),
                                          wsems[jn]).wait()
                pltpu.async_copy(sh_ref.at[pl.ds(row0 + (k + 1) * ZR, ZR)],
                                 wb[jn], lsems[jn])
        pltpu.make_async_copy(wb[(NZ - 2) % 2], out_at(row0),
                              wsems[(NZ - 2) % 2]).wait()
        pltpu.make_async_copy(wb[(NZ - 1) % 2], out_at(row0),
                              wsems[(NZ - 1) % 2]).wait()

    def body_deg(hlo_hbm, hhi_hbm, src3_hbm, dst3_hbm, z64_hbm, z16_hbm,
                 ones_hbm,
                 agg_out, deg_out,
                 agg_sh, deg_sh, src_big, dst_big, r0, r1, r2, stage_v,
                 g0, g1, g2, w0, w1, ones_v, dstage_v):
        rows = (r0, r1, r2)
        gsems = (g0, g1, g2)
        wsems = (w0, w1)
        cid = lax.axis_index("c")
        sid = lax.axis_index("s")
        row0 = sid * RPS
        pltpu.sync_copy(z64_hbm, stage_v)
        pltpu.sync_copy(z16_hbm, dstage_v)
        pltpu.sync_copy(ones_hbm, ones_v)
        init_zero(stage_v, agg_sh, row0, gsems)
        init_zero(dstage_v, deg_sh, row0, gsems)
        plsc.subcore_barrier()

        @pl.when(cid == 0)
        def _():
            edge_phase(hlo_hbm, src3_hbm, dst3_hbm, sid, src_big, dst_big,
                       rows, gsems, agg_sh, deg_lo=0, deg_hi=80,
                       deg_sh=deg_sh, ones_v=ones_v)

        @pl.when(cid == 1)
        def _():
            edge_phase(hhi_hbm, src3_hbm, dst3_hbm, sid, src_big, dst_big,
                       rows, gsems, agg_sh, deg_lo=80, deg_hi=NCHT,
                       deg_sh=deg_sh, ones_v=ones_v)

        plsc.subcore_barrier()

        pp_writeout(agg_sh, lambda r: agg_out.at[cid, pl.ds(r, ZR)],
                    row0, rows, gsems, wsems)

        def dwstep(k, carry):
            r = row0 + k * ZR
            pltpu.sync_copy(deg_sh.at[pl.ds(r, ZR)], dstage_v)
            pltpu.sync_copy(dstage_v, deg_out.at[cid, pl.ds(r, ZR)])
            return carry

        lax.fori_loop(0, NZ, dwstep, 0)

    def body_nodeg(hlo_hbm, hhi_hbm, src3_hbm, dst3_hbm, z64_hbm,
                   agg_out,
                   agg_sh, src_big, dst_big, r0, r1, r2, stage_v,
                   g0, g1, g2, w0, w1):
        rows = (r0, r1, r2)
        gsems = (g0, g1, g2)
        wsems = (w0, w1)
        cid = lax.axis_index("c")
        sid = lax.axis_index("s")
        row0 = sid * RPS
        pltpu.sync_copy(z64_hbm, stage_v)
        init_zero(stage_v, agg_sh, row0, gsems)
        plsc.subcore_barrier()

        @pl.when(cid == 0)
        def _():
            edge_phase(hlo_hbm, src3_hbm, dst3_hbm, sid, src_big, dst_big,
                       rows, gsems, agg_sh)

        @pl.when(cid == 1)
        def _():
            edge_phase(hhi_hbm, src3_hbm, dst3_hbm, sid, src_big, dst_big,
                       rows, gsems, agg_sh)

        plsc.subcore_barrier()

        pp_writeout(agg_sh, lambda r: agg_out.at[cid, pl.ds(r, ZR)],
                    row0, rows, gsems, wsems)

    body = body_deg if with_deg else body_nodeg
    return pl.kernel(
        body, out_type=tuple(out_type), mesh=_MESH,
        scratch_types=tuple(scratch),
        compiler_params=pltpu.CompilerParams(use_tc_tiling_on_sc=False))


_sc_layer_deg = _make_sc_layer(True)
_sc_layer = _make_sc_layer(False)


BR = 1000
G = N // BR


def _enc_body(x_ref, w_ref, b_ref, olo_ref, ohi_ref):
    z = (jnp.dot(x_ref[...], w_ref[...],
                 preferred_element_type=jnp.float32) + b_ref[...])
    olo_ref[...] = z[:, :D2]
    ohi_ref[...] = z[:, D2:]


def _layer_body(agg_ref, deg_ref, hlo_ref, hhi_ref, wn_ref, wr_ref, b_ref,
                olo_ref, ohi_ref):
    agg = jnp.concatenate([agg_ref[0], agg_ref[1]], axis=1)
    h = jnp.concatenate([hlo_ref[...], hhi_ref[...]], axis=1)
    inv = 1.0 / jnp.maximum(deg_ref[0, :, 0:1] + deg_ref[1, :, 0:1], 1.0)
    z = (jnp.dot(agg * inv, wn_ref[...], preferred_element_type=jnp.float32)
         + jnp.dot(h, wr_ref[...], preferred_element_type=jnp.float32)
         + b_ref[...])
    z = jnp.maximum(z, 0.0)
    olo_ref[...] = z[:, :D2]
    ohi_ref[...] = z[:, D2:]


def _layer_pred_body(agg_ref, deg_ref, hlo_ref, hhi_ref, wn_ref, wr_ref,
                     b_ref, wp_ref, bp_ref, o_ref):
    agg = jnp.concatenate([agg_ref[0], agg_ref[1]], axis=1)
    h = jnp.concatenate([hlo_ref[...], hhi_ref[...]], axis=1)
    inv = 1.0 / jnp.maximum(deg_ref[0, :, 0:1] + deg_ref[1, :, 0:1], 1.0)
    z = (jnp.dot(agg * inv, wn_ref[...], preferred_element_type=jnp.float32)
         + jnp.dot(h, wr_ref[...], preferred_element_type=jnp.float32)
         + b_ref[...])
    z = jnp.maximum(z, 0.0)
    o_ref[...] = (jnp.dot(z, wp_ref[...], preferred_element_type=jnp.float32)
                  + bp_ref[...])


_row_spec = pl.BlockSpec((BR, D), lambda i: (i, 0))
_half_spec = pl.BlockSpec((BR, D2), lambda i: (i, 0))
_w_spec = pl.BlockSpec((D, D), lambda i: (0, 0))
_b_spec = pl.BlockSpec((1, D), lambda i: (0, 0))
_agg_spec = pl.BlockSpec((NC, BR, D2), lambda i: (0, i, 0))
_deg_spec = pl.BlockSpec((NC, BR, DEGW), lambda i: (0, i, 0))
_half_sds = jax.ShapeDtypeStruct((N, D2), jnp.float32)

_encoder = pl.pallas_call(
    _enc_body, grid=(G,),
    in_specs=[_row_spec, _w_spec, _b_spec],
    out_specs=[_half_spec, _half_spec], out_shape=[_half_sds, _half_sds])

_tc_layer = pl.pallas_call(
    _layer_body, grid=(G,),
    in_specs=[_agg_spec, _deg_spec, _half_spec, _half_spec, _w_spec, _w_spec,
              _b_spec],
    out_specs=[_half_spec, _half_spec], out_shape=[_half_sds, _half_sds])

_tc_layer_pred = pl.pallas_call(
    _layer_pred_body, grid=(G,),
    in_specs=[_agg_spec, _deg_spec, _half_spec, _half_spec, _w_spec, _w_spec,
              _b_spec, _w_spec, _b_spec],
    out_specs=_row_spec,
    out_shape=jax.ShapeDtypeStruct((N, D), jnp.float32))


def kernel(nodes, edge_index, W_enc, b_enc, W_root, W_neigh, b_conv,
           W_pred, b_pred):
    pad_i = jnp.arange(PADE, dtype=jnp.int32)
    pad_src = (pad_i * 131) % N
    pad_dst = N + pad_i % (NPAD - N)
    src = jnp.concatenate([edge_index[0], pad_src]).reshape(NS, NCHT, CH)
    dst = jnp.concatenate([edge_index[1], pad_dst]).reshape(NS, NCHT, CH)
    z64 = jnp.zeros((ZR, D2), jnp.float32)
    z16 = jnp.zeros((ZR, DEGW), jnp.float32)
    ones_ch = jnp.ones((CH, DEGW), jnp.float32)

    h0lo, h0hi = _encoder(nodes, W_enc, b_enc.reshape(1, D))
    agg1, deg = _sc_layer_deg(h0lo, h0hi, src, dst, z64, z16, ones_ch)
    h1lo, h1hi = _tc_layer(agg1, deg, h0lo, h0hi, W_neigh[0], W_root[0],
                           b_conv[0].reshape(1, D))
    (agg2,) = _sc_layer(h1lo, h1hi, src, dst, z64)
    return _tc_layer_pred(agg2, deg, h1lo, h1hi, W_neigh[1], W_root[1],
                          b_conv[1].reshape(1, D), W_pred,
                          b_pred.reshape(1, D))

# --- scband reference (transcript-rebuilt; emitter-appended) ---
"""Pipeline reference for scband-uniform-gnn-48155173323294 (READ-ONLY COPY).

The authoritative reference and input builder live on the scoring server;
editing this copy changes nothing except your own understanding.
"""

import jax, jax.numpy as jnp
import numpy as np

N = 10000
E = 320000
D = 128
L = 2


def setup_inputs(seed: int = 0) -> dict:
    key = jax.random.key(seed)
    ks = jax.random.split(key, 10)
    nodes = jax.random.normal(ks[0], (N, D), dtype=jnp.float32)
    edge_index = jax.random.randint(ks[1], (2, E), 0, N, dtype=jnp.int32)
    s = 1.0 / np.sqrt(D)
    W_enc = jax.random.uniform(ks[2], (D, D), dtype=jnp.float32, minval=-s, maxval=s)
    b_enc = jax.random.uniform(ks[3], (D,), dtype=jnp.float32, minval=-s, maxval=s)
    W_root = jax.random.uniform(ks[4], (L, D, D), dtype=jnp.float32, minval=-s, maxval=s)
    W_neigh = jax.random.uniform(ks[5], (L, D, D), dtype=jnp.float32, minval=-s, maxval=s)
    b_conv = jax.random.uniform(ks[6], (L, D), dtype=jnp.float32, minval=-s, maxval=s)
    W_pred = jax.random.uniform(ks[7], (D, D), dtype=jnp.float32, minval=-s, maxval=s)
    b_pred = jax.random.uniform(ks[8], (D,), dtype=jnp.float32, minval=-s, maxval=s)
    return {"nodes": nodes, "edge_index": edge_index, "W_enc": W_enc, "b_enc": b_enc,
            "W_root": W_root, "W_neigh": W_neigh, "b_conv": b_conv,
            "W_pred": W_pred, "b_pred": b_pred}


def reference(nodes, edge_index, W_enc, b_enc, W_root, W_neigh, b_conv, W_pred, b_pred):
    src = edge_index[0]
    dst = edge_index[1]
    # encoder (Linear)
    h = nodes @ W_enc + b_enc
    # message-passing layers (SAGE-style mean aggregation)
    for l in range(L):
        msg = jnp.take(h, src, axis=0)                      # gather over edges
        agg = jax.ops.segment_sum(msg, dst, num_segments=N)  # scatter-add
        deg = jax.ops.segment_sum(jnp.ones((E,), dtype=h.dtype), dst, num_segments=N)
        agg = agg / jnp.maximum(deg, 1.0)[:, None]
        h = agg @ W_neigh[l] + h @ W_root[l] + b_conv[l]
        h = jax.nn.relu(h)  # activ
    # predictor (Linear)
    return h @ W_pred + b_pred

if __name__ == "__main__":
    import jax
    _d = setup_inputs()
    print(jax.jit(kernel)(*tuple(_d.values())))

</pallas_src>

<mosaic_0001>
#map = affine_map<(d0, d1) -> (0, 0)>
#map1 = affine_map<(d0, d1) -> (0, 0, 0)>
module attributes {stable_mosaic.version = 14 : i64} {
  func.func @body_nodeg(%arg0: i32, %arg1: i32, %arg2: memref<10000x64xf32, #tpu.memory_space<hbm>>, %arg3: memref<10000x64xf32, #tpu.memory_space<hbm>>, %arg4: memref<16x159x128xi32, #tpu.memory_space<hbm>>, %arg5: memref<16x159x128xi32, #tpu.memory_space<hbm>>, %arg6: memref<80x64xf32, #tpu.memory_space<hbm>>, %arg7: memref<2x10240x64xf32, #tpu.memory_space<hbm>>, %arg8: memref<10240x64xf32, #tpu.memory_space<vmem_shared>>, %arg9: memref<159x128xi32, #tpu.memory_space<vmem>>, %arg10: memref<159x128xi32, #tpu.memory_space<vmem>>, %arg11: memref<128x64xf32, #tpu.memory_space<vmem>>, %arg12: memref<128x64xf32, #tpu.memory_space<vmem>>, %arg13: memref<128x64xf32, #tpu.memory_space<vmem>>, %arg14: memref<80x64xf32, #tpu.memory_space<vmem>>, %arg15: memref<!tpu.dma_semaphore, #tpu.memory_space<semaphore_mem>>, %arg16: memref<!tpu.dma_semaphore, #tpu.memory_space<semaphore_mem>>, %arg17: memref<!tpu.dma_semaphore, #tpu.memory_space<semaphore_mem>>, %arg18: memref<!tpu.dma_semaphore, #tpu.memory_space<semaphore_mem>>, %arg19: memref<!tpu.dma_semaphore, #tpu.memory_space<semaphore_mem>>) attributes {dimension_semantics = [#tpu.dimension_semantics<core_parallel>, #tpu.dimension_semantics<subcore_parallel>], iteration_bounds = array<i64: 2, 16>, scalar_prefetch = 0 : i64, scratch_operands = 12 : i64, tpu.core_type = #tpu.core_type<sc_vector_subcore>, window_params = [{transform_indices = #map}, {transform_indices = #map}, {transform_indices = #map1}, {transform_indices = #map1}, {transform_indices = #map}, {transform_indices = #map1}]} {
    %mul3A = arith.constant 640 : i32
    %mul3A_0 = arith.muli %arg1, %mul3A : i32
    "tpu.region"() ({
      %run_scoped3A = tpu.sem_alloc : memref<!tpu.dma_semaphore, #tpu.memory_space<semaphore_mem>>
      tpu.enqueue_dma source(%arg6 : memref<80x64xf32, #tpu.memory_space<hbm>>) target(%arg14 : memref<80x64xf32, #tpu.memory_space<vmem>>) target_semaphore(%run_scoped3A : memref<!tpu.dma_semaphore, #tpu.memory_space<semaphore_mem>>)
      tpu.wait_dma2 semaphore(%run_scoped3A : memref<!tpu.dma_semaphore, #tpu.memory_space<semaphore_mem>>) src(%arg6 : memref<80x64xf32, #tpu.memory_space<hbm>>) dst(%arg14 : memref<80x64xf32, #tpu.memory_space<vmem>>)
      tpu.yield
    }) : () -> ()
    %add3A = arith.constant 0 : i32
    %add3A_1 = arith.addi %mul3A_0, %add3A : i32
    %dma_start3A = arith.constant 0 : i32
    %dma_start3A_2 = tpu.memref_slice %arg8[%add3A_1, %dma_start3A] : memref<10240x64xf32, #tpu.memory_space<vmem_shared>> -> memref<80x64xf32, #tpu.memory_space<vmem_shared>>
    %dma_start3A_3 = arith.constant 0 : i32
    %dma_start3A_4 = tpu.memref_slice %arg8[%add3A_1, %dma_start3A_3] : memref<10240x64xf32, #tpu.memory_space<vmem_shared>> -> memref<80x64xf32, #tpu.memory_space<vmem_shared>>
    tpu.enqueue_dma source(%arg14 : memref<80x64xf32, #tpu.memory_space<vmem>>) target(%dma_start3A_4 : memref<80x64xf32, #tpu.memory_space<vmem_shared>>) target_semaphore(%arg15 : memref<!tpu.dma_semaphore, #tpu.memory_space<semaphore_mem>>)
    %add3A_5 = arith.constant 80 : i32
    %add3A_6 = arith.addi %mul3A_0, %add3A_5 : i32
    %dma_start3A_7 = arith.constant 0 : i32
    %dma_start3A_8 = tpu.memref_slice %arg8[%add3A_6, %dma_start3A_7] : memref<10240x64xf32, #tpu.memory_space<vmem_shared>> -> memref<80x64xf32, #tpu.memory_space<vmem_shared>>
    %dma_start3A_9 = arith.constant 0 : i32
    %dma_start3A_10 = tpu.memref_slice %arg8[%add3A_6, %dma_start3A_9] : memref<10240x64xf32, #tpu.memory_space<vmem_shared>> -> memref<80x64xf32, #tpu.memory_space<vmem_shared>>
    tpu.enqueue_dma source(%arg14 : memref<80x64xf32, #tpu.memory_space<vmem>>) target(%dma_start3A_10 : memref<80x64xf32, #tpu.memory_space<vmem_shared>>) target_semaphore(%arg16 : memref<!tpu.dma_semaphore, #tpu.memory_space<semaphore_mem>>)
    %add3A_11 = arith.constant 160 : i32
    %add3A_12 = arith.addi %mul3A_0, %add3A_11 : i32
    %dma_start3A_13 = arith.constant 0 : i32
    %dma_start3A_14 = tpu.memref_slice %arg8[%add3A_12, %dma_start3A_13] : memref<10240x64xf32, #tpu.memory_space<vmem_shared>> -> memref<80x64xf32, #tpu.memory_space<vmem_shared>>
    %dma_start3A_15 = arith.constant 0 : i32
    %dma_start3A_16 = tpu.memref_slice %arg8[%add3A_12, %dma_start3A_15] : memref<10240x64xf32, #tpu.memory_space<vmem_shared>> -> memref<80x64xf32, #tpu.memory_space<vmem_shared>>
    tpu.enqueue_dma source(%arg14 : memref<80x64xf32, #tpu.memory_space<vmem>>) target(%dma_start3A_16 : memref<80x64xf32, #tpu.memory_space<vmem_shared>>) target_semaphore(%arg17 : memref<!tpu.dma_semaphore, #tpu.memory_space<semaphore_mem>>)
    %add3A_17 = arith.constant 240 : i32
    %add3A_18 = arith.addi %mul3A_0, %add3A_17 : i32
    %dma_start3A_19 = arith.constant 0 : i32
    %dma_start3A_20 = tpu.memref_slice %arg8[%add3A_18, %dma_start3A_19] : memref<10240x64xf32, #tpu.memory_space<vmem_shared>> -> memref<80x64xf32, #tpu.memory_space<vmem_shared>>
    %dma_start3A_21 = arith.constant 0 : i32
    %dma_start3A_22 = tpu.memref_slice %arg8[%add3A_18, %dma_start3A_21] : memref<10240x64xf32, #tpu.memory_space<vmem_shared>> -> memref<80x64xf32, #tpu.memory_space<vmem_shared>>
    tpu.enqueue_dma source(%arg14 : memref<80x64xf32, #tpu.memory_space<vmem>>) target(%dma_start3A_22 : memref<80x64xf32, #tpu.memory_space<vmem_shared>>) target_semaphore(%arg15 : memref<!tpu.dma_semaphore, #tpu.memory_space<semaphore_mem>>)
    %add3A_23 = arith.constant 320 : i32
    %add3A_24 = arith.addi %mul3A_0, %add3A_23 : i32
    %dma_start3A_25 = arith.constant 0 : i32
    %dma_start3A_26 = tpu.memref_slice %arg8[%add3A_24, %dma_start3A_25] : memref<10240x64xf32, #tpu.memory_space<vmem_shared>> -> memref<80x64xf32, #tpu.memory_space<vmem_shared>>
    %dma_start3A_27 = arith.constant 0 : i32
    %dma_start3A_28 = tpu.memref_slice %arg8[%add3A_24, %dma_start3A_27] : memref<10240x64xf32, #tpu.memory_space<vmem_shared>> -> memref<80x64xf32, #tpu.memory_space<vmem_shared>>
    tpu.enqueue_dma source(%arg14 : memref<80x64xf32, #tpu.memory_space<vmem>>) target(%dma_start3A_28 : memref<80x64xf32, #tpu.memory_space<vmem_shared>>) target_semaphore(%arg16 : memref<!tpu.dma_semaphore, #tpu.memory_space<semaphore_mem>>)
    %add3A_29 = arith.constant 400 : i32
    %add3A_30 = arith.addi %mul3A_0, %add3A_29 : i32
    %dma_start3A_31 = arith.constant 0 : i32
    %dma_start3A_32 = tpu.memref_slice %arg8[%add3A_30, %dma_start3A_31] : memref<10240x64xf32, #tpu.memory_space<vmem_shared>> -> memref<80x64xf32, #tpu.memory_space<vmem_shared>>
    %dma_start3A_33 = arith.constant 0 : i32
    %dma_start3A_34 = tpu.memref_slice %arg8[%add3A_30, %dma_start3A_33] : memref<10240x64xf32, #tpu.memory_space<vmem_shared>> -> memref<80x64xf32, #tpu.memory_space<vmem_shared>>
    tpu.enqueue_dma source(%arg14 : memref<80x64xf32, #tpu.memory_space<vmem>>) target(%dma_start3A_34 : memref<80x64xf32, #tpu.memory_space<vmem_shared>>) target_semaphore(%arg17 : memref<!tpu.dma_semaphore, #tpu.memory_space<semaphore_mem>>)
    %add3A_35 = arith.constant 480 : i32
    %add3A_36 = arith.addi %mul3A_0, %add3A_35 : i32
    %dma_start3A_37 = arith.constant 0 : i32
    %dma_start3A_38 = tpu.memref_slice %arg8[%add3A_36, %dma_start3A_37] : memref<10240x64xf32, #tpu.memory_space<vmem_shared>> -> memref<80x64xf32, #tpu.memory_space<vmem_shared>>
    %dma_start3A_39 = arith.constant 0 : i32
    %dma_start3A_40 = tpu.memref_slice %arg8[%add3A_36, %dma_start3A_39] : memref<10240x64xf32, #tpu.memory_space<vmem_shared>> -> memref<80x64xf32, #tpu.memory_space<vmem_shared>>
    tpu.enqueue_dma source(%arg14 : memref<80x64xf32, #tpu.memory_space<vmem>>) target(%dma_start3A_40 : memref<80x64xf32, #tpu.memory_space<vmem_shared>>) target_semaphore(%arg15 : memref<!tpu.dma_semaphore, #tpu.memory_space<semaphore_mem>>)
    %add3A_41 = arith.constant 560 : i32
    %add3A_42 = arith.addi %mul3A_0, %add3A_41 : i32
    %dma_start3A_43 = arith.constant 0 : i32
    %dma_start3A_44 = tpu.memref_slice %arg8[%add3A_42, %dma_start3A_43] : memref<10240x64xf32, #tpu.memory_space<vmem_shared>> -> memref<80x64xf32, #tpu.memory_space<vmem_shared>>
    %dma_start3A_45 = arith.constant 0 : i32
    %dma_start3A_46 = tpu.memref_slice %arg8[%add3A_42, %dma_start3A_45] : memref<10240x64xf32, #tpu.memory_space<vmem_shared>> -> memref<80x64xf32, #tpu.memory_space<vmem_shared>>
    tpu.enqueue_dma source(%arg14 : memref<80x64xf32, #tpu.memory_space<vmem>>) target(%dma_start3A_46 : memref<80x64xf32, #tpu.memory_space<vmem_shared>>) target_semaphore(%arg16 : memref<!tpu.dma_semaphore, #tpu.memory_space<semaphore_mem>>)
    %dma_wait3A = arith.constant 0 : i32
    %dma_wait3A_47 = tpu.memref_slice %arg8[%mul3A_0, %dma_wait3A] : memref<10240x64xf32, #tpu.memory_space<vmem_shared>> -> memref<80x64xf32, #tpu.memory_space<vmem_shared>>
    %dma_wait3A_48 = arith.constant 0 : i32
    %dma_wait3A_49 = tpu.memref_slice %arg8[%mul3A_0, %dma_wait3A_48] : memref<10240x64xf32, #tpu.memory_space<vmem_shared>> -> memref<80x64xf32, #tpu.memory_space<vmem_shared>>
    tpu.wait_dma2 semaphore(%arg15 : memref<!tpu.dma_semaphore, #tpu.memory_space<semaphore_mem>>) src(%arg14 : memref<80x64xf32, #tpu.memory_space<vmem>>) dst(%dma_wait3A_49 : memref<80x64xf32, #tpu.memory_space<vmem_shared>>)
    %dma_wait3A_50 = arith.constant 0 : i32
    %dma_wait3A_51 = tpu.memref_slice %arg8[%mul3A_0, %dma_wait3A_50] : memref<10240x64xf32, #tpu.memory_space<vmem_shared>> -> memref<80x64xf32, #tpu.memory_space<vmem_shared>>
    %dma_wait3A_52 = arith.constant 0 : i32
    %dma_wait3A_53 = tpu.memref_slice %arg8[%mul3A_0, %dma_wait3A_52] : memref<10240x64xf32, #tpu.memory_space<vmem_shared>> -> memref<80x64xf32, #tpu.memory_space<vmem_shared>>
    tpu.wait_dma2 semaphore(%arg16 : memref<!tpu.dma_semaphore, #tpu.memory_space<semaphore_mem>>) src(%arg14 : memref<80x64xf32, #tpu.memory_space<vmem>>) dst(%dma_wait3A_53 : memref<80x64xf32, #tpu.memory_space<vmem_shared>>)
    %dma_wait3A_54 = arith.constant 0 : i32
    %dma_wait3A_55 = tpu.memref_slice %arg8[%mul3A_0, %dma_wait3A_54] : memref<10240x64xf32, #tpu.memory_space<vmem_shared>> -> memref<80x64xf32, #tpu.memory_space<vmem_shared>>
    %dma_wait3A_56 = arith.constant 0 : i32
    %dma_wait3A_57 = tpu.memref_slice %arg8[%mul3A_0, %dma_wait3A_56] : memref<10240x64xf32, #tpu.memory_space<vmem_shared>> -> memref<80x64xf32, #tpu.memory_space<vmem_shared>>
    tpu.wait_dma2 semaphore(%arg17 : memref<!tpu.dma_semaphore, #tpu.memory_space<semaphore_mem>>) src(%arg14 : memref<80x64xf32, #tpu.memory_space<vmem>>) dst(%dma_wait3A_57 : memref<80x64xf32, #tpu.memory_space<vmem_shared>>)
    %dma_wait3A_58 = arith.constant 0 : i32
    %dma_wait3A_59 = tpu.memref_slice %arg8[%mul3A_0, %dma_wait3A_58] : memref<10240x64xf32, #tpu.memory_space<vmem_shared>> -> memref<80x64xf32, #tpu.memory_space<vmem_shared>>
    %dma_wait3A_60 = arith.constant 0 : i32
    %dma_wait3A_61 = tpu.memref_slice %arg8[%mul3A_0, %dma_wait3A_60] : memref<10240x64xf32, #tpu.memory_space<vmem_shared>> -> memref<80x64xf32, #tpu.memory_space<vmem_shared>>
    tpu.wait_dma2 semaphore(%arg15 : memref<!tpu.dma_semaphore, #tpu.memory_space<semaphore_mem>>) src(%arg14 : memref<80x64xf32, #tpu.memory_space<vmem>>) dst(%dma_wait3A_61 : memref<80x64xf32, #tpu.memory_space<vmem_shared>>)
    %dma_wait3A_62 = arith.constant 0 : i32
    %dma_wait3A_63 = tpu.memref_slice %arg8[%mul3A_0, %dma_wait3A_62] : memref<10240x64xf32, #tpu.memory_space<vmem_shared>> -> memref<80x64xf32, #tpu.memory_space<vmem_shared>>
    %dma_wait3A_64 = arith.constant 0 : i32
    %dma_wait3A_65 = tpu.memref_slice %arg8[%mul3A_0, %dma_wait3A_64] : memref<10240x64xf32, #tpu.memory_space<vmem_shared>> -> memref<80x64xf32, #tpu.memory_space<vmem_shared>>
    tpu.wait_dma2 semaphore(%arg16 : memref<!tpu.dma_semaphore, #tpu.memory_space<semaphore_mem>>) src(%arg14 : memref<80x64xf32, #tpu.memory_space<vmem>>) dst(%dma_wait3A_65 : memref<80x64xf32, #tpu.memory_space<vmem_shared>>)
    %dma_wait3A_66 = arith.constant 0 : i32
    %dma_wait3A_67 = tpu.memref_slice %arg8[%mul3A_0, %dma_wait3A_66] : memref<10240x64xf32, #tpu.memory_space<vmem_shared>> -> memref<80x64xf32, #tpu.memory_space<vmem_shared>>
    %dma_wait3A_68 = arith.constant 0 : i32
    %dma_wait3A_69 = tpu.memref_slice %arg8[%mul3A_0, %dma_wait3A_68] : memref<10240x64xf32, #tpu.memory_space<vmem_shared>> -> memref<80x64xf32, #tpu.memory_space<vmem_shared>>
    tpu.wait_dma2 semaphore(%arg17 : memref<!tpu.dma_semaphore, #tpu.memory_space<semaphore_mem>>) src(%arg14 : memref<80x64xf32, #tpu.memory_space<vmem>>) dst(%dma_wait3A_69 : memref<80x64xf32, #tpu.memory_space<vmem_shared>>)
    %dma_wait3A_70 = arith.constant 0 : i32
    %dma_wait3A_71 = tpu.memref_slice %arg8[%mul3A_0, %dma_wait3A_70] : memref<10240x64xf32, #tpu.memory_space<vmem_shared>> -> memref<80x64xf32, #tpu.memory_space<vmem_shared>>
    %dma_wait3A_72 = arith.constant 0 : i32
    %dma_wait3A_73 = tpu.memref_slice %arg8[%mul3A_0, %dma_wait3A_72] : memref<10240x64xf32, #tpu.memory_space<vmem_shared>> -> memref<80x64xf32, #tpu.memory_space<vmem_shared>>
    tpu.wait_dma2 semaphore(%arg15 : memref<!tpu.dma_semaphore, #tpu.memory_space<semaphore_mem>>) src(%arg14 : memref<80x64xf32, #tpu.memory_space<vmem>>) dst(%dma_wait3A_73 : memref<80x64xf32, #tpu.memory_space<vmem_shared>>)
    %dma_wait3A_74 = arith.constant 0 : i32
    %dma_wait3A_75 = tpu.memref_slice %arg8[%mul3A_0, %dma_wait3A_74] : memref<10240x64xf32, #tpu.memory_space<vmem_shared>> -> memref<80x64xf32, #tpu.memory_space<vmem_shared>>
    %dma_wait3A_76 = arith.constant 0 : i32
    %dma_wait3A_77 = tpu.memref_slice %arg8[%mul3A_0, %dma_wait3A_76] : memref<10240x64xf32, #tpu.memory_space<vmem_shared>> -> memref<80x64xf32, #tpu.memory_space<vmem_shared>>
    tpu.wait_dma2 semaphore(%arg16 : memref<!tpu.dma_semaphore, #tpu.memory_space<semaphore_mem>>) src(%arg14 : memref<80x64xf32, #tpu.memory_space<vmem>>) dst(%dma_wait3A_77 : memref<80x64xf32, #tpu.memory_space<vmem_shared>>)
    %barrier3A = arith.constant 0 : index
    tpu.barrier barrier_id(%barrier3A)
    %eq3A = arith.constant 0 : i32
    %eq3A_78 = arith.cmpi eq, %arg0, %eq3A : i32
    %convert_element_type3A = arith.extui %eq3A_78 : i1 to i32
    %cond3A = arith.constant 0 : i32
    %cond3A_79 = arith.cmpi ne, %convert_element_type3A, %cond3A : i32
    scf.if %cond3A_79 {
      "tpu.region"() ({
        %run_scoped3A = tpu.sem_alloc : memref<!tpu.dma_semaphore, #tpu.memory_space<semaphore_mem>>
        %dma_start3A_494 = arith.constant 0 : i32
        %dma_start3A_495 = arith.constant 0 : i32
        %dma_start3A_496 = tpu.memref_slice %arg4[%arg1, %dma_start3A_494, %dma_start3A_495] : memref<16x159x128xi32, #tpu.memory_space<hbm>> -> memref<1x159x128xi32, #tpu.memory_space<hbm>>
        %dma_start3A_497 = tpu.memref_squeeze %dma_start3A_496 : memref<1x159x128xi32, #tpu.memory_space<hbm>> -> memref<159x128xi32, #tpu.memory_space<hbm>>
        %dma_start3A_498 = arith.constant 0 : i32
        %dma_start3A_499 = arith.constant 0 : i32
        %dma_start3A_500 = tpu.memref_slice %arg4[%arg1, %dma_start3A_498, %dma_start3A_499] : memref<16x159x128xi32, #tpu.memory_space<hbm>> -> memref<1x159x128xi32, #tpu.memory_space<hbm>>
        %dma_start3A_501 = tpu.memref_squeeze %dma_start3A_500 : memref<1x159x128xi32, #tpu.memory_space<hbm>> -> memref<159x128xi32, #tpu.memory_space<hbm>>
        tpu.enqueue_dma source(%dma_start3A_501 : memref<159x128xi32, #tpu.memory_space<hbm>>) target(%arg9 : memref<159x128xi32, #tpu.memory_space<vmem>>) target_semaphore(%run_scoped3A : memref<!tpu.dma_semaphore, #tpu.memory_space<semaphore_mem>>)
        %dma_wait3A_502 = arith.constant 0 : i32
        %dma_wait3A_503 = arith.constant 0 : i32
        %dma_wait3A_504 = tpu.memref_slice %arg4[%arg1, %dma_wait3A_502, %dma_wait3A_503] : memref<16x159x128xi32, #tpu.memory_space<hbm>> -> memref<1x159x128xi32, #tpu.memory_space<hbm>>
        %dma_wait3A_505 = tpu.memref_squeeze %dma_wait3A_504 : memref<1x159x128xi32, #tpu.memory_space<hbm>> -> memref<159x128xi32, #tpu.memory_space<hbm>>
        %dma_wait3A_506 = arith.constant 0 : i32
        %dma_wait3A_507 = arith.constant 0 : i32
        %dma_wait3A_508 = tpu.memref_slice %arg4[%arg1, %dma_wait3A_506, %dma_wait3A_507] : memref<16x159x128xi32, #tpu.memory_space<hbm>> -> memref<1x159x128xi32, #tpu.memory_space<hbm>>
        %dma_wait3A_509 = tpu.memref_squeeze %dma_wait3A_508 : memref<1x159x128xi32, #tpu.memory_space<hbm>> -> memref<159x128xi32, #tpu.memory_space<hbm>>
        tpu.wait_dma2 semaphore(%run_scoped3A : memref<!tpu.dma_semaphore, #tpu.memory_space<semaphore_mem>>) src(%dma_wait3A_509 : memref<159x128xi32, #tpu.memory_space<hbm>>) dst(%arg9 : memref<159x128xi32, #tpu.memory_space<vmem>>)
        tpu.yield
      }) : () -> ()
      "tpu.region"() ({
        %run_scoped3A = tpu.sem_alloc : memref<!tpu.dma_semaphore, #tpu.memory_space<semaphore_mem>>
        %dma_start3A_494 = arith.constant 0 : i32
        %dma_start3A_495 = arith.constant 0 : i32
        %dma_start3A_496 = tpu.memref_slice %arg5[%arg1, %dma_start3A_494, %dma_start3A_495] : memref<16x159x128xi32, #tpu.memory_space<hbm>> -> memref<1x159x128xi32, #tpu.memory_space<hbm>>
        %dma_start3A_497 = tpu.memref_squeeze %dma_start3A_496 : memref<1x159x128xi32, #tpu.memory_space<hbm>> -> memref<159x128xi32, #tpu.memory_space<hbm>>
        %dma_start3A_498 = arith.constant 0 : i32
        %dma_start3A_499 = arith.constant 0 : i32
        %dma_start3A_500 = tpu.memref_slice %arg5[%arg1, %dma_start3A_498, %dma_start3A_499] : memref<16x159x128xi32, #tpu.memory_space<hbm>> -> memref<1x159x128xi32, #tpu.memory_space<hbm>>
        %dma_start3A_501 = tpu.memref_squeeze %dma_start3A_500 : memref<1x159x128xi32, #tpu.memory_space<hbm>> -> memref<159x128xi32, #tpu.memory_space<hbm>>
        tpu.enqueue_dma source(%dma_start3A_501 : memref<159x128xi32, #tpu.memory_space<hbm>>) target(%arg10 : memref<159x128xi32, #tpu.memory_space<vmem>>) target_semaphore(%run_scoped3A : memref<!tpu.dma_semaphore, #tpu.memory_space<semaphore_mem>>)
        %dma_wait3A_502 = arith.constant 0 : i32
        %dma_wait3A_503 = arith.constant 0 : i32
        %dma_wait3A_504 = tpu.memref_slice %arg5[%arg1, %dma_wait3A_502, %dma_wait3A_503] : memref<16x159x128xi32, #tpu.memory_space<hbm>> -> memref<1x159x128xi32, #tpu.memory_space<hbm>>
        %dma_wait3A_505 = tpu.memref_squeeze %dma_wait3A_504 : memref<1x159x128xi32, #tpu.memory_space<hbm>> -> memref<159x128xi32, #tpu.memory_space<hbm>>
        %dma_wait3A_506 = arith.constant 0 : i32
        %dma_wait3A_507 = arith.constant 0 : i32
        %dma_wait3A_508 = tpu.memref_slice %arg5[%arg1, %dma_wait3A_506, %dma_wait3A_507] : memref<16x159x128xi32, #tpu.memory_space<hbm>> -> memref<1x159x128xi32, #tpu.memory_space<hbm>>
        %dma_wait3A_509 = tpu.memref_squeeze %dma_wait3A_508 : memref<1x159x128xi32, #tpu.memory_space<hbm>> -> memref<159x128xi32, #tpu.memory_space<hbm>>
        tpu.wait_dma2 semaphore(%run_scoped3A : memref<!tpu.dma_semaphore, #tpu.memory_space<semaphore_mem>>) src(%dma_wait3A_509 : memref<159x128xi32, #tpu.memory_space<hbm>>) dst(%arg10 : memref<159x128xi32, #tpu.memory_space<vmem>>)
        tpu.yield
      }) : () -> ()
      %dma_start3A_468 = arith.constant 0 : i32
      %dma_start3A_469 = arith.constant 0 : i32
      %dma_start3A_470 = tpu.memref_slice %arg9[%dma_start3A_468, %dma_start3A_469] : memref<159x128xi32, #tpu.memory_space<vmem>> -> memref<1x128xi32, #tpu.memory_space<vmem>>
      %dma_start3A_471 = tpu.memref_squeeze %dma_start3A_470 : memref<1x128xi32, #tpu.memory_space<vmem>> -> memref<128xi32, #tpu.memory_space<vmem>>
      %dma_start3A_472 = arith.constant 0 : i32
      %dma_start3A_473 = arith.constant 0 : i32
      %dma_start3A_474 = tpu.memref_slice %arg2[%dma_start3A_472, %dma_start3A_473] : memref<10000x64xf32, #tpu.memory_space<hbm>> -> memref<10000x64xf32, #tpu.memory_space<hbm>>
      tpu.enqueue_indirect_dma source(%dma_start3A_474 : memref<10000x64xf32, #tpu.memory_space<hbm>>) target(%arg11 : memref<128x64xf32, #tpu.memory_space<vmem>>) offsets(%dma_start3A_471 : memref<128xi32, #tpu.memory_space<vmem>>) semaphore(%arg15 : memref<!tpu.dma_semaphore, #tpu.memory_space<semaphore_mem>>)
      %dma_start3A_475 = arith.constant 1 : i32
      %dma_start3A_476 = arith.constant 0 : i32
      %dma_start3A_477 = tpu.memref_slice %arg9[%dma_start3A_475, %dma_start3A_476] : memref<159x128xi32, #tpu.memory_space<vmem>> -> memref<1x128xi32, #tpu.memory_space<vmem>>
      %dma_start3A_478 = tpu.memref_squeeze %dma_start3A_477 : memref<1x128xi32, #tpu.memory_space<vmem>> -> memref<128xi32, #tpu.memory_space<vmem>>
      %dma_start3A_479 = arith.constant 0 : i32
      %dma_start3A_480 = arith.constant 0 : i32
      %dma_start3A_481 = tpu.memref_slice %arg2[%dma_start3A_479, %dma_start3A_480] : memref<10000x64xf32, #tpu.memory_space<hbm>> -> memref<10000x64xf32, #tpu.memory_space<hbm>>
      tpu.enqueue_indirect_dma source(%dma_start3A_481 : memref<10000x64xf32, #tpu.memory_space<hbm>>) target(%arg12 : memref<128x64xf32, #tpu.memory_space<vmem>>) offsets(%dma_start3A_478 : memref<128xi32, #tpu.memory_space<vmem>>) semaphore(%arg16 : memref<!tpu.dma_semaphore, #tpu.memory_space<semaphore_mem>>)
      %dma_start3A_482 = arith.constant 2 : i32
      %dma_start3A_483 = arith.constant 0 : i32
      %dma_start3A_484 = tpu.memref_slice %arg9[%dma_start3A_482, %dma_start3A_483] : memref<159x128xi32, #tpu.memory_space<vmem>> -> memref<1x128xi32, #tpu.memory_space<vmem>>
      %dma_start3A_485 = tpu.memref_squeeze %dma_start3A_484 : memref<1x128xi32, #tpu.memory_space<vmem>> -> memref<128xi32, #tpu.memory_space<vmem>>
      %dma_start3A_486 = arith.constant 0 : i32
      %dma_start3A_487 = arith.constant 0 : i32
      %dma_start3A_488 = tpu.memref_slice %arg2[%dma_start3A_486, %dma_start3A_487] : memref<10000x64xf32, #tpu.memory_space<hbm>> -> memref<10000x64xf32, #tpu.memory_space<hbm>>
      tpu.enqueue_indirect_dma source(%dma_start3A_488 : memref<10000x64xf32, #tpu.memory_space<hbm>>) target(%arg13 : memref<128x64xf32, #tpu.memory_space<vmem>>) offsets(%dma_start3A_485 : memref<128xi32, #tpu.memory_space<vmem>>) semaphore(%arg17 : memref<!tpu.dma_semaphore, #tpu.memory_space<semaphore_mem>>)
      %scan3A = arith.constant 0 : i32
      %scan3A_489 = arith.constant 0 : i32
      %scan3A_490 = arith.constant 53 : i32
      %scan3A_491 = arith.addi %scan3A_489, %scan3A_490 : i32
      %scan3A_492 = arith.constant 1 : i32
      scf.for %scan3A_494 = %scan3A_489 to %scan3A_491 step %scan3A_492  : i32 {
        %mul3A_495 = arith.constant 3 : i32
        %mul3A_496 = arith.muli %mul3A_495, %scan3A_494 : i32
        %dma_wait3A_497 = arith.constant 0 : i32
        %dma_wait3A_498 = arith.constant 0 : i32
        %dma_wait3A_499 = tpu.memref_slice %arg9[%dma_wait3A_497, %dma_wait3A_498] : memref<159x128xi32, #tpu.memory_space<vmem>> -> memref<1x128xi32, #tpu.memory_space<vmem>>
        %dma_wait3A_500 = tpu.memref_squeeze %dma_wait3A_499 : memref<1x128xi32, #tpu.memory_space<vmem>> -> memref<128xi32, #tpu.memory_space<vmem>>
        %dma_wait3A_501 = arith.constant 0 : i32
        %dma_wait3A_502 = arith.constant 0 : i32
        %dma_wait3A_503 = tpu.memref_slice %arg2[%dma_wait3A_501, %dma_wait3A_502] : memref<10000x64xf32, #tpu.memory_space<hbm>> -> memref<10000x64xf32, #tpu.memory_space<hbm>>
        tpu.wait_indirect_dma semaphore(%arg15 : memref<!tpu.dma_semaphore, #tpu.memory_space<semaphore_mem>>) src(%dma_wait3A_503 : memref<10000x64xf32, #tpu.memory_space<hbm>>) dst(%arg11 : memref<128x64xf32, #tpu.memory_space<vmem>>)
        %add3A_504 = arith.constant 0 : i32
        %add3A_505 = arith.addi %mul3A_496, %add3A_504 : i32
        "tpu.region"() ({
          %run_scoped3A = tpu.sem_alloc : memref<!tpu.dma_semaphore, #tpu.memory_space<semaphore_mem>>
          %dma_start3A_550 = arith.constant 0 : i32
          %dma_start3A_551 = tpu.memref_slice %arg10[%add3A_505, %dma_start3A_550] : memref<159x128xi32, #tpu.memory_space<vmem>> -> memref<1x128xi32, #tpu.memory_space<vmem>>
          %dma_start3A_552 = tpu.memref_squeeze %dma_start3A_551 : memref<1x128xi32, #tpu.memory_space<vmem>> -> memref<128xi32, #tpu.memory_space<vmem>>
          %dma_start3A_553 = arith.constant 0 : i32
          %dma_start3A_554 = arith.constant 0 : i32
          %dma_start3A_555 = tpu.memref_slice %arg8[%dma_start3A_553, %dma_start3A_554] : memref<10240x64xf32, #tpu.memory_space<vmem_shared>> -> memref<10240x64xf32, #tpu.memory_space<vmem_shared>>
          tpu.enqueue_indirect_dma source(%arg11 : memref<128x64xf32, #tpu.memory_space<vmem>>) target(%dma_start3A_555 : memref<10240x64xf32, #tpu.memory_space<vmem_shared>>) offsets(%dma_start3A_552 : memref<128xi32, #tpu.memory_space<vmem>>) semaphore(%run_scoped3A : memref<!tpu.dma_semaphore, #tpu.memory_space<semaphore_mem>>) {add = true}
          %dma_wait3A_556 = arith.constant 0 : i32
          %dma_wait3A_557 = tpu.memref_slice %arg10[%add3A_505, %dma_wait3A_556] : memref<159x128xi32, #tpu.memory_space<vmem>> -> memref<1x128xi32, #tpu.memory_space<vmem>>
          %dma_wait3A_558 = tpu.memref_squeeze %dma_wait3A_557 : memref<1x128xi32, #tpu.memory_space<vmem>> -> memref<128xi32, #tpu.memory_space<vmem>>
          %dma_wait3A_559 = arith.constant 0 : i32
          %dma_wait3A_560 = arith.constant 0 : i32
          %dma_wait3A_561 = tpu.memref_slice %arg8[%dma_wait3A_559, %dma_wait3A_560] : memref<10240x64xf32, #tpu.memory_space<vmem_shared>> -> memref<10240x64xf32, #tpu.memory_space<vmem_shared>>
          tpu.wait_indirect_dma semaphore(%run_scoped3A : memref<!tpu.dma_semaphore, #tpu.memory_space<semaphore_mem>>) src(%arg11 : memref<128x64xf32, #tpu.memory_space<vmem>>) dst(%dma_wait3A_561 : memref<10240x64xf32, #tpu.memory_space<vmem_shared>>)
          tpu.yield
        }) : () -> ()
        %add3A_506 = arith.constant 3 : i32
        %add3A_507 = arith.addi %mul3A_496, %add3A_506 : i32
        %add3A_508 = arith.constant 0 : i32
        %add3A_509 = arith.addi %add3A_507, %add3A_508 : i32
        %lt3A = arith.constant 159 : i32
        %lt3A_510 = arith.cmpi slt, %add3A_509, %lt3A : i32
        %convert_element_type3A_511 = arith.extui %lt3A_510 : i1 to i32
        %cond3A_512 = arith.constant 0 : i32
        %cond3A_513 = arith.cmpi ne, %convert_element_type3A_511, %cond3A_512 : i32
        scf.if %cond3A_513 {
          %add3A_550 = arith.constant 3 : i32
          %add3A_551 = arith.addi %mul3A_496, %add3A_550 : i32
          %add3A_552 = arith.constant 0 : i32
          %add3A_553 = arith.addi %add3A_551, %add3A_552 : i32
          %dma_start3A_554 = arith.constant 0 : i32
          %dma_start3A_555 = tpu.memref_slice %arg9[%add3A_553, %dma_start3A_554] : memref<159x128xi32, #tpu.memory_space<vmem>> -> memref<1x128xi32, #tpu.memory_space<vmem>>
          %dma_start3A_556 = tpu.memref_squeeze %dma_start3A_555 : memref<1x128xi32, #tpu.memory_space<vmem>> -> memref<128xi32, #tpu.memory_space<vmem>>
          %dma_start3A_557 = arith.constant 0 : i32
          %dma_start3A_558 = arith.constant 0 : i32
          %dma_start3A_559 = tpu.memref_slice %arg2[%dma_start3A_557, %dma_start3A_558] : memref<10000x64xf32, #tpu.memory_space<hbm>> -> memref<10000x64xf32, #tpu.memory_space<hbm>>
          tpu.enqueue_indirect_dma source(%dma_start3A_559 : memref<10000x64xf32, #tpu.memory_space<hbm>>) target(%arg11 : memref<128x64xf32, #tpu.memory_space<vmem>>) offsets(%dma_start3A_556 : memref<128xi32, #tpu.memory_space<vmem>>) semaphore(%arg15 : memref<!tpu.dma_semaphore, #tpu.memory_space<semaphore_mem>>)
        } else {
        }
        %dma_wait3A_514 = arith.constant 0 : i32
        %dma_wait3A_515 = arith.constant 0 : i32
        %dma_wait3A_516 = tpu.memref_slice %arg9[%dma_wait3A_514, %dma_wait3A_515] : memref<159x128xi32, #tpu.memory_space<vmem>> -> memref<1x128xi32, #tpu.memory_space<vmem>>
        %dma_wait3A_517 = tpu.memref_squeeze %dma_wait3A_516 : memref<1x128xi32, #tpu.memory_space<vmem>> -> memref<128xi32, #tpu.memory_space<vmem>>
        %dma_wait3A_518 = arith.constant 0 : i32
        %dma_wait3A_519 = arith.constant 0 : i32
        %dma_wait3A_520 = tpu.memref_slice %arg2[%dma_wait3A_518, %dma_wait3A_519] : memref<10000x64xf32, #tpu.memory_space<hbm>> -> memref<10000x64xf32, #tpu.memory_space<hbm>>
        tpu.wait_indirect_dma semaphore(%arg16 : memref<!tpu.dma_semaphore, #tpu.memory_space<semaphore_mem>>) src(%dma_wait3A_520 : memref<10000x64xf32, #tpu.memory_space<hbm>>) dst(%arg12 : memref<128x64xf32, #tpu.memory_space<vmem>>)
        %add3A_521 = arith.constant 1 : i32
        %add3A_522 = arith.addi %mul3A_496, %add3A_521 : i32
        "tpu.region"() ({
          %run_scoped3A = tpu.sem_alloc : memref<!tpu.dma_semaphore, #tpu.memory_space<semaphore_mem>>
          %dma_start3A_550 = arith.constant 0 : i32
          %dma_start3A_551 = tpu.memref_slice %arg10[%add3A_522, %dma_start3A_550] : memref<159x128xi32, #tpu.memory_space<vmem>> -> memref<1x128xi32, #tpu.memory_space<vmem>>
          %dma_start3A_552 = tpu.memref_squeeze %dma_start3A_551 : memref<1x128xi32, #tpu.memory_space<vmem>> -> memref<128xi32, #tpu.memory_space<vmem>>
          %dma_start3A_553 = arith.constant 0 : i32
          %dma_start3A_554 = arith.constant 0 : i32
          %dma_start3A_555 = tpu.memref_slice %arg8[%dma_start3A_553, %dma_start3A_554] : memref<10240x64xf32, #tpu.memory_space<vmem_shared>> -> memref<10240x64xf32, #tpu.memory_space<vmem_shared>>
          tpu.enqueue_indirect_dma source(%arg12 : memref<128x64xf32, #tpu.memory_space<vmem>>) target(%dma_start3A_555 : memref<10240x64xf32, #tpu.memory_space<vmem_shared>>) offsets(%dma_start3A_552 : memref<128xi32, #tpu.memory_space<vmem>>) semaphore(%run_scoped3A : memref<!tpu.dma_semaphore, #tpu.memory_space<semaphore_mem>>) {add = true}
          %dma_wait3A_556 = arith.constant 0 : i32
          %dma_wait3A_557 = tpu.memref_slice %arg10[%add3A_522, %dma_wait3A_556] : memref<159x128xi32, #tpu.memory_space<vmem>> -> memref<1x128xi32, #tpu.memory_space<vmem>>
          %dma_wait3A_558 = tpu.memref_squeeze %dma_wait3A_557 : memref<1x128xi32, #tpu.memory_space<vmem>> -> memref<128xi32, #tpu.memory_space<vmem>>
          %dma_wait3A_559 = arith.constant 0 : i32
          %dma_wait3A_560 = arith.constant 0 : i32
          %dma_wait3A_561 = tpu.memref_slice %arg8[%dma_wait3A_559, %dma_wait3A_560] : memref<10240x64xf32, #tpu.memory_space<vmem_shared>> -> memref<10240x64xf32, #tpu.memory_space<vmem_shared>>
          tpu.wait_indirect_dma semaphore(%run_scoped3A : memref<!tpu.dma_semaphore, #tpu.memory_space<semaphore_mem>>) src(%arg12 : memref<128x64xf32, #tpu.memory_space<vmem>>) dst(%dma_wait3A_561 : memref<10240x64xf32, #tpu.memory_space<vmem_shared>>)
          tpu.yield
        }) : () -> ()
        %add3A_523 = arith.constant 3 : i32
        %add3A_524 = arith.addi %mul3A_496, %add3A_523 : i32
        %add3A_525 = arith.constant 1 : i32
        %add3A_526 = arith.addi %add3A_524, %add3A_525 : i32
        %lt3A_527 = arith.constant 159 : i32
        %lt3A_528 = arith.cmpi slt, %add3A_526, %lt3A_527 : i32
        %convert_element_type3A_529 = arith.extui %lt3A_528 : i1 to i32
        %cond3A_530 = arith.constant 0 : i32
        %cond3A_531 = arith.cmpi ne, %convert_element_type3A_529, %cond3A_530 : i32
        scf.if %cond3A_531 {
          %add3A_550 = arith.constant 3 : i32
          %add3A_551 = arith.addi %mul3A_496, %add3A_550 : i32
          %add3A_552 = arith.constant 1 : i32
          %add3A_553 = arith.addi %add3A_551, %add3A_552 : i32
          %dma_start3A_554 = arith.constant 0 : i32
          %dma_start3A_555 = tpu.memref_slice %arg9[%add3A_553, %dma_start3A_554] : memref<159x128xi32, #tpu.memory_space<vmem>> -> memref<1x128xi32, #tpu.memory_space<vmem>>
          %dma_start3A_556 = tpu.memref_squeeze %dma_start3A_555 : memref<1x128xi32, #tpu.memory_space<vmem>> -> memref<128xi32, #tpu.memory_space<vmem>>
          %dma_start3A_557 = arith.constant 0 : i32
          %dma_start3A_558 = arith.constant 0 : i32
          %dma_start3A_559 = tpu.memref_slice %arg2[%dma_start3A_557, %dma_start3A_558] : memref<10000x64xf32, #tpu.memory_space<hbm>> -> memref<10000x64xf32, #tpu.memory_space<hbm>>
          tpu.enqueue_indirect_dma source(%dma_start3A_559 : memref<10000x64xf32, #tpu.memory_space<hbm>>) target(%arg12 : memref<128x64xf32, #tpu.memory_space<vmem>>) offsets(%dma_start3A_556 : memref<128xi32, #tpu.memory_space<vmem>>) semaphore(%arg16 : memref<!tpu.dma_semaphore, #tpu.memory_space<semaphore_mem>>)
        } else {
        }
        %dma_wait3A_532 = arith.constant 0 : i32
        %dma_wait3A_533 = arith.constant 0 : i32
        %dma_wait3A_534 = tpu.memref_slice %arg9[%dma_wait3A_532, %dma_wait3A_533] : memref<159x128xi32, #tpu.memory_space<vmem>> -> memref<1x128xi32, #tpu.memory_space<vmem>>
        %dma_wait3A_535 = tpu.memref_squeeze %dma_wait3A_534 : memref<1x128xi32, #tpu.memory_space<vmem>> -> memref<128xi32, #tpu.memory_space<vmem>>
        %dma_wait3A_536 = arith.constant 0 : i32
        %dma_wait3A_537 = arith.constant 0 : i32
        %dma_wait3A_538 = tpu.memref_slice %arg2[%dma_wait3A_536, %dma_wait3A_537] : memref<10000x64xf32, #tpu.memory_space<hbm>> -> memref<10000x64xf32, #tpu.memory_space<hbm>>
        tpu.wait_indirect_dma semaphore(%arg17 : memref<!tpu.dma_semaphore, #tpu.memory_space<semaphore_mem>>) src(%dma_wait3A_538 : memref<10000x64xf32, #tpu.memory_space<hbm>>) dst(%arg13 : memref<128x64xf32, #tpu.memory_space<vmem>>)
        %add3A_539 = arith.constant 2 : i32
        %add3A_540 = arith.addi %mul3A_496, %add3A_539 : i32
        "tpu.region"() ({
          %run_scoped3A = tpu.sem_alloc : memref<!tpu.dma_semaphore, #tpu.memory_space<semaphore_mem>>
          %dma_start3A_550 = arith.constant 0 : i32
          %dma_start3A_551 = tpu.memref_slice %arg10[%add3A_540, %dma_start3A_550] : memref<159x128xi32, #tpu.memory_space<vmem>> -> memref<1x128xi32, #tpu.memory_space<vmem>>
          %dma_start3A_552 = tpu.memref_squeeze %dma_start3A_551 : memref<1x128xi32, #tpu.memory_space<vmem>> -> memref<128xi32, #tpu.memory_space<vmem>>
          %dma_start3A_553 = arith.constant 0 : i32
          %dma_start3A_554 = arith.constant 0 : i32
          %dma_start3A_555 = tpu.memref_slice %arg8[%dma_start3A_553, %dma_start3A_554] : memref<10240x64xf32, #tpu.memory_space<vmem_shared>> -> memref<10240x64xf32, #tpu.memory_space<vmem_shared>>
          tpu.enqueue_indirect_dma source(%arg13 : memref<128x64xf32, #tpu.memory_space<vmem>>) target(%dma_start3A_555 : memref<10240x64xf32, #tpu.memory_space<vmem_shared>>) offsets(%dma_start3A_552 : memref<128xi32, #tpu.memory_space<vmem>>) semaphore(%run_scoped3A : memref<!tpu.dma_semaphore, #tpu.memory_space<semaphore_mem>>) {add = true}
          %dma_wait3A_556 = arith.constant 0 : i32
          %dma_wait3A_557 = tpu.memref_slice %arg10[%add3A_540, %dma_wait3A_556] : memref<159x128xi32, #tpu.memory_space<vmem>> -> memref<1x128xi32, #tpu.memory_space<vmem>>
          %dma_wait3A_558 = tpu.memref_squeeze %dma_wait3A_557 : memref<1x128xi32, #tpu.memory_space<vmem>> -> memref<128xi32, #tpu.memory_space<vmem>>
          %dma_wait3A_559 = arith.constant 0 : i32
          %dma_wait3A_560 = arith.constant 0 : i32
          %dma_wait3A_561 = tpu.memref_slice %arg8[%dma_wait3A_559, %dma_wait3A_560] : memref<10240x64xf32, #tpu.memory_space<vmem_shared>> -> memref<10240x64xf32, #tpu.memory_space<vmem_shared>>
          tpu.wait_indirect_dma semaphore(%run_scoped3A : memref<!tpu.dma_semaphore, #tpu.memory_space<semaphore_mem>>) src(%arg13 : memref<128x64xf32, #tpu.memory_space<vmem>>) dst(%dma_wait3A_561 : memref<10240x64xf32, #tpu.memory_space<vmem_shared>>)
          tpu.yield
        }) : () -> ()
        %add3A_541 = arith.constant 3 : i32
        %add3A_542 = arith.addi %mul3A_496, %add3A_541 : i32
        %add3A_543 = arith.constant 2 : i32
        %add3A_544 = arith.addi %add3A_542, %add3A_543 : i32
        %lt3A_545 = arith.constant 159 : i32
        %lt3A_546 = arith.cmpi slt, %add3A_544, %lt3A_545 : i32
        %convert_element_type3A_547 = arith.extui %lt3A_546 : i1 to i32
        %cond3A_548 = arith.constant 0 : i32
        %cond3A_549 = arith.cmpi ne, %convert_element_type3A_547, %cond3A_548 : i32
        scf.if %cond3A_549 {
          %add3A_550 = arith.constant 3 : i32
          %add3A_551 = arith.addi %mul3A_496, %add3A_550 : i32
          %add3A_552 = arith.constant 2 : i32
          %add3A_553 = arith.addi %add3A_551, %add3A_552 : i32
          %dma_start3A_554 = arith.constant 0 : i32
          %dma_start3A_555 = tpu.memref_slice %arg9[%add3A_553, %dma_start3A_554] : memref<159x128xi32, #tpu.memory_space<vmem>> -> memref<1x128xi32, #tpu.memory_space<vmem>>
          %dma_start3A_556 = tpu.memref_squeeze %dma_start3A_555 : memref<1x128xi32, #tpu.memory_space<vmem>> -> memref<128xi32, #tpu.memory_space<vmem>>
          %dma_start3A_557 = arith.constant 0 : i32
          %dma_start3A_558 = arith.constant 0 : i32
          %dma_start3A_559 = tpu.memref_slice %arg2[%dma_start3A_557, %dma_start3A_558] : memref<10000x64xf32, #tpu.memory_space<hbm>> -> memref<10000x64xf32, #tpu.memory_space<hbm>>
          tpu.enqueue_indirect_dma source(%dma_start3A_559 : memref<10000x64xf32, #tpu.memory_space<hbm>>) target(%arg13 : memref<128x64xf32, #tpu.memory_space<vmem>>) offsets(%dma_start3A_556 : memref<128xi32, #tpu.memory_space<vmem>>) semaphore(%arg17 : memref<!tpu.dma_semaphore, #tpu.memory_space<semaphore_mem>>)
        } else {
        }
      }
      %scan3A_493 = arith.constant 53 : i32
    } else {
    }
    %eq3A_80 = arith.constant 1 : i32
    %eq3A_81 = arith.cmpi eq, %arg0, %eq3A_80 : i32
    %convert_element_type3A_82 = arith.extui %eq3A_81 : i1 to i32
    %cond3A_83 = arith.constant 0 : i32
    %cond3A_84 = arith.cmpi ne, %convert_element_type3A_82, %cond3A_83 : i32
    scf.if %cond3A_84 {
      "tpu.region"() ({
        %run_scoped3A = tpu.sem_alloc : memref<!tpu.dma_semaphore, #tpu.memory_space<semaphore_mem>>
        %dma_start3A_494 = arith.constant 0 : i32
        %dma_start3A_495 = arith.constant 0 : i32
        %dma_start3A_496 = tpu.memref_slice %arg4[%arg1, %dma_start3A_494, %dma_start3A_495] : memref<16x159x128xi32, #tpu.memory_space<hbm>> -> memref<1x159x128xi32, #tpu.memory_space<hbm>>
        %dma_start3A_497 = tpu.memref_squeeze %dma_start3A_496 : memref<1x159x128xi32, #tpu.memory_space<hbm>> -> memref<159x128xi32, #tpu.memory_space<hbm>>
        %dma_start3A_498 = arith.constant 0 : i32
        %dma_start3A_499 = arith.constant 0 : i32
        %dma_start3A_500 = tpu.memref_slice %arg4[%arg1, %dma_start3A_498, %dma_start3A_499] : memref<16x159x128xi32, #tpu.memory_space<hbm>> -> memref<1x159x128xi32, #tpu.memory_space<hbm>>
        %dma_start3A_501 = tpu.memref_squeeze %dma_start3A_500 : memref<1x159x128xi32, #tpu.memory_space<hbm>> -> memref<159x128xi32, #tpu.memory_space<hbm>>
        tpu.enqueue_dma source(%dma_start3A_501 : memref<159x128xi32, #tpu.memory_space<hbm>>) target(%arg9 : memref<159x128xi32, #tpu.memory_space<vmem>>) target_semaphore(%run_scoped3A : memref<!tpu.dma_semaphore, #tpu.memory_space<semaphore_mem>>)
        %dma_wait3A_502 = arith.constant 0 : i32
        %dma_wait3A_503 = arith.constant 0 : i32
        %dma_wait3A_504 = tpu.memref_slice %arg4[%arg1, %dma_wait3A_502, %dma_wait3A_503] : memref<16x159x128xi32, #tpu.memory_space<hbm>> -> memref<1x159x128xi32, #tpu.memory_space<hbm>>
        %dma_wait3A_505 = tpu.memref_squeeze %dma_wait3A_504 : memref<1x159x128xi32, #tpu.memory_space<hbm>> -> memref<159x128xi32, #tpu.memory_space<hbm>>
        %dma_wait3A_506 = arith.constant 0 : i32
        %dma_wait3A_507 = arith.constant 0 : i32
        %dma_wait3A_508 = tpu.memref_slice %arg4[%arg1, %dma_wait3A_506, %dma_wait3A_507] : memref<16x159x128xi32, #tpu.memory_space<hbm>> -> memref<1x159x128xi32, #tpu.memory_space<hbm>>
        %dma_wait3A_509 = tpu.memref_squeeze %dma_wait3A_508 : memref<1x159x128xi32, #tpu.memory_space<hbm>> -> memref<159x128xi32, #tpu.memory_space<hbm>>
        tpu.wait_dma2 semaphore(%run_scoped3A : memref<!tpu.dma_semaphore, #tpu.memory_space<semaphore_mem>>) src(%dma_wait3A_509 : memref<159x128xi32, #tpu.memory_space<hbm>>) dst(%arg9 : memref<159x128xi32, #tpu.memory_space<vmem>>)
        tpu.yield
      }) : () -> ()
      "tpu.region"() ({
        %run_scoped3A = tpu.sem_alloc : memref<!tpu.dma_semaphore, #tpu.memory_space<semaphore_mem>>
        %dma_start3A_494 = arith.constant 0 : i32
        %dma_start3A_495 = arith.constant 0 : i32
        %dma_start3A_496 = tpu.memref_slice %arg5[%arg1, %dma_start3A_494, %dma_start3A_495] : memref<16x159x128xi32, #tpu.memory_space<hbm>> -> memref<1x159x128xi32, #tpu.memory_space<hbm>>
        %dma_start3A_497 = tpu.memref_squeeze %dma_start3A_496 : memref<1x159x128xi32, #tpu.memory_space<hbm>> -> memref<159x128xi32, #tpu.memory_space<hbm>>
        %dma_start3A_498 = arith.constant 0 : i32
        %dma_start3A_499 = arith.constant 0 : i32
        %dma_start3A_500 = tpu.memref_slice %arg5[%arg1, %dma_start3A_498, %dma_start3A_499] : memref<16x159x128xi32, #tpu.memory_space<hbm>> -> memref<1x159x128xi32, #tpu.memory_space<hbm>>
        %dma_start3A_501 = tpu.memref_squeeze %dma_start3A_500 : memref<1x159x128xi32, #tpu.memory_space<hbm>> -> memref<159x128xi32, #tpu.memory_space<hbm>>
        tpu.enqueue_dma source(%dma_start3A_501 : memref<159x128xi32, #tpu.memory_space<hbm>>) target(%arg10 : memref<159x128xi32, #tpu.memory_space<vmem>>) target_semaphore(%run_scoped3A : memref<!tpu.dma_semaphore, #tpu.memory_space<semaphore_mem>>)
        %dma_wait3A_502 = arith.constant 0 : i32
        %dma_wait3A_503 = arith.constant 0 : i32
        %dma_wait3A_504 = tpu.memref_slice %arg5[%arg1, %dma_wait3A_502, %dma_wait3A_503] : memref<16x159x128xi32, #tpu.memory_space<hbm>> -> memref<1x159x128xi32, #tpu.memory_space<hbm>>
        %dma_wait3A_505 = tpu.memref_squeeze %dma_wait3A_504 : memref<1x159x128xi32, #tpu.memory_space<hbm>> -> memref<159x128xi32, #tpu.memory_space<hbm>>
        %dma_wait3A_506 = arith.constant 0 : i32
        %dma_wait3A_507 = arith.constant 0 : i32
        %dma_wait3A_508 = tpu.memref_slice %arg5[%arg1, %dma_wait3A_506, %dma_wait3A_507] : memref<16x159x128xi32, #tpu.memory_space<hbm>> -> memref<1x159x128xi32, #tpu.memory_space<hbm>>
        %dma_wait3A_509 = tpu.memref_squeeze %dma_wait3A_508 : memref<1x159x128xi32, #tpu.memory_space<hbm>> -> memref<159x128xi32, #tpu.memory_space<hbm>>
        tpu.wait_dma2 semaphore(%run_scoped3A : memref<!tpu.dma_semaphore, #tpu.memory_space<semaphore_mem>>) src(%dma_wait3A_509 : memref<159x128xi32, #tpu.memory_space<hbm>>) dst(%arg10 : memref<159x128xi32, #tpu.memory_space<vmem>>)
        tpu.yield
      }) : () -> ()
      %dma_start3A_468 = arith.constant 0 : i32
      %dma_start3A_469 = arith.constant 0 : i32
      %dma_start3A_470 = tpu.memref_slice %arg9[%dma_start3A_468, %dma_start3A_469] : memref<159x128xi32, #tpu.memory_space<vmem>> -> memref<1x128xi32, #tpu.memory_space<vmem>>
      %dma_start3A_471 = tpu.memref_squeeze %dma_start3A_470 : memref<1x128xi32, #tpu.memory_space<vmem>> -> memref<128xi32, #tpu.memory_space<vmem>>
      %dma_start3A_472 = arith.constant 0 : i32
      %dma_start3A_473 = arith.constant 0 : i32
      %dma_start3A_474 = tpu.memref_slice %arg3[%dma_start3A_472, %dma_start3A_473] : memref<10000x64xf32, #tpu.memory_space<hbm>> -> memref<10000x64xf32, #tpu.memory_space<hbm>>
      tpu.enqueue_indirect_dma source(%dma_start3A_474 : memref<10000x64xf32, #tpu.memory_space<hbm>>) target(%arg11 : memref<128x64xf32, #tpu.memory_space<vmem>>) offsets(%dma_start3A_471 : memref<128xi32, #tpu.memory_space<vmem>>) semaphore(%arg15 : memref<!tpu.dma_semaphore, #tpu.memory_space<semaphore_mem>>)
      %dma_start3A_475 = arith.constant 1 : i32
      %dma_start3A_476 = arith.constant 0 : i32
      %dma_start3A_477 = tpu.memref_slice %arg9[%dma_start3A_475, %dma_start3A_476] : memref<159x128xi32, #tpu.memory_space<vmem>> -> memref<1x128xi32, #tpu.memory_space<vmem>>
      %dma_start3A_478 = tpu.memref_squeeze %dma_start3A_477 : memref<1x128xi32, #tpu.memory_space<vmem>> -> memref<128xi32, #tpu.memory_space<vmem>>
      %dma_start3A_479 = arith.constant 0 : i32
      %dma_start3A_480 = arith.constant 0 : i32
      %dma_start3A_481 = tpu.memref_slice %arg3[%dma_start3A_479, %dma_start3A_480] : memref<10000x64xf32, #tpu.memory_space<hbm>> -> memref<10000x64xf32, #tpu.memory_space<hbm>>
      tpu.enqueue_indirect_dma source(%dma_start3A_481 : memref<10000x64xf32, #tpu.memory_space<hbm>>) target(%arg12 : memref<128x64xf32, #tpu.memory_space<vmem>>) offsets(%dma_start3A_478 : memref<128xi32, #tpu.memory_space<vmem>>) semaphore(%arg16 : memref<!tpu.dma_semaphore, #tpu.memory_space<semaphore_mem>>)
      %dma_start3A_482 = arith.constant 2 : i32
      %dma_start3A_483 = arith.constant 0 : i32
      %dma_start3A_484 = tpu.memref_slice %arg9[%dma_start3A_482, %dma_start3A_483] : memref<159x128xi32, #tpu.memory_space<vmem>> -> memref<1x128xi32, #tpu.memory_space<vmem>>
      %dma_start3A_485 = tpu.memref_squeeze %dma_start3A_484 : memref<1x128xi32, #tpu.memory_space<vmem>> -> memref<128xi32, #tpu.memory_space<vmem>>
      %dma_start3A_486 = arith.constant 0 : i32
      %dma_start3A_487 = arith.constant 0 : i32
      %dma_start3A_488 = tpu.memref_slice %arg3[%dma_start3A_486, %dma_start3A_487] : memref<10000x64xf32, #tpu.memory_space<hbm>> -> memref<10000x64xf32, #tpu.memory_space<hbm>>
      tpu.enqueue_indirect_dma source(%dma_start3A_488 : memref<10000x64xf32, #tpu.memory_space<hbm>>) target(%arg13 : memref<128x64xf32, #tpu.memory_space<vmem>>) offsets(%dma_start3A_485 : memref<128xi32, #tpu.memory_space<vmem>>) semaphore(%arg17 : memref<!tpu.dma_semaphore, #tpu.memory_space<semaphore_mem>>)
      %scan3A = arith.constant 0 : i32
      %scan3A_489 = arith.constant 0 : i32
      %scan3A_490 = arith.constant 53 : i32
      %scan3A_491 = arith.addi %scan3A_489, %scan3A_490 : i32
      %scan3A_492 = arith.constant 1 : i32
      scf.for %scan3A_494 = %scan3A_489 to %scan3A_491 step %scan3A_492  : i32 {
        %mul3A_495 = arith.constant 3 : i32
        %mul3A_496 = arith.muli %mul3A_495, %scan3A_494 : i32
        %dma_wait3A_497 = arith.constant 0 : i32
        %dma_wait3A_498 = arith.constant 0 : i32
        %dma_wait3A_499 = tpu.memref_slice %arg9[%dma_wait3A_497, %dma_wait3A_498] : memref<159x128xi32, #tpu.memory_space<vmem>> -> memref<1x128xi32, #tpu.memory_space<vmem>>
        %dma_wait3A_500 = tpu.memref_squeeze %dma_wait3A_499 : memref<1x128xi32, #tpu.memory_space<vmem>> -> memref<128xi32, #tpu.memory_space<vmem>>
        %dma_wait3A_501 = arith.constant 0 : i32
        %dma_wait3A_502 = arith.constant 0 : i32
        %dma_wait3A_503 = tpu.memref_slice %arg3[%dma_wait3A_501, %dma_wait3A_502] : memref<10000x64xf32, #tpu.memory_space<hbm>> -> memref<10000x64xf32, #tpu.memory_space<hbm>>
        tpu.wait_indirect_dma semaphore(%arg15 : memref<!tpu.dma_semaphore, #tpu.memory_space<semaphore_mem>>) src(%dma_wait3A_503 : memref<10000x64xf32, #tpu.memory_space<hbm>>) dst(%arg11 : memref<128x64xf32, #tpu.memory_space<vmem>>)
        %add3A_504 = arith.constant 0 : i32
        %add3A_505 = arith.addi %mul3A_496, %add3A_504 : i32
        "tpu.region"() ({
          %run_scoped3A = tpu.sem_alloc : memref<!tpu.dma_semaphore, #tpu.memory_space<semaphore_mem>>
          %dma_start3A_550 = arith.constant 0 : i32
          %dma_start3A_551 = tpu.memref_slice %arg10[%add3A_505, %dma_start3A_550] : memref<159x128xi32, #tpu.memory_space<vmem>> -> memref<1x128xi32, #tpu.memory_space<vmem>>
          %dma_start3A_552 = tpu.memref_squeeze %dma_start3A_551 : memref<1x128xi32, #tpu.memory_space<vmem>> -> memref<128xi32, #tpu.memory_space<vmem>>
          %dma_start3A_553 = arith.constant 0 : i32
          %dma_start3A_554 = arith.constant 0 : i32
          %dma_start3A_555 = tpu.memref_slice %arg8[%dma_start3A_553, %dma_start3A_554] : memref<10240x64xf32, #tpu.memory_space<vmem_shared>> -> memref<10240x64xf32, #tpu.memory_space<vmem_shared>>
          tpu.enqueue_indirect_dma source(%arg11 : memref<128x64xf32, #tpu.memory_space<vmem>>) target(%dma_start3A_555 : memref<10240x64xf32, #tpu.memory_space<vmem_shared>>) offsets(%dma_start3A_552 : memref<128xi32, #tpu.memory_space<vmem>>) semaphore(%run_scoped3A : memref<!tpu.dma_semaphore, #tpu.memory_space<semaphore_mem>>) {add = true}
          %dma_wait3A_556 = arith.constant 0 : i32
          %dma_wait3A_557 = tpu.memref_slice %arg10[%add3A_505, %dma_wait3A_556] : memref<159x128xi32, #tpu.memory_space<vmem>> -> memref<1x128xi32, #tpu.memory_space<vmem>>
          %dma_wait3A_558 = tpu.memref_squeeze %dma_wait3A_557 : memref<1x128xi32, #tpu.memory_space<vmem>> -> memref<128xi32, #tpu.memory_space<vmem>>
          %dma_wait3A_559 = arith.constant 0 : i32
          %dma_wait3A_560 = arith.constant 0 : i32
          %dma_wait3A_561 = tpu.memref_slice %arg8[%dma_wait3A_559, %dma_wait3A_560] : memref<10240x64xf32, #tpu.memory_space<vmem_shared>> -> memref<10240x64xf32, #tpu.memory_space<vmem_shared>>
          tpu.wait_indirect_dma semaphore(%run_scoped3A : memref<!tpu.dma_semaphore, #tpu.memory_space<semaphore_mem>>) src(%arg11 : memref<128x64xf32, #tpu.memory_space<vmem>>) dst(%dma_wait3A_561 : memref<10240x64xf32, #tpu.memory_space<vmem_shared>>)
          tpu.yield
        }) : () -> ()
        %add3A_506 = arith.constant 3 : i32
        %add3A_507 = arith.addi %mul3A_496, %add3A_506 : i32
        %add3A_508 = arith.constant 0 : i32
        %add3A_509 = arith.addi %add3A_507, %add3A_508 : i32
        %lt3A = arith.constant 159 : i32
        %lt3A_510 = arith.cmpi slt, %add3A_509, %lt3A : i32
        %convert_element_type3A_511 = arith.extui %lt3A_510 : i1 to i32
        %cond3A_512 = arith.constant 0 : i32
        %cond3A_513 = arith.cmpi ne, %convert_element_type3A_511, %cond3A_512 : i32
        scf.if %cond3A_513 {
          %add3A_550 = arith.constant 3 : i32
          %add3A_551 = arith.addi %mul3A_496, %add3A_550 : i32
          %add3A_552 = arith.constant 0 : i32
          %add3A_553 = arith.addi %add3A_551, %add3A_552 : i32
          %dma_start3A_554 = arith.constant 0 : i32
          %dma_start3A_555 = tpu.memref_slice %arg9[%add3A_553, %dma_start3A_554] : memref<159x128xi32, #tpu.memory_space<vmem>> -> memref<1x128xi32, #tpu.memory_space<vmem>>
          %dma_start3A_556 = tpu.memref_squeeze %dma_start3A_555 : memref<1x128xi32, #tpu.memory_space<vmem>> -> memref<128xi32, #tpu.memory_space<vmem>>
          %dma_start3A_557 = arith.constant 0 : i32
          %dma_start3A_558 = arith.constant 0 : i32
          %dma_start3A_559 = tpu.memref_slice %arg3[%dma_start3A_557, %dma_start3A_558] : memref<10000x64xf32, #tpu.memory_space<hbm>> -> memref<10000x64xf32, #tpu.memory_space<hbm>>
          tpu.enqueue_indirect_dma source(%dma_start3A_559 : memref<10000x64xf32, #tpu.memory_space<hbm>>) target(%arg11 : memref<128x64xf32, #tpu.memory_space<vmem>>) offsets(%dma_start3A_556 : memref<128xi32, #tpu.memory_space<vmem>>) semaphore(%arg15 : memref<!tpu.dma_semaphore, #tpu.memory_space<semaphore_mem>>)
        } else {
        }
        %dma_wait3A_514 = arith.constant 0 : i32
        %dma_wait3A_515 = arith.constant 0 : i32
        %dma_wait3A_516 = tpu.memref_slice %arg9[%dma_wait3A_514, %dma_wait3A_515] : memref<159x128xi32, #tpu.memory_space<vmem>> -> memref<1x128xi32, #tpu.memory_space<vmem>>
        %dma_wait3A_517 = tpu.memref_squeeze %dma_wait3A_516 : memref<1x128xi32, #tpu.memory_space<vmem>> -> memref<128xi32, #tpu.memory_space<vmem>>
        %dma_wait3A_518 = arith.constant 0 : i32
        %dma_wait3A_519 = arith.constant 0 : i32
        %dma_wait3A_520 = tpu.memref_slice %arg3[%dma_wait3A_518, %dma_wait3A_519] : memref<10000x64xf32, #tpu.memory_space<hbm>> -> memref<10000x64xf32, #tpu.memory_space<hbm>>
        tpu.wait_indirect_dma semaphore(%arg16 : memref<!tpu.dma_semaphore, #tpu.memory_space<semaphore_mem>>) src(%dma_wait3A_520 : memref<10000x64xf32, #tpu.memory_space<hbm>>) dst(%arg12 : memref<128x64xf32, #tpu.memory_space<vmem>>)
        %add3A_521 = arith.constant 1 : i32
        %add3A_522 = arith.addi %mul3A_496, %add3A_521 : i32
        "tpu.region"() ({
          %run_scoped3A = tpu.sem_alloc : memref<!tpu.dma_semaphore, #tpu.memory_space<semaphore_mem>>
          %dma_start3A_550 = arith.constant 0 : i32
          %dma_start3A_551 = tpu.memref_slice %arg10[%add3A_522, %dma_start3A_550] : memref<159x128xi32, #tpu.memory_space<vmem>> -> memref<1x128xi32, #tpu.memory_space<vmem>>
          %dma_start3A_552 = tpu.memref_squeeze %dma_start3A_551 : memref<1x128xi32, #tpu.memory_space<vmem>> -> memref<128xi32, #tpu.memory_space<vmem>>
          %dma_start3A_553 = arith.constant 0 : i32
          %dma_start3A_554 = arith.constant 0 : i32
          %dma_start3A_555 = tpu.memref_slice %arg8[%dma_start3A_553, %dma_start3A_554] : memref<10240x64xf32, #tpu.memory_space<vmem_shared>> -> memref<10240x64xf32, #tpu.memory_space<vmem_shared>>
          tpu.enqueue_indirect_dma source(%arg12 : memref<128x64xf32, #tpu.memory_space<vmem>>) target(%dma_start3A_555 : memref<10240x64xf32, #tpu.memory_space<vmem_shared>>) offsets(%dma_start3A_552 : memref<128xi32, #tpu.memory_space<vmem>>) semaphore(%run_scoped3A : memref<!tpu.dma_semaphore, #tpu.memory_space<semaphore_mem>>) {add = true}
          %dma_wait3A_556 = arith.constant 0 : i32
          %dma_wait3A_557 = tpu.memref_slice %arg10[%add3A_522, %dma_wait3A_556] : memref<159x128xi32, #tpu.memory_space<vmem>> -> memref<1x128xi32, #tpu.memory_space<vmem>>
          %dma_wait3A_558 = tpu.memref_squeeze %dma_wait3A_557 : memref<1x128xi32, #tpu.memory_space<vmem>> -> memref<128xi32, #tpu.memory_space<vmem>>
          %dma_wait3A_559 = arith.constant 0 : i32
          %dma_wait3A_560 = arith.constant 0 : i32
          %dma_wait3A_561 = tpu.memref_slice %arg8[%dma_wait3A_559, %dma_wait3A_560] : memref<10240x64xf32, #tpu.memory_space<vmem_shared>> -> memref<10240x64xf32, #tpu.memory_space<vmem_shared>>
          tpu.wait_indirect_dma semaphore(%run_scoped3A : memref<!tpu.dma_semaphore, #tpu.memory_space<semaphore_mem>>) src(%arg12 : memref<128x64xf32, #tpu.memory_space<vmem>>) dst(%dma_wait3A_561 : memref<10240x64xf32, #tpu.memory_space<vmem_shared>>)
          tpu.yield
        }) : () -> ()
        %add3A_523 = arith.constant 3 : i32
        %add3A_524 = arith.addi %mul3A_496, %add3A_523 : i32
        %add3A_525 = arith.constant 1 : i32
        %add3A_526 = arith.addi %add3A_524, %add3A_525 : i32
        %lt3A_527 = arith.constant 159 : i32
        %lt3A_528 = arith.cmpi slt, %add3A_526, %lt3A_527 : i32
        %convert_element_type3A_529 = arith.extui %lt3A_528 : i1 to i32
        %cond3A_530 = arith.constant 0 : i32
        %cond3A_531 = arith.cmpi ne, %convert_element_type3A_529, %cond3A_530 : i32
        scf.if %cond3A_531 {
          %add3A_550 = arith.constant 3 : i32
          %add3A_551 = arith.addi %mul3A_496, %add3A_550 : i32
          %add3A_552 = arith.constant 1 : i32
          %add3A_553 = arith.addi %add3A_551, %add3A_552 : i32
          %dma_start3A_554 = arith.constant 0 : i32
          %dma_start3A_555 = tpu.memref_slice %arg9[%add3A_553, %dma_start3A_554] : memref<159x128xi32, #tpu.memory_space<vmem>> -> memref<1x128xi32, #tpu.memory_space<vmem>>
          %dma_start3A_556 = tpu.memref_squeeze %dma_start3A_555 : memref<1x128xi32, #tpu.memory_space<vmem>> -> memref<128xi32, #tpu.memory_space<vmem>>
          %dma_start3A_557 = arith.constant 0 : i32
          %dma_start3A_558 = arith.constant 0 : i32
          %dma_start3A_559 = tpu.memref_slice %arg3[%dma_start3A_557, %dma_start3A_558] : memref<10000x64xf32, #tpu.memory_space<hbm>> -> memref<10000x64xf32, #tpu.memory_space<hbm>>
          tpu.enqueue_indirect_dma source(%dma_start3A_559 : memref<10000x64xf32, #tpu.memory_space<hbm>>) target(%arg12 : memref<128x64xf32, #tpu.memory_space<vmem>>) offsets(%dma_start3A_556 : memref<128xi32, #tpu.memory_space<vmem>>) semaphore(%arg16 : memref<!tpu.dma_semaphore, #tpu.memory_space<semaphore_mem>>)
        } else {
        }
        %dma_wait3A_532 = arith.constant 0 : i32
        %dma_wait3A_533 = arith.constant 0 : i32
        %dma_wait3A_534 = tpu.memref_slice %arg9[%dma_wait3A_532, %dma_wait3A_533] : memref<159x128xi32, #tpu.memory_space<vmem>> -> memref<1x128xi32, #tpu.memory_space<vmem>>
        %dma_wait3A_535 = tpu.memref_squeeze %dma_wait3A_534 : memref<1x128xi32, #tpu.memory_space<vmem>> -> memref<128xi32, #tpu.memory_space<vmem>>
        %dma_wait3A_536 = arith.constant 0 : i32
        %dma_wait3A_537 = arith.constant 0 : i32
        %dma_wait3A_538 = tpu.memref_slice %arg3[%dma_wait3A_536, %dma_wait3A_537] : memref<10000x64xf32, #tpu.memory_space<hbm>> -> memref<10000x64xf32, #tpu.memory_space<hbm>>
        tpu.wait_indirect_dma semaphore(%arg17 : memref<!tpu.dma_semaphore, #tpu.memory_space<semaphore_mem>>) src(%dma_wait3A_538 : memref<10000x64xf32, #tpu.memory_space<hbm>>) dst(%arg13 : memref<128x64xf32, #tpu.memory_space<vmem>>)
        %add3A_539 = arith.constant 2 : i32
        %add3A_540 = arith.addi %mul3A_496, %add3A_539 : i32
        "tpu.region"() ({
          %run_scoped3A = tpu.sem_alloc : memref<!tpu.dma_semaphore, #tpu.memory_space<semaphore_mem>>
          %dma_start3A_550 = arith.constant 0 : i32
          %dma_start3A_551 = tpu.memref_slice %arg10[%add3A_540, %dma_start3A_550] : memref<159x128xi32, #tpu.memory_space<vmem>> -> memref<1x128xi32, #tpu.memory_space<vmem>>
          %dma_start3A_552 = tpu.memref_squeeze %dma_start3A_551 : memref<1x128xi32, #tpu.memory_space<vmem>> -> memref<128xi32, #tpu.memory_space<vmem>>
          %dma_start3A_553 = arith.constant 0 : i32
          %dma_start3A_554 = arith.constant 0 : i32
          %dma_start3A_555 = tpu.memref_slice %arg8[%dma_start3A_553, %dma_start3A_554] : memref<10240x64xf32, #tpu.memory_space<vmem_shared>> -> memref<10240x64xf32, #tpu.memory_space<vmem_shared>>
          tpu.enqueue_indirect_dma source(%arg13 : memref<128x64xf32, #tpu.memory_space<vmem>>) target(%dma_start3A_555 : memref<10240x64xf32, #tpu.memory_space<vmem_shared>>) offsets(%dma_start3A_552 : memref<128xi32, #tpu.memory_space<vmem>>) semaphore(%run_scoped3A : memref<!tpu.dma_semaphore, #tpu.memory_space<semaphore_mem>>) {add = true}
          %dma_wait3A_556 = arith.constant 0 : i32
          %dma_wait3A_557 = tpu.memref_slice %arg10[%add3A_540, %dma_wait3A_556] : memref<159x128xi32, #tpu.memory_space<vmem>> -> memref<1x128xi32, #tpu.memory_space<vmem>>
          %dma_wait3A_558 = tpu.memref_squeeze %dma_wait3A_557 : memref<1x128xi32, #tpu.memory_space<vmem>> -> memref<128xi32, #tpu.memory_space<vmem>>
          %dma_wait3A_559 = arith.constant 0 : i32
          %dma_wait3A_560 = arith.constant 0 : i32
          %dma_wait3A_561 = tpu.memref_slice %arg8[%dma_wait3A_559, %dma_wait3A_560] : memref<10240x64xf32, #tpu.memory_space<vmem_shared>> -> memref<10240x64xf32, #tpu.memory_space<vmem_shared>>
          tpu.wait_indirect_dma semaphore(%run_scoped3A : memref<!tpu.dma_semaphore, #tpu.memory_space<semaphore_mem>>) src(%arg13 : memref<128x64xf32, #tpu.memory_space<vmem>>) dst(%dma_wait3A_561 : memref<10240x64xf32, #tpu.memory_space<vmem_shared>>)
          tpu.yield
        }) : () -> ()
        %add3A_541 = arith.constant 3 : i32
        %add3A_542 = arith.addi %mul3A_496, %add3A_541 : i32
        %add3A_543 = arith.constant 2 : i32
        %add3A_544 = arith.addi %add3A_542, %add3A_543 : i32
        %lt3A_545 = arith.constant 159 : i32
        %lt3A_546 = arith.cmpi slt, %add3A_544, %lt3A_545 : i32
        %convert_element_type3A_547 = arith.extui %lt3A_546 : i1 to i32
        %cond3A_548 = arith.constant 0 : i32
        %cond3A_549 = arith.cmpi ne, %convert_element_type3A_547, %cond3A_548 : i32
        scf.if %cond3A_549 {
          %add3A_550 = arith.constant 3 : i32
          %add3A_551 = arith.addi %mul3A_496, %add3A_550 : i32
          %add3A_552 = arith.constant 2 : i32
          %add3A_553 = arith.addi %add3A_551, %add3A_552 : i32
          %dma_start3A_554 = arith.constant 0 : i32
          %dma_start3A_555 = tpu.memref_slice %arg9[%add3A_553, %dma_start3A_554] : memref<159x128xi32, #tpu.memory_space<vmem>> -> memref<1x128xi32, #tpu.memory_space<vmem>>
          %dma_start3A_556 = tpu.memref_squeeze %dma_start3A_555 : memref<1x128xi32, #tpu.memory_space<vmem>> -> memref<128xi32, #tpu.memory_space<vmem>>
          %dma_start3A_557 = arith.constant 0 : i32
          %dma_start3A_558 = arith.constant 0 : i32
          %dma_start3A_559 = tpu.memref_slice %arg3[%dma_start3A_557, %dma_start3A_558] : memref<10000x64xf32, #tpu.memory_space<hbm>> -> memref<10000x64xf32, #tpu.memory_space<hbm>>
          tpu.enqueue_indirect_dma source(%dma_start3A_559 : memref<10000x64xf32, #tpu.memory_space<hbm>>) target(%arg13 : memref<128x64xf32, #tpu.memory_space<vmem>>) offsets(%dma_start3A_556 : memref<128xi32, #tpu.memory_space<vmem>>) semaphore(%arg17 : memref<!tpu.dma_semaphore, #tpu.memory_space<semaphore_mem>>)
        } else {
        }
      }
      %scan3A_493 = arith.constant 53 : i32
    } else {
    }
    %barrier3A_85 = arith.constant 0 : index
    tpu.barrier barrier_id(%barrier3A_85)
    %dma_start3A_86 = arith.constant 0 : i32
    %dma_start3A_87 = arith.constant 0 : i32
    %dma_start3A_88 = tpu.memref_slice %arg11[%dma_start3A_86, %dma_start3A_87] : memref<128x64xf32, #tpu.memory_space<vmem>> -> memref<80x64xf32, #tpu.memory_space<vmem>>
    %dma_start3A_89 = arith.constant 0 : i32
    %dma_start3A_90 = tpu.memref_slice %arg8[%mul3A_0, %dma_start3A_89] : memref<10240x64xf32, #tpu.memory_space<vmem_shared>> -> memref<80x64xf32, #tpu.memory_space<vmem_shared>>
    %dma_start3A_91 = arith.constant 0 : i32
    %dma_start3A_92 = arith.constant 0 : i32
    %dma_start3A_93 = tpu.memref_slice %arg11[%dma_start3A_91, %dma_start3A_92] : memref<128x64xf32, #tpu.memory_space<vmem>> -> memref<80x64xf32, #tpu.memory_space<vmem>>
    %dma_start3A_94 = arith.constant 0 : i32
    %dma_start3A_95 = tpu.memref_slice %arg8[%mul3A_0, %dma_start3A_94] : memref<10240x64xf32, #tpu.memory_space<vmem_shared>> -> memref<80x64xf32, #tpu.memory_space<vmem_shared>>
    tpu.enqueue_dma source(%dma_start3A_95 : memref<80x64xf32, #tpu.memory_space<vmem_shared>>) target(%dma_start3A_93 : memref<80x64xf32, #tpu.memory_space<vmem>>) target_semaphore(%arg15 : memref<!tpu.dma_semaphore, #tpu.memory_space<semaphore_mem>>)
    %dma_wait3A_96 = arith.constant 0 : i32
    %dma_wait3A_97 = arith.constant 0 : i32
    %dma_wait3A_98 = tpu.memref_slice %arg11[%dma_wait3A_96, %dma_wait3A_97] : memref<128x64xf32, #tpu.memory_space<vmem>> -> memref<80x64xf32, #tpu.memory_space<vmem>>
    %dma_wait3A_99 = arith.constant 0 : i32
    %dma_wait3A_100 = tpu.memref_slice %arg8[%mul3A_0, %dma_wait3A_99] : memref<10240x64xf32, #tpu.memory_space<vmem_shared>> -> memref<80x64xf32, #tpu.memory_space<vmem_shared>>
    %dma_wait3A_101 = arith.constant 0 : i32
    %dma_wait3A_102 = arith.constant 0 : i32
    %dma_wait3A_103 = tpu.memref_slice %arg11[%dma_wait3A_101, %dma_wait3A_102] : memref<128x64xf32, #tpu.memory_space<vmem>> -> memref<80x64xf32, #tpu.memory_space<vmem>>
    %dma_wait3A_104 = arith.constant 0 : i32
    %dma_wait3A_105 = tpu.memref_slice %arg8[%mul3A_0, %dma_wait3A_104] : memref<10240x64xf32, #tpu.memory_space<vmem_shared>> -> memref<80x64xf32, #tpu.memory_space<vmem_shared>>
    tpu.wait_dma2 semaphore(%arg15 : memref<!tpu.dma_semaphore, #tpu.memory_space<semaphore_mem>>) src(%dma_wait3A_105 : memref<80x64xf32, #tpu.memory_space<vmem_shared>>) dst(%dma_wait3A_103 : memref<80x64xf32, #tpu.memory_space<vmem>>)
    %add3A_106 = arith.constant 0 : i32
    %add3A_107 = arith.addi %mul3A_0, %add3A_106 : i32
    %dma_start3A_108 = arith.constant 0 : i32
    %dma_start3A_109 = arith.constant 0 : i32
    %dma_start3A_110 = tpu.memref_slice %arg11[%dma_start3A_108, %dma_start3A_109] : memref<128x64xf32, #tpu.memory_space<vmem>> -> memref<80x64xf32, #tpu.memory_space<vmem>>
    %dma_start3A_111 = arith.constant 0 : i32
    %dma_start3A_112 = tpu.memref_slice %arg7[%arg0, %add3A_107, %dma_start3A_111] : memref<2x10240x64xf32, #tpu.memory_space<hbm>> -> memref<1x80x64xf32, #tpu.memory_space<hbm>>
    %dma_start3A_113 = tpu.memref_squeeze %dma_start3A_112 : memref<1x80x64xf32, #tpu.memory_space<hbm>> -> memref<80x64xf32, #tpu.memory_space<hbm>>
    %dma_start3A_114 = arith.constant 0 : i32
    %dma_start3A_115 = tpu.memref_slice %arg7[%arg0, %add3A_107, %dma_start3A_114] : memref<2x10240x64xf32, #tpu.memory_space<hbm>> -> memref<1x80x64xf32, #tpu.memory_space<hbm>>
    %dma_start3A_116 = tpu.memref_squeeze %dma_start3A_115 : memref<1x80x64xf32, #tpu.memory_space<hbm>> -> memref<80x64xf32, #tpu.memory_space<hbm>>
    %dma_start3A_117 = arith.constant 0 : i32
    %dma_start3A_118 = arith.constant 0 : i32
    %dma_start3A_119 = tpu.memref_slice %arg11[%dma_start3A_117, %dma_start3A_118] : memref<128x64xf32, #tpu.memory_space<vmem>> -> memref<80x64xf32, #tpu.memory_space<vmem>>
    tpu.enqueue_dma source(%dma_start3A_119 : memref<80x64xf32, #tpu.memory_space<vmem>>) target(%dma_start3A_116 : memref<80x64xf32, #tpu.memory_space<hbm>>) target_semaphore(%arg18 : memref<!tpu.dma_semaphore, #tpu.memory_space<semaphore_mem>>)
    %add3A_120 = arith.constant 80 : i32
    %add3A_121 = arith.addi %mul3A_0, %add3A_120 : i32
    %dma_start3A_122 = arith.constant 0 : i32
    %dma_start3A_123 = arith.constant 0 : i32
    %dma_start3A_124 = tpu.memref_slice %arg12[%dma_start3A_122, %dma_start3A_123] : memref<128x64xf32, #tpu.memory_space<vmem>> -> memref<80x64xf32, #tpu.memory_space<vmem>>
    %dma_start3A_125 = arith.constant 0 : i32
    %dma_start3A_126 = tpu.memref_slice %arg8[%add3A_121, %dma_start3A_125] : memref<10240x64xf32, #tpu.memory_space<vmem_shared>> -> memref<80x64xf32, #tpu.memory_space<vmem_shared>>
    %dma_start3A_127 = arith.constant 0 : i32
    %dma_start3A_128 = arith.constant 0 : i32
    %dma_start3A_129 = tpu.memref_slice %arg12[%dma_start3A_127, %dma_start3A_128] : memref<128x64xf32, #tpu.memory_space<vmem>> -> memref<80x64xf32, #tpu.memory_space<vmem>>
    %dma_start3A_130 = arith.constant 0 : i32
    %dma_start3A_131 = tpu.memref_slice %arg8[%add3A_121, %dma_start3A_130] : memref<10240x64xf32, #tpu.memory_space<vmem_shared>> -> memref<80x64xf32, #tpu.memory_space<vmem_shared>>
    tpu.enqueue_dma source(%dma_start3A_131 : memref<80x64xf32, #tpu.memory_space<vmem_shared>>) target(%dma_start3A_129 : memref<80x64xf32, #tpu.memory_space<vmem>>) target_semaphore(%arg16 : memref<!tpu.dma_semaphore, #tpu.memory_space<semaphore_mem>>)
    %dma_wait3A_132 = arith.constant 0 : i32
    %dma_wait3A_133 = arith.constant 0 : i32
    %dma_wait3A_134 = tpu.memref_slice %arg12[%dma_wait3A_132, %dma_wait3A_133] : memref<128x64xf32, #tpu.memory_space<vmem>> -> memref<80x64xf32, #tpu.memory_space<vmem>>
    %dma_wait3A_135 = arith.constant 0 : i32
    %dma_wait3A_136 = tpu.memref_slice %arg8[%mul3A_0, %dma_wait3A_135] : memref<10240x64xf32, #tpu.memory_space<vmem_shared>> -> memref<80x64xf32, #tpu.memory_space<vmem_shared>>
    %dma_wait3A_137 = arith.constant 0 : i32
    %dma_wait3A_138 = arith.constant 0 : i32
    %dma_wait3A_139 = tpu.memref_slice %arg12[%dma_wait3A_137, %dma_wait3A_138] : memref<128x64xf32, #tpu.memory_space<vmem>> -> memref<80x64xf32, #tpu.memory_space<vmem>>
    %dma_wait3A_140 = arith.constant 0 : i32
    %dma_wait3A_141 = tpu.memref_slice %arg8[%mul3A_0, %dma_wait3A_140] : memref<10240x64xf32, #tpu.memory_space<vmem_shared>> -> memref<80x64xf32, #tpu.memory_space<vmem_shared>>
    tpu.wait_dma2 semaphore(%arg16 : memref<!tpu.dma_semaphore, #tpu.memory_space<semaphore_mem>>) src(%dma_wait3A_141 : memref<80x64xf32, #tpu.memory_space<vmem_shared>>) dst(%dma_wait3A_139 : memref<80x64xf32, #tpu.memory_space<vmem>>)
    %add3A_142 = arith.constant 80 : i32
    %add3A_143 = arith.addi %mul3A_0, %add3A_142 : i32
    %dma_start3A_144 = arith.constant 0 : i32
    %dma_start3A_145 = arith.constant 0 : i32
    %dma_start3A_146 = tpu.memref_slice %arg12[%dma_start3A_144, %dma_start3A_145] : memref<128x64xf32, #tpu.memory_space<vmem>> -> memref<80x64xf32, #tpu.memory_space<vmem>>
    %dma_start3A_147 = arith.constant 0 : i32
    %dma_start3A_148 = tpu.memref_slice %arg7[%arg0, %add3A_143, %dma_start3A_147] : memref<2x10240x64xf32, #tpu.memory_space<hbm>> -> memref<1x80x64xf32, #tpu.memory_space<hbm>>
    %dma_start3A_149 = tpu.memref_squeeze %dma_start3A_148 : memref<1x80x64xf32, #tpu.memory_space<hbm>> -> memref<80x64xf32, #tpu.memory_space<hbm>>
    %dma_start3A_150 = arith.constant 0 : i32
    %dma_start3A_151 = tpu.memref_slice %arg7[%arg0, %add3A_143, %dma_start3A_150] : memref<2x10240x64xf32, #tpu.memory_space<hbm>> -> memref<1x80x64xf32, #tpu.memory_space<hbm>>
    %dma_start3A_152 = tpu.memref_squeeze %dma_start3A_151 : memref<1x80x64xf32, #tpu.memory_space<hbm>> -> memref<80x64xf32, #tpu.memory_space<hbm>>
    %dma_start3A_153 = arith.constant 0 : i32
    %dma_start3A_154 = arith.constant 0 : i32
    %dma_start3A_155 = tpu.memref_slice %arg12[%dma_start3A_153, %dma_start3A_154] : memref<128x64xf32, #tpu.memory_space<vmem>> -> memref<80x64xf32, #tpu.memory_space<vmem>>
    tpu.enqueue_dma source(%dma_start3A_155 : memref<80x64xf32, #tpu.memory_space<vmem>>) target(%dma_start3A_152 : memref<80x64xf32, #tpu.memory_space<hbm>>) target_semaphore(%arg19 : memref<!tpu.dma_semaphore, #tpu.memory_space<semaphore_mem>>)
    %dma_wait3A_156 = arith.constant 0 : i32
    %dma_wait3A_157 = arith.constant 0 : i32
    %dma_wait3A_158 = tpu.memref_slice %arg11[%dma_wait3A_156, %dma_wait3A_157] : memref<128x64xf32, #tpu.memory_space<vmem>> -> memref<80x64xf32, #tpu.memory_space<vmem>>
    %dma_wait3A_159 = arith.constant 0 : i32
    %dma_wait3A_160 = tpu.memref_slice %arg7[%arg0, %mul3A_0, %dma_wait3A_159] : memref<2x10240x64xf32, #tpu.memory_space<hbm>> -> memref<1x80x64xf32, #tpu.memory_space<hbm>>
    %dma_wait3A_161 = tpu.memref_squeeze %dma_wait3A_160 : memref<1x80x64xf32, #tpu.memory_space<hbm>> -> memref<80x64xf32, #tpu.memory_space<hbm>>
    %dma_wait3A_162 = arith.constant 0 : i32
    %dma_wait3A_163 = tpu.memref_slice %arg7[%arg0, %mul3A_0, %dma_wait3A_162] : memref<2x10240x64xf32, #tpu.memory_space<hbm>> -> memref<1x80x64xf32, #tpu.memory_space<hbm>>
    %dma_wait3A_164 = tpu.memref_squeeze %dma_wait3A_163 : memref<1x80x64xf32, #tpu.memory_space<hbm>> -> memref<80x64xf32, #tpu.memory_space<hbm>>
    %dma_wait3A_165 = arith.constant 0 : i32
    %dma_wait3A_166 = arith.constant 0 : i32
    %dma_wait3A_167 = tpu.memref_slice %arg11[%dma_wait3A_165, %dma_wait3A_166] : memref<128x64xf32, #tpu.memory_space<vmem>> -> memref<80x64xf32, #tpu.memory_space<vmem>>
    tpu.wait_dma2 semaphore(%arg18 : memref<!tpu.dma_semaphore, #tpu.memory_space<semaphore_mem>>) src(%dma_wait3A_167 : memref<80x64xf32, #tpu.memory_space<vmem>>) dst(%dma_wait3A_164 : memref<80x64xf32, #tpu.memory_space<hbm>>)
    %add3A_168 = arith.constant 160 : i32
    %add3A_169 = arith.addi %mul3A_0, %add3A_168 : i32
    %dma_start3A_170 = arith.constant 0 : i32
    %dma_start3A_171 = arith.constant 0 : i32
    %dma_start3A_172 = tpu.memref_slice %arg11[%dma_start3A_170, %dma_start3A_171] : memref<128x64xf32, #tpu.memory_space<vmem>> -> memref<80x64xf32, #tpu.memory_space<vmem>>
    %dma_start3A_173 = arith.constant 0 : i32
    %dma_start3A_174 = tpu.memref_slice %arg8[%add3A_169, %dma_start3A_173] : memref<10240x64xf32, #tpu.memory_space<vmem_shared>> -> memref<80x64xf32, #tpu.memory_space<vmem_shared>>
    %dma_start3A_175 = arith.constant 0 : i32
    %dma_start3A_176 = arith.constant 0 : i32
    %dma_start3A_177 = tpu.memref_slice %arg11[%dma_start3A_175, %dma_start3A_176] : memref<128x64xf32, #tpu.memory_space<vmem>> -> memref<80x64xf32, #tpu.memory_space<vmem>>
    %dma_start3A_178 = arith.constant 0 : i32
    %dma_start3A_179 = tpu.memref_slice %arg8[%add3A_169, %dma_start3A_178] : memref<10240x64xf32, #tpu.memory_space<vmem_shared>> -> memref<80x64xf32, #tpu.memory_space<vmem_shared>>
    tpu.enqueue_dma source(%dma_start3A_179 : memref<80x64xf32, #tpu.memory_space<vmem_shared>>) target(%dma_start3A_177 : memref<80x64xf32, #tpu.memory_space<vmem>>) target_semaphore(%arg15 : memref<!tpu.dma_semaphore, #tpu.memory_space<semaphore_mem>>)
    %dma_wait3A_180 = arith.constant 0 : i32
    %dma_wait3A_181 = arith.constant 0 : i32
    %dma_wait3A_182 = tpu.memref_slice %arg11[%dma_wait3A_180, %dma_wait3A_181] : memref<128x64xf32, #tpu.memory_space<vmem>> -> memref<80x64xf32, #tpu.memory_space<vmem>>
    %dma_wait3A_183 = arith.constant 0 : i32
    %dma_wait3A_184 = tpu.memref_slice %arg8[%mul3A_0, %dma_wait3A_183] : memref<10240x64xf32, #tpu.memory_space<vmem_shared>> -> memref<80x64xf32, #tpu.memory_space<vmem_shared>>
    %dma_wait3A_185 = arith.constant 0 : i32
    %dma_wait3A_186 = arith.constant 0 : i32
    %dma_wait3A_187 = tpu.memref_slice %arg11[%dma_wait3A_185, %dma_wait3A_186] : memref<128x64xf32, #tpu.memory_space<vmem>> -> memref<80x64xf32, #tpu.memory_space<vmem>>
    %dma_wait3A_188 = arith.constant 0 : i32
    %dma_wait3A_189 = tpu.memref_slice %arg8[%mul3A_0, %dma_wait3A_188] : memref<10240x64xf32, #tpu.memory_space<vmem_shared>> -> memref<80x64xf32, #tpu.memory_space<vmem_shared>>
    tpu.wait_dma2 semaphore(%arg15 : memref<!tpu.dma_semaphore, #tpu.memory_space<semaphore_mem>>) src(%dma_wait3A_189 : memref<80x64xf32, #tpu.memory_space<vmem_shared>>) dst(%dma_wait3A_187 : memref<80x64xf32, #tpu.memory_space<vmem>>)
    %add3A_190 = arith.constant 160 : i32
    %add3A_191 = arith.addi %mul3A_0, %add3A_190 : i32
    %dma_start3A_192 = arith.constant 0 : i32
    %dma_start3A_193 = arith.constant 0 : i32
    %dma_start3A_194 = tpu.memref_slice %arg11[%dma_start3A_192, %dma_start3A_193] : memref<128x64xf32, #tpu.memory_space<vmem>> -> memref<80x64xf32, #tpu.memory_space<vmem>>
    %dma_start3A_195 = arith.constant 0 : i32
    %dma_start3A_196 = tpu.memref_slice %arg7[%arg0, %add3A_191, %dma_start3A_195] : memref<2x10240x64xf32, #tpu.memory_space<hbm>> -> memref<1x80x64xf32, #tpu.memory_space<hbm>>
    %dma_start3A_197 = tpu.memref_squeeze %dma_start3A_196 : memref<1x80x64xf32, #tpu.memory_space<hbm>> -> memref<80x64xf32, #tpu.memory_space<hbm>>
    %dma_start3A_198 = arith.constant 0 : i32
    %dma_start3A_199 = tpu.memref_slice %arg7[%arg0, %add3A_191, %dma_start3A_198] : memref<2x10240x64xf32, #tpu.memory_space<hbm>> -> memref<1x80x64xf32, #tpu.memory_space<hbm>>
    %dma_start3A_200 = tpu.memref_squeeze %dma_start3A_199 : memref<1x80x64xf32, #tpu.memory_space<hbm>> -> memref<80x64xf32, #tpu.memory_space<hbm>>
    %dma_start3A_201 = arith.constant 0 : i32
    %dma_start3A_202 = arith.constant 0 : i32
    %dma_start3A_203 = tpu.memref_slice %arg11[%dma_start3A_201, %dma_start3A_202] : memref<128x64xf32, #tpu.memory_space<vmem>> -> memref<80x64xf32, #tpu.memory_space<vmem>>
    tpu.enqueue_dma source(%dma_start3A_203 : memref<80x64xf32, #tpu.memory_space<vmem>>) target(%dma_start3A_200 : memref<80x64xf32, #tpu.memory_space<hbm>>) target_semaphore(%arg18 : memref<!tpu.dma_semaphore, #tpu.memory_space<semaphore_mem>>)
    %dma_wait3A_204 = arith.constant 0 : i32
    %dma_wait3A_205 = arith.constant 0 : i32
    %dma_wait3A_206 = tpu.memref_slice %arg12[%dma_wait3A_204, %dma_wait3A_205] : memref<128x64xf32, #tpu.memory_space<vmem>> -> memref<80x64xf32, #tpu.memory_space<vmem>>
    %dma_wait3A_207 = arith.constant 0 : i32
    %dma_wait3A_208 = tpu.memref_slice %arg7[%arg0, %mul3A_0, %dma_wait3A_207] : memref<2x10240x64xf32, #tpu.memory_space<hbm>> -> memref<1x80x64xf32, #tpu.memory_space<hbm>>
    %dma_wait3A_209 = tpu.memref_squeeze %dma_wait3A_208 : memref<1x80x64xf32, #tpu.memory_space<hbm>> -> memref<80x64xf32, #tpu.memory_space<hbm>>
    %dma_wait3A_210 = arith.constant 0 : i32
    %dma_wait3A_211 = tpu.memref_slice %arg7[%arg0, %mul3A_0, %dma_wait3A_210] : memref<2x10240x64xf32, #tpu.memory_space<hbm>> -> memref<1x80x64xf32, #tpu.memory_space<hbm>>
    %dma_wait3A_212 = tpu.memref_squeeze %dma_wait3A_211 : memref<1x80x64xf32, #tpu.memory_space<hbm>> -> memref<80x64xf32, #tpu.memory_space<hbm>>
    %dma_wait3A_213 = arith.constant 0 : i32
    %dma_wait3A_214 = arith.constant 0 : i32
    %dma_wait3A_215 = tpu.memref_slice %arg12[%dma_wait3A_213, %dma_wait3A_214] : memref<128x64xf32, #tpu.memory_space<vmem>> -> memref<80x64xf32, #tpu.memory_space<vmem>>
    tpu.wait_dma2 semaphore(%arg19 : memref<!tpu.dma_semaphore, #tpu.memory_space<semaphore_mem>>) src(%dma_wait3A_215 : memref<80x64xf32, #tpu.memory_space<vmem>>) dst(%dma_wait3A_212 : memref<80x64xf32, #tpu.memory_space<hbm>>)
    %add3A_216 = arith.constant 240 : i32
    %add3A_217 = arith.addi %mul3A_0, %add3A_216 : i32
    %dma_start3A_218 = arith.constant 0 : i32
    %dma_start3A_219 = arith.constant 0 : i32
    %dma_start3A_220 = tpu.memref_slice %arg12[%dma_start3A_218, %dma_start3A_219] : memref<128x64xf32, #tpu.memory_space<vmem>> -> memref<80x64xf32, #tpu.memory_space<vmem>>
    %dma_start3A_221 = arith.constant 0 : i32
    %dma_start3A_222 = tpu.memref_slice %arg8[%add3A_217, %dma_start3A_221] : memref<10240x64xf32, #tpu.memory_space<vmem_shared>> -> memref<80x64xf32, #tpu.memory_space<vmem_shared>>
    %dma_start3A_223 = arith.constant 0 : i32
    %dma_start3A_224 = arith.constant 0 : i32
    %dma_start3A_225 = tpu.memref_slice %arg12[%dma_start3A_223, %dma_start3A_224] : memref<128x64xf32, #tpu.memory_space<vmem>> -> memref<80x64xf32, #tpu.memory_space<vmem>>
    %dma_start3A_226 = arith.constant 0 : i32
    %dma_start3A_227 = tpu.memref_slice %arg8[%add3A_217, %dma_start3A_226] : memref<10240x64xf32, #tpu.memory_space<vmem_shared>> -> memref<80x64xf32, #tpu.memory_space<vmem_shared>>
    tpu.enqueue_dma source(%dma_start3A_227 : memref<80x64xf32, #tpu.memory_space<vmem_shared>>) target(%dma_start3A_225 : memref<80x64xf32, #tpu.memory_space<vmem>>) target_semaphore(%arg16 : memref<!tpu.dma_semaphore, #tpu.memory_space<semaphore_mem>>)
    %dma_wait3A_228 = arith.constant 0 : i32
    %dma_wait3A_229 = arith.constant 0 : i32
    %dma_wait3A_230 = tpu.memref_slice %arg12[%dma_wait3A_228, %dma_wait3A_229] : memref<128x64xf32, #tpu.memory_space<vmem>> -> memref<80x64xf32, #tpu.memory_space<vmem>>
    %dma_wait3A_231 = arith.constant 0 : i32
    %dma_wait3A_232 = tpu.memref_slice %arg8[%mul3A_0, %dma_wait3A_231] : memref<10240x64xf32, #tpu.memory_space<vmem_shared>> -> memref<80x64xf32, #tpu.memory_space<vmem_shared>>
    %dma_wait3A_233 = arith.constant 0 : i32
    %dma_wait3A_234 = arith.constant 0 : i32
    %dma_wait3A_235 = tpu.memref_slice %arg12[%dma_wait3A_233, %dma_wait3A_234] : memref<128x64xf32, #tpu.memory_space<vmem>> -> memref<80x64xf32, #tpu.memory_space<vmem>>
    %dma_wait3A_236 = arith.constant 0 : i32
    %dma_wait3A_237 = tpu.memref_slice %arg8[%mul3A_0, %dma_wait3A_236] : memref<10240x64xf32, #tpu.memory_space<vmem_shared>> -> memref<80x64xf32, #tpu.memory_space<vmem_shared>>
    tpu.wait_dma2 semaphore(%arg16 : memref<!tpu.dma_semaphore, #tpu.memory_space<semaphore_mem>>) src(%dma_wait3A_237 : memref<80x64xf32, #tpu.memory_space<vmem_shared>>) dst(%dma_wait3A_235 : memref<80x64xf32, #tpu.memory_space<vmem>>)
    %add3A_238 = arith.constant 240 : i32
    %add3A_239 = arith.addi %mul3A_0, %add3A_238 : i32
    %dma_start3A_240 = arith.constant 0 : i32
    %dma_start3A_241 = arith.constant 0 : i32
    %dma_start3A_242 = tpu.memref_slice %arg12[%dma_start3A_240, %dma_start3A_241] : memref<128x64xf32, #tpu.memory_space<vmem>> -> memref<80x64xf32, #tpu.memory_space<vmem>>
    %dma_start3A_243 = arith.constant 0 : i32
    %dma_start3A_244 = tpu.memref_slice %arg7[%arg0, %add3A_239, %dma_start3A_243] : memref<2x10240x64xf32, #tpu.memory_space<hbm>> -> memref<1x80x64xf32, #tpu.memory_space<hbm>>
    %dma_start3A_245 = tpu.memref_squeeze %dma_start3A_244 : memref<1x80x64xf32, #tpu.memory_space<hbm>> -> memref<80x64xf32, #tpu.memory_space<hbm>>
    %dma_start3A_246 = arith.constant 0 : i32
    %dma_start3A_247 = tpu.memref_slice %arg7[%arg0, %add3A_239, %dma_start3A_246] : memref<2x10240x64xf32, #tpu.memory_space<hbm>> -> memref<1x80x64xf32, #tpu.memory_space<hbm>>
    %dma_start3A_248 = tpu.memref_squeeze %dma_start3A_247 : memref<1x80x64xf32, #tpu.memory_space<hbm>> -> memref<80x64xf32, #tpu.memory_space<hbm>>
    %dma_start3A_249 = arith.constant 0 : i32
    %dma_start3A_250 = arith.constant 0 : i32
    %dma_start3A_251 = tpu.memref_slice %arg12[%dma_start3A_249, %dma_start3A_250] : memref<128x64xf32, #tpu.memory_space<vmem>> -> memref<80x64xf32, #tpu.memory_space<vmem>>
    tpu.enqueue_dma source(%dma_start3A_251 : memref<80x64xf32, #tpu.memory_space<vmem>>) target(%dma_start3A_248 : memref<80x64xf32, #tpu.memory_space<hbm>>) target_semaphore(%arg19 : memref<!tpu.dma_semaphore, #tpu.memory_space<semaphore_mem>>)
    %dma_wait3A_252 = arith.constant 0 : i32
    %dma_wait3A_253 = arith.constant 0 : i32
    %dma_wait3A_254 = tpu.memref_slice %arg11[%dma_wait3A_252, %dma_wait3A_253] : memref<128x64xf32, #tpu.memory_space<vmem>> -> memref<80x64xf32, #tpu.memory_space<vmem>>
    %dma_wait3A_255 = arith.constant 0 : i32
    %dma_wait3A_256 = tpu.memref_slice %arg7[%arg0, %mul3A_0, %dma_wait3A_255] : memref<2x10240x64xf32, #tpu.memory_space<hbm>> -> memref<1x80x64xf32, #tpu.memory_space<hbm>>
    %dma_wait3A_257 = tpu.memref_squeeze %dma_wait3A_256 : memref<1x80x64xf32, #tpu.memory_space<hbm>> -> memref<80x64xf32, #tpu.memory_space<hbm>>
    %dma_wait3A_258 = arith.constant 0 : i32
    %dma_wait3A_259 = tpu.memref_slice %arg7[%arg0, %mul3A_0, %dma_wait3A_258] : memref<2x10240x64xf32, #tpu.memory_space<hbm>> -> memref<1x80x64xf32, #tpu.memory_space<hbm>>
    %dma_wait3A_260 = tpu.memref_squeeze %dma_wait3A_259 : memref<1x80x64xf32, #tpu.memory_space<hbm>> -> memref<80x64xf32, #tpu.memory_space<hbm>>
    %dma_wait3A_261 = arith.constant 0 : i32
    %dma_wait3A_262 = arith.constant 0 : i32
    %dma_wait3A_263 = tpu.memref_slice %arg11[%dma_wait3A_261, %dma_wait3A_262] : memref<128x64xf32, #tpu.memory_space<vmem>> -> memref<80x64xf32, #tpu.memory_space<vmem>>
    tpu.wait_dma2 semaphore(%arg18 : memref<!tpu.dma_semaphore, #tpu.memory_space<semaphore_mem>>) src(%dma_wait3A_263 : memref<80x64xf32, #tpu.memory_space<vmem>>) dst(%dma_wait3A_260 : memref<80x64xf32, #tpu.memory_space<hbm>>)
    %add3A_264 = arith.constant 320 : i32
    %add3A_265 = arith.addi %mul3A_0, %add3A_264 : i32
    %dma_start3A_266 = arith.constant 0 : i32
    %dma_start3A_267 = arith.constant 0 : i32
    %dma_start3A_268 = tpu.memref_slice %arg11[%dma_start3A_266, %dma_start3A_267] : memref<128x64xf32, #tpu.memory_space<vmem>> -> memref<80x64xf32, #tpu.memory_space<vmem>>
    %dma_start3A_269 = arith.constant 0 : i32
    %dma_start3A_270 = tpu.memref_slice %arg8[%add3A_265, %dma_start3A_269] : memref<10240x64xf32, #tpu.memory_space<vmem_shared>> -> memref<80x64xf32, #tpu.memory_space<vmem_shared>>
    %dma_start3A_271 = arith.constant 0 : i32
    %dma_start3A_272 = arith.constant 0 : i32
    %dma_start3A_273 = tpu.memref_slice %arg11[%dma_start3A_271, %dma_start3A_272] : memref<128x64xf32, #tpu.memory_space<vmem>> -> memref<80x64xf32, #tpu.memory_space<vmem>>
    %dma_start3A_274 = arith.constant 0 : i32
    %dma_start3A_275 = tpu.memref_slice %arg8[%add3A_265, %dma_start3A_274] : memref<10240x64xf32, #tpu.memory_space<vmem_shared>> -> memref<80x64xf32, #tpu.memory_space<vmem_shared>>
    tpu.enqueue_dma source(%dma_start3A_275 : memref<80x64xf32, #tpu.memory_space<vmem_shared>>) target(%dma_start3A_273 : memref<80x64xf32, #tpu.memory_space<vmem>>) target_semaphore(%arg15 : memref<!tpu.dma_semaphore, #tpu.memory_space<semaphore_mem>>)
    %dma_wait3A_276 = arith.constant 0 : i32
    %dma_wait3A_277 = arith.constant 0 : i32
    %dma_wait3A_278 = tpu.memref_slice %arg11[%dma_wait3A_276, %dma_wait3A_277] : memref<128x64xf32, #tpu.memory_space<vmem>> -> memref<80x64xf32, #tpu.memory_space<vmem>>
    %dma_wait3A_279 = arith.constant 0 : i32
    %dma_wait3A_280 = tpu.memref_slice %arg8[%mul3A_0, %dma_wait3A_279] : memref<10240x64xf32, #tpu.memory_space<vmem_shared>> -> memref<80x64xf32, #tpu.memory_space<vmem_shared>>
    %dma_wait3A_281 = arith.constant 0 : i32
    %dma_wait3A_282 = arith.constant 0 : i32
    %dma_wait3A_283 = tpu.memref_slice %arg11[%dma_wait3A_281, %dma_wait3A_282] : memref<128x64xf32, #tpu.memory_space<vmem>> -> memref<80x64xf32, #tpu.memory_space<vmem>>
    %dma_wait3A_284 = arith.constant 0 : i32
    %dma_wait3A_285 = tpu.memref_slice %arg8[%mul3A_0, %dma_wait3A_284] : memref<10240x64xf32, #tpu.memory_space<vmem_shared>> -> memref<80x64xf32, #tpu.memory_space<vmem_shared>>
    tpu.wait_dma2 semaphore(%arg15 : memref<!tpu.dma_semaphore, #tpu.memory_space<semaphore_mem>>) src(%dma_wait3A_285 : memref<80x64xf32, #tpu.memory_space<vmem_shared>>) dst(%dma_wait3A_283 : memref<80x64xf32, #tpu.memory_space<vmem>>)
    %add3A_286 = arith.constant 320 : i32
    %add3A_287 = arith.addi %mul3A_0, %add3A_286 : i32
    %dma_start3A_288 = arith.constant 0 : i32
    %dma_start3A_289 = arith.constant 0 : i32
    %dma_start3A_290 = tpu.memref_slice %arg11[%dma_start3A_288, %dma_start3A_289] : memref<128x64xf32, #tpu.memory_space<vmem>> -> memref<80x64xf32, #tpu.memory_space<vmem>>
    %dma_start3A_291 = arith.constant 0 : i32
    %dma_start3A_292 = tpu.memref_slice %arg7[%arg0, %add3A_287, %dma_start3A_291] : memref<2x10240x64xf32, #tpu.memory_space<hbm>> -> memref<1x80x64xf32, #tpu.memory_space<hbm>>
    %dma_start3A_293 = tpu.memref_squeeze %dma_start3A_292 : memref<1x80x64xf32, #tpu.memory_space<hbm>> -> memref<80x64xf32, #tpu.memory_space<hbm>>
    %dma_start3A_294 = arith.constant 0 : i32
    %dma_start3A_295 = tpu.memref_slice %arg7[%arg0, %add3A_287, %dma_start3A_294] : memref<2x10240x64xf32, #tpu.memory_space<hbm>> -> memref<1x80x64xf32, #tpu.memory_space<hbm>>
    %dma_start3A_296 = tpu.memref_squeeze %dma_start3A_295 : memref<1x80x64xf32, #tpu.memory_space<hbm>> -> memref<80x64xf32, #tpu.memory_space<hbm>>
    %dma_start3A_297 = arith.constant 0 : i32
    %dma_start3A_298 = arith.constant 0 : i32
    %dma_start3A_299 = tpu.memref_slice %arg11[%dma_start3A_297, %dma_start3A_298] : memref<128x64xf32, #tpu.memory_space<vmem>> -> memref<80x64xf32, #tpu.memory_space<vmem>>
    tpu.enqueue_dma source(%dma_start3A_299 : memref<80x64xf32, #tpu.memory_space<vmem>>) target(%dma_start3A_296 : memref<80x64xf32, #tpu.memory_space<hbm>>) target_semaphore(%arg18 : memref<!tpu.dma_semaphore, #tpu.memory_space<semaphore_mem>>)
    %dma_wait3A_300 = arith.constant 0 : i32
    %dma_wait3A_301 = arith.constant 0 : i32
    %dma_wait3A_302 = tpu.memref_slice %arg12[%dma_wait3A_300, %dma_wait3A_301] : memref<128x64xf32, #tpu.memory_space<vmem>> -> memref<80x64xf32, #tpu.memory_space<vmem>>
    %dma_wait3A_303 = arith.constant 0 : i32
    %dma_wait3A_304 = tpu.memref_slice %arg7[%arg0, %mul3A_0, %dma_wait3A_303] : memref<2x10240x64xf32, #tpu.memory_space<hbm>> -> memref<1x80x64xf32, #tpu.memory_space<hbm>>
    %dma_wait3A_305 = tpu.memref_squeeze %dma_wait3A_304 : memref<1x80x64xf32, #tpu.memory_space<hbm>> -> memref<80x64xf32, #tpu.memory_space<hbm>>
    %dma_wait3A_306 = arith.constant 0 : i32
    %dma_wait3A_307 = tpu.memref_slice %arg7[%arg0, %mul3A_0, %dma_wait3A_306] : memref<2x10240x64xf32, #tpu.memory_space<hbm>> -> memref<1x80x64xf32, #tpu.memory_space<hbm>>
    %dma_wait3A_308 = tpu.memref_squeeze %dma_wait3A_307 : memref<1x80x64xf32, #tpu.memory_space<hbm>> -> memref<80x64xf32, #tpu.memory_space<hbm>>
    %dma_wait3A_309 = arith.constant 0 : i32
    %dma_wait3A_310 = arith.constant 0 : i32
    %dma_wait3A_311 = tpu.memref_slice %arg12[%dma_wait3A_309, %dma_wait3A_310] : memref<128x64xf32, #tpu.memory_space<vmem>> -> memref<80x64xf32, #tpu.memory_space<vmem>>
    tpu.wait_dma2 semaphore(%arg19 : memref<!tpu.dma_semaphore, #tpu.memory_space<semaphore_mem>>) src(%dma_wait3A_311 : memref<80x64xf32, #tpu.memory_space<vmem>>) dst(%dma_wait3A_308 : memref<80x64xf32, #tpu.memory_space<hbm>>)
    %add3A_312 = arith.constant 400 : i32
    %add3A_313 = arith.addi %mul3A_0, %add3A_312 : i32
    %dma_start3A_314 = arith.constant 0 : i32
    %dma_start3A_315 = arith.constant 0 : i32
    %dma_start3A_316 = tpu.memref_slice %arg12[%dma_start3A_314, %dma_start3A_315] : memref<128x64xf32, #tpu.memory_space<vmem>> -> memref<80x64xf32, #tpu.memory_space<vmem>>
    %dma_start3A_317 = arith.constant 0 : i32
    %dma_start3A_318 = tpu.memref_slice %arg8[%add3A_313, %dma_start3A_317] : memref<10240x64xf32, #tpu.memory_space<vmem_shared>> -> memref<80x64xf32, #tpu.memory_space<vmem_shared>>
    %dma_start3A_319 = arith.constant 0 : i32
    %dma_start3A_320 = arith.constant 0 : i32
    %dma_start3A_321 = tpu.memref_slice %arg12[%dma_start3A_319, %dma_start3A_320] : memref<128x64xf32, #tpu.memory_space<vmem>> -> memref<80x64xf32, #tpu.memory_space<vmem>>
    %dma_start3A_322 = arith.constant 0 : i32
    %dma_start3A_323 = tpu.memref_slice %arg8[%add3A_313, %dma_start3A_322] : memref<10240x64xf32, #tpu.memory_space<vmem_shared>> -> memref<80x64xf32, #tpu.memory_space<vmem_shared>>
    tpu.enqueue_dma source(%dma_start3A_323 : memref<80x64xf32, #tpu.memory_space<vmem_shared>>) target(%dma_start3A_321 : memref<80x64xf32, #tpu.memory_space<vmem>>) target_semaphore(%arg16 : memref<!tpu.dma_semaphore, #tpu.memory_space<semaphore_mem>>)
    %dma_wait3A_324 = arith.constant 0 : i32
    %dma_wait3A_325 = arith.constant 0 : i32
    %dma_wait3A_326 = tpu.memref_slice %arg12[%dma_wait3A_324, %dma_wait3A_325] : memref<128x64xf32, #tpu.memory_space<vmem>> -> memref<80x64xf32, #tpu.memory_space<vmem>>
    %dma_wait3A_327 = arith.constant 0 : i32
    %dma_wait3A_328 = tpu.memref_slice %arg8[%mul3A_0, %dma_wait3A_327] : memref<10240x64xf32, #tpu.memory_space<vmem_shared>> -> memref<80x64xf32, #tpu.memory_space<vmem_shared>>
    %dma_wait3A_329 = arith.constant 0 : i32
    %dma_wait3A_330 = arith.constant 0 : i32
    %dma_wait3A_331 = tpu.memref_slice %arg12[%dma_wait3A_329, %dma_wait3A_330] : memref<128x64xf32, #tpu.memory_space<vmem>> -> memref<80x64xf32, #tpu.memory_space<vmem>>
    %dma_wait3A_332 = arith.constant 0 : i32
    %dma_wait3A_333 = tpu.memref_slice %arg8[%mul3A_0, %dma_wait3A_332] : memref<10240x64xf32, #tpu.memory_space<vmem_shared>> -> memref<80x64xf32, #tpu.memory_space<vmem_shared>>
    tpu.wait_dma2 semaphore(%arg16 : memref<!tpu.dma_semaphore, #tpu.memory_space<semaphore_mem>>) src(%dma_wait3A_333 : memref<80x64xf32, #tpu.memory_space<vmem_shared>>) dst(%dma_wait3A_331 : memref<80x64xf32, #tpu.memory_space<vmem>>)
    %add3A_334 = arith.constant 400 : i32
    %add3A_335 = arith.addi %mul3A_0, %add3A_334 : i32
    %dma_start3A_336 = arith.constant 0 : i32
    %dma_start3A_337 = arith.constant 0 : i32
    %dma_start3A_338 = tpu.memref_slice %arg12[%dma_start3A_336, %dma_start3A_337] : memref<128x64xf32, #tpu.memory_space<vmem>> -> memref<80x64xf32, #tpu.memory_space<vmem>>
    %dma_start3A_339 = arith.constant 0 : i32
    %dma_start3A_340 = tpu.memref_slice %arg7[%arg0, %add3A_335, %dma_start3A_339] : memref<2x10240x64xf32, #tpu.memory_space<hbm>> -> memref<1x80x64xf32, #tpu.memory_space<hbm>>
    %dma_start3A_341 = tpu.memref_squeeze %dma_start3A_340 : memref<1x80x64xf32, #tpu.memory_space<hbm>> -> memref<80x64xf32, #tpu.memory_space<hbm>>
    %dma_start3A_342 = arith.constant 0 : i32
    %dma_start3A_343 = tpu.memref_slice %arg7[%arg0, %add3A_335, %dma_start3A_342] : memref<2x10240x64xf32, #tpu.memory_space<hbm>> -> memref<1x80x64xf32, #tpu.memory_space<hbm>>
    %dma_start3A_344 = tpu.memref_squeeze %dma_start3A_343 : memref<1x80x64xf32, #tpu.memory_space<hbm>> -> memref<80x64xf32, #tpu.memory_space<hbm>>
    %dma_start3A_345 = arith.constant 0 : i32
    %dma_start3A_346 = arith.constant 0 : i32
    %dma_start3A_347 = tpu.memref_slice %arg12[%dma_start3A_345, %dma_start3A_346] : memref<128x64xf32, #tpu.memory_space<vmem>> -> memref<80x64xf32, #tpu.memory_space<vmem>>
    tpu.enqueue_dma source(%dma_start3A_347 : memref<80x64xf32, #tpu.memory_space<vmem>>) target(%dma_start3A_344 : memref<80x64xf32, #tpu.memory_space<hbm>>) target_semaphore(%arg19 : memref<!tpu.dma_semaphore, #tpu.memory_space<semaphore_mem>>)
    %dma_wait3A_348 = arith.constant 0 : i32
    %dma_wait3A_349 = arith.constant 0 : i32
    %dma_wait3A_350 = tpu.memref_slice %arg11[%dma_wait3A_348, %dma_wait3A_349] : memref<128x64xf32, #tpu.memory_space<vmem>> -> memref<80x64xf32, #tpu.memory_space<vmem>>
    %dma_wait3A_351 = arith.constant 0 : i32
    %dma_wait3A_352 = tpu.memref_slice %arg7[%arg0, %mul3A_0, %dma_wait3A_351] : memref<2x10240x64xf32, #tpu.memory_space<hbm>> -> memref<1x80x64xf32, #tpu.memory_space<hbm>>
    %dma_wait3A_353 = tpu.memref_squeeze %dma_wait3A_352 : memref<1x80x64xf32, #tpu.memory_space<hbm>> -> memref<80x64xf32, #tpu.memory_space<hbm>>
    %dma_wait3A_354 = arith.constant 0 : i32
    %dma_wait3A_355 = tpu.memref_slice %arg7[%arg0, %mul3A_0, %dma_wait3A_354] : memref<2x10240x64xf32, #tpu.memory_space<hbm>> -> memref<1x80x64xf32, #tpu.memory_space<hbm>>
    %dma_wait3A_356 = tpu.memref_squeeze %dma_wait3A_355 : memref<1x80x64xf32, #tpu.memory_space<hbm>> -> memref<80x64xf32, #tpu.memory_space<hbm>>
    %dma_wait3A_357 = arith.constant 0 : i32
    %dma_wait3A_358 = arith.constant 0 : i32
    %dma_wait3A_359 = tpu.memref_slice %arg11[%dma_wait3A_357, %dma_wait3A_358] : memref<128x64xf32, #tpu.memory_space<vmem>> -> memref<80x64xf32, #tpu.memory_space<vmem>>
    tpu.wait_dma2 semaphore(%arg18 : memref<!tpu.dma_semaphore, #tpu.memory_space<semaphore_mem>>) src(%dma_wait3A_359 : memref<80x64xf32, #tpu.memory_space<vmem>>) dst(%dma_wait3A_356 : memref<80x64xf32, #tpu.memory_space<hbm>>)
    %add3A_360 = arith.constant 480 : i32
    %add3A_361 = arith.addi %mul3A_0, %add3A_360 : i32
    %dma_start3A_362 = arith.constant 0 : i32
    %dma_start3A_363 = arith.constant 0 : i32
    %dma_start3A_364 = tpu.memref_slice %arg11[%dma_start3A_362, %dma_start3A_363] : memref<128x64xf32, #tpu.memory_space<vmem>> -> memref<80x64xf32, #tpu.memory_space<vmem>>
    %dma_start3A_365 = arith.constant 0 : i32
    %dma_start3A_366 = tpu.memref_slice %arg8[%add3A_361, %dma_start3A_365] : memref<10240x64xf32, #tpu.memory_space<vmem_shared>> -> memref<80x64xf32, #tpu.memory_space<vmem_shared>>
    %dma_start3A_367 = arith.constant 0 : i32
    %dma_start3A_368 = arith.constant 0 : i32
    %dma_start3A_369 = tpu.memref_slice %arg11[%dma_start3A_367, %dma_start3A_368] : memref<128x64xf32, #tpu.memory_space<vmem>> -> memref<80x64xf32, #tpu.memory_space<vmem>>
    %dma_start3A_370 = arith.constant 0 : i32
    %dma_start3A_371 = tpu.memref_slice %arg8[%add3A_361, %dma_start3A_370] : memref<10240x64xf32, #tpu.memory_space<vmem_shared>> -> memref<80x64xf32, #tpu.memory_space<vmem_shared>>
    tpu.enqueue_dma source(%dma_start3A_371 : memref<80x64xf32, #tpu.memory_space<vmem_shared>>) target(%dma_start3A_369 : memref<80x64xf32, #tpu.memory_space<vmem>>) target_semaphore(%arg15 : memref<!tpu.dma_semaphore, #tpu.memory_space<semaphore_mem>>)
    %dma_wait3A_372 = arith.constant 0 : i32
    %dma_wait3A_373 = arith.constant 0 : i32
    %dma_wait3A_374 = tpu.memref_slice %arg11[%dma_wait3A_372, %dma_wait3A_373] : memref<128x64xf32, #tpu.memory_space<vmem>> -> memref<80x64xf32, #tpu.memory_space<vmem>>
    %dma_wait3A_375 = arith.constant 0 : i32
    %dma_wait3A_376 = tpu.memref_slice %arg8[%mul3A_0, %dma_wait3A_375] : memref<10240x64xf32, #tpu.memory_space<vmem_shared>> -> memref<80x64xf32, #tpu.memory_space<vmem_shared>>
    %dma_wait3A_377 = arith.constant 0 : i32
    %dma_wait3A_378 = arith.constant 0 : i32
    %dma_wait3A_379 = tpu.memref_slice %arg11[%dma_wait3A_377, %dma_wait3A_378] : memref<128x64xf32, #tpu.memory_space<vmem>> -> memref<80x64xf32, #tpu.memory_space<vmem>>
    %dma_wait3A_380 = arith.constant 0 : i32
    %dma_wait3A_381 = tpu.memref_slice %arg8[%mul3A_0, %dma_wait3A_380] : memref<10240x64xf32, #tpu.memory_space<vmem_shared>> -> memref<80x64xf32, #tpu.memory_space<vmem_shared>>
    tpu.wait_dma2 semaphore(%arg15 : memref<!tpu.dma_semaphore, #tpu.memory_space<semaphore_mem>>) src(%dma_wait3A_381 : memref<80x64xf32, #tpu.memory_space<vmem_shared>>) dst(%dma_wait3A_379 : memref<80x64xf32, #tpu.memory_space<vmem>>)
    %add3A_382 = arith.constant 480 : i32
    %add3A_383 = arith.addi %mul3A_0, %add3A_382 : i32
    %dma_start3A_384 = arith.constant 0 : i32
    %dma_start3A_385 = arith.constant 0 : i32
    %dma_start3A_386 = tpu.memref_slice %arg11[%dma_start3A_384, %dma_start3A_385] : memref<128x64xf32, #tpu.memory_space<vmem>> -> memref<80x64xf32, #tpu.memory_space<vmem>>
    %dma_start3A_387 = arith.constant 0 : i32
    %dma_start3A_388 = tpu.memref_slice %arg7[%arg0, %add3A_383, %dma_start3A_387] : memref<2x10240x64xf32, #tpu.memory_space<hbm>> -> memref<1x80x64xf32, #tpu.memory_space<hbm>>
    %dma_start3A_389 = tpu.memref_squeeze %dma_start3A_388 : memref<1x80x64xf32, #tpu.memory_space<hbm>> -> memref<80x64xf32, #tpu.memory_space<hbm>>
    %dma_start3A_390 = arith.constant 0 : i32
    %dma_start3A_391 = tpu.memref_slice %arg7[%arg0, %add3A_383, %dma_start3A_390] : memref<2x10240x64xf32, #tpu.memory_space<hbm>> -> memref<1x80x64xf32, #tpu.memory_space<hbm>>
    %dma_start3A_392 = tpu.memref_squeeze %dma_start3A_391 : memref<1x80x64xf32, #tpu.memory_space<hbm>> -> memref<80x64xf32, #tpu.memory_space<hbm>>
    %dma_start3A_393 = arith.constant 0 : i32
    %dma_start3A_394 = arith.constant 0 : i32
    %dma_start3A_395 = tpu.memref_slice %arg11[%dma_start3A_393, %dma_start3A_394] : memref<128x64xf32, #tpu.memory_space<vmem>> -> memref<80x64xf32, #tpu.memory_space<vmem>>
    tpu.enqueue_dma source(%dma_start3A_395 : memref<80x64xf32, #tpu.memory_space<vmem>>) target(%dma_start3A_392 : memref<80x64xf32, #tpu.memory_space<hbm>>) target_semaphore(%arg18 : memref<!tpu.dma_semaphore, #tpu.memory_space<semaphore_mem>>)
    %dma_wait3A_396 = arith.constant 0 : i32
    %dma_wait3A_397 = arith.constant 0 : i32
    %dma_wait3A_398 = tpu.memref_slice %arg12[%dma_wait3A_396, %dma_wait3A_397] : memref<128x64xf32, #tpu.memory_space<vmem>> -> memref<80x64xf32, #tpu.memory_space<vmem>>
    %dma_wait3A_399 = arith.constant 0 : i32
    %dma_wait3A_400 = tpu.memref_slice %arg7[%arg0, %mul3A_0, %dma_wait3A_399] : memref<2x10240x64xf32, #tpu.memory_space<hbm>> -> memref<1x80x64xf32, #tpu.memory_space<hbm>>
    %dma_wait3A_401 = tpu.memref_squeeze %dma_wait3A_400 : memref<1x80x64xf32, #tpu.memory_space<hbm>> -> memref<80x64xf32, #tpu.memory_space<hbm>>
    %dma_wait3A_402 = arith.constant 0 : i32
    %dma_wait3A_403 = tpu.memref_slice %arg7[%arg0, %mul3A_0, %dma_wait3A_402] : memref<2x10240x64xf32, #tpu.memory_space<hbm>> -> memref<1x80x64xf32, #tpu.memory_space<hbm>>
    %dma_wait3A_404 = tpu.memref_squeeze %dma_wait3A_403 : memref<1x80x64xf32, #tpu.memory_space<hbm>> -> memref<80x64xf32, #tpu.memory_space<hbm>>
    %dma_wait3A_405 = arith.constant 0 : i32
    %dma_wait3A_406 = arith.constant 0 : i32
    %dma_wait3A_407 = tpu.memref_slice %arg12[%dma_wait3A_405, %dma_wait3A_406] : memref<128x64xf32, #tpu.memory_space<vmem>> -> memref<80x64xf32, #tpu.memory_space<vmem>>
    tpu.wait_dma2 semaphore(%arg19 : memref<!tpu.dma_semaphore, #tpu.memory_space<semaphore_mem>>) src(%dma_wait3A_407 : memref<80x64xf32, #tpu.memory_space<vmem>>) dst(%dma_wait3A_404 : memref<80x64xf32, #tpu.memory_space<hbm>>)
    %add3A_408 = arith.constant 560 : i32
    %add3A_409 = arith.addi %mul3A_0, %add3A_408 : i32
    %dma_start3A_410 = arith.constant 0 : i32
    %dma_start3A_411 = arith.constant 0 : i32
    %dma_start3A_412 = tpu.memref_slice %arg12[%dma_start3A_410, %dma_start3A_411] : memref<128x64xf32, #tpu.memory_space<vmem>> -> memref<80x64xf32, #tpu.memory_space<vmem>>
    %dma_start3A_413 = arith.constant 0 : i32
    %dma_start3A_414 = tpu.memref_slice %arg8[%add3A_409, %dma_start3A_413] : memref<10240x64xf32, #tpu.memory_space<vmem_shared>> -> memref<80x64xf32, #tpu.memory_space<vmem_shared>>
    %dma_start3A_415 = arith.constant 0 : i32
    %dma_start3A_416 = arith.constant 0 : i32
    %dma_start3A_417 = tpu.memref_slice %arg12[%dma_start3A_415, %dma_start3A_416] : memref<128x64xf32, #tpu.memory_space<vmem>> -> memref<80x64xf32, #tpu.memory_space<vmem>>
    %dma_start3A_418 = arith.constant 0 : i32
    %dma_start3A_419 = tpu.memref_slice %arg8[%add3A_409, %dma_start3A_418] : memref<10240x64xf32, #tpu.memory_space<vmem_shared>> -> memref<80x64xf32, #tpu.memory_space<vmem_shared>>
    tpu.enqueue_dma source(%dma_start3A_419 : memref<80x64xf32, #tpu.memory_space<vmem_shared>>) target(%dma_start3A_417 : memref<80x64xf32, #tpu.memory_space<vmem>>) target_semaphore(%arg16 : memref<!tpu.dma_semaphore, #tpu.memory_space<semaphore_mem>>)
    %dma_wait3A_420 = arith.constant 0 : i32
    %dma_wait3A_421 = arith.constant 0 : i32
    %dma_wait3A_422 = tpu.memref_slice %arg12[%dma_wait3A_420, %dma_wait3A_421] : memref<128x64xf32, #tpu.memory_space<vmem>> -> memref<80x64xf32, #tpu.memory_space<vmem>>
    %dma_wait3A_423 = arith.constant 0 : i32
    %dma_wait3A_424 = tpu.memref_slice %arg8[%mul3A_0, %dma_wait3A_423] : memref<10240x64xf32, #tpu.memory_space<vmem_shared>> -> memref<80x64xf32, #tpu.memory_space<vmem_shared>>
    %dma_wait3A_425 = arith.constant 0 : i32
    %dma_wait3A_426 = arith.constant 0 : i32
    %dma_wait3A_427 = tpu.memref_slice %arg12[%dma_wait3A_425, %dma_wait3A_426] : memref<128x64xf32, #tpu.memory_space<vmem>> -> memref<80x64xf32, #tpu.memory_space<vmem>>
    %dma_wait3A_428 = arith.constant 0 : i32
    %dma_wait3A_429 = tpu.memref_slice %arg8[%mul3A_0, %dma_wait3A_428] : memref<10240x64xf32, #tpu.memory_space<vmem_shared>> -> memref<80x64xf32, #tpu.memory_space<vmem_shared>>
    tpu.wait_dma2 semaphore(%arg16 : memref<!tpu.dma_semaphore, #tpu.memory_space<semaphore_mem>>) src(%dma_wait3A_429 : memref<80x64xf32, #tpu.memory_space<vmem_shared>>) dst(%dma_wait3A_427 : memref<80x64xf32, #tpu.memory_space<vmem>>)
    %add3A_430 = arith.constant 560 : i32
    %add3A_431 = arith.addi %mul3A_0, %add3A_430 : i32
    %dma_start3A_432 = arith.constant 0 : i32
    %dma_start3A_433 = arith.constant 0 : i32
    %dma_start3A_434 = tpu.memref_slice %arg12[%dma_start3A_432, %dma_start3A_433] : memref<128x64xf32, #tpu.memory_space<vmem>> -> memref<80x64xf32, #tpu.memory_space<vmem>>
    %dma_start3A_435 = arith.constant 0 : i32
    %dma_start3A_436 = tpu.memref_slice %arg7[%arg0, %add3A_431, %dma_start3A_435] : memref<2x10240x64xf32, #tpu.memory_space<hbm>> -> memref<1x80x64xf32, #tpu.memory_space<hbm>>
    %dma_start3A_437 = tpu.memref_squeeze %dma_start3A_436 : memref<1x80x64xf32, #tpu.memory_space<hbm>> -> memref<80x64xf32, #tpu.memory_space<hbm>>
    %dma_start3A_438 = arith.constant 0 : i32
    %dma_start3A_439 = tpu.memref_slice %arg7[%arg0, %add3A_431, %dma_start3A_438] : memref<2x10240x64xf32, #tpu.memory_space<hbm>> -> memref<1x80x64xf32, #tpu.memory_space<hbm>>
    %dma_start3A_440 = tpu.memref_squeeze %dma_start3A_439 : memref<1x80x64xf32, #tpu.memory_space<hbm>> -> memref<80x64xf32, #tpu.memory_space<hbm>>
    %dma_start3A_441 = arith.constant 0 : i32
    %dma_start3A_442 = arith.constant 0 : i32
    %dma_start3A_443 = tpu.memref_slice %arg12[%dma_start3A_441, %dma_start3A_442] : memref<128x64xf32, #tpu.memory_space<vmem>> -> memref<80x64xf32, #tpu.memory_space<vmem>>
    tpu.enqueue_dma source(%dma_start3A_443 : memref<80x64xf32, #tpu.memory_space<vmem>>) target(%dma_start3A_440 : memref<80x64xf32, #tpu.memory_space<hbm>>) target_semaphore(%arg19 : memref<!tpu.dma_semaphore, #tpu.memory_space<semaphore_mem>>)
    %dma_wait3A_444 = arith.constant 0 : i32
    %dma_wait3A_445 = arith.constant 0 : i32
    %dma_wait3A_446 = tpu.memref_slice %arg11[%dma_wait3A_444, %dma_wait3A_445] : memref<128x64xf32, #tpu.memory_space<vmem>> -> memref<80x64xf32, #tpu.memory_space<vmem>>
    %dma_wait3A_447 = arith.constant 0 : i32
    %dma_wait3A_448 = tpu.memref_slice %arg7[%arg0, %mul3A_0, %dma_wait3A_447] : memref<2x10240x64xf32, #tpu.memory_space<hbm>> -> memref<1x80x64xf32, #tpu.memory_space<hbm>>
    %dma_wait3A_449 = tpu.memref_squeeze %dma_wait3A_448 : memref<1x80x64xf32, #tpu.memory_space<hbm>> -> memref<80x64xf32, #tpu.memory_space<hbm>>
    %dma_wait3A_450 = arith.constant 0 : i32
    %dma_wait3A_451 = tpu.memref_slice %arg7[%arg0, %mul3A_0, %dma_wait3A_450] : memref<2x10240x64xf32, #tpu.memory_space<hbm>> -> memref<1x80x64xf32, #tpu.memory_space<hbm>>
    %dma_wait3A_452 = tpu.memref_squeeze %dma_wait3A_451 : memref<1x80x64xf32, #tpu.memory_space<hbm>> -> memref<80x64xf32, #tpu.memory_space<hbm>>
    %dma_wait3A_453 = arith.constant 0 : i32
    %dma_wait3A_454 = arith.constant 0 : i32
    %dma_wait3A_455 = tpu.memref_slice %arg11[%dma_wait3A_453, %dma_wait3A_454] : memref<128x64xf32, #tpu.memory_space<vmem>> -> memref<80x64xf32, #tpu.memory_space<vmem>>
    tpu.wait_dma2 semaphore(%arg18 : memref<!tpu.dma_semaphore, #tpu.memory_space<semaphore_mem>>) src(%dma_wait3A_455 : memref<80x64xf32, #tpu.memory_space<vmem>>) dst(%dma_wait3A_452 : memref<80x64xf32, #tpu.memory_space<hbm>>)
    %dma_wait3A_456 = arith.constant 0 : i32
    %dma_wait3A_457 = arith.constant 0 : i32
    %dma_wait3A_458 = tpu.memref_slice %arg12[%dma_wait3A_456, %dma_wait3A_457] : memref<128x64xf32, #tpu.memory_space<vmem>> -> memref<80x64xf32, #tpu.memory_space<vmem>>
    %dma_wait3A_459 = arith.constant 0 : i32
    %dma_wait3A_460 = tpu.memref_slice %arg7[%arg0, %mul3A_0, %dma_wait3A_459] : memref<2x10240x64xf32, #tpu.memory_space<hbm>> -> memref<1x80x64xf32, #tpu.memory_space<hbm>>
    %dma_wait3A_461 = tpu.memref_squeeze %dma_wait3A_460 : memref<1x80x64xf32, #tpu.memory_space<hbm>> -> memref<80x64xf32, #tpu.memory_space<hbm>>
    %dma_wait3A_462 = arith.constant 0 : i32
    %dma_wait3A_463 = tpu.memref_slice %arg7[%arg0, %mul3A_0, %dma_wait3A_462] : memref<2x10240x64xf32, #tpu.memory_space<hbm>> -> memref<1x80x64xf32, #tpu.memory_space<hbm>>
    %dma_wait3A_464 = tpu.memref_squeeze %dma_wait3A_463 : memref<1x80x64xf32, #tpu.memory_space<hbm>> -> memref<80x64xf32, #tpu.memory_space<hbm>>
    %dma_wait3A_465 = arith.constant 0 : i32
    %dma_wait3A_466 = arith.constant 0 : i32
    %dma_wait3A_467 = tpu.memref_slice %arg12[%dma_wait3A_465, %dma_wait3A_466] : memref<128x64xf32, #tpu.memory_space<vmem>> -> memref<80x64xf32, #tpu.memory_space<vmem>>
    tpu.wait_dma2 semaphore(%arg19 : memref<!tpu.dma_semaphore, #tpu.memory_space<semaphore_mem>>) src(%dma_wait3A_467 : memref<80x64xf32, #tpu.memory_space<vmem>>) dst(%dma_wait3A_464 : memref<80x64xf32, #tpu.memory_space<hbm>>)
    return
  }
}

#map = affine_map<(d0, d1) -> (0, 0)>
#map1 = affine_map<(d0, d1) -> (0, 0, 0)>
module attributes {stable_mosaic.version = 14 : i64} {
  func.func @body_deg(%arg0: i32, %arg1: i32, %arg2: memref<10000x64xf32, #tpu.memory_space<hbm>>, %arg3: memref<10000x64xf32, #tpu.memory_space<hbm>>, %arg4: memref<16x159x128xi32, #tpu.memory_space<hbm>>, %arg5: memref<16x159x128xi32, #tpu.memory_space<hbm>>, %arg6: memref<80x64xf32, #tpu.memory_space<hbm>>, %arg7: memref<80x8xf32, #tpu.memory_space<hbm>>, %arg8: memref<128x8xf32, #tpu.memory_space<hbm>>, %arg9: memref<2x10240x64xf32, #tpu.memory_space<hbm>>, %arg10: memref<2x10240x8xf32, #tpu.memory_space<hbm>>, %arg11: memref<10240x64xf32, #tpu.memory_space<vmem_shared>>, %arg12: memref<10240x8xf32, #tpu.memory_space<vmem_shared>>, %arg13: memref<159x128xi32, #tpu.memory_space<vmem>>, %arg14: memref<159x128xi32, #tpu.memory_space<vmem>>, %arg15: memref<128x64xf32, #tpu.memory_space<vmem>>, %arg16: memref<128x64xf32, #tpu.memory_space<vmem>>, %arg17: memref<128x64xf32, #tpu.memory_space<vmem>>, %arg18: memref<80x64xf32, #tpu.memory_space<vmem>>, %arg19: memref<!tpu.dma_semaphore, #tpu.memory_space<semaphore_mem>>, %arg20: memref<!tpu.dma_semaphore, #tpu.memory_space<semaphore_mem>>, %arg21: memref<!tpu.dma_semaphore, #tpu.memory_space<semaphore_mem>>, %arg22: memref<!tpu.dma_semaphore, #tpu.memory_space<semaphore_mem>>, %arg23: memref<!tpu.dma_semaphore, #tpu.memory_space<semaphore_mem>>, %arg24: memref<128x8xf32, #tpu.memory_space<vmem>>, %arg25: memref<80x8xf32, #tpu.memory_space<vmem>>) attributes {dimension_semantics = [#tpu.dimension_semantics<core_parallel>, #tpu.dimension_semantics<subcore_parallel>], iteration_bounds = array<i64: 2, 16>, scalar_prefetch = 0 : i64, scratch_operands = 15 : i64, tpu.core_type = #tpu.core_type<sc_vector_subcore>, window_params = [{transform_indices = #map}, {transform_indices = #map}, {transform_indices = #map1}, {transform_indices = #map1}, {transform_indices = #map}, {transform_indices = #map}, {transform_indices = #map}, {transform_indices = #map1}, {transform_indices = #map1}]} {
    %mul3A = arith.constant 640 : i32
    %mul3A_0 = arith.muli %arg1, %mul3A : i32
    "tpu.region"() ({
      %run_scoped3A = tpu.sem_alloc : memref<!tpu.dma_semaphore, #tpu.memory_space<semaphore_mem>>
      tpu.enqueue_dma source(%arg6 : memref<80x64xf32, #tpu.memory_space<hbm>>) target(%arg18 : memref<80x64xf32, #tpu.memory_space<vmem>>) target_semaphore(%run_scoped3A : memref<!tpu.dma_semaphore, #tpu.memory_space<semaphore_mem>>)
      tpu.wait_dma2 semaphore(%run_scoped3A : memref<!tpu.dma_semaphore, #tpu.memory_space<semaphore_mem>>) src(%arg6 : memref<80x64xf32, #tpu.memory_space<hbm>>) dst(%arg18 : memref<80x64xf32, #tpu.memory_space<vmem>>)
      tpu.yield
    }) : () -> ()
    "tpu.region"() ({
      %run_scoped3A = tpu.sem_alloc : memref<!tpu.dma_semaphore, #tpu.memory_space<semaphore_mem>>
      tpu.enqueue_dma source(%arg7 : memref<80x8xf32, #tpu.memory_space<hbm>>) target(%arg25 : memref<80x8xf32, #tpu.memory_space<vmem>>) target_semaphore(%run_scoped3A : memref<!tpu.dma_semaphore, #tpu.memory_space<semaphore_mem>>)
      tpu.wait_dma2 semaphore(%run_scoped3A : memref<!tpu.dma_semaphore, #tpu.memory_space<semaphore_mem>>) src(%arg7 : memref<80x8xf32, #tpu.memory_space<hbm>>) dst(%arg25 : memref<80x8xf32, #tpu.memory_space<vmem>>)
      tpu.yield
    }) : () -> ()
    "tpu.region"() ({
      %run_scoped3A = tpu.sem_alloc : memref<!tpu.dma_semaphore, #tpu.memory_space<semaphore_mem>>
      tpu.enqueue_dma source(%arg8 : memref<128x8xf32, #tpu.memory_space<hbm>>) target(%arg24 : memref<128x8xf32, #tpu.memory_space<vmem>>) target_semaphore(%run_scoped3A : memref<!tpu.dma_semaphore, #tpu.memory_space<semaphore_mem>>)
      tpu.wait_dma2 semaphore(%run_scoped3A : memref<!tpu.dma_semaphore, #tpu.memory_space<semaphore_mem>>) src(%arg8 : memref<128x8xf32, #tpu.memory_space<hbm>>) dst(%arg24 : memref<128x8xf32, #tpu.memory_space<vmem>>)
      tpu.yield
    }) : () -> ()
    %add3A = arith.constant 0 : i32
    %add3A_1 = arith.addi %mul3A_0, %add3A : i32
    %dma_start3A = arith.constant 0 : i32
    %dma_start3A_2 = tpu.memref_slice %arg11[%add3A_1, %dma_start3A] : memref<10240x64xf32, #tpu.memory_space<vmem_shared>> -> memref<80x64xf32, #tpu.memory_space<vmem_shared>>
    %dma_start3A_3 = arith.constant 0 : i32
    %dma_start3A_4 = tpu.memref_slice %arg11[%add3A_1, %dma_start3A_3] : memref<10240x64xf32, #tpu.memory_space<vmem_shared>> -> memref<80x64xf32, #tpu.memory_space<vmem_shared>>
    tpu.enqueue_dma source(%arg18 : memref<80x64xf32, #tpu.memory_space<vmem>>) target(%dma_start3A_4 : memref<80x64xf32, #tpu.memory_space<vmem_shared>>) target_semaphore(%arg19 : memref<!tpu.dma_semaphore, #tpu.memory_space<semaphore_mem>>)
    %add3A_5 = arith.constant 80 : i32
    %add3A_6 = arith.addi %mul3A_0, %add3A_5 : i32
    %dma_start3A_7 = arith.constant 0 : i32
    %dma_start3A_8 = tpu.memref_slice %arg11[%add3A_6, %dma_start3A_7] : memref<10240x64xf32, #tpu.memory_space<vmem_shared>> -> memref<80x64xf32, #tpu.memory_space<vmem_shared>>
    %dma_start3A_9 = arith.constant 0 : i32
    %dma_start3A_10 = tpu.memref_slice %arg11[%add3A_6, %dma_start3A_9] : memref<10240x64xf32, #tpu.memory_space<vmem_shared>> -> memref<80x64xf32, #tpu.memory_space<vmem_shared>>
    tpu.enqueue_dma source(%arg18 : memref<80x64xf32, #tpu.memory_space<vmem>>) target(%dma_start3A_10 : memref<80x64xf32, #tpu.memory_space<vmem_shared>>) target_semaphore(%arg20 : memref<!tpu.dma_semaphore, #tpu.memory_space<semaphore_mem>>)
    %add3A_11 = arith.constant 160 : i32
    %add3A_12 = arith.addi %mul3A_0, %add3A_11 : i32
    %dma_start3A_13 = arith.constant 0 : i32
    %dma_start3A_14 = tpu.memref_slice %arg11[%add3A_12, %dma_start3A_13] : memref<10240x64xf32, #tpu.memory_space<vmem_shared>> -> memref<80x64xf32, #tpu.memory_space<vmem_shared>>
    %dma_start3A_15 = arith.constant 0 : i32
    %dma_start3A_16 = tpu.memref_slice %arg11[%add3A_12, %dma_start3A_15] : memref<10240x64xf32, #tpu.memory_space<vmem_shared>> -> memref<80x64xf32, #tpu.memory_space<vmem_shared>>
    tpu.enqueue_dma source(%arg18 : memref<80x64xf32, #tpu.memory_space<vmem>>) target(%dma_start3A_16 : memref<80x64xf32, #tpu.memory_space<vmem_shared>>) target_semaphore(%arg21 : memref<!tpu.dma_semaphore, #tpu.memory_space<semaphore_mem>>)
    %add3A_17 = arith.constant 240 : i32
    %add3A_18 = arith.addi %mul3A_0, %add3A_17 : i32
    %dma_start3A_19 = arith.constant 0 : i32
    %dma_start3A_20 = tpu.memref_slice %arg11[%add3A_18, %dma_start3A_19] : memref<10240x64xf32, #tpu.memory_space<vmem_shared>> -> memref<80x64xf32, #tpu.memory_space<vmem_shared>>
    %dma_start3A_21 = arith.constant 0 : i32
    %dma_start3A_22 = tpu.memref_slice %arg11[%add3A_18, %dma_start3A_21] : memref<10240x64xf32, #tpu.memory_space<vmem_shared>> -> memref<80x64xf32, #tpu.memory_space<vmem_shared>>
    tpu.enqueue_dma source(%arg18 : memref<80x64xf32, #tpu.memory_space<vmem>>) target(%dma_start3A_22 : memref<80x64xf32, #tpu.memory_space<vmem_shared>>) target_semaphore(%arg19 : memref<!tpu.dma_semaphore, #tpu.memory_space<semaphore_mem>>)
    %add3A_23 = arith.constant 320 : i32
    %add3A_24 = arith.addi %mul3A_0, %add3A_23 : i32
    %dma_start3A_25 = arith.constant 0 : i32
    %dma_start3A_26 = tpu.memref_slice %arg11[%add3A_24, %dma_start3A_25] : memref<10240x64xf32, #tpu.memory_space<vmem_shared>> -> memref<80x64xf32, #tpu.memory_space<vmem_shared>>
    %dma_start3A_27 = arith.constant 0 : i32
    %dma_start3A_28 = tpu.memref_slice %arg11[%add3A_24, %dma_start3A_27] : memref<10240x64xf32, #tpu.memory_space<vmem_shared>> -> memref<80x64xf32, #tpu.memory_space<vmem_shared>>
    tpu.enqueue_dma source(%arg18 : memref<80x64xf32, #tpu.memory_space<vmem>>) target(%dma_start3A_28 : memref<80x64xf32, #tpu.memory_space<vmem_shared>>) target_semaphore(%arg20 : memref<!tpu.dma_semaphore, #tpu.memory_space<semaphore_mem>>)
    %add3A_29 = arith.constant 400 : i32
    %add3A_30 = arith.addi %mul3A_0, %add3A_29 : i32
    %dma_start3A_31 = arith.constant 0 : i32
    %dma_start3A_32 = tpu.memref_slice %arg11[%add3A_30, %dma_start3A_31] : memref<10240x64xf32, #tpu.memory_space<vmem_shared>> -> memref<80x64xf32, #tpu.memory_space<vmem_shared>>
    %dma_start3A_33 = arith.constant 0 : i32
    %dma_start3A_34 = tpu.memref_slice %arg11[%add3A_30, %dma_start3A_33] : memref<10240x64xf32, #tpu.memory_space<vmem_shared>> -> memref<80x64xf32, #tpu.memory_space<vmem_shared>>
    tpu.enqueue_dma source(%arg18 : memref<80x64xf32, #tpu.memory_space<vmem>>) target(%dma_start3A_34 : memref<80x64xf32, #tpu.memory_space<vmem_shared>>) target_semaphore(%arg21 : memref<!tpu.dma_semaphore, #tpu.memory_space<semaphore_mem>>)
    %add3A_35 = arith.constant 480 : i32
    %add3A_36 = arith.addi %mul3A_0, %add3A_35 : i32
    %dma_start3A_37 = arith.constant 0 : i32
    %dma_start3A_38 = tpu.memref_slice %arg11[%add3A_36, %dma_start3A_37] : memref<10240x64xf32, #tpu.memory_space<vmem_shared>> -> memref<80x64xf32, #tpu.memory_space<vmem_shared>>
    %dma_start3A_39 = arith.constant 0 : i32
    %dma_start3A_40 = tpu.memref_slice %arg11[%add3A_36, %dma_start3A_39] : memref<10240x64xf32, #tpu.memory_space<vmem_shared>> -> memref<80x64xf32, #tpu.memory_space<vmem_shared>>
    tpu.enqueue_dma source(%arg18 : memref<80x64xf32, #tpu.memory_space<vmem>>) target(%dma_start3A_40 : memref<80x64xf32, #tpu.memory_space<vmem_shared>>) target_semaphore(%arg19 : memref<!tpu.dma_semaphore, #tpu.memory_space<semaphore_mem>>)
    %add3A_41 = arith.constant 560 : i32
    %add3A_42 = arith.addi %mul3A_0, %add3A_41 : i32
    %dma_start3A_43 = arith.constant 0 : i32
    %dma_start3A_44 = tpu.memref_slice %arg11[%add3A_42, %dma_start3A_43] : memref<10240x64xf32, #tpu.memory_space<vmem_shared>> -> memref<80x64xf32, #tpu.memory_space<vmem_shared>>
    %dma_start3A_45 = arith.constant 0 : i32
    %dma_start3A_46 = tpu.memref_slice %arg11[%add3A_42, %dma_start3A_45] : memref<10240x64xf32, #tpu.memory_space<vmem_shared>> -> memref<80x64xf32, #tpu.memory_space<vmem_shared>>
    tpu.enqueue_dma source(%arg18 : memref<80x64xf32, #tpu.memory_space<vmem>>) target(%dma_start3A_46 : memref<80x64xf32, #tpu.memory_space<vmem_shared>>) target_semaphore(%arg20 : memref<!tpu.dma_semaphore, #tpu.memory_space<semaphore_mem>>)
    %dma_wait3A = arith.constant 0 : i32
    %dma_wait3A_47 = tpu.memref_slice %arg11[%mul3A_0, %dma_wait3A] : memref<10240x64xf32, #tpu.memory_space<vmem_shared>> -> memref<80x64xf32, #tpu.memory_space<vmem_shared>>
    %dma_wait3A_48 = arith.constant 0 : i32
    %dma_wait3A_49 = tpu.memref_slice %arg11[%mul3A_0, %dma_wait3A_48] : memref<10240x64xf32, #tpu.memory_space<vmem_shared>> -> memref<80x64xf32, #tpu.memory_space<vmem_shared>>
    tpu.wait_dma2 semaphore(%arg19 : memref<!tpu.dma_semaphore, #tpu.memory_space<semaphore_mem>>) src(%arg18 : memref<80x64xf32, #tpu.memory_space<vmem>>) dst(%dma_wait3A_49 : memref<80x64xf32, #tpu.memory_space<vmem_shared>>)
    %dma_wait3A_50 = arith.constant 0 : i32
    %dma_wait3A_51 = tpu.memref_slice %arg11[%mul3A_0, %dma_wait3A_50] : memref<10240x64xf32, #tpu.memory_space<vmem_shared>> -> memref<80x64xf32, #tpu.memory_space<vmem_shared>>
    %dma_wait3A_52 = arith.constant 0 : i32
    %dma_wait3A_53 = tpu.memref_slice %arg11[%mul3A_0, %dma_wait3A_52] : memref<10240x64xf32, #tpu.memory_space<vmem_shared>> -> memref<80x64xf32, #tpu.memory_space<vmem_shared>>
    tpu.wait_dma2 semaphore(%arg20 : memref<!tpu.dma_semaphore, #tpu.memory_space<semaphore_mem>>) src(%arg18 : memref<80x64xf32, #tpu.memory_space<vmem>>) dst(%dma_wait3A_53 : memref<80x64xf32, #tpu.memory_space<vmem_shared>>)
    %dma_wait3A_54 = arith.constant 0 : i32
    %dma_wait3A_55 = tpu.memref_slice %arg11[%mul3A_0, %dma_wait3A_54] : memref<10240x64xf32, #tpu.memory_space<vmem_shared>> -> memref<80x64xf32, #tpu.memory_space<vmem_shared>>
    %dma_wait3A_56 = arith.constant 0 : i32
    %dma_wait3A_57 = tpu.memref_slice %arg11[%mul3A_0, %dma_wait3A_56] : memref<10240x64xf32, #tpu.memory_space<vmem_shared>> -> memref<80x64xf32, #tpu.memory_space<vmem_shared>>
    tpu.wait_dma2 semaphore(%arg21 : memref<!tpu.dma_semaphore, #tpu.memory_space<semaphore_mem>>) src(%arg18 : memref<80x64xf32, #tpu.memory_space<vmem>>) dst(%dma_wait3A_57 : memref<80x64xf32, #tpu.memory_space<vmem_shared>>)
    %dma_wait3A_58 = arith.constant 0 : i32
    %dma_wait3A_59 = tpu.memref_slice %arg11[%mul3A_0, %dma_wait3A_58] : memref<10240x64xf32, #tpu.memory_space<vmem_shared>> -> memref<80x64xf32, #tpu.memory_space<vmem_shared>>
    %dma_wait3A_60 = arith.constant 0 : i32
    %dma_wait3A_61 = tpu.memref_slice %arg11[%mul3A_0, %dma_wait3A_60] : memref<10240x64xf32, #tpu.memory_space<vmem_shared>> -> memref<80x64xf32, #tpu.memory_space<vmem_shared>>
    tpu.wait_dma2 semaphore(%arg19 : memref<!tpu.dma_semaphore, #tpu.memory_space<semaphore_mem>>) src(%arg18 : memref<80x64xf32, #tpu.memory_space<vmem>>) dst(%dma_wait3A_61 : memref<80x64xf32, #tpu.memory_space<vmem_shared>>)
    %dma_wait3A_62 = arith.constant 0 : i32
    %dma_wait3A_63 = tpu.memref_slice %arg11[%mul3A_0, %dma_wait3A_62] : memref<10240x64xf32, #tpu.memory_space<vmem_shared>> -> memref<80x64xf32, #tpu.memory_space<vmem_shared>>
    %dma_wait3A_64 = arith.constant 0 : i32
    %dma_wait3A_65 = tpu.memref_slice %arg11[%mul3A_0, %dma_wait3A_64] : memref<10240x64xf32, #tpu.memory_space<vmem_shared>> -> memref<80x64xf32, #tpu.memory_space<vmem_shared>>
    tpu.wait_dma2 semaphore(%arg20 : memref<!tpu.dma_semaphore, #tpu.memory_space<semaphore_mem>>) src(%arg18 : memref<80x64xf32, #tpu.memory_space<vmem>>) dst(%dma_wait3A_65 : memref<80x64xf32, #tpu.memory_space<vmem_shared>>)
    %dma_wait3A_66 = arith.constant 0 : i32
    %dma_wait3A_67 = tpu.memref_slice %arg11[%mul3A_0, %dma_wait3A_66] : memref<10240x64xf32, #tpu.memory_space<vmem_shared>> -> memref<80x64xf32, #tpu.memory_space<vmem_shared>>
    %dma_wait3A_68 = arith.constant 0 : i32
    %dma_wait3A_69 = tpu.memref_slice %arg11[%mul3A_0, %dma_wait3A_68] : memref<10240x64xf32, #tpu.memory_space<vmem_shared>> -> memref<80x64xf32, #tpu.memory_space<vmem_shared>>
    tpu.wait_dma2 semaphore(%arg21 : memref<!tpu.dma_semaphore, #tpu.memory_space<semaphore_mem>>) src(%arg18 : memref<80x64xf32, #tpu.memory_space<vmem>>) dst(%dma_wait3A_69 : memref<80x64xf32, #tpu.memory_space<vmem_shared>>)
    %dma_wait3A_70 = arith.constant 0 : i32
    %dma_wait3A_71 = tpu.memref_slice %arg11[%mul3A_0, %dma_wait3A_70] : memref<10240x64xf32, #tpu.memory_space<vmem_shared>> -> memref<80x64xf32, #tpu.memory_space<vmem_shared>>
    %dma_wait3A_72 = arith.constant 0 : i32
    %dma_wait3A_73 = tpu.memref_slice %arg11[%mul3A_0, %dma_wait3A_72] : memref<10240x64xf32, #tpu.memory_space<vmem_shared>> -> memref<80x64xf32, #tpu.memory_space<vmem_shared>>
    tpu.wait_dma2 semaphore(%arg19 : memref<!tpu.dma_semaphore, #tpu.memory_space<semaphore_mem>>) src(%arg18 : memref<80x64xf32, #tpu.memory_space<vmem>>) dst(%dma_wait3A_73 : memref<80x64xf32, #tpu.memory_space<vmem_shared>>)
    %dma_wait3A_74 = arith.constant 0 : i32
    %dma_wait3A_75 = tpu.memref_slice %arg11[%mul3A_0, %dma_wait3A_74] : memref<10240x64xf32, #tpu.memory_space<vmem_shared>> -> memref<80x64xf32, #tpu.memory_space<vmem_shared>>
    %dma_wait3A_76 = arith.constant 0 : i32
    %dma_wait3A_77 = tpu.memref_slice %arg11[%mul3A_0, %dma_wait3A_76] : memref<10240x64xf32, #tpu.memory_space<vmem_shared>> -> memref<80x64xf32, #tpu.memory_space<vmem_shared>>
    tpu.wait_dma2 semaphore(%arg20 : memref<!tpu.dma_semaphore, #tpu.memory_space<semaphore_mem>>) src(%arg18 : memref<80x64xf32, #tpu.memory_space<vmem>>) dst(%dma_wait3A_77 : memref<80x64xf32, #tpu.memory_space<vmem_shared>>)
    %add3A_78 = arith.constant 0 : i32
    %add3A_79 = arith.addi %mul3A_0, %add3A_78 : i32
    %dma_start3A_80 = arith.constant 0 : i32
    %dma_start3A_81 = tpu.memref_slice %arg12[%add3A_79, %dma_start3A_80] : memref<10240x8xf32, #tpu.memory_space<vmem_shared>> -> memref<80x8xf32, #tpu.memory_space<vmem_shared>>
    %dma_start3A_82 = arith.constant 0 : i32
    %dma_start3A_83 = tpu.memref_slice %arg12[%add3A_79, %dma_start3A_82] : memref<10240x8xf32, #tpu.memory_space<vmem_shared>> -> memref<80x8xf32, #tpu.memory_space<vmem_shared>>
    tpu.enqueue_dma source(%arg25 : memref<80x8xf32, #tpu.memory_space<vmem>>) target(%dma_start3A_83 : memref<80x8xf32, #tpu.memory_space<vmem_shared>>) target_semaphore(%arg19 : memref<!tpu.dma_semaphore, #tpu.memory_space<semaphore_mem>>)
    %add3A_84 = arith.constant 80 : i32
    %add3A_85 = arith.addi %mul3A_0, %add3A_84 : i32
    %dma_start3A_86 = arith.constant 0 : i32
    %dma_start3A_87 = tpu.memref_slice %arg12[%add3A_85, %dma_start3A_86] : memref<10240x8xf32, #tpu.memory_space<vmem_shared>> -> memref<80x8xf32, #tpu.memory_space<vmem_shared>>
    %dma_start3A_88 = arith.constant 0 : i32
    %dma_start3A_89 = tpu.memref_slice %arg12[%add3A_85, %dma_start3A_88] : memref<10240x8xf32, #tpu.memory_space<vmem_shared>> -> memref<80x8xf32, #tpu.memory_space<vmem_shared>>
    tpu.enqueue_dma source(%arg25 : memref<80x8xf32, #tpu.memory_space<vmem>>) target(%dma_start3A_89 : memref<80x8xf32, #tpu.memory_space<vmem_shared>>) target_semaphore(%arg20 : memref<!tpu.dma_semaphore, #tpu.memory_space<semaphore_mem>>)
    %add3A_90 = arith.constant 160 : i32
    %add3A_91 = arith.addi %mul3A_0, %add3A_90 : i32
    %dma_start3A_92 = arith.constant 0 : i32
    %dma_start3A_93 = tpu.memref_slice %arg12[%add3A_91, %dma_start3A_92] : memref<10240x8xf32, #tpu.memory_space<vmem_shared>> -> memref<80x8xf32, #tpu.memory_space<vmem_shared>>
    %dma_start3A_94 = arith.constant 0 : i32
    %dma_start3A_95 = tpu.memref_slice %arg12[%add3A_91, %dma_start3A_94] : memref<10240x8xf32, #tpu.memory_space<vmem_shared>> -> memref<80x8xf32, #tpu.memory_space<vmem_shared>>
    tpu.enqueue_dma source(%arg25 : memref<80x8xf32, #tpu.memory_space<vmem>>) target(%dma_start3A_95 : memref<80x8xf32, #tpu.memory_space<vmem_shared>>) target_semaphore(%arg21 : memref<!tpu.dma_semaphore, #tpu.memory_space<semaphore_mem>>)
    %add3A_96 = arith.constant 240 : i32
    %add3A_97 = arith.addi %mul3A_0, %add3A_96 : i32
    %dma_start3A_98 = arith.constant 0 : i32
    %dma_start3A_99 = tpu.memref_slice %arg12[%add3A_97, %dma_start3A_98] : memref<10240x8xf32, #tpu.memory_space<vmem_shared>> -> memref<80x8xf32, #tpu.memory_space<vmem_shared>>
    %dma_start3A_100 = arith.constant 0 : i32
    %dma_start3A_101 = tpu.memref_slice %arg12[%add3A_97, %dma_start3A_100] : memref<10240x8xf32, #tpu.memory_space<vmem_shared>> -> memref<80x8xf32, #tpu.memory_space<vmem_shared>>
    tpu.enqueue_dma source(%arg25 : memref<80x8xf32, #tpu.memory_space<vmem>>) target(%dma_start3A_101 : memref<80x8xf32, #tpu.memory_space<vmem_shared>>) target_semaphore(%arg19 : memref<!tpu.dma_semaphore, #tpu.memory_space<semaphore_mem>>)
    %add3A_102 = arith.constant 320 : i32
    %add3A_103 = arith.addi %mul3A_0, %add3A_102 : i32
    %dma_start3A_104 = arith.constant 0 : i32
    %dma_start3A_105 = tpu.memref_slice %arg12[%add3A_103, %dma_start3A_104] : memref<10240x8xf32, #tpu.memory_space<vmem_shared>> -> memref<80x8xf32, #tpu.memory_space<vmem_shared>>
    %dma_start3A_106 = arith.constant 0 : i32
    %dma_start3A_107 = tpu.memref_slice %arg12[%add3A_103, %dma_start3A_106] : memref<10240x8xf32, #tpu.memory_space<vmem_shared>> -> memref<80x8xf32, #tpu.memory_space<vmem_shared>>
    tpu.enqueue_dma source(%arg25 : memref<80x8xf32, #tpu.memory_space<vmem>>) target(%dma_start3A_107 : memref<80x8xf32, #tpu.memory_space<vmem_shared>>) target_semaphore(%arg20 : memref<!tpu.dma_semaphore, #tpu.memory_space<semaphore_mem>>)
    %add3A_108 = arith.constant 400 : i32
    %add3A_109 = arith.addi %mul3A_0, %add3A_108 : i32
    %dma_start3A_110 = arith.constant 0 : i32
    %dma_start3A_111 = tpu.memref_slice %arg12[%add3A_109, %dma_start3A_110] : memref<10240x8xf32, #tpu.memory_space<vmem_shared>> -> memref<80x8xf32, #tpu.memory_space<vmem_shared>>
    %dma_start3A_112 = arith.constant 0 : i32
    %dma_start3A_113 = tpu.memref_slice %arg12[%add3A_109, %dma_start3A_112] : memref<10240x8xf32, #tpu.memory_space<vmem_shared>> -> memref<80x8xf32, #tpu.memory_space<vmem_shared>>
    tpu.enqueue_dma source(%arg25 : memref<80x8xf32, #tpu.memory_space<vmem>>) target(%dma_start3A_113 : memref<80x8xf32, #tpu.memory_space<vmem_shared>>) target_semaphore(%arg21 : memref<!tpu.dma_semaphore, #tpu.memory_space<semaphore_mem>>)
    %add3A_114 = arith.constant 480 : i32
    %add3A_115 = arith.addi %mul3A_0, %add3A_114 : i32
    %dma_start3A_116 = arith.constant 0 : i32
    %dma_start3A_117 = tpu.memref_slice %arg12[%add3A_115, %dma_start3A_116] : memref<10240x8xf32, #tpu.memory_space<vmem_shared>> -> memref<80x8xf32, #tpu.memory_space<vmem_shared>>
    %dma_start3A_118 = arith.constant 0 : i32
    %dma_start3A_119 = tpu.memref_slice %arg12[%add3A_115, %dma_start3A_118] : memref<10240x8xf32, #tpu.memory_space<vmem_shared>> -> memref<80x8xf32, #tpu.memory_space<vmem_shared>>
    tpu.enqueue_dma source(%arg25 : memref<80x8xf32, #tpu.memory_space<vmem>>) target(%dma_start3A_119 : memref<80x8xf32, #tpu.memory_space<vmem_shared>>) target_semaphore(%arg19 : memref<!tpu.dma_semaphore, #tpu.memory_space<semaphore_mem>>)
    %add3A_120 = arith.constant 560 : i32
    %add3A_121 = arith.addi %mul3A_0, %add3A_120 : i32
    %dma_start3A_122 = arith.constant 0 : i32
    %dma_start3A_123 = tpu.memref_slice %arg12[%add3A_121, %dma_start3A_122] : memref<10240x8xf32, #tpu.memory_space<vmem_shared>> -> memref<80x8xf32, #tpu.memory_space<vmem_shared>>
    %dma_start3A_124 = arith.constant 0 : i32
    %dma_start3A_125 = tpu.memref_slice %arg12[%add3A_121, %dma_start3A_124] : memref<10240x8xf32, #tpu.memory_space<vmem_shared>> -> memref<80x8xf32, #tpu.memory_space<vmem_shared>>
    tpu.enqueue_dma source(%arg25 : memref<80x8xf32, #tpu.memory_space<vmem>>) target(%dma_start3A_125 : memref<80x8xf32, #tpu.memory_space<vmem_shared>>) target_semaphore(%arg20 : memref<!tpu.dma_semaphore, #tpu.memory_space<semaphore_mem>>)
    %dma_wait3A_126 = arith.constant 0 : i32
    %dma_wait3A_127 = tpu.memref_slice %arg12[%mul3A_0, %dma_wait3A_126] : memref<10240x8xf32, #tpu.memory_space<vmem_shared>> -> memref<80x8xf32, #tpu.memory_space<vmem_shared>>
    %dma_wait3A_128 = arith.constant 0 : i32
    %dma_wait3A_129 = tpu.memref_slice %arg12[%mul3A_0, %dma_wait3A_128] : memref<10240x8xf32, #tpu.memory_space<vmem_shared>> -> memref<80x8xf32, #tpu.memory_space<vmem_shared>>
    tpu.wait_dma2 semaphore(%arg19 : memref<!tpu.dma_semaphore, #tpu.memory_space<semaphore_mem>>) src(%arg25 : memref<80x8xf32, #tpu.memory_space<vmem>>) dst(%dma_wait3A_129 : memref<80x8xf32, #tpu.memory_space<vmem_shared>>)
    %dma_wait3A_130 = arith.constant 0 : i32
    %dma_wait3A_131 = tpu.memref_slice %arg12[%mul3A_0, %dma_wait3A_130] : memref<10240x8xf32, #tpu.memory_space<vmem_shared>> -> memref<80x8xf32, #tpu.memory_space<vmem_shared>>
    %dma_wait3A_132 = arith.constant 0 : i32
    %dma_wait3A_133 = tpu.memref_slice %arg12[%mul3A_0, %dma_wait3A_132] : memref<10240x8xf32, #tpu.memory_space<vmem_shared>> -> memref<80x8xf32, #tpu.memory_space<vmem_shared>>
    tpu.wait_dma2 semaphore(%arg20 : memref<!tpu.dma_semaphore, #tpu.memory_space<semaphore_mem>>) src(%arg25 : memref<80x8xf32, #tpu.memory_space<vmem>>) dst(%dma_wait3A_133 : memref<80x8xf32, #tpu.memory_space<vmem_shared>>)
    %dma_wait3A_134 = arith.constant 0 : i32
    %dma_wait3A_135 = tpu.memref_slice %arg12[%mul3A_0, %dma_wait3A_134] : memref<10240x8xf32, #tpu.memory_space<vmem_shared>> -> memref<80x8xf32, #tpu.memory_space<vmem_shared>>
    %dma_wait3A_136 = arith.constant 0 : i32
    %dma_wait3A_137 = tpu.memref_slice %arg12[%mul3A_0, %dma_wait3A_136] : memref<10240x8xf32, #tpu.memory_space<vmem_shared>> -> memref<80x8xf32, #tpu.memory_space<vmem_shared>>
    tpu.wait_dma2 semaphore(%arg21 : memref<!tpu.dma_semaphore, #tpu.memory_space<semaphore_mem>>) src(%arg25 : memref<80x8xf32, #tpu.memory_space<vmem>>) dst(%dma_wait3A_137 : memref<80x8xf32, #tpu.memory_space<vmem_shared>>)
    %dma_wait3A_138 = arith.constant 0 : i32
    %dma_wait3A_139 = tpu.memref_slice %arg12[%mul3A_0, %dma_wait3A_138] : memref<10240x8xf32, #tpu.memory_space<vmem_shared>> -> memref<80x8xf32, #tpu.memory_space<vmem_shared>>
    %dma_wait3A_140 = arith.constant 0 : i32
    %dma_wait3A_141 = tpu.memref_slice %arg12[%mul3A_0, %dma_wait3A_140] : memref<10240x8xf32, #tpu.memory_space<vmem_shared>> -> memref<80x8xf32, #tpu.memory_space<vmem_shared>>
    tpu.wait_dma2 semaphore(%arg19 : memref<!tpu.dma_semaphore, #tpu.memory_space<semaphore_mem>>) src(%arg25 : memref<80x8xf32, #tpu.memory_space<vmem>>) dst(%dma_wait3A_141 : memref<80x8xf32, #tpu.memory_space<vmem_shared>>)
    %dma_wait3A_142 = arith.constant 0 : i32
    %dma_wait3A_143 = tpu.memref_slice %arg12[%mul3A_0, %dma_wait3A_142] : memref<10240x8xf32, #tpu.memory_space<vmem_shared>> -> memref<80x8xf32, #tpu.memory_space<vmem_shared>>
    %dma_wait3A_144 = arith.constant 0 : i32
    %dma_wait3A_145 = tpu.memref_slice %arg12[%mul3A_0, %dma_wait3A_144] : memref<10240x8xf32, #tpu.memory_space<vmem_shared>> -> memref<80x8xf32, #tpu.memory_space<vmem_shared>>
    tpu.wait_dma2 semaphore(%arg20 : memref<!tpu.dma_semaphore, #tpu.memory_space<semaphore_mem>>) src(%arg25 : memref<80x8xf32, #tpu.memory_space<vmem>>) dst(%dma_wait3A_145 : memref<80x8xf32, #tpu.memory_space<vmem_shared>>)
    %dma_wait3A_146 = arith.constant 0 : i32
    %dma_wait3A_147 = tpu.memref_slice %arg12[%mul3A_0, %dma_wait3A_146] : memref<10240x8xf32, #tpu.memory_space<vmem_shared>> -> memref<80x8xf32, #tpu.memory_space<vmem_shared>>
    %dma_wait3A_148 = arith.constant 0 : i32
    %dma_wait3A_149 = tpu.memref_slice %arg12[%mul3A_0, %dma_wait3A_148] : memref<10240x8xf32, #tpu.memory_space<vmem_shared>> -> memref<80x8xf32, #tpu.memory_space<vmem_shared>>
    tpu.wait_dma2 semaphore(%arg21 : memref<!tpu.dma_semaphore, #tpu.memory_space<semaphore_mem>>) src(%arg25 : memref<80x8xf32, #tpu.memory_space<vmem>>) dst(%dma_wait3A_149 : memref<80x8xf32, #tpu.memory_space<vmem_shared>>)
    %dma_wait3A_150 = arith.constant 0 : i32
    %dma_wait3A_151 = tpu.memref_slice %arg12[%mul3A_0, %dma_wait3A_150] : memref<10240x8xf32, #tpu.memory_space<vmem_shared>> -> memref<80x8xf32, #tpu.memory_space<vmem_shared>>
    %dma_wait3A_152 = arith.constant 0 : i32
    %dma_wait3A_153 = tpu.memref_slice %arg12[%mul3A_0, %dma_wait3A_152] : memref<10240x8xf32, #tpu.memory_space<vmem_shared>> -> memref<80x8xf32, #tpu.memory_space<vmem_shared>>
    tpu.wait_dma2 semaphore(%arg19 : memref<!tpu.dma_semaphore, #tpu.memory_space<semaphore_mem>>) src(%arg25 : memref<80x8xf32, #tpu.memory_space<vmem>>) dst(%dma_wait3A_153 : memref<80x8xf32, #tpu.memory_space<vmem_shared>>)
    %dma_wait3A_154 = arith.constant 0 : i32
    %dma_wait3A_155 = tpu.memref_slice %arg12[%mul3A_0, %dma_wait3A_154] : memref<10240x8xf32, #tpu.memory_space<vmem_shared>> -> memref<80x8xf32, #tpu.memory_space<vmem_shared>>
    %dma_wait3A_156 = arith.constant 0 : i32
    %dma_wait3A_157 = tpu.memref_slice %arg12[%mul3A_0, %dma_wait3A_156] : memref<10240x8xf32, #tpu.memory_space<vmem_shared>> -> memref<80x8xf32, #tpu.memory_space<vmem_shared>>
    tpu.wait_dma2 semaphore(%arg20 : memref<!tpu.dma_semaphore, #tpu.memory_space<semaphore_mem>>) src(%arg25 : memref<80x8xf32, #tpu.memory_space<vmem>>) dst(%dma_wait3A_157 : memref<80x8xf32, #tpu.memory_space<vmem_shared>>)
    %barrier3A = arith.constant 0 : index
    tpu.barrier barrier_id(%barrier3A)
    %eq3A = arith.constant 0 : i32
    %eq3A_158 = arith.cmpi eq, %arg0, %eq3A : i32
    %convert_element_type3A = arith.extui %eq3A_158 : i1 to i32
    %cond3A = arith.constant 0 : i32
    %cond3A_159 = arith.cmpi ne, %convert_element_type3A, %cond3A : i32
    scf.if %cond3A_159 {
      "tpu.region"() ({
        %run_scoped3A = tpu.sem_alloc : memref<!tpu.dma_semaphore, #tpu.memory_space<semaphore_mem>>
        %dma_start3A_580 = arith.constant 0 : i32
        %dma_start3A_581 = arith.constant 0 : i32
        %dma_start3A_582 = tpu.memref_slice %arg4[%arg1, %dma_start3A_580, %dma_start3A_581] : memref<16x159x128xi32, #tpu.memory_space<hbm>> -> memref<1x159x128xi32, #tpu.memory_space<hbm>>
        %dma_start3A_583 = tpu.memref_squeeze %dma_start3A_582 : memref<1x159x128xi32, #tpu.memory_space<hbm>> -> memref<159x128xi32, #tpu.memory_space<hbm>>
        %dma_start3A_584 = arith.constant 0 : i32
        %dma_start3A_585 = arith.constant 0 : i32
        %dma_start3A_586 = tpu.memref_slice %arg4[%arg1, %dma_start3A_584, %dma_start3A_585] : memref<16x159x128xi32, #tpu.memory_space<hbm>> -> memref<1x159x128xi32, #tpu.memory_space<hbm>>
        %dma_start3A_587 = tpu.memref_squeeze %dma_start3A_586 : memref<1x159x128xi32, #tpu.memory_space<hbm>> -> memref<159x128xi32, #tpu.memory_space<hbm>>
        tpu.enqueue_dma source(%dma_start3A_587 : memref<159x128xi32, #tpu.memory_space<hbm>>) target(%arg13 : memref<159x128xi32, #tpu.memory_space<vmem>>) target_semaphore(%run_scoped3A : memref<!tpu.dma_semaphore, #tpu.memory_space<semaphore_mem>>)
        %dma_wait3A_588 = arith.constant 0 : i32
        %dma_wait3A_589 = arith.constant 0 : i32
        %dma_wait3A_590 = tpu.memref_slice %arg4[%arg1, %dma_wait3A_588, %dma_wait3A_589] : memref<16x159x128xi32, #tpu.memory_space<hbm>> -> memref<1x159x128xi32, #tpu.memory_space<hbm>>
        %dma_wait3A_591 = tpu.memref_squeeze %dma_wait3A_590 : memref<1x159x128xi32, #tpu.memory_space<hbm>> -> memref<159x128xi32, #tpu.memory_space<hbm>>
        %dma_wait3A_592 = arith.constant 0 : i32
        %dma_wait3A_593 = arith.constant 0 : i32
        %dma_wait3A_594 = tpu.memref_slice %arg4[%arg1, %dma_wait3A_592, %dma_wait3A_593] : memref<16x159x128xi32, #tpu.memory_space<hbm>> -> memref<1x159x128xi32, #tpu.memory_space<hbm>>
        %dma_wait3A_595 = tpu.memref_squeeze %dma_wait3A_594 : memref<1x159x128xi32, #tpu.memory_space<hbm>> -> memref<159x128xi32, #tpu.memory_space<hbm>>
        tpu.wait_dma2 semaphore(%run_scoped3A : memref<!tpu.dma_semaphore, #tpu.memory_space<semaphore_mem>>) src(%dma_wait3A_595 : memref<159x128xi32, #tpu.memory_space<hbm>>) dst(%arg13 : memref<159x128xi32, #tpu.memory_space<vmem>>)
        tpu.yield
      }) : () -> ()
      "tpu.region"() ({
        %run_scoped3A = tpu.sem_alloc : memref<!tpu.dma_semaphore, #tpu.memory_space<semaphore_mem>>
        %dma_start3A_580 = arith.constant 0 : i32
        %dma_start3A_581 = arith.constant 0 : i32
        %dma_start3A_582 = tpu.memref_slice %arg5[%arg1, %dma_start3A_580, %dma_start3A_581] : memref<16x159x128xi32, #tpu.memory_space<hbm>> -> memref<1x159x128xi32, #tpu.memory_space<hbm>>
        %dma_start3A_583 = tpu.memref_squeeze %dma_start3A_582 : memref<1x159x128xi32, #tpu.memory_space<hbm>> -> memref<159x128xi32, #tpu.memory_space<hbm>>
        %dma_start3A_584 = arith.constant 0 : i32
        %dma_start3A_585 = arith.constant 0 : i32
        %dma_start3A_586 = tpu.memref_slice %arg5[%arg1, %dma_start3A_584, %dma_start3A_585] : memref<16x159x128xi32, #tpu.memory_space<hbm>> -> memref<1x159x128xi32, #tpu.memory_space<hbm>>
        %dma_start3A_587 = tpu.memref_squeeze %dma_start3A_586 : memref<1x159x128xi32, #tpu.memory_space<hbm>> -> memref<159x128xi32, #tpu.memory_space<hbm>>
        tpu.enqueue_dma source(%dma_start3A_587 : memref<159x128xi32, #tpu.memory_space<hbm>>) target(%arg14 : memref<159x128xi32, #tpu.memory_space<vmem>>) target_semaphore(%run_scoped3A : memref<!tpu.dma_semaphore, #tpu.memory_space<semaphore_mem>>)
        %dma_wait3A_588 = arith.constant 0 : i32
        %dma_wait3A_589 = arith.constant 0 : i32
        %dma_wait3A_590 = tpu.memref_slice %arg5[%arg1, %dma_wait3A_588, %dma_wait3A_589] : memref<16x159x128xi32, #tpu.memory_space<hbm>> -> memref<1x159x128xi32, #tpu.memory_space<hbm>>
        %dma_wait3A_591 = tpu.memref_squeeze %dma_wait3A_590 : memref<1x159x128xi32, #tpu.memory_space<hbm>> -> memref<159x128xi32, #tpu.memory_space<hbm>>
        %dma_wait3A_592 = arith.constant 0 : i32
        %dma_wait3A_593 = arith.constant 0 : i32
        %dma_wait3A_594 = tpu.memref_slice %arg5[%arg1, %dma_wait3A_592, %dma_wait3A_593] : memref<16x159x128xi32, #tpu.memory_space<hbm>> -> memref<1x159x128xi32, #tpu.memory_space<hbm>>
        %dma_wait3A_595 = tpu.memref_squeeze %dma_wait3A_594 : memref<1x159x128xi32, #tpu.memory_space<hbm>> -> memref<159x128xi32, #tpu.memory_space<hbm>>
        tpu.wait_dma2 semaphore(%run_scoped3A : memref<!tpu.dma_semaphore, #tpu.memory_space<semaphore_mem>>) src(%dma_wait3A_595 : memref<159x128xi32, #tpu.memory_space<hbm>>) dst(%arg14 : memref<159x128xi32, #tpu.memory_space<vmem>>)
        tpu.yield
      }) : () -> ()
      %dma_start3A_553 = arith.constant 0 : i32
      %dma_start3A_554 = arith.constant 0 : i32
      %dma_start3A_555 = tpu.memref_slice %arg13[%dma_start3A_553, %dma_start3A_554] : memref<159x128xi32, #tpu.memory_space<vmem>> -> memref<1x128xi32, #tpu.memory_space<vmem>>
      %dma_start3A_556 = tpu.memref_squeeze %dma_start3A_555 : memref<1x128xi32, #tpu.memory_space<vmem>> -> memref<128xi32, #tpu.memory_space<vmem>>
      %dma_start3A_557 = arith.constant 0 : i32
      %dma_start3A_558 = arith.constant 0 : i32
      %dma_start3A_559 = tpu.memref_slice %arg2[%dma_start3A_557, %dma_start3A_558] : memref<10000x64xf32, #tpu.memory_space<hbm>> -> memref<10000x64xf32, #tpu.memory_space<hbm>>
      tpu.enqueue_indirect_dma source(%dma_start3A_559 : memref<10000x64xf32, #tpu.memory_space<hbm>>) target(%arg15 : memref<128x64xf32, #tpu.memory_space<vmem>>) offsets(%dma_start3A_556 : memref<128xi32, #tpu.memory_space<vmem>>) semaphore(%arg19 : memref<!tpu.dma_semaphore, #tpu.memory_space<semaphore_mem>>)
      %dma_start3A_560 = arith.constant 1 : i32
      %dma_start3A_561 = arith.constant 0 : i32
      %dma_start3A_562 = tpu.memref_slice %arg13[%dma_start3A_560, %dma_start3A_561] : memref<159x128xi32, #tpu.memory_space<vmem>> -> memref<1x128xi32, #tpu.memory_space<vmem>>
      %dma_start3A_563 = tpu.memref_squeeze %dma_start3A_562 : memref<1x128xi32, #tpu.memory_space<vmem>> -> memref<128xi32, #tpu.memory_space<vmem>>
      %dma_start3A_564 = arith.constant 0 : i32
      %dma_start3A_565 = arith.constant 0 : i32
      %dma_start3A_566 = tpu.memref_slice %arg2[%dma_start3A_564, %dma_start3A_565] : memref<10000x64xf32, #tpu.memory_space<hbm>> -> memref<10000x64xf32, #tpu.memory_space<hbm>>
      tpu.enqueue_indirect_dma source(%dma_start3A_566 : memref<10000x64xf32, #tpu.memory_space<hbm>>) target(%arg16 : memref<128x64xf32, #tpu.memory_space<vmem>>) offsets(%dma_start3A_563 : memref<128xi32, #tpu.memory_space<vmem>>) semaphore(%arg20 : memref<!tpu.dma_semaphore, #tpu.memory_space<semaphore_mem>>)
      %dma_start3A_567 = arith.constant 2 : i32
      %dma_start3A_568 = arith.constant 0 : i32
      %dma_start3A_569 = tpu.memref_slice %arg13[%dma_start3A_567, %dma_start3A_568] : memref<159x128xi32, #tpu.memory_space<vmem>> -> memref<1x128xi32, #tpu.memory_space<vmem>>
      %dma_start3A_570 = tpu.memref_squeeze %dma_start3A_569 : memref<1x128xi32, #tpu.memory_space<vmem>> -> memref<128xi32, #tpu.memory_space<vmem>>
      %dma_start3A_571 = arith.constant 0 : i32
      %dma_start3A_572 = arith.constant 0 : i32
      %dma_start3A_573 = tpu.memref_slice %arg2[%dma_start3A_571, %dma_start3A_572] : memref<10000x64xf32, #tpu.memory_space<hbm>> -> memref<10000x64xf32, #tpu.memory_space<hbm>>
      tpu.enqueue_indirect_dma source(%dma_start3A_573 : memref<10000x64xf32, #tpu.memory_space<hbm>>) target(%arg17 : memref<128x64xf32, #tpu.memory_space<vmem>>) offsets(%dma_start3A_570 : memref<128xi32, #tpu.memory_space<vmem>>) semaphore(%arg21 : memref<!tpu.dma_semaphore, #tpu.memory_space<semaphore_mem>>)
      %scan3A_574 = arith.constant 0 : i32
      %scan3A_575 = arith.constant 0 : i32
      %scan3A_576 = arith.constant 53 : i32
      %scan3A_577 = arith.addi %scan3A_575, %scan3A_576 : i32
      %scan3A_578 = arith.constant 1 : i32
      scf.for %scan3A_580 = %scan3A_575 to %scan3A_577 step %scan3A_578  : i32 {
        %mul3A_581 = arith.constant 3 : i32
        %mul3A_582 = arith.muli %mul3A_581, %scan3A_580 : i32
        %dma_wait3A_583 = arith.constant 0 : i32
        %dma_wait3A_584 = arith.constant 0 : i32
        %dma_wait3A_585 = tpu.memref_slice %arg13[%dma_wait3A_583, %dma_wait3A_584] : memref<159x128xi32, #tpu.memory_space<vmem>> -> memref<1x128xi32, #tpu.memory_space<vmem>>
        %dma_wait3A_586 = tpu.memref_squeeze %dma_wait3A_585 : memref<1x128xi32, #tpu.memory_space<vmem>> -> memref<128xi32, #tpu.memory_space<vmem>>
        %dma_wait3A_587 = arith.constant 0 : i32
        %dma_wait3A_588 = arith.constant 0 : i32
        %dma_wait3A_589 = tpu.memref_slice %arg2[%dma_wait3A_587, %dma_wait3A_588] : memref<10000x64xf32, #tpu.memory_space<hbm>> -> memref<10000x64xf32, #tpu.memory_space<hbm>>
        tpu.wait_indirect_dma semaphore(%arg19 : memref<!tpu.dma_semaphore, #tpu.memory_space<semaphore_mem>>) src(%dma_wait3A_589 : memref<10000x64xf32, #tpu.memory_space<hbm>>) dst(%arg15 : memref<128x64xf32, #tpu.memory_space<vmem>>)
        %add3A_590 = arith.constant 0 : i32
        %add3A_591 = arith.addi %mul3A_582, %add3A_590 : i32
        "tpu.region"() ({
          %run_scoped3A = tpu.sem_alloc : memref<!tpu.dma_semaphore, #tpu.memory_space<semaphore_mem>>
          %dma_start3A_670 = arith.constant 0 : i32
          %dma_start3A_671 = tpu.memref_slice %arg14[%add3A_591, %dma_start3A_670] : memref<159x128xi32, #tpu.memory_space<vmem>> -> memref<1x128xi32, #tpu.memory_space<vmem>>
          %dma_start3A_672 = tpu.memref_squeeze %dma_start3A_671 : memref<1x128xi32, #tpu.memory_space<vmem>> -> memref<128xi32, #tpu.memory_space<vmem>>
          %dma_start3A_673 = arith.constant 0 : i32
          %dma_start3A_674 = arith.constant 0 : i32
          %dma_start3A_675 = tpu.memref_slice %arg11[%dma_start3A_673, %dma_start3A_674] : memref<10240x64xf32, #tpu.memory_space<vmem_shared>> -> memref<10240x64xf32, #tpu.memory_space<vmem_shared>>
          tpu.enqueue_indirect_dma source(%arg15 : memref<128x64xf32, #tpu.memory_space<vmem>>) target(%dma_start3A_675 : memref<10240x64xf32, #tpu.memory_space<vmem_shared>>) offsets(%dma_start3A_672 : memref<128xi32, #tpu.memory_space<vmem>>) semaphore(%run_scoped3A : memref<!tpu.dma_semaphore, #tpu.memory_space<semaphore_mem>>) {add = true}
          %dma_wait3A_676 = arith.constant 0 : i32
          %dma_wait3A_677 = tpu.memref_slice %arg14[%add3A_591, %dma_wait3A_676] : memref<159x128xi32, #tpu.memory_space<vmem>> -> memref<1x128xi32, #tpu.memory_space<vmem>>
          %dma_wait3A_678 = tpu.memref_squeeze %dma_wait3A_677 : memref<1x128xi32, #tpu.memory_space<vmem>> -> memref<128xi32, #tpu.memory_space<vmem>>
          %dma_wait3A_679 = arith.constant 0 : i32
          %dma_wait3A_680 = arith.constant 0 : i32
          %dma_wait3A_681 = tpu.memref_slice %arg11[%dma_wait3A_679, %dma_wait3A_680] : memref<10240x64xf32, #tpu.memory_space<vmem_shared>> -> memref<10240x64xf32, #tpu.memory_space<vmem_shared>>
          tpu.wait_indirect_dma semaphore(%run_scoped3A : memref<!tpu.dma_semaphore, #tpu.memory_space<semaphore_mem>>) src(%arg15 : memref<128x64xf32, #tpu.memory_space<vmem>>) dst(%dma_wait3A_681 : memref<10240x64xf32, #tpu.memory_space<vmem_shared>>)
          tpu.yield
        }) : () -> ()
        %add3A_592 = arith.constant 0 : i32
        %add3A_593 = arith.addi %mul3A_582, %add3A_592 : i32
        %ge3A = arith.constant 0 : i32
        %ge3A_594 = arith.cmpi sge, %add3A_593, %ge3A : i32
        %add3A_595 = arith.constant 0 : i32
        %add3A_596 = arith.addi %mul3A_582, %add3A_595 : i32
        %lt3A = arith.constant 80 : i32
        %lt3A_597 = arith.cmpi slt, %add3A_596, %lt3A : i32
        %and3A = arith.andi %ge3A_594, %lt3A_597 : i1
        %convert_element_type3A_598 = arith.extui %and3A : i1 to i32
        %cond3A_599 = arith.constant 0 : i32
        %cond3A_600 = arith.cmpi ne, %convert_element_type3A_598, %cond3A_599 : i32
        scf.if %cond3A_600 {
          %add3A_670 = arith.constant 0 : i32
          %add3A_671 = arith.addi %mul3A_582, %add3A_670 : i32
          "tpu.region"() ({
            %run_scoped3A = tpu.sem_alloc : memref<!tpu.dma_semaphore, #tpu.memory_space<semaphore_mem>>
            %dma_start3A_672 = arith.constant 0 : i32
            %dma_start3A_673 = tpu.memref_slice %arg14[%add3A_671, %dma_start3A_672] : memref<159x128xi32, #tpu.memory_space<vmem>> -> memref<1x128xi32, #tpu.memory_space<vmem>>
            %dma_start3A_674 = tpu.memref_squeeze %dma_start3A_673 : memref<1x128xi32, #tpu.memory_space<vmem>> -> memref<128xi32, #tpu.memory_space<vmem>>
            %dma_start3A_675 = arith.constant 0 : i32
            %dma_start3A_676 = arith.constant 0 : i32
            %dma_start3A_677 = tpu.memref_slice %arg12[%dma_start3A_675, %dma_start3A_676] : memref<10240x8xf32, #tpu.memory_space<vmem_shared>> -> memref<10240x8xf32, #tpu.memory_space<vmem_shared>>
            tpu.enqueue_indirect_dma source(%arg24 : memref<128x8xf32, #tpu.memory_space<vmem>>) target(%dma_start3A_677 : memref<10240x8xf32, #tpu.memory_space<vmem_shared>>) offsets(%dma_start3A_674 : memref<128xi32, #tpu.memory_space<vmem>>) semaphore(%run_scoped3A : memref<!tpu.dma_semaphore, #tpu.memory_space<semaphore_mem>>) {add = true}
            %dma_wait3A_678 = arith.constant 0 : i32
            %dma_wait3A_679 = tpu.memref_slice %arg14[%add3A_671, %dma_wait3A_678] : memref<159x128xi32, #tpu.memory_space<vmem>> -> memref<1x128xi32, #tpu.memory_space<vmem>>
            %dma_wait3A_680 = tpu.memref_squeeze %dma_wait3A_679 : memref<1x128xi32, #tpu.memory_space<vmem>> -> memref<128xi32, #tpu.memory_space<vmem>>
            %dma_wait3A_681 = arith.constant 0 : i32
            %dma_wait3A_682 = arith.constant 0 : i32
            %dma_wait3A_683 = tpu.memref_slice %arg12[%dma_wait3A_681, %dma_wait3A_682] : memref<10240x8xf32, #tpu.memory_space<vmem_shared>> -> memref<10240x8xf32, #tpu.memory_space<vmem_shared>>
            tpu.wait_indirect_dma semaphore(%run_scoped3A : memref<!tpu.dma_semaphore, #tpu.memory_space<semaphore_mem>>) src(%arg24 : memref<128x8xf32, #tpu.memory_space<vmem>>) dst(%dma_wait3A_683 : memref<10240x8xf32, #tpu.memory_space<vmem_shared>>)
            tpu.yield
          }) : () -> ()
        } else {
        }
        %add3A_601 = arith.constant 3 : i32
        %add3A_602 = arith.addi %mul3A_582, %add3A_601 : i32
        %add3A_603 = arith.constant 0 : i32
        %add3A_604 = arith.addi %add3A_602, %add3A_603 : i32
        %lt3A_605 = arith.constant 159 : i32
        %lt3A_606 = arith.cmpi slt, %add3A_604, %lt3A_605 : i32
        %convert_element_type3A_607 = arith.extui %lt3A_606 : i1 to i32
        %cond3A_608 = arith.constant 0 : i32
        %cond3A_609 = arith.cmpi ne, %convert_element_type3A_607, %cond3A_608 : i32
        scf.if %cond3A_609 {
          %add3A_670 = arith.constant 3 : i32
          %add3A_671 = arith.addi %mul3A_582, %add3A_670 : i32
          %add3A_672 = arith.constant 0 : i32
          %add3A_673 = arith.addi %add3A_671, %add3A_672 : i32
          %dma_start3A_674 = arith.constant 0 : i32
          %dma_start3A_675 = tpu.memref_slice %arg13[%add3A_673, %dma_start3A_674] : memref<159x128xi32, #tpu.memory_space<vmem>> -> memref<1x128xi32, #tpu.memory_space<vmem>>
          %dma_start3A_676 = tpu.memref_squeeze %dma_start3A_675 : memref<1x128xi32, #tpu.memory_space<vmem>> -> memref<128xi32, #tpu.memory_space<vmem>>
          %dma_start3A_677 = arith.constant 0 : i32
          %dma_start3A_678 = arith.constant 0 : i32
          %dma_start3A_679 = tpu.memref_slice %arg2[%dma_start3A_677, %dma_start3A_678] : memref<10000x64xf32, #tpu.memory_space<hbm>> -> memref<10000x64xf32, #tpu.memory_space<hbm>>
          tpu.enqueue_indirect_dma source(%dma_start3A_679 : memref<10000x64xf32, #tpu.memory_space<hbm>>) target(%arg15 : memref<128x64xf32, #tpu.memory_space<vmem>>) offsets(%dma_start3A_676 : memref<128xi32, #tpu.memory_space<vmem>>) semaphore(%arg19 : memref<!tpu.dma_semaphore, #tpu.memory_space<semaphore_mem>>)
        } else {
        }
        %dma_wait3A_610 = arith.constant 0 : i32
        %dma_wait3A_611 = arith.constant 0 : i32
        %dma_wait3A_612 = tpu.memref_slice %arg13[%dma_wait3A_610, %dma_wait3A_611] : memref<159x128xi32, #tpu.memory_space<vmem>> -> memref<1x128xi32, #tpu.memory_space<vmem>>
        %dma_wait3A_613 = tpu.memref_squeeze %dma_wait3A_612 : memref<1x128xi32, #tpu.memory_space<vmem>> -> memref<128xi32, #tpu.memory_space<vmem>>
        %dma_wait3A_614 = arith.constant 0 : i32
        %dma_wait3A_615 = arith.constant 0 : i32
        %dma_wait3A_616 = tpu.memref_slice %arg2[%dma_wait3A_614, %dma_wait3A_615] : memref<10000x64xf32, #tpu.memory_space<hbm>> -> memref<10000x64xf32, #tpu.memory_space<hbm>>
        tpu.wait_indirect_dma semaphore(%arg20 : memref<!tpu.dma_semaphore, #tpu.memory_space<semaphore_mem>>) src(%dma_wait3A_616 : memref<10000x64xf32, #tpu.memory_space<hbm>>) dst(%arg16 : memref<128x64xf32, #tpu.memory_space<vmem>>)
        %add3A_617 = arith.constant 1 : i32
        %add3A_618 = arith.addi %mul3A_582, %add3A_617 : i32
        "tpu.region"() ({
          %run_scoped3A = tpu.sem_alloc : memref<!tpu.dma_semaphore, #tpu.memory_space<semaphore_mem>>
          %dma_start3A_670 = arith.constant 0 : i32
          %dma_start3A_671 = tpu.memref_slice %arg14[%add3A_618, %dma_start3A_670] : memref<159x128xi32, #tpu.memory_space<vmem>> -> memref<1x128xi32, #tpu.memory_space<vmem>>
          %dma_start3A_672 = tpu.memref_squeeze %dma_start3A_671 : memref<1x128xi32, #tpu.memory_space<vmem>> -> memref<128xi32, #tpu.memory_space<vmem>>
          %dma_start3A_673 = arith.constant 0 : i32
          %dma_start3A_674 = arith.constant 0 : i32
          %dma_start3A_675 = tpu.memref_slice %arg11[%dma_start3A_673, %dma_start3A_674] : memref<10240x64xf32, #tpu.memory_space<vmem_shared>> -> memref<10240x64xf32, #tpu.memory_space<vmem_shared>>
          tpu.enqueue_indirect_dma source(%arg16 : memref<128x64xf32, #tpu.memory_space<vmem>>) target(%dma_start3A_675 : memref<10240x64xf32, #tpu.memory_space<vmem_shared>>) offsets(%dma_start3A_672 : memref<128xi32, #tpu.memory_space<vmem>>) semaphore(%run_scoped3A : memref<!tpu.dma_semaphore, #tpu.memory_space<semaphore_mem>>) {add = true}
          %dma_wait3A_676 = arith.constant 0 : i32
          %dma_wait3A_677 = tpu.memref_slice %arg14[%add3A_618, %dma_wait3A_676] : memref<159x128xi32, #tpu.memory_space<vmem>> -> memref<1x128xi32, #tpu.memory_space<vmem>>
          %dma_wait3A_678 = tpu.memref_squeeze %dma_wait3A_677 : memref<1x128xi32, #tpu.memory_space<vmem>> -> memref<128xi32, #tpu.memory_space<vmem>>
          %dma_wait3A_679 = arith.constant 0 : i32
          %dma_wait3A_680 = arith.constant 0 : i32
          %dma_wait3A_681 = tpu.memref_slice %arg11[%dma_wait3A_679, %dma_wait3A_680] : memref<10240x64xf32, #tpu.memory_space<vmem_shared>> -> memref<10240x64xf32, #tpu.memory_space<vmem_shared>>
          tpu.wait_indirect_dma semaphore(%run_scoped3A : memref<!tpu.dma_semaphore, #tpu.memory_space<semaphore_mem>>) src(%arg16 : memref<128x64xf32, #tpu.memory_space<vmem>>) dst(%dma_wait3A_681 : memref<10240x64xf32, #tpu.memory_space<vmem_shared>>)
          tpu.yield
        }) : () -> ()
        %add3A_619 = arith.constant 1 : i32
        %add3A_620 = arith.addi %mul3A_582, %add3A_619 : i32
        %ge3A_621 = arith.constant 0 : i32
        %ge3A_622 = arith.cmpi sge, %add3A_620, %ge3A_621 : i32
        %add3A_623 = arith.constant 1 : i32
        %add3A_624 = arith.addi %mul3A_582, %add3A_623 : i32
        %lt3A_625 = arith.constant 80 : i32
        %lt3A_626 = arith.cmpi slt, %add3A_624, %lt3A_625 : i32
        %and3A_627 = arith.andi %ge3A_622, %lt3A_626 : i1
        %convert_element_type3A_628 = arith.extui %and3A_627 : i1 to i32
        %cond3A_629 = arith.constant 0 : i32
        %cond3A_630 = arith.cmpi ne, %convert_element_type3A_628, %cond3A_629 : i32
        scf.if %cond3A_630 {
          %add3A_670 = arith.constant 1 : i32
          %add3A_671 = arith.addi %mul3A_582, %add3A_670 : i32
          "tpu.region"() ({
            %run_scoped3A = tpu.sem_alloc : memref<!tpu.dma_semaphore, #tpu.memory_space<semaphore_mem>>
            %dma_start3A_672 = arith.constant 0 : i32
            %dma_start3A_673 = tpu.memref_slice %arg14[%add3A_671, %dma_start3A_672] : memref<159x128xi32, #tpu.memory_space<vmem>> -> memref<1x128xi32, #tpu.memory_space<vmem>>
            %dma_start3A_674 = tpu.memref_squeeze %dma_start3A_673 : memref<1x128xi32, #tpu.memory_space<vmem>> -> memref<128xi32, #tpu.memory_space<vmem>>
            %dma_start3A_675 = arith.constant 0 : i32
            %dma_start3A_676 = arith.constant 0 : i32
            %dma_start3A_677 = tpu.memref_slice %arg12[%dma_start3A_675, %dma_start3A_676] : memref<10240x8xf32, #tpu.memory_space<vmem_shared>> -> memref<10240x8xf32, #tpu.memory_space<vmem_shared>>
            tpu.enqueue_indirect_dma source(%arg24 : memref<128x8xf32, #tpu.memory_space<vmem>>) target(%dma_start3A_677 : memref<10240x8xf32, #tpu.memory_space<vmem_shared>>) offsets(%dma_start3A_674 : memref<128xi32, #tpu.memory_space<vmem>>) semaphore(%run_scoped3A : memref<!tpu.dma_semaphore, #tpu.memory_space<semaphore_mem>>) {add = true}
            %dma_wait3A_678 = arith.constant 0 : i32
            %dma_wait3A_679 = tpu.memref_slice %arg14[%add3A_671, %dma_wait3A_678] : memref<159x128xi32, #tpu.memory_space<vmem>> -> memref<1x128xi32, #tpu.memory_space<vmem>>
            %dma_wait3A_680 = tpu.memref_squeeze %dma_wait3A_679 : memref<1x128xi32, #tpu.memory_space<vmem>> -> memref<128xi32, #tpu.memory_space<vmem>>
            %dma_wait3A_681 = arith.constant 0 : i32
            %dma_wait3A_682 = arith.constant 0 : i32
            %dma_wait3A_683 = tpu.memref_slice %arg12[%dma_wait3A_681, %dma_wait3A_682] : memref<10240x8xf32, #tpu.memory_space<vmem_shared>> -> memref<10240x8xf32, #tpu.memory_space<vmem_shared>>
            tpu.wait_indirect_dma semaphore(%run_scoped3A : memref<!tpu.dma_semaphore, #tpu.memory_space<semaphore_mem>>) src(%arg24 : memref<128x8xf32, #tpu.memory_space<vmem>>) dst(%dma_wait3A_683 : memref<10240x8xf32, #tpu.memory_space<vmem_shared>>)
            tpu.yield
          }) : () -> ()
        } else {
        }
        %add3A_631 = arith.constant 3 : i32
        %add3A_632 = arith.addi %mul3A_582, %add3A_631 : i32
        %add3A_633 = arith.constant 1 : i32
        %add3A_634 = arith.addi %add3A_632, %add3A_633 : i32
        %lt3A_635 = arith.constant 159 : i32
        %lt3A_636 = arith.cmpi slt, %add3A_634, %lt3A_635 : i32
        %convert_element_type3A_637 = arith.extui %lt3A_636 : i1 to i32
        %cond3A_638 = arith.constant 0 : i32
        %cond3A_639 = arith.cmpi ne, %convert_element_type3A_637, %cond3A_638 : i32
        scf.if %cond3A_639 {
          %add3A_670 = arith.constant 3 : i32
          %add3A_671 = arith.addi %mul3A_582, %add3A_670 : i32
          %add3A_672 = arith.constant 1 : i32
          %add3A_673 = arith.addi %add3A_671, %add3A_672 : i32
          %dma_start3A_674 = arith.constant 0 : i32
          %dma_start3A_675 = tpu.memref_slice %arg13[%add3A_673, %dma_start3A_674] : memref<159x128xi32, #tpu.memory_space<vmem>> -> memref<1x128xi32, #tpu.memory_space<vmem>>
          %dma_start3A_676 = tpu.memref_squeeze %dma_start3A_675 : memref<1x128xi32, #tpu.memory_space<vmem>> -> memref<128xi32, #tpu.memory_space<vmem>>
          %dma_start3A_677 = arith.constant 0 : i32
          %dma_start3A_678 = arith.constant 0 : i32
          %dma_start3A_679 = tpu.memref_slice %arg2[%dma_start3A_677, %dma_start3A_678] : memref<10000x64xf32, #tpu.memory_space<hbm>> -> memref<10000x64xf32, #tpu.memory_space<hbm>>
          tpu.enqueue_indirect_dma source(%dma_start3A_679 : memref<10000x64xf32, #tpu.memory_space<hbm>>) target(%arg16 : memref<128x64xf32, #tpu.memory_space<vmem>>) offsets(%dma_start3A_676 : memref<128xi32, #tpu.memory_space<vmem>>) semaphore(%arg20 : memref<!tpu.dma_semaphore, #tpu.memory_space<semaphore_mem>>)
        } else {
        }
        %dma_wait3A_640 = arith.constant 0 : i32
        %dma_wait3A_641 = arith.constant 0 : i32
        %dma_wait3A_642 = tpu.memref_slice %arg13[%dma_wait3A_640, %dma_wait3A_641] : memref<159x128xi32, #tpu.memory_space<vmem>> -> memref<1x128xi32, #tpu.memory_space<vmem>>
        %dma_wait3A_643 = tpu.memref_squeeze %dma_wait3A_642 : memref<1x128xi32, #tpu.memory_space<vmem>> -> memref<128xi32, #tpu.memory_space<vmem>>
        %dma_wait3A_644 = arith.constant 0 : i32
        %dma_wait3A_645 = arith.constant 0 : i32
        %dma_wait3A_646 = tpu.memref_slice %arg2[%dma_wait3A_644, %dma_wait3A_645] : memref<10000x64xf32, #tpu.memory_space<hbm>> -> memref<10000x64xf32, #tpu.memory_space<hbm>>
        tpu.wait_indirect_dma semaphore(%arg21 : memref<!tpu.dma_semaphore, #tpu.memory_space<semaphore_mem>>) src(%dma_wait3A_646 : memref<10000x64xf32, #tpu.memory_space<hbm>>) dst(%arg17 : memref<128x64xf32, #tpu.memory_space<vmem>>)
        %add3A_647 = arith.constant 2 : i32
        %add3A_648 = arith.addi %mul3A_582, %add3A_647 : i32
        "tpu.region"() ({
          %run_scoped3A = tpu.sem_alloc : memref<!tpu.dma_semaphore, #tpu.memory_space<semaphore_mem>>
          %dma_start3A_670 = arith.constant 0 : i32
          %dma_start3A_671 = tpu.memref_slice %arg14[%add3A_648, %dma_start3A_670] : memref<159x128xi32, #tpu.memory_space<vmem>> -> memref<1x128xi32, #tpu.memory_space<vmem>>
          %dma_start3A_672 = tpu.memref_squeeze %dma_start3A_671 : memref<1x128xi32, #tpu.memory_space<vmem>> -> memref<128xi32, #tpu.memory_space<vmem>>
          %dma_start3A_673 = arith.constant 0 : i32
          %dma_start3A_674 = arith.constant 0 : i32
          %dma_start3A_675 = tpu.memref_slice %arg11[%dma_start3A_673, %dma_start3A_674] : memref<10240x64xf32, #tpu.memory_space<vmem_shared>> -> memref<10240x64xf32, #tpu.memory_space<vmem_shared>>
          tpu.enqueue_indirect_dma source(%arg17 : memref<128x64xf32, #tpu.memory_space<vmem>>) target(%dma_start3A_675 : memref<10240x64xf32, #tpu.memory_space<vmem_shared>>) offsets(%dma_start3A_672 : memref<128xi32, #tpu.memory_space<vmem>>) semaphore(%run_scoped3A : memref<!tpu.dma_semaphore, #tpu.memory_space<semaphore_mem>>) {add = true}
          %dma_wait3A_676 = arith.constant 0 : i32
          %dma_wait3A_677 = tpu.memref_slice %arg14[%add3A_648, %dma_wait3A_676] : memref<159x128xi32, #tpu.memory_space<vmem>> -> memref<1x128xi32, #tpu.memory_space<vmem>>
          %dma_wait3A_678 = tpu.memref_squeeze %dma_wait3A_677 : memref<1x128xi32, #tpu.memory_space<vmem>> -> memref<128xi32, #tpu.memory_space<vmem>>
          %dma_wait3A_679 = arith.constant 0 : i32
          %dma_wait3A_680 = arith.constant 0 : i32
          %dma_wait3A_681 = tpu.memref_slice %arg11[%dma_wait3A_679, %dma_wait3A_680] : memref<10240x64xf32, #tpu.memory_space<vmem_shared>> -> memref<10240x64xf32, #tpu.memory_space<vmem_shared>>
          tpu.wait_indirect_dma semaphore(%run_scoped3A : memref<!tpu.dma_semaphore, #tpu.memory_space<semaphore_mem>>) src(%arg17 : memref<128x64xf32, #tpu.memory_space<vmem>>) dst(%dma_wait3A_681 : memref<10240x64xf32, #tpu.memory_space<vmem_shared>>)
          tpu.yield
        }) : () -> ()
        %add3A_649 = arith.constant 2 : i32
        %add3A_650 = arith.addi %mul3A_582, %add3A_649 : i32
        %ge3A_651 = arith.constant 0 : i32
        %ge3A_652 = arith.cmpi sge, %add3A_650, %ge3A_651 : i32
        %add3A_653 = arith.constant 2 : i32
        %add3A_654 = arith.addi %mul3A_582, %add3A_653 : i32
        %lt3A_655 = arith.constant 80 : i32
        %lt3A_656 = arith.cmpi slt, %add3A_654, %lt3A_655 : i32
        %and3A_657 = arith.andi %ge3A_652, %lt3A_656 : i1
        %convert_element_type3A_658 = arith.extui %and3A_657 : i1 to i32
        %cond3A_659 = arith.constant 0 : i32
        %cond3A_660 = arith.cmpi ne, %convert_element_type3A_658, %cond3A_659 : i32
        scf.if %cond3A_660 {
          %add3A_670 = arith.constant 2 : i32
          %add3A_671 = arith.addi %mul3A_582, %add3A_670 : i32
          "tpu.region"() ({
            %run_scoped3A = tpu.sem_alloc : memref<!tpu.dma_semaphore, #tpu.memory_space<semaphore_mem>>
            %dma_start3A_672 = arith.constant 0 : i32
            %dma_start3A_673 = tpu.memref_slice %arg14[%add3A_671, %dma_start3A_672] : memref<159x128xi32, #tpu.memory_space<vmem>> -> memref<1x128xi32, #tpu.memory_space<vmem>>
            %dma_start3A_674 = tpu.memref_squeeze %dma_start3A_673 : memref<1x128xi32, #tpu.memory_space<vmem>> -> memref<128xi32, #tpu.memory_space<vmem>>
            %dma_start3A_675 = arith.constant 0 : i32
            %dma_start3A_676 = arith.constant 0 : i32
            %dma_start3A_677 = tpu.memref_slice %arg12[%dma_start3A_675, %dma_start3A_676] : memref<10240x8xf32, #tpu.memory_space<vmem_shared>> -> memref<10240x8xf32, #tpu.memory_space<vmem_shared>>
            tpu.enqueue_indirect_dma source(%arg24 : memref<128x8xf32, #tpu.memory_space<vmem>>) target(%dma_start3A_677 : memref<10240x8xf32, #tpu.memory_space<vmem_shared>>) offsets(%dma_start3A_674 : memref<128xi32, #tpu.memory_space<vmem>>) semaphore(%run_scoped3A : memref<!tpu.dma_semaphore, #tpu.memory_space<semaphore_mem>>) {add = true}
            %dma_wait3A_678 = arith.constant 0 : i32
            %dma_wait3A_679 = tpu.memref_slice %arg14[%add3A_671, %dma_wait3A_678] : memref<159x128xi32, #tpu.memory_space<vmem>> -> memref<1x128xi32, #tpu.memory_space<vmem>>
            %dma_wait3A_680 = tpu.memref_squeeze %dma_wait3A_679 : memref<1x128xi32, #tpu.memory_space<vmem>> -> memref<128xi32, #tpu.memory_space<vmem>>
            %dma_wait3A_681 = arith.constant 0 : i32
            %dma_wait3A_682 = arith.constant 0 : i32
            %dma_wait3A_683 = tpu.memref_slice %arg12[%dma_wait3A_681, %dma_wait3A_682] : memref<10240x8xf32, #tpu.memory_space<vmem_shared>> -> memref<10240x8xf32, #tpu.memory_space<vmem_shared>>
            tpu.wait_indirect_dma semaphore(%run_scoped3A : memref<!tpu.dma_semaphore, #tpu.memory_space<semaphore_mem>>) src(%arg24 : memref<128x8xf32, #tpu.memory_space<vmem>>) dst(%dma_wait3A_683 : memref<10240x8xf32, #tpu.memory_space<vmem_shared>>)
            tpu.yield
          }) : () -> ()
        } else {
        }
        %add3A_661 = arith.constant 3 : i32
        %add3A_662 = arith.addi %mul3A_582, %add3A_661 : i32
        %add3A_663 = arith.constant 2 : i32
        %add3A_664 = arith.addi %add3A_662, %add3A_663 : i32
        %lt3A_665 = arith.constant 159 : i32
        %lt3A_666 = arith.cmpi slt, %add3A_664, %lt3A_665 : i32
        %convert_element_type3A_667 = arith.extui %lt3A_666 : i1 to i32
        %cond3A_668 = arith.constant 0 : i32
        %cond3A_669 = arith.cmpi ne, %convert_element_type3A_667, %cond3A_668 : i32
        scf.if %cond3A_669 {
          %add3A_670 = arith.constant 3 : i32
          %add3A_671 = arith.addi %mul3A_582, %add3A_670 : i32
          %add3A_672 = arith.constant 2 : i32
          %add3A_673 = arith.addi %add3A_671, %add3A_672 : i32
          %dma_start3A_674 = arith.constant 0 : i32
          %dma_start3A_675 = tpu.memref_slice %arg13[%add3A_673, %dma_start3A_674] : memref<159x128xi32, #tpu.memory_space<vmem>> -> memref<1x128xi32, #tpu.memory_space<vmem>>
          %dma_start3A_676 = tpu.memref_squeeze %dma_start3A_675 : memref<1x128xi32, #tpu.memory_space<vmem>> -> memref<128xi32, #tpu.memory_space<vmem>>
          %dma_start3A_677 = arith.constant 0 : i32
          %dma_start3A_678 = arith.constant 0 : i32
          %dma_start3A_679 = tpu.memref_slice %arg2[%dma_start3A_677, %dma_start3A_678] : memref<10000x64xf32, #tpu.memory_space<hbm>> -> memref<10000x64xf32, #tpu.memory_space<hbm>>
          tpu.enqueue_indirect_dma source(%dma_start3A_679 : memref<10000x64xf32, #tpu.memory_space<hbm>>) target(%arg17 : memref<128x64xf32, #tpu.memory_space<vmem>>) offsets(%dma_start3A_676 : memref<128xi32, #tpu.memory_space<vmem>>) semaphore(%arg21 : memref<!tpu.dma_semaphore, #tpu.memory_space<semaphore_mem>>)
        } else {
        }
      }
      %scan3A_579 = arith.constant 53 : i32
    } else {
    }
    %eq3A_160 = arith.constant 1 : i32
    %eq3A_161 = arith.cmpi eq, %arg0, %eq3A_160 : i32
    %convert_element_type3A_162 = arith.extui %eq3A_161 : i1 to i32
    %cond3A_163 = arith.constant 0 : i32
    %cond3A_164 = arith.cmpi ne, %convert_element_type3A_162, %cond3A_163 : i32
    scf.if %cond3A_164 {
      "tpu.region"() ({
        %run_scoped3A = tpu.sem_alloc : memref<!tpu.dma_semaphore, #tpu.memory_space<semaphore_mem>>
        %dma_start3A_580 = arith.constant 0 : i32
        %dma_start3A_581 = arith.constant 0 : i32
        %dma_start3A_582 = tpu.memref_slice %arg4[%arg1, %dma_start3A_580, %dma_start3A_581] : memref<16x159x128xi32, #tpu.memory_space<hbm>> -> memref<1x159x128xi32, #tpu.memory_space<hbm>>
        %dma_start3A_583 = tpu.memref_squeeze %dma_start3A_582 : memref<1x159x128xi32, #tpu.memory_space<hbm>> -> memref<159x128xi32, #tpu.memory_space<hbm>>
        %dma_start3A_584 = arith.constant 0 : i32
        %dma_start3A_585 = arith.constant 0 : i32
        %dma_start3A_586 = tpu.memref_slice %arg4[%arg1, %dma_start3A_584, %dma_start3A_585] : memref<16x159x128xi32, #tpu.memory_space<hbm>> -> memref<1x159x128xi32, #tpu.memory_space<hbm>>
        %dma_start3A_587 = tpu.memref_squeeze %dma_start3A_586 : memref<1x159x128xi32, #tpu.memory_space<hbm>> -> memref<159x128xi32, #tpu.memory_space<hbm>>
        tpu.enqueue_dma source(%dma_start3A_587 : memref<159x128xi32, #tpu.memory_space<hbm>>) target(%arg13 : memref<159x128xi32, #tpu.memory_space<vmem>>) target_semaphore(%run_scoped3A : memref<!tpu.dma_semaphore, #tpu.memory_space<semaphore_mem>>)
        %dma_wait3A_588 = arith.constant 0 : i32
        %dma_wait3A_589 = arith.constant 0 : i32
        %dma_wait3A_590 = tpu.memref_slice %arg4[%arg1, %dma_wait3A_588, %dma_wait3A_589] : memref<16x159x128xi32, #tpu.memory_space<hbm>> -> memref<1x159x128xi32, #tpu.memory_space<hbm>>
        %dma_wait3A_591 = tpu.memref_squeeze %dma_wait3A_590 : memref<1x159x128xi32, #tpu.memory_space<hbm>> -> memref<159x128xi32, #tpu.memory_space<hbm>>
        %dma_wait3A_592 = arith.constant 0 : i32
        %dma_wait3A_593 = arith.constant 0 : i32
        %dma_wait3A_594 = tpu.memref_slice %arg4[%arg1, %dma_wait3A_592, %dma_wait3A_593] : memref<16x159x128xi32, #tpu.memory_space<hbm>> -> memref<1x159x128xi32, #tpu.memory_space<hbm>>
        %dma_wait3A_595 = tpu.memref_squeeze %dma_wait3A_594 : memref<1x159x128xi32, #tpu.memory_space<hbm>> -> memref<159x128xi32, #tpu.memory_space<hbm>>
        tpu.wait_dma2 semaphore(%run_scoped3A : memref<!tpu.dma_semaphore, #tpu.memory_space<semaphore_mem>>) src(%dma_wait3A_595 : memref<159x128xi32, #tpu.memory_space<hbm>>) dst(%arg13 : memref<159x128xi32, #tpu.memory_space<vmem>>)
        tpu.yield
      }) : () -> ()
      "tpu.region"() ({
        %run_scoped3A = tpu.sem_alloc : memref<!tpu.dma_semaphore, #tpu.memory_space<semaphore_mem>>
        %dma_start3A_580 = arith.constant 0 : i32
        %dma_start3A_581 = arith.constant 0 : i32
        %dma_start3A_582 = tpu.memref_slice %arg5[%arg1, %dma_start3A_580, %dma_start3A_581] : memref<16x159x128xi32, #tpu.memory_space<hbm>> -> memref<1x159x128xi32, #tpu.memory_space<hbm>>
        %dma_start3A_583 = tpu.memref_squeeze %dma_start3A_582 : memref<1x159x128xi32, #tpu.memory_space<hbm>> -> memref<159x128xi32, #tpu.memory_space<hbm>>
        %dma_start3A_584 = arith.constant 0 : i32
        %dma_start3A_585 = arith.constant 0 : i32
        %dma_start3A_586 = tpu.memref_slice %arg5[%arg1, %dma_start3A_584, %dma_start3A_585] : memref<16x159x128xi32, #tpu.memory_space<hbm>> -> memref<1x159x128xi32, #tpu.memory_space<hbm>>
        %dma_start3A_587 = tpu.memref_squeeze %dma_start3A_586 : memref<1x159x128xi32, #tpu.memory_space<hbm>> -> memref<159x128xi32, #tpu.memory_space<hbm>>
        tpu.enqueue_dma source(%dma_start3A_587 : memref<159x128xi32, #tpu.memory_space<hbm>>) target(%arg14 : memref<159x128xi32, #tpu.memory_space<vmem>>) target_semaphore(%run_scoped3A : memref<!tpu.dma_semaphore, #tpu.memory_space<semaphore_mem>>)
        %dma_wait3A_588 = arith.constant 0 : i32
        %dma_wait3A_589 = arith.constant 0 : i32
        %dma_wait3A_590 = tpu.memref_slice %arg5[%arg1, %dma_wait3A_588, %dma_wait3A_589] : memref<16x159x128xi32, #tpu.memory_space<hbm>> -> memref<1x159x128xi32, #tpu.memory_space<hbm>>
        %dma_wait3A_591 = tpu.memref_squeeze %dma_wait3A_590 : memref<1x159x128xi32, #tpu.memory_space<hbm>> -> memref<159x128xi32, #tpu.memory_space<hbm>>
        %dma_wait3A_592 = arith.constant 0 : i32
        %dma_wait3A_593 = arith.constant 0 : i32
        %dma_wait3A_594 = tpu.memref_slice %arg5[%arg1, %dma_wait3A_592, %dma_wait3A_593] : memref<16x159x128xi32, #tpu.memory_space<hbm>> -> memref<1x159x128xi32, #tpu.memory_space<hbm>>
        %dma_wait3A_595 = tpu.memref_squeeze %dma_wait3A_594 : memref<1x159x128xi32, #tpu.memory_space<hbm>> -> memref<159x128xi32, #tpu.memory_space<hbm>>
        tpu.wait_dma2 semaphore(%run_scoped3A : memref<!tpu.dma_semaphore, #tpu.memory_space<semaphore_mem>>) src(%dma_wait3A_595 : memref<159x128xi32, #tpu.memory_space<hbm>>) dst(%arg14 : memref<159x128xi32, #tpu.memory_space<vmem>>)
        tpu.yield
      }) : () -> ()
      %dma_start3A_553 = arith.constant 0 : i32
      %dma_start3A_554 = arith.constant 0 : i32
      %dma_start3A_555 = tpu.memref_slice %arg13[%dma_start3A_553, %dma_start3A_554] : memref<159x128xi32, #tpu.memory_space<vmem>> -> memref<1x128xi32, #tpu.memory_space<vmem>>
      %dma_start3A_556 = tpu.memref_squeeze %dma_start3A_555 : memref<1x128xi32, #tpu.memory_space<vmem>> -> memref<128xi32, #tpu.memory_space<vmem>>
      %dma_start3A_557 = arith.constant 0 : i32
      %dma_start3A_558 = arith.constant 0 : i32
      %dma_start3A_559 = tpu.memref_slice %arg3[%dma_start3A_557, %dma_start3A_558] : memref<10000x64xf32, #tpu.memory_space<hbm>> -> memref<10000x64xf32, #tpu.memory_space<hbm>>
      tpu.enqueue_indirect_dma source(%dma_start3A_559 : memref<10000x64xf32, #tpu.memory_space<hbm>>) target(%arg15 : memref<128x64xf32, #tpu.memory_space<vmem>>) offsets(%dma_start3A_556 : memref<128xi32, #tpu.memory_space<vmem>>) semaphore(%arg19 : memref<!tpu.dma_semaphore, #tpu.memory_space<semaphore_mem>>)
      %dma_start3A_560 = arith.constant 1 : i32
      %dma_start3A_561 = arith.constant 0 : i32
      %dma_start3A_562 = tpu.memref_slice %arg13[%dma_start3A_560, %dma_start3A_561] : memref<159x128xi32, #tpu.memory_space<vmem>> -> memref<1x128xi32, #tpu.memory_space<vmem>>
      %dma_start3A_563 = tpu.memref_squeeze %dma_start3A_562 : memref<1x128xi32, #tpu.memory_space<vmem>> -> memref<128xi32, #tpu.memory_space<vmem>>
      %dma_start3A_564 = arith.constant 0 : i32
      %dma_start3A_565 = arith.constant 0 : i32
      %dma_start3A_566 = tpu.memref_slice %arg3[%dma_start3A_564, %dma_start3A_565] : memref<10000x64xf32, #tpu.memory_space<hbm>> -> memref<10000x64xf32, #tpu.memory_space<hbm>>
      tpu.enqueue_indirect_dma source(%dma_start3A_566 : memref<10000x64xf32, #tpu.memory_space<hbm>>) target(%arg16 : memref<128x64xf32, #tpu.memory_space<vmem>>) offsets(%dma_start3A_563 : memref<128xi32, #tpu.memory_space<vmem>>) semaphore(%arg20 : memref<!tpu.dma_semaphore, #tpu.memory_space<semaphore_mem>>)
      %dma_start3A_567 = arith.constant 2 : i32
      %dma_start3A_568 = arith.constant 0 : i32
      %dma_start3A_569 = tpu.memref_slice %arg13[%dma_start3A_567, %dma_start3A_568] : memref<159x128xi32, #tpu.memory_space<vmem>> -> memref<1x128xi32, #tpu.memory_space<vmem>>
      %dma_start3A_570 = tpu.memref_squeeze %dma_start3A_569 : memref<1x128xi32, #tpu.memory_space<vmem>> -> memref<128xi32, #tpu.memory_space<vmem>>
      %dma_start3A_571 = arith.constant 0 : i32
      %dma_start3A_572 = arith.constant 0 : i32
      %dma_start3A_573 = tpu.memref_slice %arg3[%dma_start3A_571, %dma_start3A_572] : memref<10000x64xf32, #tpu.memory_space<hbm>> -> memref<10000x64xf32, #tpu.memory_space<hbm>>
      tpu.enqueue_indirect_dma source(%dma_start3A_573 : memref<10000x64xf32, #tpu.memory_space<hbm>>) target(%arg17 : memref<128x64xf32, #tpu.memory_space<vmem>>) offsets(%dma_start3A_570 : memref<128xi32, #tpu.memory_space<vmem>>) semaphore(%arg21 : memref<!tpu.dma_semaphore, #tpu.memory_space<semaphore_mem>>)
      %scan3A_574 = arith.constant 0 : i32
      %scan3A_575 = arith.constant 0 : i32
      %scan3A_576 = arith.constant 53 : i32
      %scan3A_577 = arith.addi %scan3A_575, %scan3A_576 : i32
      %scan3A_578 = arith.constant 1 : i32
      scf.for %scan3A_580 = %scan3A_575 to %scan3A_577 step %scan3A_578  : i32 {
        %mul3A_581 = arith.constant 3 : i32
        %mul3A_582 = arith.muli %mul3A_581, %scan3A_580 : i32
        %dma_wait3A_583 = arith.constant 0 : i32
        %dma_wait3A_584 = arith.constant 0 : i32
        %dma_wait3A_585 = tpu.memref_slice %arg13[%dma_wait3A_583, %dma_wait3A_584] : memref<159x128xi32, #tpu.memory_space<vmem>> -> memref<1x128xi32, #tpu.memory_space<vmem>>
        %dma_wait3A_586 = tpu.memref_squeeze %dma_wait3A_585 : memref<1x128xi32, #tpu.memory_space<vmem>> -> memref<128xi32, #tpu.memory_space<vmem>>
        %dma_wait3A_587 = arith.constant 0 : i32
        %dma_wait3A_588 = arith.constant 0 : i32
        %dma_wait3A_589 = tpu.memref_slice %arg3[%dma_wait3A_587, %dma_wait3A_588] : memref<10000x64xf32, #tpu.memory_space<hbm>> -> memref<10000x64xf32, #tpu.memory_space<hbm>>
        tpu.wait_indirect_dma semaphore(%arg19 : memref<!tpu.dma_semaphore, #tpu.memory_space<semaphore_mem>>) src(%dma_wait3A_589 : memref<10000x64xf32, #tpu.memory_space<hbm>>) dst(%arg15 : memref<128x64xf32, #tpu.memory_space<vmem>>)
        %add3A_590 = arith.constant 0 : i32
        %add3A_591 = arith.addi %mul3A_582, %add3A_590 : i32
        "tpu.region"() ({
          %run_scoped3A = tpu.sem_alloc : memref<!tpu.dma_semaphore, #tpu.memory_space<semaphore_mem>>
          %dma_start3A_670 = arith.constant 0 : i32
          %dma_start3A_671 = tpu.memref_slice %arg14[%add3A_591, %dma_start3A_670] : memref<159x128xi32, #tpu.memory_space<vmem>> -> memref<1x128xi32, #tpu.memory_space<vmem>>
          %dma_start3A_672 = tpu.memref_squeeze %dma_start3A_671 : memref<1x128xi32, #tpu.memory_space<vmem>> -> memref<128xi32, #tpu.memory_space<vmem>>
          %dma_start3A_673 = arith.constant 0 : i32
          %dma_start3A_674 = arith.constant 0 : i32
          %dma_start3A_675 = tpu.memref_slice %arg11[%dma_start3A_673, %dma_start3A_674] : memref<10240x64xf32, #tpu.memory_space<vmem_shared>> -> memref<10240x64xf32, #tpu.memory_space<vmem_shared>>
          tpu.enqueue_indirect_dma source(%arg15 : memref<128x64xf32, #tpu.memory_space<vmem>>) target(%dma_start3A_675 : memref<10240x64xf32, #tpu.memory_space<vmem_shared>>) offsets(%dma_start3A_672 : memref<128xi32, #tpu.memory_space<vmem>>) semaphore(%run_scoped3A : memref<!tpu.dma_semaphore, #tpu.memory_space<semaphore_mem>>) {add = true}
          %dma_wait3A_676 = arith.constant 0 : i32
          %dma_wait3A_677 = tpu.memref_slice %arg14[%add3A_591, %dma_wait3A_676] : memref<159x128xi32, #tpu.memory_space<vmem>> -> memref<1x128xi32, #tpu.memory_space<vmem>>
          %dma_wait3A_678 = tpu.memref_squeeze %dma_wait3A_677 : memref<1x128xi32, #tpu.memory_space<vmem>> -> memref<128xi32, #tpu.memory_space<vmem>>
          %dma_wait3A_679 = arith.constant 0 : i32
          %dma_wait3A_680 = arith.constant 0 : i32
          %dma_wait3A_681 = tpu.memref_slice %arg11[%dma_wait3A_679, %dma_wait3A_680] : memref<10240x64xf32, #tpu.memory_space<vmem_shared>> -> memref<10240x64xf32, #tpu.memory_space<vmem_shared>>
          tpu.wait_indirect_dma semaphore(%run_scoped3A : memref<!tpu.dma_semaphore, #tpu.memory_space<semaphore_mem>>) src(%arg15 : memref<128x64xf32, #tpu.memory_space<vmem>>) dst(%dma_wait3A_681 : memref<10240x64xf32, #tpu.memory_space<vmem_shared>>)
          tpu.yield
        }) : () -> ()
        %add3A_592 = arith.constant 0 : i32
        %add3A_593 = arith.addi %mul3A_582, %add3A_592 : i32
        %ge3A = arith.constant 80 : i32
        %ge3A_594 = arith.cmpi sge, %add3A_593, %ge3A : i32
        %add3A_595 = arith.constant 0 : i32
        %add3A_596 = arith.addi %mul3A_582, %add3A_595 : i32
        %lt3A = arith.constant 159 : i32
        %lt3A_597 = arith.cmpi slt, %add3A_596, %lt3A : i32
        %and3A = arith.andi %ge3A_594, %lt3A_597 : i1
        %convert_element_type3A_598 = arith.extui %and3A : i1 to i32
        %cond3A_599 = arith.constant 0 : i32
        %cond3A_600 = arith.cmpi ne, %convert_element_type3A_598, %cond3A_599 : i32
        scf.if %cond3A_600 {
          %add3A_670 = arith.constant 0 : i32
          %add3A_671 = arith.addi %mul3A_582, %add3A_670 : i32
          "tpu.region"() ({
            %run_scoped3A = tpu.sem_alloc : memref<!tpu.dma_semaphore, #tpu.memory_space<semaphore_mem>>
            %dma_start3A_672 = arith.constant 0 : i32
            %dma_start3A_673 = tpu.memref_slice %arg14[%add3A_671, %dma_start3A_672] : memref<159x128xi32, #tpu.memory_space<vmem>> -> memref<1x128xi32, #tpu.memory_space<vmem>>
            %dma_start3A_674 = tpu.memref_squeeze %dma_start3A_673 : memref<1x128xi32, #tpu.memory_space<vmem>> -> memref<128xi32, #tpu.memory_space<vmem>>
            %dma_start3A_675 = arith.constant 0 : i32
            %dma_start3A_676 = arith.constant 0 : i32
            %dma_start3A_677 = tpu.memref_slice %arg12[%dma_start3A_675, %dma_start3A_676] : memref<10240x8xf32, #tpu.memory_space<vmem_shared>> -> memref<10240x8xf32, #tpu.memory_space<vmem_shared>>
            tpu.enqueue_indirect_dma source(%arg24 : memref<128x8xf32, #tpu.memory_space<vmem>>) target(%dma_start3A_677 : memref<10240x8xf32, #tpu.memory_space<vmem_shared>>) offsets(%dma_start3A_674 : memref<128xi32, #tpu.memory_space<vmem>>) semaphore(%run_scoped3A : memref<!tpu.dma_semaphore, #tpu.memory_space<semaphore_mem>>) {add = true}
            %dma_wait3A_678 = arith.constant 0 : i32
            %dma_wait3A_679 = tpu.memref_slice %arg14[%add3A_671, %dma_wait3A_678] : memref<159x128xi32, #tpu.memory_space<vmem>> -> memref<1x128xi32, #tpu.memory_space<vmem>>
            %dma_wait3A_680 = tpu.memref_squeeze %dma_wait3A_679 : memref<1x128xi32, #tpu.memory_space<vmem>> -> memref<128xi32, #tpu.memory_space<vmem>>
            %dma_wait3A_681 = arith.constant 0 : i32
            %dma_wait3A_682 = arith.constant 0 : i32
            %dma_wait3A_683 = tpu.memref_slice %arg12[%dma_wait3A_681, %dma_wait3A_682] : memref<10240x8xf32, #tpu.memory_space<vmem_shared>> -> memref<10240x8xf32, #tpu.memory_space<vmem_shared>>
            tpu.wait_indirect_dma semaphore(%run_scoped3A : memref<!tpu.dma_semaphore, #tpu.memory_space<semaphore_mem>>) src(%arg24 : memref<128x8xf32, #tpu.memory_space<vmem>>) dst(%dma_wait3A_683 : memref<10240x8xf32, #tpu.memory_space<vmem_shared>>)
            tpu.yield
          }) : () -> ()
        } else {
        }
        %add3A_601 = arith.constant 3 : i32
        %add3A_602 = arith.addi %mul3A_582, %add3A_601 : i32
        %add3A_603 = arith.constant 0 : i32
        %add3A_604 = arith.addi %add3A_602, %add3A_603 : i32
        %lt3A_605 = arith.constant 159 : i32
        %lt3A_606 = arith.cmpi slt, %add3A_604, %lt3A_605 : i32
        %convert_element_type3A_607 = arith.extui %lt3A_606 : i1 to i32
        %cond3A_608 = arith.constant 0 : i32
        %cond3A_609 = arith.cmpi ne, %convert_element_type3A_607, %cond3A_608 : i32
        scf.if %cond3A_609 {
          %add3A_670 = arith.constant 3 : i32
          %add3A_671 = arith.addi %mul3A_582, %add3A_670 : i32
          %add3A_672 = arith.constant 0 : i32
          %add3A_673 = arith.addi %add3A_671, %add3A_672 : i32
          %dma_start3A_674 = arith.constant 0 : i32
          %dma_start3A_675 = tpu.memref_slice %arg13[%add3A_673, %dma_start3A_674] : memref<159x128xi32, #tpu.memory_space<vmem>> -> memref<1x128xi32, #tpu.memory_space<vmem>>
          %dma_start3A_676 = tpu.memref_squeeze %dma_start3A_675 : memref<1x128xi32, #tpu.memory_space<vmem>> -> memref<128xi32, #tpu.memory_space<vmem>>
          %dma_start3A_677 = arith.constant 0 : i32
          %dma_start3A_678 = arith.constant 0 : i32
          %dma_start3A_679 = tpu.memref_slice %arg3[%dma_start3A_677, %dma_start3A_678] : memref<10000x64xf32, #tpu.memory_space<hbm>> -> memref<10000x64xf32, #tpu.memory_space<hbm>>
          tpu.enqueue_indirect_dma source(%dma_start3A_679 : memref<10000x64xf32, #tpu.memory_space<hbm>>) target(%arg15 : memref<128x64xf32, #tpu.memory_space<vmem>>) offsets(%dma_start3A_676 : memref<128xi32, #tpu.memory_space<vmem>>) semaphore(%arg19 : memref<!tpu.dma_semaphore, #tpu.memory_space<semaphore_mem>>)
        } else {
        }
        %dma_wait3A_610 = arith.constant 0 : i32
        %dma_wait3A_611 = arith.constant 0 : i32
        %dma_wait3A_612 = tpu.memref_slice %arg13[%dma_wait3A_610, %dma_wait3A_611] : memref<159x128xi32, #tpu.memory_space<vmem>> -> memref<1x128xi32, #tpu.memory_space<vmem>>
        %dma_wait3A_613 = tpu.memref_squeeze %dma_wait3A_612 : memref<1x128xi32, #tpu.memory_space<vmem>> -> memref<128xi32, #tpu.memory_space<vmem>>
        %dma_wait3A_614 = arith.constant 0 : i32
        %dma_wait3A_615 = arith.constant 0 : i32
        %dma_wait3A_616 = tpu.memref_slice %arg3[%dma_wait3A_614, %dma_wait3A_615] : memref<10000x64xf32, #tpu.memory_space<hbm>> -> memref<10000x64xf32, #tpu.memory_space<hbm>>
        tpu.wait_indirect_dma semaphore(%arg20 : memref<!tpu.dma_semaphore, #tpu.memory_space<semaphore_mem>>) src(%dma_wait3A_616 : memref<10000x64xf32, #tpu.memory_space<hbm>>) dst(%arg16 : memref<128x64xf32, #tpu.memory_space<vmem>>)
        %add3A_617 = arith.constant 1 : i32
        %add3A_618 = arith.addi %mul3A_582, %add3A_617 : i32
        "tpu.region"() ({
          %run_scoped3A = tpu.sem_alloc : memref<!tpu.dma_semaphore, #tpu.memory_space<semaphore_mem>>
          %dma_start3A_670 = arith.constant 0 : i32
          %dma_start3A_671 = tpu.memref_slice %arg14[%add3A_618, %dma_start3A_670] : memref<159x128xi32, #tpu.memory_space<vmem>> -> memref<1x128xi32, #tpu.memory_space<vmem>>
          %dma_start3A_672 = tpu.memref_squeeze %dma_start3A_671 : memref<1x128xi32, #tpu.memory_space<vmem>> -> memref<128xi32, #tpu.memory_space<vmem>>
          %dma_start3A_673 = arith.constant 0 : i32
          %dma_start3A_674 = arith.constant 0 : i32
          %dma_start3A_675 = tpu.memref_slice %arg11[%dma_start3A_673, %dma_start3A_674] : memref<10240x64xf32, #tpu.memory_space<vmem_shared>> -> memref<10240x64xf32, #tpu.memory_space<vmem_shared>>
          tpu.enqueue_indirect_dma source(%arg16 : memref<128x64xf32, #tpu.memory_space<vmem>>) target(%dma_start3A_675 : memref<10240x64xf32, #tpu.memory_space<vmem_shared>>) offsets(%dma_start3A_672 : memref<128xi32, #tpu.memory_space<vmem>>) semaphore(%run_scoped3A : memref<!tpu.dma_semaphore, #tpu.memory_space<semaphore_mem>>) {add = true}
          %dma_wait3A_676 = arith.constant 0 : i32
          %dma_wait3A_677 = tpu.memref_slice %arg14[%add3A_618, %dma_wait3A_676] : memref<159x128xi32, #tpu.memory_space<vmem>> -> memref<1x128xi32, #tpu.memory_space<vmem>>
          %dma_wait3A_678 = tpu.memref_squeeze %dma_wait3A_677 : memref<1x128xi32, #tpu.memory_space<vmem>> -> memref<128xi32, #tpu.memory_space<vmem>>
          %dma_wait3A_679 = arith.constant 0 : i32
          %dma_wait3A_680 = arith.constant 0 : i32
          %dma_wait3A_681 = tpu.memref_slice %arg11[%dma_wait3A_679, %dma_wait3A_680] : memref<10240x64xf32, #tpu.memory_space<vmem_shared>> -> memref<10240x64xf32, #tpu.memory_space<vmem_shared>>
          tpu.wait_indirect_dma semaphore(%run_scoped3A : memref<!tpu.dma_semaphore, #tpu.memory_space<semaphore_mem>>) src(%arg16 : memref<128x64xf32, #tpu.memory_space<vmem>>) dst(%dma_wait3A_681 : memref<10240x64xf32, #tpu.memory_space<vmem_shared>>)
          tpu.yield
        }) : () -> ()
        %add3A_619 = arith.constant 1 : i32
        %add3A_620 = arith.addi %mul3A_582, %add3A_619 : i32
        %ge3A_621 = arith.constant 80 : i32
        %ge3A_622 = arith.cmpi sge, %add3A_620, %ge3A_621 : i32
        %add3A_623 = arith.constant 1 : i32
        %add3A_624 = arith.addi %mul3A_582, %add3A_623 : i32
        %lt3A_625 = arith.constant 159 : i32
        %lt3A_626 = arith.cmpi slt, %add3A_624, %lt3A_625 : i32
        %and3A_627 = arith.andi %ge3A_622, %lt3A_626 : i1
        %convert_element_type3A_628 = arith.extui %and3A_627 : i1 to i32
        %cond3A_629 = arith.constant 0 : i32
        %cond3A_630 = arith.cmpi ne, %convert_element_type3A_628, %cond3A_629 : i32
        scf.if %cond3A_630 {
          %add3A_670 = arith.constant 1 : i32
          %add3A_671 = arith.addi %mul3A_582, %add3A_670 : i32
          "tpu.region"() ({
            %run_scoped3A = tpu.sem_alloc : memref<!tpu.dma_semaphore, #tpu.memory_space<semaphore_mem>>
            %dma_start3A_672 = arith.constant 0 : i32
            %dma_start3A_673 = tpu.memref_slice %arg14[%add3A_671, %dma_start3A_672] : memref<159x128xi32, #tpu.memory_space<vmem>> -> memref<1x128xi32, #tpu.memory_space<vmem>>
            %dma_start3A_674 = tpu.memref_squeeze %dma_start3A_673 : memref<1x128xi32, #tpu.memory_space<vmem>> -> memref<128xi32, #tpu.memory_space<vmem>>
            %dma_start3A_675 = arith.constant 0 : i32
            %dma_start3A_676 = arith.constant 0 : i32
            %dma_start3A_677 = tpu.memref_slice %arg12[%dma_start3A_675, %dma_start3A_676] : memref<10240x8xf32, #tpu.memory_space<vmem_shared>> -> memref<10240x8xf32, #tpu.memory_space<vmem_shared>>
            tpu.enqueue_indirect_dma source(%arg24 : memref<128x8xf32, #tpu.memory_space<vmem>>) target(%dma_start3A_677 : memref<10240x8xf32, #tpu.memory_space<vmem_shared>>) offsets(%dma_start3A_674 : memref<128xi32, #tpu.memory_space<vmem>>) semaphore(%run_scoped3A : memref<!tpu.dma_semaphore, #tpu.memory_space<semaphore_mem>>) {add = true}
            %dma_wait3A_678 = arith.constant 0 : i32
            %dma_wait3A_679 = tpu.memref_slice %arg14[%add3A_671, %dma_wait3A_678] : memref<159x128xi32, #tpu.memory_space<vmem>> -> memref<1x128xi32, #tpu.memory_space<vmem>>
            %dma_wait3A_680 = tpu.memref_squeeze %dma_wait3A_679 : memref<1x128xi32, #tpu.memory_space<vmem>> -> memref<128xi32, #tpu.memory_space<vmem>>
            %dma_wait3A_681 = arith.constant 0 : i32
            %dma_wait3A_682 = arith.constant 0 : i32
            %dma_wait3A_683 = tpu.memref_slice %arg12[%dma_wait3A_681, %dma_wait3A_682] : memref<10240x8xf32, #tpu.memory_space<vmem_shared>> -> memref<10240x8xf32, #tpu.memory_space<vmem_shared>>
            tpu.wait_indirect_dma semaphore(%run_scoped3A : memref<!tpu.dma_semaphore, #tpu.memory_space<semaphore_mem>>) src(%arg24 : memref<128x8xf32, #tpu.memory_space<vmem>>) dst(%dma_wait3A_683 : memref<10240x8xf32, #tpu.memory_space<vmem_shared>>)
            tpu.yield
          }) : () -> ()
        } else {
        }
        %add3A_631 = arith.constant 3 : i32
        %add3A_632 = arith.addi %mul3A_582, %add3A_631 : i32
        %add3A_633 = arith.constant 1 : i32
        %add3A_634 = arith.addi %add3A_632, %add3A_633 : i32
        %lt3A_635 = arith.constant 159 : i32
        %lt3A_636 = arith.cmpi slt, %add3A_634, %lt3A_635 : i32
        %convert_element_type3A_637 = arith.extui %lt3A_636 : i1 to i32
        %cond3A_638 = arith.constant 0 : i32
        %cond3A_639 = arith.cmpi ne, %convert_element_type3A_637, %cond3A_638 : i32
        scf.if %cond3A_639 {
          %add3A_670 = arith.constant 3 : i32
          %add3A_671 = arith.addi %mul3A_582, %add3A_670 : i32
          %add3A_672 = arith.constant 1 : i32
          %add3A_673 = arith.addi %add3A_671, %add3A_672 : i32
          %dma_start3A_674 = arith.constant 0 : i32
          %dma_start3A_675 = tpu.memref_slice %arg13[%add3A_673, %dma_start3A_674] : memref<159x128xi32, #tpu.memory_space<vmem>> -> memref<1x128xi32, #tpu.memory_space<vmem>>
          %dma_start3A_676 = tpu.memref_squeeze %dma_start3A_675 : memref<1x128xi32, #tpu.memory_space<vmem>> -> memref<128xi32, #tpu.memory_space<vmem>>
          %dma_start3A_677 = arith.constant 0 : i32
          %dma_start3A_678 = arith.constant 0 : i32
          %dma_start3A_679 = tpu.memref_slice %arg3[%dma_start3A_677, %dma_start3A_678] : memref<10000x64xf32, #tpu.memory_space<hbm>> -> memref<10000x64xf32, #tpu.memory_space<hbm>>
          tpu.enqueue_indirect_dma source(%dma_start3A_679 : memref<10000x64xf32, #tpu.memory_space<hbm>>) target(%arg16 : memref<128x64xf32, #tpu.memory_space<vmem>>) offsets(%dma_start3A_676 : memref<128xi32, #tpu.memory_space<vmem>>) semaphore(%arg20 : memref<!tpu.dma_semaphore, #tpu.memory_space<semaphore_mem>>)
        } else {
        }
        %dma_wait3A_640 = arith.constant 0 : i32
        %dma_wait3A_641 = arith.constant 0 : i32
        %dma_wait3A_642 = tpu.memref_slice %arg13[%dma_wait3A_640, %dma_wait3A_641] : memref<159x128xi32, #tpu.memory_space<vmem>> -> memref<1x128xi32, #tpu.memory_space<vmem>>
        %dma_wait3A_643 = tpu.memref_squeeze %dma_wait3A_642 : memref<1x128xi32, #tpu.memory_space<vmem>> -> memref<128xi32, #tpu.memory_space<vmem>>
        %dma_wait3A_644 = arith.constant 0 : i32
        %dma_wait3A_645 = arith.constant 0 : i32
        %dma_wait3A_646 = tpu.memref_slice %arg3[%dma_wait3A_644, %dma_wait3A_645] : memref<10000x64xf32, #tpu.memory_space<hbm>> -> memref<10000x64xf32, #tpu.memory_space<hbm>>
        tpu.wait_indirect_dma semaphore(%arg21 : memref<!tpu.dma_semaphore, #tpu.memory_space<semaphore_mem>>) src(%dma_wait3A_646 : memref<10000x64xf32, #tpu.memory_space<hbm>>) dst(%arg17 : memref<128x64xf32, #tpu.memory_space<vmem>>)
        %add3A_647 = arith.constant 2 : i32
        %add3A_648 = arith.addi %mul3A_582, %add3A_647 : i32
        "tpu.region"() ({
          %run_scoped3A = tpu.sem_alloc : memref<!tpu.dma_semaphore, #tpu.memory_space<semaphore_mem>>
          %dma_start3A_670 = arith.constant 0 : i32
          %dma_start3A_671 = tpu.memref_slice %arg14[%add3A_648, %dma_start3A_670] : memref<159x128xi32, #tpu.memory_space<vmem>> -> memref<1x128xi32, #tpu.memory_space<vmem>>
          %dma_start3A_672 = tpu.memref_squeeze %dma_start3A_671 : memref<1x128xi32, #tpu.memory_space<vmem>> -> memref<128xi32, #tpu.memory_space<vmem>>
          %dma_start3A_673 = arith.constant 0 : i32
          %dma_start3A_674 = arith.constant 0 : i32
          %dma_start3A_675 = tpu.memref_slice %arg11[%dma_start3A_673, %dma_start3A_674] : memref<10240x64xf32, #tpu.memory_space<vmem_shared>> -> memref<10240x64xf32, #tpu.memory_space<vmem_shared>>
          tpu.enqueue_indirect_dma source(%arg17 : memref<128x64xf32, #tpu.memory_space<vmem>>) target(%dma_start3A_675 : memref<10240x64xf32, #tpu.memory_space<vmem_shared>>) offsets(%dma_start3A_672 : memref<128xi32, #tpu.memory_space<vmem>>) semaphore(%run_scoped3A : memref<!tpu.dma_semaphore, #tpu.memory_space<semaphore_mem>>) {add = true}
          %dma_wait3A_676 = arith.constant 0 : i32
          %dma_wait3A_677 = tpu.memref_slice %arg14[%add3A_648, %dma_wait3A_676] : memref<159x128xi32, #tpu.memory_space<vmem>> -> memref<1x128xi32, #tpu.memory_space<vmem>>
          %dma_wait3A_678 = tpu.memref_squeeze %dma_wait3A_677 : memref<1x128xi32, #tpu.memory_space<vmem>> -> memref<128xi32, #tpu.memory_space<vmem>>
          %dma_wait3A_679 = arith.constant 0 : i32
          %dma_wait3A_680 = arith.constant 0 : i32
          %dma_wait3A_681 = tpu.memref_slice %arg11[%dma_wait3A_679, %dma_wait3A_680] : memref<10240x64xf32, #tpu.memory_space<vmem_shared>> -> memref<10240x64xf32, #tpu.memory_space<vmem_shared>>
          tpu.wait_indirect_dma semaphore(%run_scoped3A : memref<!tpu.dma_semaphore, #tpu.memory_space<semaphore_mem>>) src(%arg17 : memref<128x64xf32, #tpu.memory_space<vmem>>) dst(%dma_wait3A_681 : memref<10240x64xf32, #tpu.memory_space<vmem_shared>>)
          tpu.yield
        }) : () -> ()
        %add3A_649 = arith.constant 2 : i32
        %add3A_650 = arith.addi %mul3A_582, %add3A_649 : i32
        %ge3A_651 = arith.constant 80 : i32
        %ge3A_652 = arith.cmpi sge, %add3A_650, %ge3A_651 : i32
        %add3A_653 = arith.constant 2 : i32
        %add3A_654 = arith.addi %mul3A_582, %add3A_653 : i32
        %lt3A_655 = arith.constant 159 : i32
        %lt3A_656 = arith.cmpi slt, %add3A_654, %lt3A_655 : i32
        %and3A_657 = arith.andi %ge3A_652, %lt3A_656 : i1
        %convert_element_type3A_658 = arith.extui %and3A_657 : i1 to i32
        %cond3A_659 = arith.constant 0 : i32
        %cond3A_660 = arith.cmpi ne, %convert_element_type3A_658, %cond3A_659 : i32
        scf.if %cond3A_660 {
          %add3A_670 = arith.constant 2 : i32
          %add3A_671 = arith.addi %mul3A_582, %add3A_670 : i32
          "tpu.region"() ({
            %run_scoped3A = tpu.sem_alloc : memref<!tpu.dma_semaphore, #tpu.memory_space<semaphore_mem>>
            %dma_start3A_672 = arith.constant 0 : i32
            %dma_start3A_673 = tpu.memref_slice %arg14[%add3A_671, %dma_start3A_672] : memref<159x128xi32, #tpu.memory_space<vmem>> -> memref<1x128xi32, #tpu.memory_space<vmem>>
            %dma_start3A_674 = tpu.memref_squeeze %dma_start3A_673 : memref<1x128xi32, #tpu.memory_space<vmem>> -> memref<128xi32, #tpu.memory_space<vmem>>
            %dma_start3A_675 = arith.constant 0 : i32
            %dma_start3A_676 = arith.constant 0 : i32
            %dma_start3A_677 = tpu.memref_slice %arg12[%dma_start3A_675, %dma_start3A_676] : memref<10240x8xf32, #tpu.memory_space<vmem_shared>> -> memref<10240x8xf32, #tpu.memory_space<vmem_shared>>
            tpu.enqueue_indirect_dma source(%arg24 : memref<128x8xf32, #tpu.memory_space<vmem>>) target(%dma_start3A_677 : memref<10240x8xf32, #tpu.memory_space<vmem_shared>>) offsets(%dma_start3A_674 : memref<128xi32, #tpu.memory_space<vmem>>) semaphore(%run_scoped3A : memref<!tpu.dma_semaphore, #tpu.memory_space<semaphore_mem>>) {add = true}
            %dma_wait3A_678 = arith.constant 0 : i32
            %dma_wait3A_679 = tpu.memref_slice %arg14[%add3A_671, %dma_wait3A_678] : memref<159x128xi32, #tpu.memory_space<vmem>> -> memref<1x128xi32, #tpu.memory_space<vmem>>
            %dma_wait3A_680 = tpu.memref_squeeze %dma_wait3A_679 : memref<1x128xi32, #tpu.memory_space<vmem>> -> memref<128xi32, #tpu.memory_space<vmem>>
            %dma_wait3A_681 = arith.constant 0 : i32
            %dma_wait3A_682 = arith.constant 0 : i32
            %dma_wait3A_683 = tpu.memref_slice %arg12[%dma_wait3A_681, %dma_wait3A_682] : memref<10240x8xf32, #tpu.memory_space<vmem_shared>> -> memref<10240x8xf32, #tpu.memory_space<vmem_shared>>
            tpu.wait_indirect_dma semaphore(%run_scoped3A : memref<!tpu.dma_semaphore, #tpu.memory_space<semaphore_mem>>) src(%arg24 : memref<128x8xf32, #tpu.memory_space<vmem>>) dst(%dma_wait3A_683 : memref<10240x8xf32, #tpu.memory_space<vmem_shared>>)
            tpu.yield
          }) : () -> ()
        } else {
        }
        %add3A_661 = arith.constant 3 : i32
        %add3A_662 = arith.addi %mul3A_582, %add3A_661 : i32
        %add3A_663 = arith.constant 2 : i32
        %add3A_664 = arith.addi %add3A_662, %add3A_663 : i32
        %lt3A_665 = arith.constant 159 : i32
        %lt3A_666 = arith.cmpi slt, %add3A_664, %lt3A_665 : i32
        %convert_element_type3A_667 = arith.extui %lt3A_666 : i1 to i32
        %cond3A_668 = arith.constant 0 : i32
        %cond3A_669 = arith.cmpi ne, %convert_element_type3A_667, %cond3A_668 : i32
        scf.if %cond3A_669 {
          %add3A_670 = arith.constant 3 : i32
          %add3A_671 = arith.addi %mul3A_582, %add3A_670 : i32
          %add3A_672 = arith.constant 2 : i32
          %add3A_673 = arith.addi %add3A_671, %add3A_672 : i32
          %dma_start3A_674 = arith.constant 0 : i32
          %dma_start3A_675 = tpu.memref_slice %arg13[%add3A_673, %dma_start3A_674] : memref<159x128xi32, #tpu.memory_space<vmem>> -> memref<1x128xi32, #tpu.memory_space<vmem>>
          %dma_start3A_676 = tpu.memref_squeeze %dma_start3A_675 : memref<1x128xi32, #tpu.memory_space<vmem>> -> memref<128xi32, #tpu.memory_space<vmem>>
          %dma_start3A_677 = arith.constant 0 : i32
          %dma_start3A_678 = arith.constant 0 : i32
          %dma_start3A_679 = tpu.memref_slice %arg3[%dma_start3A_677, %dma_start3A_678] : memref<10000x64xf32, #tpu.memory_space<hbm>> -> memref<10000x64xf32, #tpu.memory_space<hbm>>
          tpu.enqueue_indirect_dma source(%dma_start3A_679 : memref<10000x64xf32, #tpu.memory_space<hbm>>) target(%arg17 : memref<128x64xf32, #tpu.memory_space<vmem>>) offsets(%dma_start3A_676 : memref<128xi32, #tpu.memory_space<vmem>>) semaphore(%arg21 : memref<!tpu.dma_semaphore, #tpu.memory_space<semaphore_mem>>)
        } else {
        }
      }
      %scan3A_579 = arith.constant 53 : i32
    } else {
    }
    %barrier3A_165 = arith.constant 0 : index
    tpu.barrier barrier_id(%barrier3A_165)
    %dma_start3A_166 = arith.constant 0 : i32
    %dma_start3A_167 = arith.constant 0 : i32
    %dma_start3A_168 = tpu.memref_slice %arg15[%dma_start3A_166, %dma_start3A_167] : memref<128x64xf32, #tpu.memory_space<vmem>> -> memref<80x64xf32, #tpu.memory_space<vmem>>
    %dma_start3A_169 = arith.constant 0 : i32
    %dma_start3A_170 = tpu.memref_slice %arg11[%mul3A_0, %dma_start3A_169] : memref<10240x64xf32, #tpu.memory_space<vmem_shared>> -> memref<80x64xf32, #tpu.memory_space<vmem_shared>>
    %dma_start3A_171 = arith.constant 0 : i32
    %dma_start3A_172 = arith.constant 0 : i32
    %dma_start3A_173 = tpu.memref_slice %arg15[%dma_start3A_171, %dma_start3A_172] : memref<128x64xf32, #tpu.memory_space<vmem>> -> memref<80x64xf32, #tpu.memory_space<vmem>>
    %dma_start3A_174 = arith.constant 0 : i32
    %dma_start3A_175 = tpu.memref_slice %arg11[%mul3A_0, %dma_start3A_174] : memref<10240x64xf32, #tpu.memory_space<vmem_shared>> -> memref<80x64xf32, #tpu.memory_space<vmem_shared>>
    tpu.enqueue_dma source(%dma_start3A_175 : memref<80x64xf32, #tpu.memory_space<vmem_shared>>) target(%dma_start3A_173 : memref<80x64xf32, #tpu.memory_space<vmem>>) target_semaphore(%arg19 : memref<!tpu.dma_semaphore, #tpu.memory_space<semaphore_mem>>)
    %dma_wait3A_176 = arith.constant 0 : i32
    %dma_wait3A_177 = arith.constant 0 : i32
    %dma_wait3A_178 = tpu.memref_slice %arg15[%dma_wait3A_176, %dma_wait3A_177] : memref<128x64xf32, #tpu.memory_space<vmem>> -> memref<80x64xf32, #tpu.memory_space<vmem>>
    %dma_wait3A_179 = arith.constant 0 : i32
    %dma_wait3A_180 = tpu.memref_slice %arg11[%mul3A_0, %dma_wait3A_179] : memref<10240x64xf32, #tpu.memory_space<vmem_shared>> -> memref<80x64xf32, #tpu.memory_space<vmem_shared>>
    %dma_wait3A_181 = arith.constant 0 : i32
    %dma_wait3A_182 = arith.constant 0 : i32
    %dma_wait3A_183 = tpu.memref_slice %arg15[%dma_wait3A_181, %dma_wait3A_182] : memref<128x64xf32, #tpu.memory_space<vmem>> -> memref<80x64xf32, #tpu.memory_space<vmem>>
    %dma_wait3A_184 = arith.constant 0 : i32
    %dma_wait3A_185 = tpu.memref_slice %arg11[%mul3A_0, %dma_wait3A_184] : memref<10240x64xf32, #tpu.memory_space<vmem_shared>> -> memref<80x64xf32, #tpu.memory_space<vmem_shared>>
    tpu.wait_dma2 semaphore(%arg19 : memref<!tpu.dma_semaphore, #tpu.memory_space<semaphore_mem>>) src(%dma_wait3A_185 : memref<80x64xf32, #tpu.memory_space<vmem_shared>>) dst(%dma_wait3A_183 : memref<80x64xf32, #tpu.memory_space<vmem>>)
    %add3A_186 = arith.constant 0 : i32
    %add3A_187 = arith.addi %mul3A_0, %add3A_186 : i32
    %dma_start3A_188 = arith.constant 0 : i32
    %dma_start3A_189 = arith.constant 0 : i32
    %dma_start3A_190 = tpu.memref_slice %arg15[%dma_start3A_188, %dma_start3A_189] : memref<128x64xf32, #tpu.memory_space<vmem>> -> memref<80x64xf32, #tpu.memory_space<vmem>>
    %dma_start3A_191 = arith.constant 0 : i32
    %dma_start3A_192 = tpu.memref_slice %arg9[%arg0, %add3A_187, %dma_start3A_191] : memref<2x10240x64xf32, #tpu.memory_space<hbm>> -> memref<1x80x64xf32, #tpu.memory_space<hbm>>
    %dma_start3A_193 = tpu.memref_squeeze %dma_start3A_192 : memref<1x80x64xf32, #tpu.memory_space<hbm>> -> memref<80x64xf32, #tpu.memory_space<hbm>>
    %dma_start3A_194 = arith.constant 0 : i32
    %dma_start3A_195 = tpu.memref_slice %arg9[%arg0, %add3A_187, %dma_start3A_194] : memref<2x10240x64xf32, #tpu.memory_space<hbm>> -> memref<1x80x64xf32, #tpu.memory_space<hbm>>
    %dma_start3A_196 = tpu.memref_squeeze %dma_start3A_195 : memref<1x80x64xf32, #tpu.memory_space<hbm>> -> memref<80x64xf32, #tpu.memory_space<hbm>>
    %dma_start3A_197 = arith.constant 0 : i32
    %dma_start3A_198 = arith.constant 0 : i32
    %dma_start3A_199 = tpu.memref_slice %arg15[%dma_start3A_197, %dma_start3A_198] : memref<128x64xf32, #tpu.memory_space<vmem>> -> memref<80x64xf32, #tpu.memory_space<vmem>>
    tpu.enqueue_dma source(%dma_start3A_199 : memref<80x64xf32, #tpu.memory_space<vmem>>) target(%dma_start3A_196 : memref<80x64xf32, #tpu.memory_space<hbm>>) target_semaphore(%arg22 : memref<!tpu.dma_semaphore, #tpu.memory_space<semaphore_mem>>)
    %add3A_200 = arith.constant 80 : i32
    %add3A_201 = arith.addi %mul3A_0, %add3A_200 : i32
    %dma_start3A_202 = arith.constant 0 : i32
    %dma_start3A_203 = arith.constant 0 : i32
    %dma_start3A_204 = tpu.memref_slice %arg16[%dma_start3A_202, %dma_start3A_203] : memref<128x64xf32, #tpu.memory_space<vmem>> -> memref<80x64xf32, #tpu.memory_space<vmem>>
    %dma_start3A_205 = arith.constant 0 : i32
    %dma_start3A_206 = tpu.memref_slice %arg11[%add3A_201, %dma_start3A_205] : memref<10240x64xf32, #tpu.memory_space<vmem_shared>> -> memref<80x64xf32, #tpu.memory_space<vmem_shared>>
    %dma_start3A_207 = arith.constant 0 : i32
    %dma_start3A_208 = arith.constant 0 : i32
    %dma_start3A_209 = tpu.memref_slice %arg16[%dma_start3A_207, %dma_start3A_208] : memref<128x64xf32, #tpu.memory_space<vmem>> -> memref<80x64xf32, #tpu.memory_space<vmem>>
    %dma_start3A_210 = arith.constant 0 : i32
    %dma_start3A_211 = tpu.memref_slice %arg11[%add3A_201, %dma_start3A_210] : memref<10240x64xf32, #tpu.memory_space<vmem_shared>> -> memref<80x64xf32, #tpu.memory_space<vmem_shared>>
    tpu.enqueue_dma source(%dma_start3A_211 : memref<80x64xf32, #tpu.memory_space<vmem_shared>>) target(%dma_start3A_209 : memref<80x64xf32, #tpu.memory_space<vmem>>) target_semaphore(%arg20 : memref<!tpu.dma_semaphore, #tpu.memory_space<semaphore_mem>>)
    %dma_wait3A_212 = arith.constant 0 : i32
    %dma_wait3A_213 = arith.constant 0 : i32
    %dma_wait3A_214 = tpu.memref_slice %arg16[%dma_wait3A_212, %dma_wait3A_213] : memref<128x64xf32, #tpu.memory_space<vmem>> -> memref<80x64xf32, #tpu.memory_space<vmem>>
    %dma_wait3A_215 = arith.constant 0 : i32
    %dma_wait3A_216 = tpu.memref_slice %arg11[%mul3A_0, %dma_wait3A_215] : memref<10240x64xf32, #tpu.memory_space<vmem_shared>> -> memref<80x64xf32, #tpu.memory_space<vmem_shared>>
    %dma_wait3A_217 = arith.constant 0 : i32
    %dma_wait3A_218 = arith.constant 0 : i32
    %dma_wait3A_219 = tpu.memref_slice %arg16[%dma_wait3A_217, %dma_wait3A_218] : memref<128x64xf32, #tpu.memory_space<vmem>> -> memref<80x64xf32, #tpu.memory_space<vmem>>
    %dma_wait3A_220 = arith.constant 0 : i32
    %dma_wait3A_221 = tpu.memref_slice %arg11[%mul3A_0, %dma_wait3A_220] : memref<10240x64xf32, #tpu.memory_space<vmem_shared>> -> memref<80x64xf32, #tpu.memory_space<vmem_shared>>
    tpu.wait_dma2 semaphore(%arg20 : memref<!tpu.dma_semaphore, #tpu.memory_space<semaphore_mem>>) src(%dma_wait3A_221 : memref<80x64xf32, #tpu.memory_space<vmem_shared>>) dst(%dma_wait3A_219 : memref<80x64xf32, #tpu.memory_space<vmem>>)
    %add3A_222 = arith.constant 80 : i32
    %add3A_223 = arith.addi %mul3A_0, %add3A_222 : i32
    %dma_start3A_224 = arith.constant 0 : i32
    %dma_start3A_225 = arith.constant 0 : i32
    %dma_start3A_226 = tpu.memref_slice %arg16[%dma_start3A_224, %dma_start3A_225] : memref<128x64xf32, #tpu.memory_space<vmem>> -> memref<80x64xf32, #tpu.memory_space<vmem>>
    %dma_start3A_227 = arith.constant 0 : i32
    %dma_start3A_228 = tpu.memref_slice %arg9[%arg0, %add3A_223, %dma_start3A_227] : memref<2x10240x64xf32, #tpu.memory_space<hbm>> -> memref<1x80x64xf32, #tpu.memory_space<hbm>>
    %dma_start3A_229 = tpu.memref_squeeze %dma_start3A_228 : memref<1x80x64xf32, #tpu.memory_space<hbm>> -> memref<80x64xf32, #tpu.memory_space<hbm>>
    %dma_start3A_230 = arith.constant 0 : i32
    %dma_start3A_231 = tpu.memref_slice %arg9[%arg0, %add3A_223, %dma_start3A_230] : memref<2x10240x64xf32, #tpu.memory_space<hbm>> -> memref<1x80x64xf32, #tpu.memory_space<hbm>>
    %dma_start3A_232 = tpu.memref_squeeze %dma_start3A_231 : memref<1x80x64xf32, #tpu.memory_space<hbm>> -> memref<80x64xf32, #tpu.memory_space<hbm>>
    %dma_start3A_233 = arith.constant 0 : i32
    %dma_start3A_234 = arith.constant 0 : i32
    %dma_start3A_235 = tpu.memref_slice %arg16[%dma_start3A_233, %dma_start3A_234] : memref<128x64xf32, #tpu.memory_space<vmem>> -> memref<80x64xf32, #tpu.memory_space<vmem>>
    tpu.enqueue_dma source(%dma_start3A_235 : memref<80x64xf32, #tpu.memory_space<vmem>>) target(%dma_start3A_232 : memref<80x64xf32, #tpu.memory_space<hbm>>) target_semaphore(%arg23 : memref<!tpu.dma_semaphore, #tpu.memory_space<semaphore_mem>>)
    %dma_wait3A_236 = arith.constant 0 : i32
    %dma_wait3A_237 = arith.constant 0 : i32
    %dma_wait3A_238 = tpu.memref_slice %arg15[%dma_wait3A_236, %dma_wait3A_237] : memref<128x64xf32, #tpu.memory_space<vmem>> -> memref<80x64xf32, #tpu.memory_space<vmem>>
    %dma_wait3A_239 = arith.constant 0 : i32
    %dma_wait3A_240 = tpu.memref_slice %arg9[%arg0, %mul3A_0, %dma_wait3A_239] : memref<2x10240x64xf32, #tpu.memory_space<hbm>> -> memref<1x80x64xf32, #tpu.memory_space<hbm>>
    %dma_wait3A_241 = tpu.memref_squeeze %dma_wait3A_240 : memref<1x80x64xf32, #tpu.memory_space<hbm>> -> memref<80x64xf32, #tpu.memory_space<hbm>>
    %dma_wait3A_242 = arith.constant 0 : i32
    %dma_wait3A_243 = tpu.memref_slice %arg9[%arg0, %mul3A_0, %dma_wait3A_242] : memref<2x10240x64xf32, #tpu.memory_space<hbm>> -> memref<1x80x64xf32, #tpu.memory_space<hbm>>
    %dma_wait3A_244 = tpu.memref_squeeze %dma_wait3A_243 : memref<1x80x64xf32, #tpu.memory_space<hbm>> -> memref<80x64xf32, #tpu.memory_space<hbm>>
    %dma_wait3A_245 = arith.constant 0 : i32
    %dma_wait3A_246 = arith.constant 0 : i32
    %dma_wait3A_247 = tpu.memref_slice %arg15[%dma_wait3A_245, %dma_wait3A_246] : memref<128x64xf32, #tpu.memory_space<vmem>> -> memref<80x64xf32, #tpu.memory_space<vmem>>
    tpu.wait_dma2 semaphore(%arg22 : memref<!tpu.dma_semaphore, #tpu.memory_space<semaphore_mem>>) src(%dma_wait3A_247 : memref<80x64xf32, #tpu.memory_space<vmem>>) dst(%dma_wait3A_244 : memref<80x64xf32, #tpu.memory_space<hbm>>)
    %add3A_248 = arith.constant 160 : i32
    %add3A_249 = arith.addi %mul3A_0, %add3A_248 : i32
    %dma_start3A_250 = arith.constant 0 : i32
    %dma_start3A_251 = arith.constant 0 : i32
    %dma_start3A_252 = tpu.memref_slice %arg15[%dma_start3A_250, %dma_start3A_251] : memref<128x64xf32, #tpu.memory_space<vmem>> -> memref<80x64xf32, #tpu.memory_space<vmem>>
    %dma_start3A_253 = arith.constant 0 : i32
    %dma_start3A_254 = tpu.memref_slice %arg11[%add3A_249, %dma_start3A_253] : memref<10240x64xf32, #tpu.memory_space<vmem_shared>> -> memref<80x64xf32, #tpu.memory_space<vmem_shared>>
    %dma_start3A_255 = arith.constant 0 : i32
    %dma_start3A_256 = arith.constant 0 : i32
    %dma_start3A_257 = tpu.memref_slice %arg15[%dma_start3A_255, %dma_start3A_256] : memref<128x64xf32, #tpu.memory_space<vmem>> -> memref<80x64xf32, #tpu.memory_space<vmem>>
    %dma_start3A_258 = arith.constant 0 : i32
    %dma_start3A_259 = tpu.memref_slice %arg11[%add3A_249, %dma_start3A_258] : memref<10240x64xf32, #tpu.memory_space<vmem_shared>> -> memref<80x64xf32, #tpu.memory_space<vmem_shared>>
    tpu.enqueue_dma source(%dma_start3A_259 : memref<80x64xf32, #tpu.memory_space<vmem_shared>>) target(%dma_start3A_257 : memref<80x64xf32, #tpu.memory_space<vmem>>) target_semaphore(%arg19 : memref<!tpu.dma_semaphore, #tpu.memory_space<semaphore_mem>>)
    %dma_wait3A_260 = arith.constant 0 : i32
    %dma_wait3A_261 = arith.constant 0 : i32
    %dma_wait3A_262 = tpu.memref_slice %arg15[%dma_wait3A_260, %dma_wait3A_261] : memref<128x64xf32, #tpu.memory_space<vmem>> -> memref<80x64xf32, #tpu.memory_space<vmem>>
    %dma_wait3A_263 = arith.constant 0 : i32
    %dma_wait3A_264 = tpu.memref_slice %arg11[%mul3A_0, %dma_wait3A_263] : memref<10240x64xf32, #tpu.memory_space<vmem_shared>> -> memref<80x64xf32, #tpu.memory_space<vmem_shared>>
    %dma_wait3A_265 = arith.constant 0 : i32
    %dma_wait3A_266 = arith.constant 0 : i32
    %dma_wait3A_267 = tpu.memref_slice %arg15[%dma_wait3A_265, %dma_wait3A_266] : memref<128x64xf32, #tpu.memory_space<vmem>> -> memref<80x64xf32, #tpu.memory_space<vmem>>
    %dma_wait3A_268 = arith.constant 0 : i32
    %dma_wait3A_269 = tpu.memref_slice %arg11[%mul3A_0, %dma_wait3A_268] : memref<10240x64xf32, #tpu.memory_space<vmem_shared>> -> memref<80x64xf32, #tpu.memory_space<vmem_shared>>
    tpu.wait_dma2 semaphore(%arg19 : memref<!tpu.dma_semaphore, #tpu.memory_space<semaphore_mem>>) src(%dma_wait3A_269 : memref<80x64xf32, #tpu.memory_space<vmem_shared>>) dst(%dma_wait3A_267 : memref<80x64xf32, #tpu.memory_space<vmem>>)
    %add3A_270 = arith.constant 160 : i32
    %add3A_271 = arith.addi %mul3A_0, %add3A_270 : i32
    %dma_start3A_272 = arith.constant 0 : i32
    %dma_start3A_273 = arith.constant 0 : i32
    %dma_start3A_274 = tpu.memref_slice %arg15[%dma_start3A_272, %dma_start3A_273] : memref<128x64xf32, #tpu.memory_space<vmem>> -> memref<80x64xf32, #tpu.memory_space<vmem>>
    %dma_start3A_275 = arith.constant 0 : i32
    %dma_start3A_276 = tpu.memref_slice %arg9[%arg0, %add3A_271, %dma_start3A_275] : memref<2x10240x64xf32, #tpu.memory_space<hbm>> -> memref<1x80x64xf32, #tpu.memory_space<hbm>>
    %dma_start3A_277 = tpu.memref_squeeze %dma_start3A_276 : memref<1x80x64xf32, #tpu.memory_space<hbm>> -> memref<80x64xf32, #tpu.memory_space<hbm>>
    %dma_start3A_278 = arith.constant 0 : i32
    %dma_start3A_279 = tpu.memref_slice %arg9[%arg0, %add3A_271, %dma_start3A_278] : memref<2x10240x64xf32, #tpu.memory_space<hbm>> -> memref<1x80x64xf32, #tpu.memory_space<hbm>>
    %dma_start3A_280 = tpu.memref_squeeze %dma_start3A_279 : memref<1x80x64xf32, #tpu.memory_space<hbm>> -> memref<80x64xf32, #tpu.memory_space<hbm>>
    %dma_start3A_281 = arith.constant 0 : i32
    %dma_start3A_282 = arith.constant 0 : i32
    %dma_start3A_283 = tpu.memref_slice %arg15[%dma_start3A_281, %dma_start3A_282] : memref<128x64xf32, #tpu.memory_space<vmem>> -> memref<80x64xf32, #tpu.memory_space<vmem>>
    tpu.enqueue_dma source(%dma_start3A_283 : memref<80x64xf32, #tpu.memory_space<vmem>>) target(%dma_start3A_280 : memref<80x64xf32, #tpu.memory_space<hbm>>) target_semaphore(%arg22 : memref<!tpu.dma_semaphore, #tpu.memory_space<semaphore_mem>>)
    %dma_wait3A_284 = arith.constant 0 : i32
    %dma_wait3A_285 = arith.constant 0 : i32
    %dma_wait3A_286 = tpu.memref_slice %arg16[%dma_wait3A_284, %dma_wait3A_285] : memref<128x64xf32, #tpu.memory_space<vmem>> -> memref<80x64xf32, #tpu.memory_space<vmem>>
    %dma_wait3A_287 = arith.constant 0 : i32
    %dma_wait3A_288 = tpu.memref_slice %arg9[%arg0, %mul3A_0, %dma_wait3A_287] : memref<2x10240x64xf32, #tpu.memory_space<hbm>> -> memref<1x80x64xf32, #tpu.memory_space<hbm>>
    %dma_wait3A_289 = tpu.memref_squeeze %dma_wait3A_288 : memref<1x80x64xf32, #tpu.memory_space<hbm>> -> memref<80x64xf32, #tpu.memory_space<hbm>>
    %dma_wait3A_290 = arith.constant 0 : i32
    %dma_wait3A_291 = tpu.memref_slice %arg9[%arg0, %mul3A_0, %dma_wait3A_290] : memref<2x10240x64xf32, #tpu.memory_space<hbm>> -> memref<1x80x64xf32, #tpu.memory_space<hbm>>
    %dma_wait3A_292 = tpu.memref_squeeze %dma_wait3A_291 : memref<1x80x64xf32, #tpu.memory_space<hbm>> -> memref<80x64xf32, #tpu.memory_space<hbm>>
    %dma_wait3A_293 = arith.constant 0 : i32
    %dma_wait3A_294 = arith.constant 0 : i32
    %dma_wait3A_295 = tpu.memref_slice %arg16[%dma_wait3A_293, %dma_wait3A_294] : memref<128x64xf32, #tpu.memory_space<vmem>> -> memref<80x64xf32, #tpu.memory_space<vmem>>
    tpu.wait_dma2 semaphore(%arg23 : memref<!tpu.dma_semaphore, #tpu.memory_space<semaphore_mem>>) src(%dma_wait3A_295 : memref<80x64xf32, #tpu.memory_space<vmem>>) dst(%dma_wait3A_292 : memref<80x64xf32, #tpu.memory_space<hbm>>)
    %add3A_296 = arith.constant 240 : i32
    %add3A_297 = arith.addi %mul3A_0, %add3A_296 : i32
    %dma_start3A_298 = arith.constant 0 : i32
    %dma_start3A_299 = arith.constant 0 : i32
    %dma_start3A_300 = tpu.memref_slice %arg16[%dma_start3A_298, %dma_start3A_299] : memref<128x64xf32, #tpu.memory_space<vmem>> -> memref<80x64xf32, #tpu.memory_space<vmem>>
    %dma_start3A_301 = arith.constant 0 : i32
    %dma_start3A_302 = tpu.memref_slice %arg11[%add3A_297, %dma_start3A_301] : memref<10240x64xf32, #tpu.memory_space<vmem_shared>> -> memref<80x64xf32, #tpu.memory_space<vmem_shared>>
    %dma_start3A_303 = arith.constant 0 : i32
    %dma_start3A_304 = arith.constant 0 : i32
    %dma_start3A_305 = tpu.memref_slice %arg16[%dma_start3A_303, %dma_start3A_304] : memref<128x64xf32, #tpu.memory_space<vmem>> -> memref<80x64xf32, #tpu.memory_space<vmem>>
    %dma_start3A_306 = arith.constant 0 : i32
    %dma_start3A_307 = tpu.memref_slice %arg11[%add3A_297, %dma_start3A_306] : memref<10240x64xf32, #tpu.memory_space<vmem_shared>> -> memref<80x64xf32, #tpu.memory_space<vmem_shared>>
    tpu.enqueue_dma source(%dma_start3A_307 : memref<80x64xf32, #tpu.memory_space<vmem_shared>>) target(%dma_start3A_305 : memref<80x64xf32, #tpu.memory_space<vmem>>) target_semaphore(%arg20 : memref<!tpu.dma_semaphore, #tpu.memory_space<semaphore_mem>>)
    %dma_wait3A_308 = arith.constant 0 : i32
    %dma_wait3A_309 = arith.constant 0 : i32
    %dma_wait3A_310 = tpu.memref_slice %arg16[%dma_wait3A_308, %dma_wait3A_309] : memref<128x64xf32, #tpu.memory_space<vmem>> -> memref<80x64xf32, #tpu.memory_space<vmem>>
    %dma_wait3A_311 = arith.constant 0 : i32
    %dma_wait3A_312 = tpu.memref_slice %arg11[%mul3A_0, %dma_wait3A_311] : memref<10240x64xf32, #tpu.memory_space<vmem_shared>> -> memref<80x64xf32, #tpu.memory_space<vmem_shared>>
    %dma_wait3A_313 = arith.constant 0 : i32
    %dma_wait3A_314 = arith.constant 0 : i32
    %dma_wait3A_315 = tpu.memref_slice %arg16[%dma_wait3A_313, %dma_wait3A_314] : memref<128x64xf32, #tpu.memory_space<vmem>> -> memref<80x64xf32, #tpu.memory_space<vmem>>
    %dma_wait3A_316 = arith.constant 0 : i32
    %dma_wait3A_317 = tpu.memref_slice %arg11[%mul3A_0, %dma_wait3A_316] : memref<10240x64xf32, #tpu.memory_space<vmem_shared>> -> memref<80x64xf32, #tpu.memory_space<vmem_shared>>
    tpu.wait_dma2 semaphore(%arg20 : memref<!tpu.dma_semaphore, #tpu.memory_space<semaphore_mem>>) src(%dma_wait3A_317 : memref<80x64xf32, #tpu.memory_space<vmem_shared>>) dst(%dma_wait3A_315 : memref<80x64xf32, #tpu.memory_space<vmem>>)
    %add3A_318 = arith.constant 240 : i32
    %add3A_319 = arith.addi %mul3A_0, %add3A_318 : i32
    %dma_start3A_320 = arith.constant 0 : i32
    %dma_start3A_321 = arith.constant 0 : i32
    %dma_start3A_322 = tpu.memref_slice %arg16[%dma_start3A_320, %dma_start3A_321] : memref<128x64xf32, #tpu.memory_space<vmem>> -> memref<80x64xf32, #tpu.memory_space<vmem>>
    %dma_start3A_323 = arith.constant 0 : i32
    %dma_start3A_324 = tpu.memref_slice %arg9[%arg0, %add3A_319, %dma_start3A_323] : memref<2x10240x64xf32, #tpu.memory_space<hbm>> -> memref<1x80x64xf32, #tpu.memory_space<hbm>>
    %dma_start3A_325 = tpu.memref_squeeze %dma_start3A_324 : memref<1x80x64xf32, #tpu.memory_space<hbm>> -> memref<80x64xf32, #tpu.memory_space<hbm>>
    %dma_start3A_326 = arith.constant 0 : i32
    %dma_start3A_327 = tpu.memref_slice %arg9[%arg0, %add3A_319, %dma_start3A_326] : memref<2x10240x64xf32, #tpu.memory_space<hbm>> -> memref<1x80x64xf32, #tpu.memory_space<hbm>>
    %dma_start3A_328 = tpu.memref_squeeze %dma_start3A_327 : memref<1x80x64xf32, #tpu.memory_space<hbm>> -> memref<80x64xf32, #tpu.memory_space<hbm>>
    %dma_start3A_329 = arith.constant 0 : i32
    %dma_start3A_330 = arith.constant 0 : i32
    %dma_start3A_331 = tpu.memref_slice %arg16[%dma_start3A_329, %dma_start3A_330] : memref<128x64xf32, #tpu.memory_space<vmem>> -> memref<80x64xf32, #tpu.memory_space<vmem>>
    tpu.enqueue_dma source(%dma_start3A_331 : memref<80x64xf32, #tpu.memory_space<vmem>>) target(%dma_start3A_328 : memref<80x64xf32, #tpu.memory_space<hbm>>) target_semaphore(%arg23 : memref<!tpu.dma_semaphore, #tpu.memory_space<semaphore_mem>>)
    %dma_wait3A_332 = arith.constant 0 : i32
    %dma_wait3A_333 = arith.constant 0 : i32
    %dma_wait3A_334 = tpu.memref_slice %arg15[%dma_wait3A_332, %dma_wait3A_333] : memref<128x64xf32, #tpu.memory_space<vmem>> -> memref<80x64xf32, #tpu.memory_space<vmem>>
    %dma_wait3A_335 = arith.constant 0 : i32
    %dma_wait3A_336 = tpu.memref_slice %arg9[%arg0, %mul3A_0, %dma_wait3A_335] : memref<2x10240x64xf32, #tpu.memory_space<hbm>> -> memref<1x80x64xf32, #tpu.memory_space<hbm>>
    %dma_wait3A_337 = tpu.memref_squeeze %dma_wait3A_336 : memref<1x80x64xf32, #tpu.memory_space<hbm>> -> memref<80x64xf32, #tpu.memory_space<hbm>>
    %dma_wait3A_338 = arith.constant 0 : i32
    %dma_wait3A_339 = tpu.memref_slice %arg9[%arg0, %mul3A_0, %dma_wait3A_338] : memref<2x10240x64xf32, #tpu.memory_space<hbm>> -> memref<1x80x64xf32, #tpu.memory_space<hbm>>
    %dma_wait3A_340 = tpu.memref_squeeze %dma_wait3A_339 : memref<1x80x64xf32, #tpu.memory_space<hbm>> -> memref<80x64xf32, #tpu.memory_space<hbm>>
    %dma_wait3A_341 = arith.constant 0 : i32
    %dma_wait3A_342 = arith.constant 0 : i32
    %dma_wait3A_343 = tpu.memref_slice %arg15[%dma_wait3A_341, %dma_wait3A_342] : memref<128x64xf32, #tpu.memory_space<vmem>> -> memref<80x64xf32, #tpu.memory_space<vmem>>
    tpu.wait_dma2 semaphore(%arg22 : memref<!tpu.dma_semaphore, #tpu.memory_space<semaphore_mem>>) src(%dma_wait3A_343 : memref<80x64xf32, #tpu.memory_space<vmem>>) dst(%dma_wait3A_340 : memref<80x64xf32, #tpu.memory_space<hbm>>)
    %add3A_344 = arith.constant 320 : i32
    %add3A_345 = arith.addi %mul3A_0, %add3A_344 : i32
    %dma_start3A_346 = arith.constant 0 : i32
    %dma_start3A_347 = arith.constant 0 : i32
    %dma_start3A_348 = tpu.memref_slice %arg15[%dma_start3A_346, %dma_start3A_347] : memref<128x64xf32, #tpu.memory_space<vmem>> -> memref<80x64xf32, #tpu.memory_space<vmem>>
    %dma_start3A_349 = arith.constant 0 : i32
    %dma_start3A_350 = tpu.memref_slice %arg11[%add3A_345, %dma_start3A_349] : memref<10240x64xf32, #tpu.memory_space<vmem_shared>> -> memref<80x64xf32, #tpu.memory_space<vmem_shared>>
    %dma_start3A_351 = arith.constant 0 : i32
    %dma_start3A_352 = arith.constant 0 : i32
    %dma_start3A_353 = tpu.memref_slice %arg15[%dma_start3A_351, %dma_start3A_352] : memref<128x64xf32, #tpu.memory_space<vmem>> -> memref<80x64xf32, #tpu.memory_space<vmem>>
    %dma_start3A_354 = arith.constant 0 : i32
    %dma_start3A_355 = tpu.memref_slice %arg11[%add3A_345, %dma_start3A_354] : memref<10240x64xf32, #tpu.memory_space<vmem_shared>> -> memref<80x64xf32, #tpu.memory_space<vmem_shared>>
    tpu.enqueue_dma source(%dma_start3A_355 : memref<80x64xf32, #tpu.memory_space<vmem_shared>>) target(%dma_start3A_353 : memref<80x64xf32, #tpu.memory_space<vmem>>) target_semaphore(%arg19 : memref<!tpu.dma_semaphore, #tpu.memory_space<semaphore_mem>>)
    %dma_wait3A_356 = arith.constant 0 : i32
    %dma_wait3A_357 = arith.constant 0 : i32
    %dma_wait3A_358 = tpu.memref_slice %arg15[%dma_wait3A_356, %dma_wait3A_357] : memref<128x64xf32, #tpu.memory_space<vmem>> -> memref<80x64xf32, #tpu.memory_space<vmem>>
    %dma_wait3A_359 = arith.constant 0 : i32
    %dma_wait3A_360 = tpu.memref_slice %arg11[%mul3A_0, %dma_wait3A_359] : memref<10240x64xf32, #tpu.memory_space<vmem_shared>> -> memref<80x64xf32, #tpu.memory_space<vmem_shared>>
    %dma_wait3A_361 = arith.constant 0 : i32
    %dma_wait3A_362 = arith.constant 0 : i32
    %dma_wait3A_363 = tpu.memref_slice %arg15[%dma_wait3A_361, %dma_wait3A_362] : memref<128x64xf32, #tpu.memory_space<vmem>> -> memref<80x64xf32, #tpu.memory_space<vmem>>
    %dma_wait3A_364 = arith.constant 0 : i32
    %dma_wait3A_365 = tpu.memref_slice %arg11[%mul3A_0, %dma_wait3A_364] : memref<10240x64xf32, #tpu.memory_space<vmem_shared>> -> memref<80x64xf32, #tpu.memory_space<vmem_shared>>
    tpu.wait_dma2 semaphore(%arg19 : memref<!tpu.dma_semaphore, #tpu.memory_space<semaphore_mem>>) src(%dma_wait3A_365 : memref<80x64xf32, #tpu.memory_space<vmem_shared>>) dst(%dma_wait3A_363 : memref<80x64xf32, #tpu.memory_space<vmem>>)
    %add3A_366 = arith.constant 320 : i32
    %add3A_367 = arith.addi %mul3A_0, %add3A_366 : i32
    %dma_start3A_368 = arith.constant 0 : i32
    %dma_start3A_369 = arith.constant 0 : i32
    %dma_start3A_370 = tpu.memref_slice %arg15[%dma_start3A_368, %dma_start3A_369] : memref<128x64xf32, #tpu.memory_space<vmem>> -> memref<80x64xf32, #tpu.memory_space<vmem>>
    %dma_start3A_371 = arith.constant 0 : i32
    %dma_start3A_372 = tpu.memref_slice %arg9[%arg0, %add3A_367, %dma_start3A_371] : memref<2x10240x64xf32, #tpu.memory_space<hbm>> -> memref<1x80x64xf32, #tpu.memory_space<hbm>>
    %dma_start3A_373 = tpu.memref_squeeze %dma_start3A_372 : memref<1x80x64xf32, #tpu.memory_space<hbm>> -> memref<80x64xf32, #tpu.memory_space<hbm>>
    %dma_start3A_374 = arith.constant 0 : i32
    %dma_start3A_375 = tpu.memref_slice %arg9[%arg0, %add3A_367, %dma_start3A_374] : memref<2x10240x64xf32, #tpu.memory_space<hbm>> -> memref<1x80x64xf32, #tpu.memory_space<hbm>>
    %dma_start3A_376 = tpu.memref_squeeze %dma_start3A_375 : memref<1x80x64xf32, #tpu.memory_space<hbm>> -> memref<80x64xf32, #tpu.memory_space<hbm>>
    %dma_start3A_377 = arith.constant 0 : i32
    %dma_start3A_378 = arith.constant 0 : i32
    %dma_start3A_379 = tpu.memref_slice %arg15[%dma_start3A_377, %dma_start3A_378] : memref<128x64xf32, #tpu.memory_space<vmem>> -> memref<80x64xf32, #tpu.memory_space<vmem>>
    tpu.enqueue_dma source(%dma_start3A_379 : memref<80x64xf32, #tpu.memory_space<vmem>>) target(%dma_start3A_376 : memref<80x64xf32, #tpu.memory_space<hbm>>) target_semaphore(%arg22 : memref<!tpu.dma_semaphore, #tpu.memory_space<semaphore_mem>>)
    %dma_wait3A_380 = arith.constant 0 : i32
    %dma_wait3A_381 = arith.constant 0 : i32
    %dma_wait3A_382 = tpu.memref_slice %arg16[%dma_wait3A_380, %dma_wait3A_381] : memref<128x64xf32, #tpu.memory_space<vmem>> -> memref<80x64xf32, #tpu.memory_space<vmem>>
    %dma_wait3A_383 = arith.constant 0 : i32
    %dma_wait3A_384 = tpu.memref_slice %arg9[%arg0, %mul3A_0, %dma_wait3A_383] : memref<2x10240x64xf32, #tpu.memory_space<hbm>> -> memref<1x80x64xf32, #tpu.memory_space<hbm>>
    %dma_wait3A_385 = tpu.memref_squeeze %dma_wait3A_384 : memref<1x80x64xf32, #tpu.memory_space<hbm>> -> memref<80x64xf32, #tpu.memory_space<hbm>>
    %dma_wait3A_386 = arith.constant 0 : i32
    %dma_wait3A_387 = tpu.memref_slice %arg9[%arg0, %mul3A_0, %dma_wait3A_386] : memref<2x10240x64xf32, #tpu.memory_space<hbm>> -> memref<1x80x64xf32, #tpu.memory_space<hbm>>
    %dma_wait3A_388 = tpu.memref_squeeze %dma_wait3A_387 : memref<1x80x64xf32, #tpu.memory_space<hbm>> -> memref<80x64xf32, #tpu.memory_space<hbm>>
    %dma_wait3A_389 = arith.constant 0 : i32
    %dma_wait3A_390 = arith.constant 0 : i32
    %dma_wait3A_391 = tpu.memref_slice %arg16[%dma_wait3A_389, %dma_wait3A_390] : memref<128x64xf32, #tpu.memory_space<vmem>> -> memref<80x64xf32, #tpu.memory_space<vmem>>
    tpu.wait_dma2 semaphore(%arg23 : memref<!tpu.dma_semaphore, #tpu.memory_space<semaphore_mem>>) src(%dma_wait3A_391 : memref<80x64xf32, #tpu.memory_space<vmem>>) dst(%dma_wait3A_388 : memref<80x64xf32, #tpu.memory_space<hbm>>)
    %add3A_392 = arith.constant 400 : i32
    %add3A_393 = arith.addi %mul3A_0, %add3A_392 : i32
    %dma_start3A_394 = arith.constant 0 : i32
    %dma_start3A_395 = arith.constant 0 : i32
    %dma_start3A_396 = tpu.memref_slice %arg16[%dma_start3A_394, %dma_start3A_395] : memref<128x64xf32, #tpu.memory_space<vmem>> -> memref<80x64xf32, #tpu.memory_space<vmem>>
    %dma_start3A_397 = arith.constant 0 : i32
    %dma_start3A_398 = tpu.memref_slice %arg11[%add3A_393, %dma_start3A_397] : memref<10240x64xf32, #tpu.memory_space<vmem_shared>> -> memref<80x64xf32, #tpu.memory_space<vmem_shared>>
    %dma_start3A_399 = arith.constant 0 : i32
    %dma_start3A_400 = arith.constant 0 : i32
    %dma_start3A_401 = tpu.memref_slice %arg16[%dma_start3A_399, %dma_start3A_400] : memref<128x64xf32, #tpu.memory_space<vmem>> -> memref<80x64xf32, #tpu.memory_space<vmem>>
    %dma_start3A_402 = arith.constant 0 : i32
    %dma_start3A_403 = tpu.memref_slice %arg11[%add3A_393, %dma_start3A_402] : memref<10240x64xf32, #tpu.memory_space<vmem_shared>> -> memref<80x64xf32, #tpu.memory_space<vmem_shared>>
    tpu.enqueue_dma source(%dma_start3A_403 : memref<80x64xf32, #tpu.memory_space<vmem_shared>>) target(%dma_start3A_401 : memref<80x64xf32, #tpu.memory_space<vmem>>) target_semaphore(%arg20 : memref<!tpu.dma_semaphore, #tpu.memory_space<semaphore_mem>>)
    %dma_wait3A_404 = arith.constant 0 : i32
    %dma_wait3A_405 = arith.constant 0 : i32
    %dma_wait3A_406 = tpu.memref_slice %arg16[%dma_wait3A_404, %dma_wait3A_405] : memref<128x64xf32, #tpu.memory_space<vmem>> -> memref<80x64xf32, #tpu.memory_space<vmem>>
    %dma_wait3A_407 = arith.constant 0 : i32
    %dma_wait3A_408 = tpu.memref_slice %arg11[%mul3A_0, %dma_wait3A_407] : memref<10240x64xf32, #tpu.memory_space<vmem_shared>> -> memref<80x64xf32, #tpu.memory_space<vmem_shared>>
    %dma_wait3A_409 = arith.constant 0 : i32
    %dma_wait3A_410 = arith.constant 0 : i32
    %dma_wait3A_411 = tpu.memref_slice %arg16[%dma_wait3A_409, %dma_wait3A_410] : memref<128x64xf32, #tpu.memory_space<vmem>> -> memref<80x64xf32, #tpu.memory_space<vmem>>
    %dma_wait3A_412 = arith.constant 0 : i32
    %dma_wait3A_413 = tpu.memref_slice %arg11[%mul3A_0, %dma_wait3A_412] : memref<10240x64xf32, #tpu.memory_space<vmem_shared>> -> memref<80x64xf32, #tpu.memory_space<vmem_shared>>
    tpu.wait_dma2 semaphore(%arg20 : memref<!tpu.dma_semaphore, #tpu.memory_space<semaphore_mem>>) src(%dma_wait3A_413 : memref<80x64xf32, #tpu.memory_space<vmem_shared>>) dst(%dma_wait3A_411 : memref<80x64xf32, #tpu.memory_space<vmem>>)
    %add3A_414 = arith.constant 400 : i32
    %add3A_415 = arith.addi %mul3A_0, %add3A_414 : i32
    %dma_start3A_416 = arith.constant 0 : i32
    %dma_start3A_417 = arith.constant 0 : i32
    %dma_start3A_418 = tpu.memref_slice %arg16[%dma_start3A_416, %dma_start3A_417] : memref<128x64xf32, #tpu.memory_space<vmem>> -> memref<80x64xf32, #tpu.memory_space<vmem>>
    %dma_start3A_419 = arith.constant 0 : i32
    %dma_start3A_420 = tpu.memref_slice %arg9[%arg0, %add3A_415, %dma_start3A_419] : memref<2x10240x64xf32, #tpu.memory_space<hbm>> -> memref<1x80x64xf32, #tpu.memory_space<hbm>>
    %dma_start3A_421 = tpu.memref_squeeze %dma_start3A_420 : memref<1x80x64xf32, #tpu.memory_space<hbm>> -> memref<80x64xf32, #tpu.memory_space<hbm>>
    %dma_start3A_422 = arith.constant 0 : i32
    %dma_start3A_423 = tpu.memref_slice %arg9[%arg0, %add3A_415, %dma_start3A_422] : memref<2x10240x64xf32, #tpu.memory_space<hbm>> -> memref<1x80x64xf32, #tpu.memory_space<hbm>>
    %dma_start3A_424 = tpu.memref_squeeze %dma_start3A_423 : memref<1x80x64xf32, #tpu.memory_space<hbm>> -> memref<80x64xf32, #tpu.memory_space<hbm>>
    %dma_start3A_425 = arith.constant 0 : i32
    %dma_start3A_426 = arith.constant 0 : i32
    %dma_start3A_427 = tpu.memref_slice %arg16[%dma_start3A_425, %dma_start3A_426] : memref<128x64xf32, #tpu.memory_space<vmem>> -> memref<80x64xf32, #tpu.memory_space<vmem>>
    tpu.enqueue_dma source(%dma_start3A_427 : memref<80x64xf32, #tpu.memory_space<vmem>>) target(%dma_start3A_424 : memref<80x64xf32, #tpu.memory_space<hbm>>) target_semaphore(%arg23 : memref<!tpu.dma_semaphore, #tpu.memory_space<semaphore_mem>>)
    %dma_wait3A_428 = arith.constant 0 : i32
    %dma_wait3A_429 = arith.constant 0 : i32
    %dma_wait3A_430 = tpu.memref_slice %arg15[%dma_wait3A_428, %dma_wait3A_429] : memref<128x64xf32, #tpu.memory_space<vmem>> -> memref<80x64xf32, #tpu.memory_space<vmem>>
    %dma_wait3A_431 = arith.constant 0 : i32
    %dma_wait3A_432 = tpu.memref_slice %arg9[%arg0, %mul3A_0, %dma_wait3A_431] : memref<2x10240x64xf32, #tpu.memory_space<hbm>> -> memref<1x80x64xf32, #tpu.memory_space<hbm>>
    %dma_wait3A_433 = tpu.memref_squeeze %dma_wait3A_432 : memref<1x80x64xf32, #tpu.memory_space<hbm>> -> memref<80x64xf32, #tpu.memory_space<hbm>>
    %dma_wait3A_434 = arith.constant 0 : i32
    %dma_wait3A_435 = tpu.memref_slice %arg9[%arg0, %mul3A_0, %dma_wait3A_434] : memref<2x10240x64xf32, #tpu.memory_space<hbm>> -> memref<1x80x64xf32, #tpu.memory_space<hbm>>
    %dma_wait3A_436 = tpu.memref_squeeze %dma_wait3A_435 : memref<1x80x64xf32, #tpu.memory_space<hbm>> -> memref<80x64xf32, #tpu.memory_space<hbm>>
    %dma_wait3A_437 = arith.constant 0 : i32
    %dma_wait3A_438 = arith.constant 0 : i32
    %dma_wait3A_439 = tpu.memref_slice %arg15[%dma_wait3A_437, %dma_wait3A_438] : memref<128x64xf32, #tpu.memory_space<vmem>> -> memref<80x64xf32, #tpu.memory_space<vmem>>
    tpu.wait_dma2 semaphore(%arg22 : memref<!tpu.dma_semaphore, #tpu.memory_space<semaphore_mem>>) src(%dma_wait3A_439 : memref<80x64xf32, #tpu.memory_space<vmem>>) dst(%dma_wait3A_436 : memref<80x64xf32, #tpu.memory_space<hbm>>)
    %add3A_440 = arith.constant 480 : i32
    %add3A_441 = arith.addi %mul3A_0, %add3A_440 : i32
    %dma_start3A_442 = arith.constant 0 : i32
    %dma_start3A_443 = arith.constant 0 : i32
    %dma_start3A_444 = tpu.memref_slice %arg15[%dma_start3A_442, %dma_start3A_443] : memref<128x64xf32, #tpu.memory_space<vmem>> -> memref<80x64xf32, #tpu.memory_space<vmem>>
    %dma_start3A_445 = arith.constant 0 : i32
    %dma_start3A_446 = tpu.memref_slice %arg11[%add3A_441, %dma_start3A_445] : memref<10240x64xf32, #tpu.memory_space<vmem_shared>> -> memref<80x64xf32, #tpu.memory_space<vmem_shared>>
    %dma_start3A_447 = arith.constant 0 : i32
    %dma_start3A_448 = arith.constant 0 : i32
    %dma_start3A_449 = tpu.memref_slice %arg15[%dma_start3A_447, %dma_start3A_448] : memref<128x64xf32, #tpu.memory_space<vmem>> -> memref<80x64xf32, #tpu.memory_space<vmem>>
    %dma_start3A_450 = arith.constant 0 : i32
    %dma_start3A_451 = tpu.memref_slice %arg11[%add3A_441, %dma_start3A_450] : memref<10240x64xf32, #tpu.memory_space<vmem_shared>> -> memref<80x64xf32, #tpu.memory_space<vmem_shared>>
    tpu.enqueue_dma source(%dma_start3A_451 : memref<80x64xf32, #tpu.memory_space<vmem_shared>>) target(%dma_start3A_449 : memref<80x64xf32, #tpu.memory_space<vmem>>) target_semaphore(%arg19 : memref<!tpu.dma_semaphore, #tpu.memory_space<semaphore_mem>>)
    %dma_wait3A_452 = arith.constant 0 : i32
    %dma_wait3A_453 = arith.constant 0 : i32
    %dma_wait3A_454 = tpu.memref_slice %arg15[%dma_wait3A_452, %dma_wait3A_453] : memref<128x64xf32, #tpu.memory_space<vmem>> -> memref<80x64xf32, #tpu.memory_space<vmem>>
    %dma_wait3A_455 = arith.constant 0 : i32
    %dma_wait3A_456 = tpu.memref_slice %arg11[%mul3A_0, %dma_wait3A_455] : memref<10240x64xf32, #tpu.memory_space<vmem_shared>> -> memref<80x64xf32, #tpu.memory_space<vmem_shared>>
    %dma_wait3A_457 = arith.constant 0 : i32
    %dma_wait3A_458 = arith.constant 0 : i32
    %dma_wait3A_459 = tpu.memref_slice %arg15[%dma_wait3A_457, %dma_wait3A_458] : memref<128x64xf32, #tpu.memory_space<vmem>> -> memref<80x64xf32, #tpu.memory_space<vmem>>
    %dma_wait3A_460 = arith.constant 0 : i32
    %dma_wait3A_461 = tpu.memref_slice %arg11[%mul3A_0, %dma_wait3A_460] : memref<10240x64xf32, #tpu.memory_space<vmem_shared>> -> memref<80x64xf32, #tpu.memory_space<vmem_shared>>
    tpu.wait_dma2 semaphore(%arg19 : memref<!tpu.dma_semaphore, #tpu.memory_space<semaphore_mem>>) src(%dma_wait3A_461 : memref<80x64xf32, #tpu.memory_space<vmem_shared>>) dst(%dma_wait3A_459 : memref<80x64xf32, #tpu.memory_space<vmem>>)
    %add3A_462 = arith.constant 480 : i32
    %add3A_463 = arith.addi %mul3A_0, %add3A_462 : i32
    %dma_start3A_464 = arith.constant 0 : i32
    %dma_start3A_465 = arith.constant 0 : i32
    %dma_start3A_466 = tpu.memref_slice %arg15[%dma_start3A_464, %dma_start3A_465] : memref<128x64xf32, #tpu.memory_space<vmem>> -> memref<80x64xf32, #tpu.memory_space<vmem>>
    %dma_start3A_467 = arith.constant 0 : i32
    %dma_start3A_468 = tpu.memref_slice %arg9[%arg0, %add3A_463, %dma_start3A_467] : memref<2x10240x64xf32, #tpu.memory_space<hbm>> -> memref<1x80x64xf32, #tpu.memory_space<hbm>>
    %dma_start3A_469 = tpu.memref_squeeze %dma_start3A_468 : memref<1x80x64xf32, #tpu.memory_space<hbm>> -> memref<80x64xf32, #tpu.memory_space<hbm>>
    %dma_start3A_470 = arith.constant 0 : i32
    %dma_start3A_471 = tpu.memref_slice %arg9[%arg0, %add3A_463, %dma_start3A_470] : memref<2x10240x64xf32, #tpu.memory_space<hbm>> -> memref<1x80x64xf32, #tpu.memory_space<hbm>>
    %dma_start3A_472 = tpu.memref_squeeze %dma_start3A_471 : memref<1x80x64xf32, #tpu.memory_space<hbm>> -> memref<80x64xf32, #tpu.memory_space<hbm>>
    %dma_start3A_473 = arith.constant 0 : i32
    %dma_start3A_474 = arith.constant 0 : i32
    %dma_start3A_475 = tpu.memref_slice %arg15[%dma_start3A_473, %dma_start3A_474] : memref<128x64xf32, #tpu.memory_space<vmem>> -> memref<80x64xf32, #tpu.memory_space<vmem>>
    tpu.enqueue_dma source(%dma_start3A_475 : memref<80x64xf32, #tpu.memory_space<vmem>>) target(%dma_start3A_472 : memref<80x64xf32, #tpu.memory_space<hbm>>) target_semaphore(%arg22 : memref<!tpu.dma_semaphore, #tpu.memory_space<semaphore_mem>>)
    %dma_wait3A_476 = arith.constant 0 : i32
    %dma_wait3A_477 = arith.constant 0 : i32
    %dma_wait3A_478 = tpu.memref_slice %arg16[%dma_wait3A_476, %dma_wait3A_477] : memref<128x64xf32, #tpu.memory_space<vmem>> -> memref<80x64xf32, #tpu.memory_space<vmem>>
    %dma_wait3A_479 = arith.constant 0 : i32
    %dma_wait3A_480 = tpu.memref_slice %arg9[%arg0, %mul3A_0, %dma_wait3A_479] : memref<2x10240x64xf32, #tpu.memory_space<hbm>> -> memref<1x80x64xf32, #tpu.memory_space<hbm>>
    %dma_wait3A_481 = tpu.memref_squeeze %dma_wait3A_480 : memref<1x80x64xf32, #tpu.memory_space<hbm>> -> memref<80x64xf32, #tpu.memory_space<hbm>>
    %dma_wait3A_482 = arith.constant 0 : i32
    %dma_wait3A_483 = tpu.memref_slice %arg9[%arg0, %mul3A_0, %dma_wait3A_482] : memref<2x10240x64xf32, #tpu.memory_space<hbm>> -> memref<1x80x64xf32, #tpu.memory_space<hbm>>
    %dma_wait3A_484 = tpu.memref_squeeze %dma_wait3A_483 : memref<1x80x64xf32, #tpu.memory_space<hbm>> -> memref<80x64xf32, #tpu.memory_space<hbm>>
    %dma_wait3A_485 = arith.constant 0 : i32
    %dma_wait3A_486 = arith.constant 0 : i32
    %dma_wait3A_487 = tpu.memref_slice %arg16[%dma_wait3A_485, %dma_wait3A_486] : memref<128x64xf32, #tpu.memory_space<vmem>> -> memref<80x64xf32, #tpu.memory_space<vmem>>
    tpu.wait_dma2 semaphore(%arg23 : memref<!tpu.dma_semaphore, #tpu.memory_space<semaphore_mem>>) src(%dma_wait3A_487 : memref<80x64xf32, #tpu.memory_space<vmem>>) dst(%dma_wait3A_484 : memref<80x64xf32, #tpu.memory_space<hbm>>)
    %add3A_488 = arith.constant 560 : i32
    %add3A_489 = arith.addi %mul3A_0, %add3A_488 : i32
    %dma_start3A_490 = arith.constant 0 : i32
    %dma_start3A_491 = arith.constant 0 : i32
    %dma_start3A_492 = tpu.memref_slice %arg16[%dma_start3A_490, %dma_start3A_491] : memref<128x64xf32, #tpu.memory_space<vmem>> -> memref<80x64xf32, #tpu.memory_space<vmem>>
    %dma_start3A_493 = arith.constant 0 : i32
    %dma_start3A_494 = tpu.memref_slice %arg11[%add3A_489, %dma_start3A_493] : memref<10240x64xf32, #tpu.memory_space<vmem_shared>> -> memref<80x64xf32, #tpu.memory_space<vmem_shared>>
    %dma_start3A_495 = arith.constant 0 : i32
    %dma_start3A_496 = arith.constant 0 : i32
    %dma_start3A_497 = tpu.memref_slice %arg16[%dma_start3A_495, %dma_start3A_496] : memref<128x64xf32, #tpu.memory_space<vmem>> -> memref<80x64xf32, #tpu.memory_space<vmem>>
    %dma_start3A_498 = arith.constant 0 : i32
    %dma_start3A_499 = tpu.memref_slice %arg11[%add3A_489, %dma_start3A_498] : memref<10240x64xf32, #tpu.memory_space<vmem_shared>> -> memref<80x64xf32, #tpu.memory_space<vmem_shared>>
    tpu.enqueue_dma source(%dma_start3A_499 : memref<80x64xf32, #tpu.memory_space<vmem_shared>>) target(%dma_start3A_497 : memref<80x64xf32, #tpu.memory_space<vmem>>) target_semaphore(%arg20 : memref<!tpu.dma_semaphore, #tpu.memory_space<semaphore_mem>>)
    %dma_wait3A_500 = arith.constant 0 : i32
    %dma_wait3A_501 = arith.constant 0 : i32
    %dma_wait3A_502 = tpu.memref_slice %arg16[%dma_wait3A_500, %dma_wait3A_501] : memref<128x64xf32, #tpu.memory_space<vmem>> -> memref<80x64xf32, #tpu.memory_space<vmem>>
    %dma_wait3A_503 = arith.constant 0 : i32
    %dma_wait3A_504 = tpu.memref_slice %arg11[%mul3A_0, %dma_wait3A_503] : memref<10240x64xf32, #tpu.memory_space<vmem_shared>> -> memref<80x64xf32, #tpu.memory_space<vmem_shared>>
    %dma_wait3A_505 = arith.constant 0 : i32
    %dma_wait3A_506 = arith.constant 0 : i32
    %dma_wait3A_507 = tpu.memref_slice %arg16[%dma_wait3A_505, %dma_wait3A_506] : memref<128x64xf32, #tpu.memory_space<vmem>> -> memref<80x64xf32, #tpu.memory_space<vmem>>
    %dma_wait3A_508 = arith.constant 0 : i32
    %dma_wait3A_509 = tpu.memref_slice %arg11[%mul3A_0, %dma_wait3A_508] : memref<10240x64xf32, #tpu.memory_space<vmem_shared>> -> memref<80x64xf32, #tpu.memory_space<vmem_shared>>
    tpu.wait_dma2 semaphore(%arg20 : memref<!tpu.dma_semaphore, #tpu.memory_space<semaphore_mem>>) src(%dma_wait3A_509 : memref<80x64xf32, #tpu.memory_space<vmem_shared>>) dst(%dma_wait3A_507 : memref<80x64xf32, #tpu.memory_space<vmem>>)
    %add3A_510 = arith.constant 560 : i32
    %add3A_511 = arith.addi %mul3A_0, %add3A_510 : i32
    %dma_start3A_512 = arith.constant 0 : i32
    %dma_start3A_513 = arith.constant 0 : i32
    %dma_start3A_514 = tpu.memref_slice %arg16[%dma_start3A_512, %dma_start3A_513] : memref<128x64xf32, #tpu.memory_space<vmem>> -> memref<80x64xf32, #tpu.memory_space<vmem>>
    %dma_start3A_515 = arith.constant 0 : i32
    %dma_start3A_516 = tpu.memref_slice %arg9[%arg0, %add3A_511, %dma_start3A_515] : memref<2x10240x64xf32, #tpu.memory_space<hbm>> -> memref<1x80x64xf32, #tpu.memory_space<hbm>>
    %dma_start3A_517 = tpu.memref_squeeze %dma_start3A_516 : memref<1x80x64xf32, #tpu.memory_space<hbm>> -> memref<80x64xf32, #tpu.memory_space<hbm>>
    %dma_start3A_518 = arith.constant 0 : i32
    %dma_start3A_519 = tpu.memref_slice %arg9[%arg0, %add3A_511, %dma_start3A_518] : memref<2x10240x64xf32, #tpu.memory_space<hbm>> -> memref<1x80x64xf32, #tpu.memory_space<hbm>>
    %dma_start3A_520 = tpu.memref_squeeze %dma_start3A_519 : memref<1x80x64xf32, #tpu.memory_space<hbm>> -> memref<80x64xf32, #tpu.memory_space<hbm>>
    %dma_start3A_521 = arith.constant 0 : i32
    %dma_start3A_522 = arith.constant 0 : i32
    %dma_start3A_523 = tpu.memref_slice %arg16[%dma_start3A_521, %dma_start3A_522] : memref<128x64xf32, #tpu.memory_space<vmem>> -> memref<80x64xf32, #tpu.memory_space<vmem>>
    tpu.enqueue_dma source(%dma_start3A_523 : memref<80x64xf32, #tpu.memory_space<vmem>>) target(%dma_start3A_520 : memref<80x64xf32, #tpu.memory_space<hbm>>) target_semaphore(%arg23 : memref<!tpu.dma_semaphore, #tpu.memory_space<semaphore_mem>>)
    %dma_wait3A_524 = arith.constant 0 : i32
    %dma_wait3A_525 = arith.constant 0 : i32
    %dma_wait3A_526 = tpu.memref_slice %arg15[%dma_wait3A_524, %dma_wait3A_525] : memref<128x64xf32, #tpu.memory_space<vmem>> -> memref<80x64xf32, #tpu.memory_space<vmem>>
    %dma_wait3A_527 = arith.constant 0 : i32
    %dma_wait3A_528 = tpu.memref_slice %arg9[%arg0, %mul3A_0, %dma_wait3A_527] : memref<2x10240x64xf32, #tpu.memory_space<hbm>> -> memref<1x80x64xf32, #tpu.memory_space<hbm>>
    %dma_wait3A_529 = tpu.memref_squeeze %dma_wait3A_528 : memref<1x80x64xf32, #tpu.memory_space<hbm>> -> memref<80x64xf32, #tpu.memory_space<hbm>>
    %dma_wait3A_530 = arith.constant 0 : i32
    %dma_wait3A_531 = tpu.memref_slice %arg9[%arg0, %mul3A_0, %dma_wait3A_530] : memref<2x10240x64xf32, #tpu.memory_space<hbm>> -> memref<1x80x64xf32, #tpu.memory_space<hbm>>
    %dma_wait3A_532 = tpu.memref_squeeze %dma_wait3A_531 : memref<1x80x64xf32, #tpu.memory_space<hbm>> -> memref<80x64xf32, #tpu.memory_space<hbm>>
    %dma_wait3A_533 = arith.constant 0 : i32
    %dma_wait3A_534 = arith.constant 0 : i32
    %dma_wait3A_535 = tpu.memref_slice %arg15[%dma_wait3A_533, %dma_wait3A_534] : memref<128x64xf32, #tpu.memory_space<vmem>> -> memref<80x64xf32, #tpu.memory_space<vmem>>
    tpu.wait_dma2 semaphore(%arg22 : memref<!tpu.dma_semaphore, #tpu.memory_space<semaphore_mem>>) src(%dma_wait3A_535 : memref<80x64xf32, #tpu.memory_space<vmem>>) dst(%dma_wait3A_532 : memref<80x64xf32, #tpu.memory_space<hbm>>)
    %dma_wait3A_536 = arith.constant 0 : i32
    %dma_wait3A_537 = arith.constant 0 : i32
    %dma_wait3A_538 = tpu.memref_slice %arg16[%dma_wait3A_536, %dma_wait3A_537] : memref<128x64xf32, #tpu.memory_space<vmem>> -> memref<80x64xf32, #tpu.memory_space<vmem>>
    %dma_wait3A_539 = arith.constant 0 : i32
    %dma_wait3A_540 = tpu.memref_slice %arg9[%arg0, %mul3A_0, %dma_wait3A_539] : memref<2x10240x64xf32, #tpu.memory_space<hbm>> -> memref<1x80x64xf32, #tpu.memory_space<hbm>>
    %dma_wait3A_541 = tpu.memref_squeeze %dma_wait3A_540 : memref<1x80x64xf32, #tpu.memory_space<hbm>> -> memref<80x64xf32, #tpu.memory_space<hbm>>
    %dma_wait3A_542 = arith.constant 0 : i32
    %dma_wait3A_543 = tpu.memref_slice %arg9[%arg0, %mul3A_0, %dma_wait3A_542] : memref<2x10240x64xf32, #tpu.memory_space<hbm>> -> memref<1x80x64xf32, #tpu.memory_space<hbm>>
    %dma_wait3A_544 = tpu.memref_squeeze %dma_wait3A_543 : memref<1x80x64xf32, #tpu.memory_space<hbm>> -> memref<80x64xf32, #tpu.memory_space<hbm>>
    %dma_wait3A_545 = arith.constant 0 : i32
    %dma_wait3A_546 = arith.constant 0 : i32
    %dma_wait3A_547 = tpu.memref_slice %arg16[%dma_wait3A_545, %dma_wait3A_546] : memref<128x64xf32, #tpu.memory_space<vmem>> -> memref<80x64xf32, #tpu.memory_space<vmem>>
    tpu.wait_dma2 semaphore(%arg23 : memref<!tpu.dma_semaphore, #tpu.memory_space<semaphore_mem>>) src(%dma_wait3A_547 : memref<80x64xf32, #tpu.memory_space<vmem>>) dst(%dma_wait3A_544 : memref<80x64xf32, #tpu.memory_space<hbm>>)
    %scan3A = arith.constant 0 : i32
    %scan3A_548 = arith.constant 0 : i32
    %scan3A_549 = arith.constant 8 : i32
    %scan3A_550 = arith.addi %scan3A_548, %scan3A_549 : i32
    %scan3A_551 = arith.constant 1 : i32
    scf.for %scan3A_553 = %scan3A_548 to %scan3A_550 step %scan3A_551  : i32 {
      %mul3A_554 = arith.constant 80 : i32
      %mul3A_555 = arith.muli %scan3A_553, %mul3A_554 : i32
      %add3A_556 = arith.addi %mul3A_0, %mul3A_555 : i32
      "tpu.region"() ({
        %run_scoped3A = tpu.sem_alloc : memref<!tpu.dma_semaphore, #tpu.memory_space<semaphore_mem>>
        %dma_start3A_557 = arith.constant 0 : i32
        %dma_start3A_558 = tpu.memref_slice %arg12[%add3A_556, %dma_start3A_557] : memref<10240x8xf32, #tpu.memory_space<vmem_shared>> -> memref<80x8xf32, #tpu.memory_space<vmem_shared>>
        %dma_start3A_559 = arith.constant 0 : i32
        %dma_start3A_560 = tpu.memref_slice %arg12[%add3A_556, %dma_start3A_559] : memref<10240x8xf32, #tpu.memory_space<vmem_shared>> -> memref<80x8xf32, #tpu.memory_space<vmem_shared>>
        tpu.enqueue_dma source(%dma_start3A_560 : memref<80x8xf32, #tpu.memory_space<vmem_shared>>) target(%arg25 : memref<80x8xf32, #tpu.memory_space<vmem>>) target_semaphore(%run_scoped3A : memref<!tpu.dma_semaphore, #tpu.memory_space<semaphore_mem>>)
        %dma_wait3A_561 = arith.constant 0 : i32
        %dma_wait3A_562 = tpu.memref_slice %arg12[%add3A_556, %dma_wait3A_561] : memref<10240x8xf32, #tpu.memory_space<vmem_shared>> -> memref<80x8xf32, #tpu.memory_space<vmem_shared>>
        %dma_wait3A_563 = arith.constant 0 : i32
        %dma_wait3A_564 = tpu.memref_slice %arg12[%add3A_556, %dma_wait3A_563] : memref<10240x8xf32, #tpu.memory_space<vmem_shared>> -> memref<80x8xf32, #tpu.memory_space<vmem_shared>>
        tpu.wait_dma2 semaphore(%run_scoped3A : memref<!tpu.dma_semaphore, #tpu.memory_space<semaphore_mem>>) src(%dma_wait3A_564 : memref<80x8xf32, #tpu.memory_space<vmem_shared>>) dst(%arg25 : memref<80x8xf32, #tpu.memory_space<vmem>>)
        tpu.yield
      }) : () -> ()
      "tpu.region"() ({
        %run_scoped3A = tpu.sem_alloc : memref<!tpu.dma_semaphore, #tpu.memory_space<semaphore_mem>>
        %dma_start3A_557 = arith.constant 0 : i32
        %dma_start3A_558 = tpu.memref_slice %arg10[%arg0, %add3A_556, %dma_start3A_557] : memref<2x10240x8xf32, #tpu.memory_space<hbm>> -> memref<1x80x8xf32, #tpu.memory_space<hbm>>
        %dma_start3A_559 = tpu.memref_squeeze %dma_start3A_558 : memref<1x80x8xf32, #tpu.memory_space<hbm>> -> memref<80x8xf32, #tpu.memory_space<hbm>>
        %dma_start3A_560 = arith.constant 0 : i32
        %dma_start3A_561 = tpu.memref_slice %arg10[%arg0, %add3A_556, %dma_start3A_560] : memref<2x10240x8xf32, #tpu.memory_space<hbm>> -> memref<1x80x8xf32, #tpu.memory_space<hbm>>
        %dma_start3A_562 = tpu.memref_squeeze %dma_start3A_561 : memref<1x80x8xf32, #tpu.memory_space<hbm>> -> memref<80x8xf32, #tpu.memory_space<hbm>>
        tpu.enqueue_dma source(%arg25 : memref<80x8xf32, #tpu.memory_space<vmem>>) target(%dma_start3A_562 : memref<80x8xf32, #tpu.memory_space<hbm>>) target_semaphore(%run_scoped3A : memref<!tpu.dma_semaphore, #tpu.memory_space<semaphore_mem>>)
        %dma_wait3A_563 = arith.constant 0 : i32
        %dma_wait3A_564 = tpu.memref_slice %arg10[%arg0, %add3A_556, %dma_wait3A_563] : memref<2x10240x8xf32, #tpu.memory_space<hbm>> -> memref<1x80x8xf32, #tpu.memory_space<hbm>>
        %dma_wait3A_565 = tpu.memref_squeeze %dma_wait3A_564 : memref<1x80x8xf32, #tpu.memory_space<hbm>> -> memref<80x8xf32, #tpu.memory_space<hbm>>
        %dma_wait3A_566 = arith.constant 0 : i32
        %dma_wait3A_567 = tpu.memref_slice %arg10[%arg0, %add3A_556, %dma_wait3A_566] : memref<2x10240x8xf32, #tpu.memory_space<hbm>> -> memref<1x80x8xf32, #tpu.memory_space<hbm>>
        %dma_wait3A_568 = tpu.memref_squeeze %dma_wait3A_567 : memref<1x80x8xf32, #tpu.memory_space<hbm>> -> memref<80x8xf32, #tpu.memory_space<hbm>>
        tpu.wait_dma2 semaphore(%run_scoped3A : memref<!tpu.dma_semaphore, #tpu.memory_space<semaphore_mem>>) src(%arg25 : memref<80x8xf32, #tpu.memory_space<vmem>>) dst(%dma_wait3A_568 : memref<80x8xf32, #tpu.memory_space<hbm>>)
        tpu.yield
      }) : () -> ()
    }
    %scan3A_552 = arith.constant 8 : i32
    return
  }
}

module attributes {stable_mosaic.version = 14 : i64} {
  func.func @_enc_body(%arg0: i32, %arg1: memref<1000x128xf32, #tpu.memory_space<vmem>>, %arg2: memref<128x128xf32, #tpu.memory_space<vmem>>, %arg3: memref<1x128xf32, #tpu.memory_space<vmem>>, %arg4: memref<1000x64xf32, #tpu.memory_space<vmem>>, %arg5: memref<1000x64xf32, #tpu.memory_space<vmem>>) attributes {dimension_semantics = [#tpu.dimension_semantics<arbitrary>], iteration_bounds = array<i64: 10>, scalar_prefetch = 0 : i64, scratch_operands = 0 : i64, tpu.core_type = #tpu.core_type<tc>, window_params = [{transform_indices = @transform_0, window_bounds = array<i64: 1000, 128>}, {pipeline_mode = #tpu.pipeline_mode<synchronous>, transform_indices = @transform_1, window_bounds = array<i64: 128, 128>}, {pipeline_mode = #tpu.pipeline_mode<synchronous>, transform_indices = @transform_2, window_bounds = array<i64: 1, 128>}, {transform_indices = @transform_3, window_bounds = array<i64: 1000, 64>}, {transform_indices = @transform_4, window_bounds = array<i64: 1000, 64>}]} {
    %get3A = arith.constant 0 : index
    %get3A_0 = arith.constant 0 : index
    %get3A_1 = vector.load %arg1[%get3A, %get3A_0] : memref<1000x128xf32, #tpu.memory_space<vmem>>, vector<1000x128xf32>
    %get3A_2 = arith.constant 0 : index
    %get3A_3 = arith.constant 0 : index
    %get3A_4 = vector.load %arg2[%get3A_2, %get3A_3] : memref<128x128xf32, #tpu.memory_space<vmem>>, vector<128x128xf32>
    %dot_general3A = arith.constant dense<0.000000e+00> : vector<1000x128xf32>
    %dot_general3A_5 = tpu.matmul %get3A_1, %get3A_4, %dot_general3A {dimension_numbers = #tpu.dot_dimension_numbers<[1], [0], [0], [1], [0, 0, 1, 1], [], []>, transpose_lhs_hint = false} : vector<1000x128xf32>, vector<128x128xf32>, vector<1000x128xf32> -> vector<1000x128xf32>
    %get3A_6 = arith.constant 0 : index
    %get3A_7 = arith.constant 0 : index
    %get3A_8 = vector.load %arg3[%get3A_6, %get3A_7] : memref<1x128xf32, #tpu.memory_space<vmem>>, vector<1x128xf32>
    %add3A = vector.broadcast %get3A_8 : vector<1x128xf32> to vector<1000x128xf32>
    %add3A_9 = arith.addf %dot_general3A_5, %add3A : vector<1000x128xf32>
    %slice3A = vector.extract_strided_slice %add3A_9 {offsets = [0, 0], sizes = [1000, 64], strides = [1, 1]} : vector<1000x128xf32> to vector<1000x64xf32>
    %swap3A = arith.constant 0 : index
    %swap3A_10 = arith.constant 0 : index
    %swap3A_11 = vector.load %arg4[%swap3A, %swap3A_10] : memref<1000x64xf32, #tpu.memory_space<vmem>>, vector<1000x64xf32>
    tpu.vector_store %arg4[%swap3A, %swap3A_10], %slice3A {strides = array<i32>} : memref<1000x64xf32, #tpu.memory_space<vmem>>, vector<1000x64xf32>,
    %slice3A_12 = vector.extract_strided_slice %add3A_9 {offsets = [0, 64], sizes = [1000, 64], strides = [1, 1]} : vector<1000x128xf32> to vector<1000x64xf32>
    %swap3A_13 = arith.constant 0 : index
    %swap3A_14 = arith.constant 0 : index
    %swap3A_15 = vector.load %arg5[%swap3A_13, %swap3A_14] : memref<1000x64xf32, #tpu.memory_space<vmem>>, vector<1000x64xf32>
    tpu.vector_store %arg5[%swap3A_13, %swap3A_14], %slice3A_12 {strides = array<i32>} : memref<1000x64xf32, #tpu.memory_space<vmem>>, vector<1000x64xf32>,
    return
  }
  func.func @transform_0(%arg0: i32) -> (i32, i32) {
    %c0_i32 = arith.constant 0 : i32
    %c0_i32_0 = arith.constant 0 : i32
    return %arg0, %c0_i32 : i32, i32
  }
  func.func @transform_1(%arg0: i32) -> (i32, i32) {
    %c0_i32 = arith.constant 0 : i32
    %c0_i32_0 = arith.constant 0 : i32
    %c0_i32_1 = arith.constant 0 : i32
    return %c0_i32, %c0_i32_0 : i32, i32
  }
  func.func @transform_2(%arg0: i32) -> (i32, i32) {
    %c0_i32 = arith.constant 0 : i32
    %c0_i32_0 = arith.constant 0 : i32
    %c0_i32_1 = arith.constant 0 : i32
    return %c0_i32, %c0_i32_0 : i32, i32
  }
  func.func @transform_3(%arg0: i32) -> (i32, i32) {
    %c0_i32 = arith.constant 0 : i32
    %c0_i32_0 = arith.constant 0 : i32
    return %arg0, %c0_i32 : i32, i32
  }
  func.func @transform_4(%arg0: i32) -> (i32, i32) {
    %c0_i32 = arith.constant 0 : i32
    %c0_i32_0 = arith.constant 0 : i32
    return %arg0, %c0_i32 : i32, i32
  }
}

module attributes {stable_mosaic.version = 14 : i64} {
  func.func @_layer_body(%arg0: i32, %arg1: memref<2x1000x64xf32, #tpu.memory_space<vmem>>, %arg2: memref<2x1000x8xf32, #tpu.memory_space<vmem>>, %arg3: memref<1000x64xf32, #tpu.memory_space<vmem>>, %arg4: memref<1000x64xf32, #tpu.memory_space<vmem>>, %arg5: memref<128x128xf32, #tpu.memory_space<vmem>>, %arg6: memref<128x128xf32, #tpu.memory_space<vmem>>, %arg7: memref<1x128xf32, #tpu.memory_space<vmem>>, %arg8: memref<1000x64xf32, #tpu.memory_space<vmem>>, %arg9: memref<1000x64xf32, #tpu.memory_space<vmem>>) attributes {dimension_semantics = [#tpu.dimension_semantics<arbitrary>], iteration_bounds = array<i64: 10>, scalar_prefetch = 0 : i64, scratch_operands = 0 : i64, tpu.core_type = #tpu.core_type<tc>, window_params = [{transform_indices = @transform_0, window_bounds = array<i64: 2, 1000, 64>}, {transform_indices = @transform_1, window_bounds = array<i64: 2, 1000, 8>}, {transform_indices = @transform_2, window_bounds = array<i64: 1000, 64>}, {transform_indices = @transform_3, window_bounds = array<i64: 1000, 64>}, {pipeline_mode = #tpu.pipeline_mode<synchronous>, transform_indices = @transform_4, window_bounds = array<i64: 128, 128>}, {pipeline_mode = #tpu.pipeline_mode<synchronous>, transform_indices = @transform_5, window_bounds = array<i64: 128, 128>}, {pipeline_mode = #tpu.pipeline_mode<synchronous>, transform_indices = @transform_6, window_bounds = array<i64: 1, 128>}, {transform_indices = @transform_7, window_bounds = array<i64: 1000, 64>}, {transform_indices = @transform_8, window_bounds = array<i64: 1000, 64>}]} {
    %get3A = arith.constant 0 : index
    %get3A_0 = arith.constant 0 : index
    %get3A_1 = arith.constant 0 : index
    %get3A_2 = vector.load %arg1[%get3A, %get3A_0, %get3A_1] : memref<2x1000x64xf32, #tpu.memory_space<vmem>>, vector<1x1000x64xf32>
    %get3A_3 = vector.shape_cast %get3A_2 : vector<1x1000x64xf32> to vector<1000x64xf32>
    %get3A_4 = arith.constant 1 : index
    %get3A_5 = arith.constant 0 : index
    %get3A_6 = arith.constant 0 : index
    %get3A_7 = vector.load %arg1[%get3A_4, %get3A_5, %get3A_6] : memref<2x1000x64xf32, #tpu.memory_space<vmem>>, vector<1x1000x64xf32>
    %get3A_8 = vector.shape_cast %get3A_7 : vector<1x1000x64xf32> to vector<1000x64xf32>
    %concatenate3A = tpu.concatenate %get3A_3, %get3A_8 in 1 : vector<1000x64xf32>, vector<1000x64xf32> -> vector<1000x128xf32>
    %get3A_9 = arith.constant 0 : index
    %get3A_10 = arith.constant 0 : index
    %get3A_11 = vector.load %arg3[%get3A_9, %get3A_10] : memref<1000x64xf32, #tpu.memory_space<vmem>>, vector<1000x64xf32>
    %get3A_12 = arith.constant 0 : index
    %get3A_13 = arith.constant 0 : index
    %get3A_14 = vector.load %arg4[%get3A_12, %get3A_13] : memref<1000x64xf32, #tpu.memory_space<vmem>>, vector<1000x64xf32>
    %concatenate3A_15 = tpu.concatenate %get3A_11, %get3A_14 in 1 : vector<1000x64xf32>, vector<1000x64xf32> -> vector<1000x128xf32>
    %get3A_16 = arith.constant 0 : index
    %get3A_17 = arith.constant 0 : index
    %get3A_18 = arith.constant 0 : index
    %get3A_19 = vector.load %arg2[%get3A_16, %get3A_17, %get3A_18] : memref<2x1000x8xf32, #tpu.memory_space<vmem>>, vector<1x1000x1xf32>
    %get3A_20 = vector.shape_cast %get3A_19 : vector<1x1000x1xf32> to vector<1000x1xf32>
    %get3A_21 = arith.constant 1 : index
    %get3A_22 = arith.constant 0 : index
    %get3A_23 = arith.constant 0 : index
    %get3A_24 = vector.load %arg2[%get3A_21, %get3A_22, %get3A_23] : memref<2x1000x8xf32, #tpu.memory_space<vmem>>, vector<1x1000x1xf32>
    %get3A_25 = vector.shape_cast %get3A_24 : vector<1x1000x1xf32> to vector<1000x1xf32>
    %add3A = arith.addf %get3A_20, %get3A_25 : vector<1000x1xf32>
    %max3A = arith.constant 1.000000e+00 : f32
    %max3A_26 = vector.broadcast %max3A : f32 to vector<1000x1xf32>
    %max3A_27 = arith.maximumf %add3A, %max3A_26 : vector<1000x1xf32>
    %div3A = arith.constant 1.000000e+00 : f32
    %div3A_28 = vector.broadcast %div3A : f32 to vector<1000x1xf32>
    %div3A_29 = arith.divf %div3A_28, %max3A_27 : vector<1000x1xf32>
    %mul3A = vector.broadcast %div3A_29 : vector<1000x1xf32> to vector<1000x128xf32>
    %mul3A_30 = arith.mulf %concatenate3A, %mul3A : vector<1000x128xf32>
    %get3A_31 = arith.constant 0 : index
    %get3A_32 = arith.constant 0 : index
    %get3A_33 = vector.load %arg5[%get3A_31, %get3A_32] : memref<128x128xf32, #tpu.memory_space<vmem>>, vector<128x128xf32>
    %dot_general3A = arith.constant dense<0.000000e+00> : vector<1000x128xf32>
    %dot_general3A_34 = tpu.matmul %mul3A_30, %get3A_33, %dot_general3A {dimension_numbers = #tpu.dot_dimension_numbers<[1], [0], [0], [1], [0, 0, 1, 1], [], []>, transpose_lhs_hint = false} : vector<1000x128xf32>, vector<128x128xf32>, vector<1000x128xf32> -> vector<1000x128xf32>
    %get3A_35 = arith.constant 0 : index
    %get3A_36 = arith.constant 0 : index
    %get3A_37 = vector.load %arg6[%get3A_35, %get3A_36] : memref<128x128xf32, #tpu.memory_space<vmem>>, vector<128x128xf32>
    %dot_general3A_38 = arith.constant dense<0.000000e+00> : vector<1000x128xf32>
    %dot_general3A_39 = tpu.matmul %concatenate3A_15, %get3A_37, %dot_general3A_38 {dimension_numbers = #tpu.dot_dimension_numbers<[1], [0], [0], [1], [0, 0, 1, 1], [], []>, transpose_lhs_hint = false} : vector<1000x128xf32>, vector<128x128xf32>, vector<1000x128xf32> -> vector<1000x128xf32>
    %add3A_40 = arith.addf %dot_general3A_34, %dot_general3A_39 : vector<1000x128xf32>
    %get3A_41 = arith.constant 0 : index
    %get3A_42 = arith.constant 0 : index
    %get3A_43 = vector.load %arg7[%get3A_41, %get3A_42] : memref<1x128xf32, #tpu.memory_space<vmem>>, vector<1x128xf32>
    %add3A_44 = vector.broadcast %get3A_43 : vector<1x128xf32> to vector<1000x128xf32>
    %add3A_45 = arith.addf %add3A_40, %add3A_44 : vector<1000x128xf32>
    %max3A_46 = arith.constant 0.000000e+00 : f32
    %max3A_47 = vector.broadcast %max3A_46 : f32 to vector<1000x128xf32>
    %max3A_48 = arith.maximumf %add3A_45, %max3A_47 : vector<1000x128xf32>
    %slice3A = vector.extract_strided_slice %max3A_48 {offsets = [0, 0], sizes = [1000, 64], strides = [1, 1]} : vector<1000x128xf32> to vector<1000x64xf32>
    %swap3A = arith.constant 0 : index
    %swap3A_49 = arith.constant 0 : index
    %swap3A_50 = vector.load %arg8[%swap3A, %swap3A_49] : memref<1000x64xf32, #tpu.memory_space<vmem>>, vector<1000x64xf32>
    tpu.vector_store %arg8[%swap3A, %swap3A_49], %slice3A {strides = array<i32>} : memref<1000x64xf32, #tpu.memory_space<vmem>>, vector<1000x64xf32>,
    %slice3A_51 = vector.extract_strided_slice %max3A_48 {offsets = [0, 64], sizes = [1000, 64], strides = [1, 1]} : vector<1000x128xf32> to vector<1000x64xf32>
    %swap3A_52 = arith.constant 0 : index
    %swap3A_53 = arith.constant 0 : index
    %swap3A_54 = vector.load %arg9[%swap3A_52, %swap3A_53] : memref<1000x64xf32, #tpu.memory_space<vmem>>, vector<1000x64xf32>
    tpu.vector_store %arg9[%swap3A_52, %swap3A_53], %slice3A_51 {strides = array<i32>} : memref<1000x64xf32, #tpu.memory_space<vmem>>, vector<1000x64xf32>,
    return
  }
  func.func @transform_0(%arg0: i32) -> (i32, i32, i32) {
    %c0_i32 = arith.constant 0 : i32
    %c0_i32_0 = arith.constant 0 : i32
    %c0_i32_1 = arith.constant 0 : i32
    return %c0_i32, %arg0, %c0_i32_0 : i32, i32, i32
  }
  func.func @transform_1(%arg0: i32) -> (i32, i32, i32) {
    %c0_i32 = arith.constant 0 : i32
    %c0_i32_0 = arith.constant 0 : i32
    %c0_i32_1 = arith.constant 0 : i32
    return %c0_i32, %arg0, %c0_i32_0 : i32, i32, i32
  }
  func.func @transform_2(%arg0: i32) -> (i32, i32) {
    %c0_i32 = arith.constant 0 : i32
    %c0_i32_0 = arith.constant 0 : i32
    return %arg0, %c0_i32 : i32, i32
  }
  func.func @transform_3(%arg0: i32) -> (i32, i32) {
    %c0_i32 = arith.constant 0 : i32
    %c0_i32_0 = arith.constant 0 : i32
    return %arg0, %c0_i32 : i32, i32
  }
  func.func @transform_4(%arg0: i32) -> (i32, i32) {
    %c0_i32 = arith.constant 0 : i32
    %c0_i32_0 = arith.constant 0 : i32
    %c0_i32_1 = arith.constant 0 : i32
    return %c0_i32, %c0_i32_0 : i32, i32
  }
  func.func @transform_5(%arg0: i32) -> (i32, i32) {
    %c0_i32 = arith.constant 0 : i32
    %c0_i32_0 = arith.constant 0 : i32
    %c0_i32_1 = arith.constant 0 : i32
    return %c0_i32, %c0_i32_0 : i32, i32
  }
  func.func @transform_6(%arg0: i32) -> (i32, i32) {
    %c0_i32 = arith.constant 0 : i32
    %c0_i32_0 = arith.constant 0 : i32
    %c0_i32_1 = arith.constant 0 : i32
    return %c0_i32, %c0_i32_0 : i32, i32
  }
  func.func @transform_7(%arg0: i32) -> (i32, i32) {
    %c0_i32 = arith.constant 0 : i32
    %c0_i32_0 = arith.constant 0 : i32
    return %arg0, %c0_i32 : i32, i32
  }
  func.func @transform_8(%arg0: i32) -> (i32, i32) {
    %c0_i32 = arith.constant 0 : i32
    %c0_i32_0 = arith.constant 0 : i32
    return %arg0, %c0_i32 : i32, i32
  }
}

module attributes {stable_mosaic.version = 14 : i64} {
  func.func @_layer_pred_body(%arg0: i32, %arg1: memref<2x1000x64xf32, #tpu.memory_space<vmem>>, %arg2: memref<2x1000x8xf32, #tpu.memory_space<vmem>>, %arg3: memref<1000x64xf32, #tpu.memory_space<vmem>>, %arg4: memref<1000x64xf32, #tpu.memory_space<vmem>>, %arg5: memref<128x128xf32, #tpu.memory_space<vmem>>, %arg6: memref<128x128xf32, #tpu.memory_space<vmem>>, %arg7: memref<1x128xf32, #tpu.memory_space<vmem>>, %arg8: memref<128x128xf32, #tpu.memory_space<vmem>>, %arg9: memref<1x128xf32, #tpu.memory_space<vmem>>, %arg10: memref<1000x128xf32, #tpu.memory_space<vmem>>) attributes {dimension_semantics = [#tpu.dimension_semantics<arbitrary>], iteration_bounds = array<i64: 10>, scalar_prefetch = 0 : i64, scratch_operands = 0 : i64, tpu.core_type = #tpu.core_type<tc>, window_params = [{transform_indices = @transform_0, window_bounds = array<i64: 2, 1000, 64>}, {transform_indices = @transform_1, window_bounds = array<i64: 2, 1000, 8>}, {transform_indices = @transform_2, window_bounds = array<i64: 1000, 64>}, {transform_indices = @transform_3, window_bounds = array<i64: 1000, 64>}, {pipeline_mode = #tpu.pipeline_mode<synchronous>, transform_indices = @transform_4, window_bounds = array<i64: 128, 128>}, {pipeline_mode = #tpu.pipeline_mode<synchronous>, transform_indices = @transform_5, window_bounds = array<i64: 128, 128>}, {pipeline_mode = #tpu.pipeline_mode<synchronous>, transform_indices = @transform_6, window_bounds = array<i64: 1, 128>}, {pipeline_mode = #tpu.pipeline_mode<synchronous>, transform_indices = @transform_7, window_bounds = array<i64: 128, 128>}, {pipeline_mode = #tpu.pipeline_mode<synchronous>, transform_indices = @transform_8, window_bounds = array<i64: 1, 128>}, {transform_indices = @transform_9, window_bounds = array<i64: 1000, 128>}]} {
    %get3A = arith.constant 0 : index
    %get3A_0 = arith.constant 0 : index
    %get3A_1 = arith.constant 0 : index
    %get3A_2 = vector.load %arg1[%get3A, %get3A_0, %get3A_1] : memref<2x1000x64xf32, #tpu.memory_space<vmem>>, vector<1x1000x64xf32>
    %get3A_3 = vector.shape_cast %get3A_2 : vector<1x1000x64xf32> to vector<1000x64xf32>
    %get3A_4 = arith.constant 1 : index
    %get3A_5 = arith.constant 0 : index
    %get3A_6 = arith.constant 0 : index
    %get3A_7 = vector.load %arg1[%get3A_4, %get3A_5, %get3A_6] : memref<2x1000x64xf32, #tpu.memory_space<vmem>>, vector<1x1000x64xf32>
    %get3A_8 = vector.shape_cast %get3A_7 : vector<1x1000x64xf32> to vector<1000x64xf32>
    %concatenate3A = tpu.concatenate %get3A_3, %get3A_8 in 1 : vector<1000x64xf32>, vector<1000x64xf32> -> vector<1000x128xf32>
    %get3A_9 = arith.constant 0 : index
    %get3A_10 = arith.constant 0 : index
    %get3A_11 = vector.load %arg3[%get3A_9, %get3A_10] : memref<1000x64xf32, #tpu.memory_space<vmem>>, vector<1000x64xf32>
    %get3A_12 = arith.constant 0 : index
    %get3A_13 = arith.constant 0 : index
    %get3A_14 = vector.load %arg4[%get3A_12, %get3A_13] : memref<1000x64xf32, #tpu.memory_space<vmem>>, vector<1000x64xf32>
    %concatenate3A_15 = tpu.concatenate %get3A_11, %get3A_14 in 1 : vector<1000x64xf32>, vector<1000x64xf32> -> vector<1000x128xf32>
    %get3A_16 = arith.constant 0 : index
    %get3A_17 = arith.constant 0 : index
    %get3A_18 = arith.constant 0 : index
    %get3A_19 = vector.load %arg2[%get3A_16, %get3A_17, %get3A_18] : memref<2x1000x8xf32, #tpu.memory_space<vmem>>, vector<1x1000x1xf32>
    %get3A_20 = vector.shape_cast %get3A_19 : vector<1x1000x1xf32> to vector<1000x1xf32>
    %get3A_21 = arith.constant 1 : index
    %get3A_22 = arith.constant 0 : index
    %get3A_23 = arith.constant 0 : index
    %get3A_24 = vector.load %arg2[%get3A_21, %get3A_22, %get3A_23] : memref<2x1000x8xf32, #tpu.memory_space<vmem>>, vector<1x1000x1xf32>
    %get3A_25 = vector.shape_cast %get3A_24 : vector<1x1000x1xf32> to vector<1000x1xf32>
    %add3A = arith.addf %get3A_20, %get3A_25 : vector<1000x1xf32>
    %max3A = arith.constant 1.000000e+00 : f32
    %max3A_26 = vector.broadcast %max3A : f32 to vector<1000x1xf32>
    %max3A_27 = arith.maximumf %add3A, %max3A_26 : vector<1000x1xf32>
    %div3A = arith.constant 1.000000e+00 : f32
    %div3A_28 = vector.broadcast %div3A : f32 to vector<1000x1xf32>
    %div3A_29 = arith.divf %div3A_28, %max3A_27 : vector<1000x1xf32>
    %mul3A = vector.broadcast %div3A_29 : vector<1000x1xf32> to vector<1000x128xf32>
    %mul3A_30 = arith.mulf %concatenate3A, %mul3A : vector<1000x128xf32>
    %get3A_31 = arith.constant 0 : index
    %get3A_32 = arith.constant 0 : index
    %get3A_33 = vector.load %arg5[%get3A_31, %get3A_32] : memref<128x128xf32, #tpu.memory_space<vmem>>, vector<128x128xf32>
    %dot_general3A = arith.constant dense<0.000000e+00> : vector<1000x128xf32>
    %dot_general3A_34 = tpu.matmul %mul3A_30, %get3A_33, %dot_general3A {dimension_numbers = #tpu.dot_dimension_numbers<[1], [0], [0], [1], [0, 0, 1, 1], [], []>, transpose_lhs_hint = false} : vector<1000x128xf32>, vector<128x128xf32>, vector<1000x128xf32> -> vector<1000x128xf32>
    %get3A_35 = arith.constant 0 : index
    %get3A_36 = arith.constant 0 : index
    %get3A_37 = vector.load %arg6[%get3A_35, %get3A_36] : memref<128x128xf32, #tpu.memory_space<vmem>>, vector<128x128xf32>
    %dot_general3A_38 = arith.constant dense<0.000000e+00> : vector<1000x128xf32>
    %dot_general3A_39 = tpu.matmul %concatenate3A_15, %get3A_37, %dot_general3A_38 {dimension_numbers = #tpu.dot_dimension_numbers<[1], [0], [0], [1], [0, 0, 1, 1], [], []>, transpose_lhs_hint = false} : vector<1000x128xf32>, vector<128x128xf32>, vector<1000x128xf32> -> vector<1000x128xf32>
    %add3A_40 = arith.addf %dot_general3A_34, %dot_general3A_39 : vector<1000x128xf32>
    %get3A_41 = arith.constant 0 : index
    %get3A_42 = arith.constant 0 : index
    %get3A_43 = vector.load %arg7[%get3A_41, %get3A_42] : memref<1x128xf32, #tpu.memory_space<vmem>>, vector<1x128xf32>
    %add3A_44 = vector.broadcast %get3A_43 : vector<1x128xf32> to vector<1000x128xf32>
    %add3A_45 = arith.addf %add3A_40, %add3A_44 : vector<1000x128xf32>
    %max3A_46 = arith.constant 0.000000e+00 : f32
    %max3A_47 = vector.broadcast %max3A_46 : f32 to vector<1000x128xf32>
    %max3A_48 = arith.maximumf %add3A_45, %max3A_47 : vector<1000x128xf32>
    %get3A_49 = arith.constant 0 : index
    %get3A_50 = arith.constant 0 : index
    %get3A_51 = vector.load %arg8[%get3A_49, %get3A_50] : memref<128x128xf32, #tpu.memory_space<vmem>>, vector<128x128xf32>
    %dot_general3A_52 = arith.constant dense<0.000000e+00> : vector<1000x128xf32>
    %dot_general3A_53 = tpu.matmul %max3A_48, %get3A_51, %dot_general3A_52 {dimension_numbers = #tpu.dot_dimension_numbers<[1], [0], [0], [1], [0, 0, 1, 1], [], []>, transpose_lhs_hint = false} : vector<1000x128xf32>, vector<128x128xf32>, vector<1000x128xf32> -> vector<1000x128xf32>
    %get3A_54 = arith.constant 0 : index
    %get3A_55 = arith.constant 0 : index
    %get3A_56 = vector.load %arg9[%get3A_54, %get3A_55] : memref<1x128xf32, #tpu.memory_space<vmem>>, vector<1x128xf32>
    %add3A_57 = vector.broadcast %get3A_56 : vector<1x128xf32> to vector<1000x128xf32>
    %add3A_58 = arith.addf %dot_general3A_53, %add3A_57 : vector<1000x128xf32>
    %swap3A = arith.constant 0 : index
    %swap3A_59 = arith.constant 0 : index
    %swap3A_60 = vector.load %arg10[%swap3A, %swap3A_59] : memref<1000x128xf32, #tpu.memory_space<vmem>>, vector<1000x128xf32>
    tpu.vector_store %arg10[%swap3A, %swap3A_59], %add3A_58 {strides = array<i32>} : memref<1000x128xf32, #tpu.memory_space<vmem>>, vector<1000x128xf32>,
    return
  }
  func.func @transform_0(%arg0: i32) -> (i32, i32, i32) {
    %c0_i32 = arith.constant 0 : i32
    %c0_i32_0 = arith.constant 0 : i32
    %c0_i32_1 = arith.constant 0 : i32
    return %c0_i32, %arg0, %c0_i32_0 : i32, i32, i32
  }
  func.func @transform_1(%arg0: i32) -> (i32, i32, i32) {
    %c0_i32 = arith.constant 0 : i32
    %c0_i32_0 = arith.constant 0 : i32
    %c0_i32_1 = arith.constant 0 : i32
    return %c0_i32, %arg0, %c0_i32_0 : i32, i32, i32
  }
  func.func @transform_2(%arg0: i32) -> (i32, i32) {
    %c0_i32 = arith.constant 0 : i32
    %c0_i32_0 = arith.constant 0 : i32
    return %arg0, %c0_i32 : i32, i32
  }
  func.func @transform_3(%arg0: i32) -> (i32, i32) {
    %c0_i32 = arith.constant 0 : i32
    %c0_i32_0 = arith.constant 0 : i32
    return %arg0, %c0_i32 : i32, i32
  }
  func.func @transform_4(%arg0: i32) -> (i32, i32) {
    %c0_i32 = arith.constant 0 : i32
    %c0_i32_0 = arith.constant 0 : i32
    %c0_i32_1 = arith.constant 0 : i32
    return %c0_i32, %c0_i32_0 : i32, i32
  }
  func.func @transform_5(%arg0: i32) -> (i32, i32) {
    %c0_i32 = arith.constant 0 : i32
    %c0_i32_0 = arith.constant 0 : i32
    %c0_i32_1 = arith.constant 0 : i32
    return %c0_i32, %c0_i32_0 : i32, i32
  }
  func.func @transform_6(%arg0: i32) -> (i32, i32) {
    %c0_i32 = arith.constant 0 : i32
    %c0_i32_0 = arith.constant 0 : i32
    %c0_i32_1 = arith.constant 0 : i32
    return %c0_i32, %c0_i32_0 : i32, i32
  }
  func.func @transform_7(%arg0: i32) -> (i32, i32) {
    %c0_i32 = arith.constant 0 : i32
    %c0_i32_0 = arith.constant 0 : i32
    %c0_i32_1 = arith.constant 0 : i32
    return %c0_i32, %c0_i32_0 : i32, i32
  }
  func.func @transform_8(%arg0: i32) -> (i32, i32) {
    %c0_i32 = arith.constant 0 : i32
    %c0_i32_0 = arith.constant 0 : i32
    %c0_i32_1 = arith.constant 0 : i32
    return %c0_i32, %c0_i32_0 : i32, i32
  }
  func.func @transform_9(%arg0: i32) -> (i32, i32) {
    %c0_i32 = arith.constant 0 : i32
    %c0_i32_0 = arith.constant 0 : i32
    return %arg0, %c0_i32 : i32, i32
  }
}

</mosaic_0001>

<sc_bundles>
// kernel: kernel.10.cloned.1.call-start
scs
__scs_entry_jumppad:
0x0: {  	(pc) =	sbr.rel $0x88, $3  }
0x1: {  	(tag) =	ssettag $0x0;
	lr =	simm.s32 $0x1  }
0x2: {  	[smem:$0x3F98] =	sst lr;
	_ =	strace $0xD0000000  }
0x3: {  	_ = 	snop  }
0x4: {  	_ = 	snop  }
0x5: {  	_ = 	snop  }
0x6: {  	_ = 	snop  }
0x7: {  	_ = 	snop  }
__scs_overlays_trampoline_lowered:
0x8: {  	[smem:$0x3FA7] =	sst s0  }
0x9: {  	[smem:$0x3FA8] =	sst s1  }
0xa: {  	[smem:$0x3FA9] =	sst s2  }
0xb: {  	[smem:$0x3FAA] =	sst s3  }
0xc: {  	[smem:$0x3FAB] =	sst s4  }
0xd: {  	[smem:$0x3FAC] =	sst s5  }
0xe: {  	[smem:$0x3FAD] =	sst s6  }
0xf: {  	[smem:$0x3FAE] =	sst s7  }
0x10: {  	[smem:$0x3FAF] =	sst s8  }
0x11: {  	[smem:$0x3FB0] =	sst s9;
	s0 =	simm.s32 @!p0 $0x0  }
0x12: {  	s1 =	sld [smem:$0x3F96];
	s0 =	simm.s32 @p0 $0x1  }
0x13: {  	[smem:$0x3FB1] =	sst s0;
	s0 =	simm.s32 @!p1 $0x0  }
0x14: {  	s2 =	sld [smem:$0x3F95];
	s0 =	simm.s32 @p1 $0x1  }
0x15: {  	[smem:$0x3FB2] =	sst s0;
	s0 =	simm.s32 @!p2 $0x0  }
0x16: {  	s3 =	sld [smem:$0x3FDB];
	s0 =	simm.s32 @p2 $0x1  }
0x17: {  	s4 =	simm.s32 $0x1BF5;
	[smem:$0x3FB4] =	sst s0  }
0x18: {  	s0 =	sld [smem:$0x3F97];
	_ =	swait.ge [sflag:s4], $0x0  }
0x19: {  	s7 =	sld [smem:$0x3F98]  }
0x1a: {  	s8 =	sadd.s32 $0xFFFFE003, lr  }
0x1b: {  	s9 =	sadd.s32 $0xFFFFFEF7, lr;
	s5 =	simm.s32 $0xFFFFFFFF;
	p2 =	slt.u32 s8, $0xFFFFF086  }
0x1c: {  	p1 =	slt.u32 s9, $0xF7A;
	s5 =	simm.s32 @!p2 $0x0  }
0x1d: {  	s5 =	simm.s32 @p1 $0x1;
	p0 =	seq.s32 s7, s2  }
0x1e: {  	s7 =	smul.u32 @!p0 $0xF7A, s2;
	p2 =	seq.s32 @!p0 s5, $0x0  }
0x1f: {  	s9 =	smul.u32 $0xF7A, s1;
	s8 =	simm.s32 @!p0 $0x1BF5;
	p2 =	por !p2, p0  }
0x20: {  	[sflag:s8] =	ssyncset.s32 @!p0 $0xFFFFF086;
	s6 =	sadd.s32 @!p0 s3, s7;
	s7 =	simm.s32 @!p0 $0x108  }
0x21: {  	s3 =	sadd.s32 s3, s9;
	s6 =	sadd.s32 @!p0 $0x88, s6;
	s7 =	simm.s32 @p2 $0x1082  }
0x22: {  	[simem:s7], [sflag:s8] =	dma.local @!p0 [hbm:s6], $0xF7A  }
0x23: {  	s9 =	sor.u32 $0xD0000000, s2;
	s6 =	simm.s32 $0x108;
	_ =	swait.ge @!p0 [sflag:s8], $0x0  }
0x24: {  	s3 =	sadd.s32 $0x88, s3;
	s6 =	simm.s32 @!p1 $0x1082;
	[sflag:s4] =	ssyncset.s32 $0xFFFFF086  }
0x25: {  	[simem:s6], [sflag:s4] =	dma.local [hbm:s3], $0xF7A  }
0x26: {  	[smem:$0x3F98] =	sst s1;
	(tag) =	ssettag s2;
	_ =	strace s9  }
0x27: {  	s1 =	sld [smem:$0x3FA8]  }
0x28: {  	s2 =	sld [smem:$0x3FA9]  }
0x29: {  	s4 =	sld [smem:$0x3FAB]  }
0x2a: {  	p0 =	seq.s32 s5, $0x0;
	s5 =	sld [smem:$0x3FAC]  }
0x2b: {  	s6 =	sld [smem:$0x3FAD]  }
0x2c: {  	s7 =	sld [smem:$0x3FAE]  }
0x2d: {  	s3 =	simm.s32 $0x108;
	s8 =	sld [smem:$0x3FAF]  }
0x2e: {  	s3 =	simm.s32 @!p0 $0x1082;
	s9 =	sld [smem:$0x3FB0]  }
0x2f: {  	lr =	sadd.s32 s0, s3;
	s0 =	sld [smem:$0x3FA7]  }
0x30: {  	s3 =	sld [smem:$0x3FAA]  }
0x31: {  	[smem:$0x3FB3] =	sst s10  }
0x32: {  	s10 =	sld [smem:$0x3FB1];
	_ =	sdelay $0x3  }
0x33: {  	p0 =	seq.s32 s10, $0x1;
	s10 =	sld [smem:$0x3FB3];
	_ =	sdelay $0x3  }
0x34: {  	[smem:$0x3FB3] =	sst s10  }
0x35: {  	s10 =	sld [smem:$0x3FB2];
	_ =	sdelay $0x3  }
0x36: {  	p1 =	seq.s32 s10, $0x1;
	s10 =	sld [smem:$0x3FB3];
	_ =	sdelay $0x3  }
0x37: {  	[smem:$0x3FB3] =	sst s10  }
0x38: {  	s10 =	sld [smem:$0x3FB4]  }
0x39: {  	_ = 	snop;
	(pc) =	sbr.ind lr, $3  }
0x3a: {  	_ = 	snop  }
0x3b: {  	_ = 	snop  }
0x3c: {  	p2 =	seq.s32 s10, $0x1;
	s10 =	sld [smem:$0x3FB3]  }
0x3d: {  	_ =	shalt  }
0x3e: {  	_ =	shalt  }
0x3f: {  	_ =	shalt  }
0x40: {  	_ =	shalt  }
0x41: {  	_ =	shalt  }
0x42: {  	_ =	shalt  }
0x43: {  	_ =	shalt  }
0x44: {  	_ =	shalt  }
0x45: {  	_ =	shalt  }
0x46: {  	_ =	shalt  }
0x47: {  	_ =	shalt  }
0x48: {  	_ =	shalt  }
0x49: {  	_ =	shalt  }
0x4a: {  	_ =	shalt  }
0x4b: {  	_ =	shalt  }
0x4c: {  	_ =	shalt  }
0x4d: {  	_ =	shalt  }
0x4e: {  	_ =	shalt  }
0x4f: {  	_ =	shalt  }
0x50: {  	_ =	shalt  }
0x51: {  	_ =	shalt  }
0x52: {  	_ =	shalt  }
0x53: {  	_ =	shalt  }
0x54: {  	_ =	shalt  }
0x55: {  	_ =	shalt  }
0x56: {  	_ =	shalt  }
0x57: {  	_ =	shalt  }
0x58: {  	_ =	shalt  }
0x59: {  	_ =	shalt  }
0x5a: {  	_ =	shalt  }
0x5b: {  	_ =	shalt  }
0x5c: {  	_ =	shalt  }
0x5d: {  	_ =	shalt  }
0x5e: {  	_ =	shalt  }
0x5f: {  	_ =	shalt  }
0x60: {  	_ =	shalt  }
0x61: {  	_ =	shalt  }
0x62: {  	_ =	shalt  }
0x63: {  	_ =	shalt  }
0x64: {  	_ =	shalt  }
0x65: {  	_ =	shalt  }
0x66: {  	_ =	shalt  }
0x67: {  	_ =	shalt  }
0x68: {  	_ =	shalt  }
0x69: {  	_ =	shalt  }
0x6a: {  	_ =	shalt  }
0x6b: {  	_ =	shalt  }
0x6c: {  	_ =	shalt  }
0x6d: {  	_ =	shalt  }
0x6e: {  	_ =	shalt  }
0x6f: {  	_ =	shalt  }
0x70: {  	_ =	shalt  }
0x71: {  	_ =	shalt  }
0x72: {  	_ =	shalt  }
0x73: {  	_ =	shalt  }
0x74: {  	_ =	shalt  }
0x75: {  	_ =	shalt  }
0x76: {  	_ =	shalt  }
0x77: {  	_ =	shalt  }
0x78: {  	_ =	shalt  }
0x79: {  	_ =	shalt  }
0x7a: {  	_ =	shalt  }
0x7b: {  	_ =	shalt  }
0x7c: {  	_ =	shalt  }
0x7d: {  	_ =	shalt  }
0x7e: {  	_ =	shalt  }
0x7f: {  	_ =	shalt  }
0x80: {  	_ =	shalt  }
0x81: {  	_ =	shalt  }
0x82: {  	_ =	shalt  }
0x83: {  	_ =	shalt  }
0x84: {  	_ =	shalt  }
0x85: {  	_ =	shalt  }
0x86: {  	_ =	shalt  }
0x87: {  	_ =	shalt  }
.Lfunc_end0:
.L_simem_size_0:
called_computation.1_lowered:
.L_overlay_start_0:
0x88: {  	s2 =	sld [smem:$0x3FD9]  }
0x89: {  	s3 =	sld [smem:$0x3FFE];
	_ =	sdelay $0x1  }
0x8a: {  	s1 =	srdreg.scid  }
0x8b: {  	s0 =	sand.u32 $0x1, s1  }
0x8c: {  	s17 =	sshll.u32 s0, $0xA;
	s2 =	sadd.s32 s3, s2  }
0x8d: {  	s2 =	sadd.s32 s2, s17  }
0x8e: {  	[smem:$0x3FBF] =	sst s2  }
0x8f: {  	_ = 	snop  }
0x90: {  	s2 =	sld [smem:$0x3FD0];
	(tm) =	ssettm $0x1  }
0x91: {  	s18 =	sld [smem:$0x3FFB];
	_ =	sdelay $0x3  }
0x92: {  	_ =	strace s18  }
0x93: {  	s3 =	sld [smem:$0x3FFC];
	_ =	sdelay $0x3  }
0x94: {  	_ =	strace s3  }
0x95: {  	s3 =	sld [smem:$0x3FFD];
	_ =	sdelay $0x3  }
0x96: {  	_ =	strace s3  }
0x97: {  	_ =	strace $0x8FFFFFFF  }
0x98: {  	s19 =	sld [smem:$0x3FDB];
	_ =	sdelay $0x1  }
0x99: {  	s4 =	simm.s32 $_scs_section_size  }
0x9a: {  	s5 =	simm.s32 $_size__tile_overlayer_lowered;
	s6 =	simm.s32 $_tile_overlayer_lowered  }
0x9b: {  	s22 =	simm.s32 $0x1BFF;
	s21 =	sshll.u32 s6, $0x1;
	s3 =	sadd.s32 s4, s19  }
0x9c: {  	s7 =	simm.s32 $0x0;
	s20 =	sshll.u32 s5, $0x1;
	s5 =	sadd.s32 s21, s3  }
0x9d: {  	[timem:s7], [sflag:s22] =	dma.local [hbm:s5], s20  }
0x9e: {  	_ =	swait.ge [sflag:s22], s20  }
0x9f: {  	s4 =	ssub.s32 $0x0, s20;
	[sflag:s22] =	ssyncset.done $0x0  }
0xa0: {  	[sflag:s22] =	ssyncadd.s32 s4;
	_ =	sdelay $0x1  }
0xa1: {  	s23 =	simm.s32 $0x1B8B  }
0xa2: {  	_ =	swait.ge [sflag:s23], $0x1  }
0xa3: {  	[sflag:s23] =	ssyncset.done $0x0  }
0xa4: {  	s25 =	simm.s32 $0x1B8E;
	s24 =	sld [smem:$0x3FFE];
	[sflag:s23] =	ssyncadd.s32 $0xFFFFFFFF  }
0xa5: {  	s26 =	simm.s32 $execute0_lowered;
	[smem:$0x3FD2] =	sst s25  }
0xa6: {  	s5 =	sshll.u32 s26, $0x1;
	_ =	strace $0x80000049;
	[dreg:$0x1] =	wrdreg $0xFFFFFFFF  }
0xa7: {  	s28 =	simm.s32 $_size_execute0_lowered;
	s3 =	sadd.s32 s3, s5;
	[dreg:$0x0] =	wrdreg $0x0  }
0xa8: {  	s5 =	sshll.u32 s28, $0x1;
	[dreg:$0x2] =	wrdreg s3  }
0xa9: {  	[dreg:$0x3] =	wrdreg s5  }
0xaa: {  	[dreg:$0x4] =	wrdreg $0xC0  }
0xab: {  	_ =	task [dreg:s7], $0x5FFFF  }
0xac: {  	[dreg:$0x1] =	wrdreg $0xFFFFFFFF  }
0xad: {  	[dreg:$0x0] =	wrdreg $0x60  }
0xae: {  	[dreg:$0x2] =	wrdreg s2  }
0xaf: {  	[dreg:$0x3] =	wrdreg s24  }
0xb0: {  	[dreg:$0x4] =	wrdreg $0x0  }
0xb1: {  	[dreg:$0x5] =	wrdreg $0x9  }
0xb2: {  	_ =	task.clear_ibuf [dreg:s7], $0x6FFFF;
	_ =	strace $0x90000049  }
0xb3: {  	s29 =	simm.s32 $0x9;
	_ =	strace $0x8000004B  }
0xb4: {  	_ =	swait.ge [sflag:s29], $0x1  }
0xb5: {  	[sflag:s29] =	ssyncadd.s32 $0xFFFFFFFF  }
0xb6: {  	_ =	strace $0x9000004B  }
0xb7: {  	_ =	sfence  }
0xb8: {  	s30 =	sld [smem:$0x0];
	_ =	sdelay $0x2  }
0xb9: {  	s31 =	sshll.u32 s1, $0xD;
	s1 =	sshrl.u32 s1, $0x2  }
0xba: {  	s3 =	sand.u32 $0x4000, s31;
	s1 =	sadd.s32 s1, s30  }
0xbb: {  	s0 =	sor.u32 s3, s0;
	s1 =	sshll.u32 s1, $0x11  }
0xbc: {  	s0 =	sor.u32 s1, s0  }
0xbd: {  	s0 =	sadd.s32 $0x8F2B, s0  }
0xbe: {  	[sflag:s0] =	ssyncadd.remote.s32 $0x1  }
0xbf: {  	_ =	sfence.sel $0xFFFF  }
0xc0: {  	[dreg:$0x0] =	wrdreg $0xFFFFFFFF;
	(pc) =	sbr.abs _section_cstart, $3  }
0xc1: {  	[dreg:$0x1] =	wrdreg $0xFFFFFFFF  }
0xc2: {  	_ =	task.clear_ibuf [dreg:s7], $0x2FFFF;
	_ =	strace $0x9FFFFFFF  }
0xc3: {  	(tm) =	ssettm $0x7FFFFFFF  }
tec
execute0_lowered:
.L_overlay_start_1:
0x0: {  	(tag) =	ssettag $0x1  }
0x1: {  	s1 =	rddreg [dreg:$0x0]  }
0x2: {  	s0 =	rddreg [dreg:$0x1]  }
0x3: {  	s3 =	rddreg [dreg:$0x2];
	s4 =	simm.s32 $0x0  }
0x4: {  	s7 =	stileid.u32;
	s6 =	srdreg.scid;
	s28 =	simm.s32 $0x6  }
0x5: {  	s29 =	simm.s32 $0x1;
	s30 =	simm.s32 $0x2;
	s31 =	simm.s32 $0x3  }
0x6: {  	[smem:$0x7FF] =	sst s4;
	s2 =	smul.u32 $0x9F0, s7;
	s5 =	sadd.s32 $0x2A00, s0  }
0x7: {  	s6 =	sand.u32 $0x1, s6;
	s14 =	smul.u32 $0xA000, s7;
	s23 =	sadd.s32 $0x3E200, s0  }
0x8: {  	_ =	strace $0x8000004A;
	[dreg:$0x4] =	wrdreg s23;
	s24 =	ssub.s32 $0x2, s6  }
0x9: {  	s22 =	smul.u32 $0xA0000, s6;
	p0 =	seq.s32 s6, $0x1;
	s2 =	sadd.s32 s2, s0  }
0xa: {  	s0 =	sadd.s32 $0x3E600, s0;
	s8 =	sshrl.u32 s24, $0x1;
	s15 =	sor.u32 $0x1400, s14  }
0xb: {  	s7 =	sadd.s32 s14, s3;
	s17 =	sadd.s32 $0x2800, s14;
	s18 =	sadd.s32 $0x3C00, s14  }
0xc: {  	s19 =	sadd.s32 $0x5000, s14;
	s20 =	sadd.s32 $0x6400, s14;
	s21 =	sadd.s32 $0x7800, s14  }
0xd: {  	s25 =	sadd.s32 $0x8C00, s14;
	s16 =	ssub.s32 s24, s8;
	s8 =	sadd.s32 s15, s3  }
0xe: {  	s9 =	sadd.s32 s17, s3;
	s10 =	sadd.s32 s18, s3;
	s11 =	sadd.s32 s19, s3  }
0xf: {  	s12 =	sadd.s32 s20, s3;
	s13 =	sadd.s32 s21, s3;
	s23 =	sadd.s32 s14, s22  }
0x10: {  	s15 =	sadd.s32 s22, s15;
	s17 =	sadd.s32 s22, s17;
	s18 =	sadd.s32 s22, s18  }
0x11: {  	s19 =	sadd.s32 s22, s19;
	s20 =	sadd.s32 s22, s20;
	s21 =	sadd.s32 s22, s21  }
0x12: {  	s22 =	sadd.s32 s22, s25;
	s14 =	sadd.s32 s25, s3;
	s26 =	sshrl.u32 s23, $0x3  }
0x13: {  	s15 =	sshrl.u32 s15, $0x3;
	s17 =	sshrl.u32 s17, $0x3;
	s18 =	sshrl.u32 s18, $0x3  }
0x14: {  	s19 =	sshrl.u32 s19, $0x3;
	s24 =	sshrl.u32 s20, $0x3;
	s6 =	sadd.s32 s0, s26  }
0x15: {  	s25 =	sshrl.u32 s21, $0x3;
	s15 =	sadd.s32 s0, s15;
	[dreg:$0x5] =	wrdreg s6  }
0x16: {  	s23 =	sadd.s32 s0, s19;
	s26 =	sshrl.u32 s22, $0x3;
	[dreg:$0x6] =	wrdreg s15  }
0x17: {  	s19 =	simm.s32 $0x0;
	s6 =	sadd.s32 s0, s17;
	[dreg:$0x9] =	wrdreg s23  }
0x18: {  	s23 =	sadd.s32 $0x29E00, s2;
	s15 =	simm.s32 $0x15F00;
	s17 =	simm.s32 $0x4  }
0x19: {  	[dreg:$0x7] =	wrdreg s6;
	s6 =	sadd.s32 s0, s18;
	s18 =	simm.s32 $0x5  }
.Ltmp0:
0x1a: {  	[dreg:$0x8] =	wrdreg s6;
	s6 =	sadd.s32 s0, s24;
	(pc) =	sbr.rel .LBB2_1-.Ltmp0, $4  }
0x1b: {  	s24 =	sadd.s32 $0x33E00, s2;
	s2 =	simm.s32 $0x80;
	[dreg:$0xa] =	wrdreg s6  }
0x1c: {  	s6 =	sadd.s32 s0, s25;
	s0 =	sadd.s32 s0, s26;
	s25 =	smax.u32 s16, $0x1  }
0x1d: {  	s26 =	simm.s32 $0x19F00;
	s16 =	simm.s32 $0x17F00;
	[dreg:$0xb] =	wrdreg s6  }
0x1e: {  	[dreg:$0xc] =	wrdreg s0;
	s0 =	simm.s32 $0xA000;
	s6 =	simm.s32 $0x13F00  }
.LBB2_7:
0x1f: {  	[tilespmem:s16], [sflag:$0x3] =	stream.indirect.gather [hbm4b:s5+s2], $0x40, s21, s2, $0xb8;
	[tilespmem:$0x1B300] =	vst v63  }
.LBB2_8:
0x20: {  	_ =	swait.ge [sflag:s29], $0x2000  }
0x21: {  	[sflag:s29] =	ssyncset.done $0x0  }
0x22: {  	s20 =	simm.s32 $0x13D80;
	[sflag:s29] =	ssyncadd.s32 $0xFFFFE000  }
0x23: {  	[spmem:s3] =	stream.indirect.scatter.add.f32 [tilespmem:s6], [sflag:$0x6], $0x40, s20, s2, $0xb8;
	[tilespmem:$0x1B300] =	vst v63  }
0x24: {  	_ =	swait.ge [sflag:s28], $0x2000  }
0x25: {  	[sflag:s28] =	ssyncset.done $0x0  }
0x26: {  	[sflag:s28] =	ssyncadd.s32 $0xFFFFE000  }
0x27: {  	_ =	swait.ge [sflag:s30], $0x2000  }
0x28: {  	[sflag:s30] =	ssyncset.done $0x0  }
0x29: {  	s21 =	simm.s32 $0x13E00;
	[sflag:s30] =	ssyncadd.s32 $0xFFFFE000  }
0x2a: {  	[spmem:s3] =	stream.indirect.scatter.add.f32 [tilespmem:s15], [sflag:$0x6], $0x40, s21, s2, $0xb8;
	[tilespmem:$0x1B300] =	vst v63  }
0x2b: {  	_ =	swait.ge [sflag:s28], $0x2000  }
0x2c: {  	[sflag:s28] =	ssyncset.done $0x0  }
0x2d: {  	[sflag:s28] =	ssyncadd.s32 $0xFFFFE000  }
0x2e: {  	_ =	swait.ge [sflag:s31], $0x2000  }
0x2f: {  	[sflag:s31] =	ssyncset.done $0x0  }
0x30: {  	s22 =	simm.s32 $0x13E80;
	[sflag:s31] =	ssyncadd.s32 $0xFFFFE000  }
0x31: {  	[spmem:s3] =	stream.indirect.scatter.add.f32 [tilespmem:s16], [sflag:$0x6], $0x40, s22, s2, $0xb8;
	[tilespmem:$0x1B300] =	vst v63  }
0x32: {  	_ =	swait.ge [sflag:s28], $0x2000  }
0x33: {  	[sflag:s28] =	ssyncset.done $0x0  }
0x34: {  	[sflag:s28] =	ssyncadd.s32 $0xFFFFE000  }
0x35: {  	[bflag:$0x0] =	sbarrier.arrive $0xFFFF  }
0x36: {  	[tilespmem:s6], [sflag:$0x1] =	stream.linear.gather [spmem:s7], $0x1400, $0x38;
	[tilespmem:$0x1B300] =	vst v63  }
0x37: {  	_ =	swait.ge [sflag:s29], $0x1400  }
0x38: {  	[sflag:s29] =	ssyncset.done $0x0  }
0x39: {  	s21 =	rddreg [dreg:$0x5];
	[sflag:s29] =	ssyncadd.s32 $0xFFFFEC00  }
0x3a: {  	[hbm4b:s21+s4] =	stream.linear.scatter [tilespmem:s6], [sflag:$0x4], $0x1400, $0x38;
	[tilespmem:$0x1B300] =	vst v63  }
0x3b: {  	_ = 	snop  }
0x3c: {  	[tilespmem:s15], [sflag:$0x2] =	stream.linear.gather [spmem:s8], $0x1400, $0x38;
	[tilespmem:$0x1B300] =	vst v63  }
0x3d: {  	_ =	swait.ge [sflag:s30], $0x1400  }
0x3e: {  	[sflag:s30] =	ssyncset.done $0x0  }
0x3f: {  	s22 =	rddreg [dreg:$0x6];
	[sflag:s30] =	ssyncadd.s32 $0xFFFFEC00  }
0x40: {  	[hbm4b:s22+s4] =	stream.linear.scatter [tilespmem:s15], [sflag:$0x5], $0x1400, $0x38;
	[tilespmem:$0x1B300] =	vst v63  }
0x41: {  	_ =	swait.ge [sflag:s17], $0x1400  }
0x42: {  	[sflag:s17] =	ssyncset.done $0x0  }
0x43: {  	[sflag:s17] =	ssyncadd.s32 $0xFFFFEC00  }
0x44: {  	[tilespmem:s6], [sflag:$0x1] =	stream.linear.gather [spmem:s9], $0x1400, $0x38;
	[tilespmem:$0x1B300] =	vst v63  }
0x45: {  	_ =	swait.ge [sflag:s29], $0x1400  }
0x46: {  	[sflag:s29] =	ssyncset.done $0x0  }
0x47: {  	s21 =	rddreg [dreg:$0x7];
	[sflag:s29] =	ssyncadd.s32 $0xFFFFEC00  }
0x48: {  	[hbm4b:s21+s4] =	stream.linear.scatter [tilespmem:s6], [sflag:$0x4], $0x1400, $0x38;
	[tilespmem:$0x1B300] =	vst v63  }
0x49: {  	_ =	swait.ge [sflag:s18], $0x1400  }
0x4a: {  	[sflag:s18] =	ssyncset.done $0x0  }
0x4b: {  	[sflag:s18] =	ssyncadd.s32 $0xFFFFEC00  }
0x4c: {  	[tilespmem:s15], [sflag:$0x2] =	stream.linear.gather [spmem:s10], $0x1400, $0x38;
	[tilespmem:$0x1B300] =	vst v63  }
0x4d: {  	_ =	swait.ge [sflag:s30], $0x1400  }
0x4e: {  	[sflag:s30] =	ssyncset.done $0x0  }
0x4f: {  	s22 =	rddreg [dreg:$0x8];
	[sflag:s30] =	ssyncadd.s32 $0xFFFFEC00  }
0x50: {  	[hbm4b:s22+s4] =	stream.linear.scatter [tilespmem:s15], [sflag:$0x5], $0x1400, $0x38;
	[tilespmem:$0x1B300] =	vst v63  }
0x51: {  	_ =	swait.ge [sflag:s17], $0x1400  }
0x52: {  	[sflag:s17] =	ssyncset.done $0x0  }
0x53: {  	[sflag:s17] =	ssyncadd.s32 $0xFFFFEC00  }
0x54: {  	[tilespmem:s6], [sflag:$0x1] =	stream.linear.gather [spmem:s11], $0x1400, $0x38;
	[tilespmem:$0x1B300] =	vst v63  }
0x55: {  	_ =	swait.ge [sflag:s29], $0x1400  }
0x56: {  	[sflag:s29] =	ssyncset.done $0x0  }
0x57: {  	s21 =	rddreg [dreg:$0x9];
	[sflag:s29] =	ssyncadd.s32 $0xFFFFEC00  }
0x58: {  	[hbm4b:s21+s4] =	stream.linear.scatter [tilespmem:s6], [sflag:$0x4], $0x1400, $0x38;
	[tilespmem:$0x1B300] =	vst v63  }
0x59: {  	_ =	swait.ge [sflag:s18], $0x1400  }
0x5a: {  	[sflag:s18] =	ssyncset.done $0x0  }
0x5b: {  	[sflag:s18] =	ssyncadd.s32 $0xFFFFEC00  }
0x5c: {  	[tilespmem:s15], [sflag:$0x2] =	stream.linear.gather [spmem:s12], $0x1400, $0x38;
	[tilespmem:$0x1B300] =	vst v63  }
0x5d: {  	_ =	swait.ge [sflag:s30], $0x1400  }
0x5e: {  	[sflag:s30] =	ssyncset.done $0x0  }
0x5f: {  	s22 =	rddreg [dreg:$0xa];
	[sflag:s30] =	ssyncadd.s32 $0xFFFFEC00  }
0x60: {  	[hbm4b:s22+s4] =	stream.linear.scatter [tilespmem:s15], [sflag:$0x5], $0x1400, $0x38;
	[tilespmem:$0x1B300] =	vst v63  }
0x61: {  	_ =	swait.ge [sflag:s17], $0x1400  }
0x62: {  	[sflag:s17] =	ssyncset.done $0x0  }
0x63: {  	[sflag:s17] =	ssyncadd.s32 $0xFFFFEC00  }
0x64: {  	[tilespmem:s6], [sflag:$0x1] =	stream.linear.gather [spmem:s13], $0x1400, $0x38;
	[tilespmem:$0x1B300] =	vst v63  }
0x65: {  	_ =	swait.ge [sflag:s29], $0x1400  }
0x66: {  	[sflag:s29] =	ssyncset.done $0x0  }
0x67: {  	s21 =	rddreg [dreg:$0xb];
	[sflag:s29] =	ssyncadd.s32 $0xFFFFEC00  }
0x68: {  	[hbm4b:s21+s4] =	stream.linear.scatter [tilespmem:s6], [sflag:$0x4], $0x1400, $0x38;
	[tilespmem:$0x1B300] =	vst v63  }
0x69: {  	_ =	swait.ge [sflag:s18], $0x1400  }
0x6a: {  	[sflag:s18] =	ssyncset.done $0x0  }
0x6b: {  	[sflag:s18] =	ssyncadd.s32 $0xFFFFEC00  }
0x6c: {  	[tilespmem:s15], [sflag:$0x2] =	stream.linear.gather [spmem:s14], $0x1400, $0x38;
	[tilespmem:$0x1B300] =	vst v63  }
0x6d: {  	_ =	swait.ge [sflag:s30], $0x1400  }
0x6e: {  	[sflag:s30] =	ssyncset.done $0x0  }
0x6f: {  	s19 =	sadd.s32 $0x1, s19;
	s22 =	rddreg [dreg:$0xc];
	[sflag:s30] =	ssyncadd.s32 $0xFFFFEC00  }
0x70: {  	[hbm4b:s22+s4] =	stream.linear.scatter [tilespmem:s15], [sflag:$0x5], $0x1400, $0x38;
	[tilespmem:$0x1B300] =	vst v63  }
0x71: {  	p1 =	sne.s32 s19, s25;
	_ =	swait.ge [sflag:s17], $0x1400  }
.Ltmp1:
0x72: {  	[sflag:s17] =	ssyncset.done $0x0;
	(pc) =	sbr.rel @!p1 .LBB2_9-.Ltmp1, $4  }
0x73: {  	[sflag:s17] =	ssyncadd.s32 $0xFFFFEC00  }
0x74: {  	_ =	swait.ge [sflag:s18], $0x1400  }
0x75: {  	[sflag:s18] =	ssyncset.done $0x0  }
0x76: {  	[sflag:s18] =	ssyncadd.s32 $0xFFFFEC00  }
.LBB2_1:
0x77: {  	s20 =	rddreg [dreg:$0x4]  }
0x78: {  	[tilespmem:s26], [sflag:$0x6] =	stream.linear.gather [hbm4b:s20+s4], $0x1400, $0x38;
	[tilespmem:$0x1B300] =	vst v63  }
0x79: {  	_ =	swait.ge [sflag:s28], $0x1400  }
0x7a: {  	[sflag:s28] =	ssyncset.done $0x0  }
0x7b: {  	[sflag:s28] =	ssyncadd.s32 $0xFFFFEC00  }
0x7c: {  	[spmem:s7] =	stream.linear.scatter [tilespmem:s26], [sflag:$0x1], $0x1400, $0x38;
	[tilespmem:$0x1B300] =	vst v63  }
0x7d: {  	_ = 	snop  }
0x7e: {  	[spmem:s8] =	stream.linear.scatter [tilespmem:s26], [sflag:$0x2], $0x1400, $0x38;
	[tilespmem:$0x1B300] =	vst v63  }
0x7f: {  	_ = 	snop  }
0x80: {  	[spmem:s9] =	stream.linear.scatter [tilespmem:s26], [sflag:$0x3], $0x1400, $0x38;
	[tilespmem:$0x1B300] =	vst v63  }
0x81: {  	_ = 	snop  }
0x82: {  	[spmem:s10] =	stream.linear.scatter [tilespmem:s26], [sflag:$0x1], $0x1400, $0x38;
	[tilespmem:$0x1B300] =	vst v63  }
0x83: {  	_ = 	snop  }
0x84: {  	[spmem:s11] =	stream.linear.scatter [tilespmem:s26], [sflag:$0x2], $0x1400, $0x38;
	[tilespmem:$0x1B300] =	vst v63  }
0x85: {  	_ = 	snop  }
0x86: {  	[spmem:s12] =	stream.linear.scatter [tilespmem:s26], [sflag:$0x3], $0x1400, $0x38;
	[tilespmem:$0x1B300] =	vst v63  }
0x87: {  	_ = 	snop  }
0x88: {  	[spmem:s13] =	stream.linear.scatter [tilespmem:s26], [sflag:$0x1], $0x1400, $0x38;
	[tilespmem:$0x1B300] =	vst v63  }
0x89: {  	_ = 	snop  }
0x8a: {  	[spmem:s14] =	stream.linear.scatter [tilespmem:s26], [sflag:$0x2], $0x1400, $0x38;
	[tilespmem:$0x1B300] =	vst v63  }
0x8b: {  	_ =	swait.ge [sflag:s29], $0x1400  }
0x8c: {  	[sflag:s29] =	ssyncset.done $0x0  }
0x8d: {  	[sflag:s29] =	ssyncadd.s32 $0xFFFFEC00  }
0x8e: {  	_ =	swait.ge [sflag:s30], $0x1400  }
0x8f: {  	[sflag:s30] =	ssyncset.done $0x0  }
0x90: {  	[sflag:s30] =	ssyncadd.s32 $0xFFFFEC00  }
0x91: {  	_ =	swait.ge [sflag:s31], $0x1400  }
0x92: {  	[sflag:s31] =	ssyncset.done $0x0  }
0x93: {  	[sflag:s31] =	ssyncadd.s32 $0xFFFFEC00  }
0x94: {  	_ =	swait.ge [sflag:s29], $0x1400  }
0x95: {  	[sflag:s29] =	ssyncset.done $0x0  }
0x96: {  	[sflag:s29] =	ssyncadd.s32 $0xFFFFEC00  }
0x97: {  	_ =	swait.ge [sflag:s30], $0x1400  }
0x98: {  	[sflag:s30] =	ssyncset.done $0x0  }
0x99: {  	[sflag:s30] =	ssyncadd.s32 $0xFFFFEC00  }
0x9a: {  	_ =	swait.ge [sflag:s31], $0x1400  }
0x9b: {  	[sflag:s31] =	ssyncset.done $0x0  }
0x9c: {  	[sflag:s31] =	ssyncadd.s32 $0xFFFFEC00  }
0x9d: {  	_ =	swait.ge [sflag:s29], $0x1400  }
0x9e: {  	[sflag:s29] =	ssyncset.done $0x0  }
0x9f: {  	[sflag:s29] =	ssyncadd.s32 $0xFFFFEC00  }
0xa0: {  	_ =	swait.ge [sflag:s30], $0x1400  }
0xa1: {  	[sflag:s30] =	ssyncset.done $0x0  }
0xa2: {  	[sflag:s30] =	ssyncadd.s32 $0xFFFFEC00  }
0xa3: {  	[bflag:$0x0] =	sbarrier.arrive $0xFFFF  }
0xa4: {  	[tilespmem:s0], [sflag:$0x6] =	stream.linear.gather [hbm4b:s23+s4], $0x4F80, $0x38;
	[tilespmem:$0x1B300] =	vst v63  }
0xa5: {  	_ =	swait.ge [sflag:s28], $0x4F80  }
0xa6: {  	[sflag:s28] =	ssyncset.done $0x0  }
.Ltmp2:
0xa7: {  	s22 =	simm.s32 $0xEF80;
	[sflag:s28] =	ssyncadd.s32 $0xFFFFB080;
	(pc) =	sbr.rel @!p0 .LBB2_2-.Ltmp2, $4  }
0xa8: {  	[tilespmem:s22], [sflag:$0x6] =	stream.linear.gather [hbm4b:s24+s4], $0x4F80, $0x38;
	[tilespmem:$0x1B300] =	vst v63  }
0xa9: {  	_ =	swait.ge [sflag:s28], $0x4F80  }
0xaa: {  	[sflag:s28] =	ssyncset.done $0x0  }
0xab: {  	[sflag:s28] =	ssyncadd.s32 $0xFFFFB080  }
0xac: {  	[tilespmem:s6], [sflag:$0x1] =	stream.indirect.gather [hbm4b:s5+s2], $0x40, s0, s2, $0xb8;
	[tilespmem:$0x1B300] =	vst v63  }
0xad: {  	s20 =	simm.s32 $0xA080  }
0xae: {  	[tilespmem:s15], [sflag:$0x2] =	stream.indirect.gather [hbm4b:s5+s2], $0x40, s20, s2, $0xb8;
	[tilespmem:$0x1B300] =	vst v63  }
0xaf: {  	s21 =	simm.s32 $0xA100  }
0xb0: {  	[tilespmem:s16], [sflag:$0x3] =	stream.indirect.gather [hbm4b:s5+s2], $0x40, s21, s2, $0xb8;
	[tilespmem:$0x1B300] =	vst v63  }
0xb1: {  	_ =	swait.ge [sflag:s29], $0x2000  }
0xb2: {  	[sflag:s29] =	ssyncset.done $0x0  }
0xb3: {  	s22 =	simm.s32 $0xEF80;
	[sflag:s29] =	ssyncadd.s32 $0xFFFFE000  }
0xb4: {  	[spmem:s3] =	stream.indirect.scatter.add.f32 [tilespmem:s6], [sflag:$0x6], $0x40, s22, s2, $0xb8;
	[tilespmem:$0x1B300] =	vst v63  }
0xb5: {  	_ =	swait.ge [sflag:s28], $0x2000  }
0xb6: {  	[sflag:s28] =	ssyncset.done $0x0  }
0xb7: {  	s21 =	simm.s32 $0xA180;
	[sflag:s28] =	ssyncadd.s32 $0xFFFFE000  }
0xb8: {  	[tilespmem:s6], [sflag:$0x1] =	stream.indirect.gather [hbm4b:s5+s2], $0x40, s21, s2, $0xb8;
	[tilespmem:$0x1B300] =	vst v63  }
0xb9: {  	_ =	swait.ge [sflag:s30], $0x2000  }
0xba: {  	[sflag:s30] =	ssyncset.done $0x0  }
0xbb: {  	s22 =	simm.s32 $0xF000;
	[sflag:s30] =	ssyncadd.s32 $0xFFFFE000  }
0xbc: {  	[spmem:s3] =	stream.indirect.scatter.add.f32 [tilespmem:s15], [sflag:$0x6], $0x40, s22, s2, $0xb8;
	[tilespmem:$0x1B300] =	vst v63  }
0xbd: {  	_ =	swait.ge [sflag:s28], $0x2000  }
0xbe: {  	[sflag:s28] =	ssyncset.done $0x0  }
0xbf: {  	s21 =	simm.s32 $0xA200;
	[sflag:s28] =	ssyncadd.s32 $0xFFFFE000  }
0xc0: {  	[tilespmem:s15], [sflag:$0x2] =	stream.indirect.gather [hbm4b:s5+s2], $0x40, s21, s2, $0xb8;
	[tilespmem:$0x1B300] =	vst v63  }
0xc1: {  	_ =	swait.ge [sflag:s31], $0x2000  }
0xc2: {  	[sflag:s31] =	ssyncset.done $0x0  }
0xc3: {  	s22 =	simm.s32 $0xF080;
	[sflag:s31] =	ssyncadd.s32 $0xFFFFE000  }
0xc4: {  	[spmem:s3] =	stream.indirect.scatter.add.f32 [tilespmem:s16], [sflag:$0x6], $0x40, s22, s2, $0xb8;
	[tilespmem:$0x1B300] =	vst v63  }
0xc5: {  	_ =	swait.ge [sflag:s28], $0x2000  }
0xc6: {  	[sflag:s28] =	ssyncset.done $0x0  }
0xc7: {  	s20 =	simm.s32 $0x600;
	s21 =	simm.s32 $0xA280;
	[sflag:s28] =	ssyncadd.s32 $0xFFFFE000  }
.LBB2_6:
0xc8: {  	[tilespmem:s16], [sflag:$0x3] =	stream.indirect.gather [hbm4b:s5+s2], $0x40, s21, s2, $0xb8;
	[tilespmem:$0x1B300] =	vst v63  }
0xc9: {  	s21 =	smov.u32 s20  }
0xca: {  	p1 =	sne.s32 s20, $0x13200;
	s20 =	sadd.s32 $0x600, s20;
	_ =	swait.ge [sflag:s29], $0x2000  }
0xcb: {  	s21 =	sshra.s32 s21, $0x2;
	[sflag:s29] =	ssyncset.done $0x0  }
0xcc: {  	s22 =	sadd.s32 $0xEF80, s21;
	[sflag:s29] =	ssyncadd.s32 $0xFFFFE000  }
0xcd: {  	[spmem:s3] =	stream.indirect.scatter.add.f32 [tilespmem:s6], [sflag:$0x6], $0x40, s22, s2, $0xb8;
	[tilespmem:$0x1B300] =	vst v63  }
0xce: {  	_ =	swait.ge [sflag:s28], $0x2000  }
0xcf: {  	[sflag:s28] =	ssyncset.done $0x0  }
0xd0: {  	s22 =	sadd.s32 $0xA180, s21;
	[sflag:s28] =	ssyncadd.s32 $0xFFFFE000  }
0xd1: {  	[tilespmem:s6], [sflag:$0x1] =	stream.indirect.gather [hbm4b:s5+s2], $0x40, s22, s2, $0xb8;
	[tilespmem:$0x1B300] =	vst v63  }
0xd2: {  	_ =	swait.ge [sflag:s30], $0x2000  }
0xd3: {  	[sflag:s30] =	ssyncset.done $0x0  }
0xd4: {  	s22 =	sadd.s32 $0xF000, s21;
	[sflag:s30] =	ssyncadd.s32 $0xFFFFE000  }
0xd5: {  	[spmem:s3] =	stream.indirect.scatter.add.f32 [tilespmem:s15], [sflag:$0x6], $0x40, s22, s2, $0xb8;
	[tilespmem:$0x1B300] =	vst v63  }
0xd6: {  	_ =	swait.ge [sflag:s28], $0x2000  }
0xd7: {  	[sflag:s28] =	ssyncset.done $0x0  }
0xd8: {  	s22 =	sadd.s32 $0xA200, s21;
	[sflag:s28] =	ssyncadd.s32 $0xFFFFE000  }
0xd9: {  	[tilespmem:s15], [sflag:$0x2] =	stream.indirect.gather [hbm4b:s5+s2], $0x40, s22, s2, $0xb8;
	[tilespmem:$0x1B300] =	vst v63  }
0xda: {  	_ =	swait.ge [sflag:s31], $0x2000  }
0xdb: {  	[sflag:s31] =	ssyncset.done $0x0  }
.Ltmp3:
0xdc: {  	s22 =	sadd.s32 $0xF080, s21;
	[sflag:s31] =	ssyncadd.s32 $0xFFFFE000;
	(pc) =	sbr.rel @p1 .LBB2_6-.Ltmp3, $4  }
0xdd: {  	[spmem:s3] =	stream.indirect.scatter.add.f32 [tilespmem:s16], [sflag:$0x6], $0x40, s22, s2, $0xb8;
	[tilespmem:$0x1B300] =	vst v63  }
0xde: {  	_ =	swait.ge [sflag:s28], $0x2000  }
0xdf: {  	[sflag:s28] =	ssyncset.done $0x0  }
0xe0: {  	s21 =	sadd.s32 $0xA280, s21;
	[sflag:s28] =	ssyncadd.s32 $0xFFFFE000  }
.Ltmp4:
0xe1: {  	_ = 	snop;
	(pc) =	sbr.rel .LBB2_7-.Ltmp4, $1  }
0xe2: {  	_ =	sdelay $0x3  }
.LBB2_2:
0xe3: {  	[tilespmem:s6], [sflag:$0x1] =	stream.indirect.gather [hbm4b:s1+s2], $0x40, s0, s2, $0xb8;
	[tilespmem:$0x1B300] =	vst v63  }
0xe4: {  	s20 =	simm.s32 $0xA080  }
0xe5: {  	[tilespmem:s15], [sflag:$0x2] =	stream.indirect.gather [hbm4b:s1+s2], $0x40, s20, s2, $0xb8;
	[tilespmem:$0x1B300] =	vst v63  }
0xe6: {  	s21 =	simm.s32 $0xA100  }
0xe7: {  	[tilespmem:s16], [sflag:$0x3] =	stream.indirect.gather [hbm4b:s1+s2], $0x40, s21, s2, $0xb8;
	[tilespmem:$0x1B300] =	vst v63  }
0xe8: {  	_ =	swait.ge [sflag:s29], $0x2000  }
0xe9: {  	[sflag:s29] =	ssyncset.done $0x0  }
0xea: {  	s22 =	simm.s32 $0xEF80;
	[sflag:s29] =	ssyncadd.s32 $0xFFFFE000  }
0xeb: {  	[spmem:s3] =	stream.indirect.scatter.add.f32 [tilespmem:s6], [sflag:$0x6], $0x40, s22, s2, $0xb8;
	[tilespmem:$0x1B300] =	vst v63  }
0xec: {  	_ =	swait.ge [sflag:s28], $0x2000  }
0xed: {  	[sflag:s28] =	ssyncset.done $0x0  }
0xee: {  	s21 =	simm.s32 $0xA180;
	[sflag:s28] =	ssyncadd.s32 $0xFFFFE000  }
0xef: {  	[tilespmem:s6], [sflag:$0x1] =	stream.indirect.gather [hbm4b:s1+s2], $0x40, s21, s2, $0xb8;
	[tilespmem:$0x1B300] =	vst v63  }
0xf0: {  	_ =	swait.ge [sflag:s30], $0x2000  }
0xf1: {  	[sflag:s30] =	ssyncset.done $0x0  }
0xf2: {  	s22 =	simm.s32 $0xF000;
	[sflag:s30] =	ssyncadd.s32 $0xFFFFE000  }
0xf3: {  	[spmem:s3] =	stream.indirect.scatter.add.f32 [tilespmem:s15], [sflag:$0x6], $0x40, s22, s2, $0xb8;
	[tilespmem:$0x1B300] =	vst v63  }
0xf4: {  	_ =	swait.ge [sflag:s28], $0x2000  }
0xf5: {  	[sflag:s28] =	ssyncset.done $0x0  }
0xf6: {  	s21 =	simm.s32 $0xA200;
	[sflag:s28] =	ssyncadd.s32 $0xFFFFE000  }
0xf7: {  	[tilespmem:s15], [sflag:$0x2] =	stream.indirect.gather [hbm4b:s1+s2], $0x40, s21, s2, $0xb8;
	[tilespmem:$0x1B300] =	vst v63  }
0xf8: {  	_ =	swait.ge [sflag:s31], $0x2000  }
0xf9: {  	[sflag:s31] =	ssyncset.done $0x0  }
0xfa: {  	s22 =	simm.s32 $0xF080;
	[sflag:s31] =	ssyncadd.s32 $0xFFFFE000  }
0xfb: {  	[spmem:s3] =	stream.indirect.scatter.add.f32 [tilespmem:s16], [sflag:$0x6], $0x40, s22, s2, $0xb8;
	[tilespmem:$0x1B300] =	vst v63  }
0xfc: {  	_ =	swait.ge [sflag:s28], $0x2000  }
0xfd: {  	[sflag:s28] =	ssyncset.done $0x0  }
0xfe: {  	s20 =	simm.s32 $0x600;
	s21 =	simm.s32 $0xA280;
	[sflag:s28] =	ssyncadd.s32 $0xFFFFE000  }
.LBB2_3:
0xff: {  	[tilespmem:s16], [sflag:$0x3] =	stream.indirect.gather [hbm4b:s1+s2], $0x40, s21, s2, $0xb8;
	[tilespmem:$0x1B300] =	vst v63  }
0x100: {  	s21 =	smov.u32 s20  }
0x101: {  	p1 =	seq.s32 s20, $0x13200;
	s20 =	sadd.s32 $0x600, s20;
	_ =	swait.ge [sflag:s29], $0x2000  }
0x102: {  	s21 =	sshra.s32 s21, $0x2;
	[sflag:s29] =	ssyncset.done $0x0  }
0x103: {  	s22 =	sadd.s32 $0xEF80, s21;
	[sflag:s29] =	ssyncadd.s32 $0xFFFFE000  }
0x104: {  	[spmem:s3] =	stream.indirect.scatter.add.f32 [tilespmem:s6], [sflag:$0x6], $0x40, s22, s2, $0xb8;
	[tilespmem:$0x1B300] =	vst v63  }
0x105: {  	_ =	swait.ge [sflag:s28], $0x2000  }
0x106: {  	[sflag:s28] =	ssyncset.done $0x0  }
0x107: {  	s22 =	sadd.s32 $0xA180, s21;
	[sflag:s28] =	ssyncadd.s32 $0xFFFFE000  }
0x108: {  	[tilespmem:s6], [sflag:$0x1] =	stream.indirect.gather [hbm4b:s1+s2], $0x40, s22, s2, $0xb8;
	[tilespmem:$0x1B300] =	vst v63  }
0x109: {  	_ =	swait.ge [sflag:s30], $0x2000  }
0x10a: {  	[sflag:s30] =	ssyncset.done $0x0  }
0x10b: {  	s22 =	sadd.s32 $0xF000, s21;
	[sflag:s30] =	ssyncadd.s32 $0xFFFFE000  }
0x10c: {  	[spmem:s3] =	stream.indirect.scatter.add.f32 [tilespmem:s15], [sflag:$0x6], $0x40, s22, s2, $0xb8;
	[tilespmem:$0x1B300] =	vst v63  }
0x10d: {  	_ =	swait.ge [sflag:s28], $0x2000  }
0x10e: {  	[sflag:s28] =	ssyncset.done $0x0  }
0x10f: {  	s22 =	sadd.s32 $0xA200, s21;
	[sflag:s28] =	ssyncadd.s32 $0xFFFFE000  }
0x110: {  	[tilespmem:s15], [sflag:$0x2] =	stream.indirect.gather [hbm4b:s1+s2], $0x40, s22, s2, $0xb8;
	[tilespmem:$0x1B300] =	vst v63  }
0x111: {  	_ =	swait.ge [sflag:s31], $0x2000  }
0x112: {  	[sflag:s31] =	ssyncset.done $0x0  }
.Ltmp5:
0x113: {  	s22 =	sadd.s32 $0xF080, s21;
	[sflag:s31] =	ssyncadd.s32 $0xFFFFE000;
	(pc) =	sbr.rel @!p1 .LBB2_3-.Ltmp5, $4  }
0x114: {  	[spmem:s3] =	stream.indirect.scatter.add.f32 [tilespmem:s16], [sflag:$0x6], $0x40, s22, s2, $0xb8;
	[tilespmem:$0x1B300] =	vst v63  }
0x115: {  	_ =	swait.ge [sflag:s28], $0x2000  }
0x116: {  	[sflag:s28] =	ssyncset.done $0x0  }
0x117: {  	s21 =	sadd.s32 $0xA280, s21;
	[sflag:s28] =	ssyncadd.s32 $0xFFFFE000  }
.Ltmp6:
0x118: {  	(pc) =	sbr.rel .LBB2_8-.Ltmp6, $2  }
0x119: {  	_ =	sdelay $0x2  }
0x11a: {  	[tilespmem:s16], [sflag:$0x3] =	stream.indirect.gather [hbm4b:s1+s2], $0x40, s21, s2, $0xb8;
	[tilespmem:$0x1B300] =	vst v63  }
.LBB2_9:
0x11b: {  	_ =	sfence.sel $0x180000  }
0x11c: {  	[bflag:$0x0] =	sbarrier.arrive $0xFFFF  }
0x11d: {  	_ =	strace $0x9000004A  }
0x11e: {  	s0 =	stileid.u32;
	[bflag:$0x2] =	sbarrier.arrive $0xFFFF  }
0x11f: {  	p0 =	sne.s32 s0, $0x0;
	s0 =	rddreg [dreg:$0x3]  }
0x120: {  	s0 =	sadd.s32 @!p0 $0x100000, s0  }
0x121: {  	[sflag:s0] =	ssyncadd.tile.s32 @!p0 $0x1;
	_ =	shalt  }
.Lfunc_end2:
_tile_overlayer_lowered:
.L_overlay_start_2:
0x122: {  	(tag) =	ssettag $0x2  }
0x123: {  	s0 =	rddreg [dreg:$0x0];
	s2 =	stileid.u32  }
0x124: {  	s1 =	rddreg [dreg:$0x1];
	p0 =	sne.s32 s2, $0x0  }
0x125: {  	s3 =	rddreg [dreg:$0x2];
	[bflag:$0x3] =	sbarrier.arrive $0xFFFF;
	s2 =	simm.s32 @!p0 $0x1C06  }
0x126: {  	[timem:s3], [sflag:s2] =	dma.local @!p0 [hbm:s0], s1  }
0x127: {  	s0 =	simm.s32 @!p0 $0x6  }
0x128: {  	_ =	swait.ge @!p0 [sflag:s0], s1  }
0x129: {  	s1 =	ssub.s32 @!p0 $0x0, s1;
	[sflag:s0] =	ssyncset.done @!p0 $0x0  }
0x12a: {  	[sflag:s0] =	ssyncadd.s32 @!p0 s1  }
0x12b: {  	[bflag:$0x3] =	sbarrier.arrive $0xFFFF  }
0x12c: {  	_ =	shalt  }

// kernel: kernel.7.cloned.1.call-start
scs
__scs_entry_jumppad:
0x0: {  	(pc) =	sbr.rel $0x88, $3  }
0x1: {  	(tag) =	ssettag $0x0;
	lr =	simm.s32 $0x1  }
0x2: {  	[smem:$0x3F98] =	sst lr;
	_ =	strace $0xD0000000  }
0x3: {  	_ = 	snop  }
0x4: {  	_ = 	snop  }
0x5: {  	_ = 	snop  }
0x6: {  	_ = 	snop  }
0x7: {  	_ = 	snop  }
__scs_overlays_trampoline_lowered:
0x8: {  	[smem:$0x3FA7] =	sst s0  }
0x9: {  	[smem:$0x3FA8] =	sst s1  }
0xa: {  	[smem:$0x3FA9] =	sst s2  }
0xb: {  	[smem:$0x3FAA] =	sst s3  }
0xc: {  	[smem:$0x3FAB] =	sst s4  }
0xd: {  	[smem:$0x3FAC] =	sst s5  }
0xe: {  	[smem:$0x3FAD] =	sst s6  }
0xf: {  	[smem:$0x3FAE] =	sst s7  }
0x10: {  	[smem:$0x3FAF] =	sst s8  }
0x11: {  	[smem:$0x3FB0] =	sst s9;
	s0 =	simm.s32 @!p0 $0x0  }
0x12: {  	s1 =	sld [smem:$0x3F96];
	s0 =	simm.s32 @p0 $0x1  }
0x13: {  	[smem:$0x3FB1] =	sst s0;
	s0 =	simm.s32 @!p1 $0x0  }
0x14: {  	s2 =	sld [smem:$0x3F95];
	s0 =	simm.s32 @p1 $0x1  }
0x15: {  	[smem:$0x3FB2] =	sst s0;
	s0 =	simm.s32 @!p2 $0x0  }
0x16: {  	s3 =	sld [smem:$0x3FDB];
	s0 =	simm.s32 @p2 $0x1  }
0x17: {  	s4 =	simm.s32 $0x1BF5;
	[smem:$0x3FB4] =	sst s0  }
0x18: {  	s0 =	sld [smem:$0x3F97];
	_ =	swait.ge [sflag:s4], $0x0  }
0x19: {  	s7 =	sld [smem:$0x3F98]  }
0x1a: {  	s8 =	sadd.s32 $0xFFFFE003, lr  }
0x1b: {  	s9 =	sadd.s32 $0xFFFFFEF7, lr;
	s5 =	simm.s32 $0xFFFFFFFF;
	p2 =	slt.u32 s8, $0xFFFFF086  }
0x1c: {  	p1 =	slt.u32 s9, $0xF7A;
	s5 =	simm.s32 @!p2 $0x0  }
0x1d: {  	s5 =	simm.s32 @p1 $0x1;
	p0 =	seq.s32 s7, s2  }
0x1e: {  	s7 =	smul.u32 @!p0 $0xF7A, s2;
	p2 =	seq.s32 @!p0 s5, $0x0  }
0x1f: {  	s9 =	smul.u32 $0xF7A, s1;
	s8 =	simm.s32 @!p0 $0x1BF5;
	p2 =	por !p2, p0  }
0x20: {  	[sflag:s8] =	ssyncset.s32 @!p0 $0xFFFFF086;
	s6 =	sadd.s32 @!p0 s3, s7;
	s7 =	simm.s32 @!p0 $0x108  }
0x21: {  	s3 =	sadd.s32 s3, s9;
	s6 =	sadd.s32 @!p0 $0x88, s6;
	s7 =	simm.s32 @p2 $0x1082  }
0x22: {  	[simem:s7], [sflag:s8] =	dma.local @!p0 [hbm:s6], $0xF7A  }
0x23: {  	s9 =	sor.u32 $0xD0000000, s2;
	s6 =	simm.s32 $0x108;
	_ =	swait.ge @!p0 [sflag:s8], $0x0  }
0x24: {  	s3 =	sadd.s32 $0x88, s3;
	s6 =	simm.s32 @!p1 $0x1082;
	[sflag:s4] =	ssyncset.s32 $0xFFFFF086  }
0x25: {  	[simem:s6], [sflag:s4] =	dma.local [hbm:s3], $0xF7A  }
0x26: {  	[smem:$0x3F98] =	sst s1;
	(tag) =	ssettag s2;
	_ =	strace s9  }
0x27: {  	s1 =	sld [smem:$0x3FA8]  }
0x28: {  	s2 =	sld [smem:$0x3FA9]  }
0x29: {  	s4 =	sld [smem:$0x3FAB]  }
0x2a: {  	p0 =	seq.s32 s5, $0x0;
	s5 =	sld [smem:$0x3FAC]  }
0x2b: {  	s6 =	sld [smem:$0x3FAD]  }
0x2c: {  	s7 =	sld [smem:$0x3FAE]  }
0x2d: {  	s3 =	simm.s32 $0x108;
	s8 =	sld [smem:$0x3FAF]  }
0x2e: {  	s3 =	simm.s32 @!p0 $0x1082;
	s9 =	sld [smem:$0x3FB0]  }
0x2f: {  	lr =	sadd.s32 s0, s3;
	s0 =	sld [smem:$0x3FA7]  }
0x30: {  	s3 =	sld [smem:$0x3FAA]  }
0x31: {  	[smem:$0x3FB3] =	sst s10  }
0x32: {  	s10 =	sld [smem:$0x3FB1];
	_ =	sdelay $0x3  }
0x33: {  	p0 =	seq.s32 s10, $0x1;
	s10 =	sld [smem:$0x3FB3];
	_ =	sdelay $0x3  }
0x34: {  	[smem:$0x3FB3] =	sst s10  }
0x35: {  	s10 =	sld [smem:$0x3FB2];
	_ =	sdelay $0x3  }
0x36: {  	p1 =	seq.s32 s10, $0x1;
	s10 =	sld [smem:$0x3FB3];
	_ =	sdelay $0x3  }
0x37: {  	[smem:$0x3FB3] =	sst s10  }
0x38: {  	s10 =	sld [smem:$0x3FB4]  }
0x39: {  	_ = 	snop;
	(pc) =	sbr.ind lr, $3  }
0x3a: {  	_ = 	snop  }
0x3b: {  	_ = 	snop  }
0x3c: {  	p2 =	seq.s32 s10, $0x1;
	s10 =	sld [smem:$0x3FB3]  }
0x3d: {  	_ =	shalt  }
0x3e: {  	_ =	shalt  }
0x3f: {  	_ =	shalt  }
0x40: {  	_ =	shalt  }
0x41: {  	_ =	shalt  }
0x42: {  	_ =	shalt  }
0x43: {  	_ =	shalt  }
0x44: {  	_ =	shalt  }
0x45: {  	_ =	shalt  }
0x46: {  	_ =	shalt  }
0x47: {  	_ =	shalt  }
0x48: {  	_ =	shalt  }
0x49: {  	_ =	shalt  }
0x4a: {  	_ =	shalt  }
0x4b: {  	_ =	shalt  }
0x4c: {  	_ =	shalt  }
0x4d: {  	_ =	shalt  }
0x4e: {  	_ =	shalt  }
0x4f: {  	_ =	shalt  }
0x50: {  	_ =	shalt  }
0x51: {  	_ =	shalt  }
0x52: {  	_ =	shalt  }
0x53: {  	_ =	shalt  }
0x54: {  	_ =	shalt  }
0x55: {  	_ =	shalt  }
0x56: {  	_ =	shalt  }
0x57: {  	_ =	shalt  }
0x58: {  	_ =	shalt  }
0x59: {  	_ =	shalt  }
0x5a: {  	_ =	shalt  }
0x5b: {  	_ =	shalt  }
0x5c: {  	_ =	shalt  }
0x5d: {  	_ =	shalt  }
0x5e: {  	_ =	shalt  }
0x5f: {  	_ =	shalt  }
0x60: {  	_ =	shalt  }
0x61: {  	_ =	shalt  }
0x62: {  	_ =	shalt  }
0x63: {  	_ =	shalt  }
0x64: {  	_ =	shalt  }
0x65: {  	_ =	shalt  }
0x66: {  	_ =	shalt  }
0x67: {  	_ =	shalt  }
0x68: {  	_ =	shalt  }
0x69: {  	_ =	shalt  }
0x6a: {  	_ =	shalt  }
0x6b: {  	_ =	shalt  }
0x6c: {  	_ =	shalt  }
0x6d: {  	_ =	shalt  }
0x6e: {  	_ =	shalt  }
0x6f: {  	_ =	shalt  }
0x70: {  	_ =	shalt  }
0x71: {  	_ =	shalt  }
0x72: {  	_ =	shalt  }
0x73: {  	_ =	shalt  }
0x74: {  	_ =	shalt  }
0x75: {  	_ =	shalt  }
0x76: {  	_ =	shalt  }
0x77: {  	_ =	shalt  }
0x78: {  	_ =	shalt  }
0x79: {  	_ =	shalt  }
0x7a: {  	_ =	shalt  }
0x7b: {  	_ =	shalt  }
0x7c: {  	_ =	shalt  }
0x7d: {  	_ =	shalt  }
0x7e: {  	_ =	shalt  }
0x7f: {  	_ =	shalt  }
0x80: {  	_ =	shalt  }
0x81: {  	_ =	shalt  }
0x82: {  	_ =	shalt  }
0x83: {  	_ =	shalt  }
0x84: {  	_ =	shalt  }
0x85: {  	_ =	shalt  }
0x86: {  	_ =	shalt  }
0x87: {  	_ =	shalt  }
.Lfunc_end0:
.L_simem_size_0:
called_computation_lowered:
.L_overlay_start_0:
0x88: {  	s2 =	sld [smem:$0x3FD9]  }
0x89: {  	s3 =	sld [smem:$0x3FFE];
	_ =	sdelay $0x1  }
0x8a: {  	s1 =	srdreg.scid  }
0x8b: {  	s0 =	sand.u32 $0x1, s1  }
0x8c: {  	s16 =	sshll.u32 s0, $0xA;
	s2 =	sadd.s32 s3, s2  }
0x8d: {  	s2 =	sadd.s32 s2, s16  }
0x8e: {  	[smem:$0x3FBF] =	sst s2  }
0x8f: {  	_ = 	snop  }
0x90: {  	(tm) =	ssettm $0x1  }
0x91: {  	s17 =	sld [smem:$0x3FFB];
	_ =	sdelay $0x3  }
0x92: {  	_ =	strace s17  }
0x93: {  	s2 =	sld [smem:$0x3FFC];
	_ =	sdelay $0x3  }
0x94: {  	_ =	strace s2  }
0x95: {  	s2 =	sld [smem:$0x3FFD];
	_ =	sdelay $0x3  }
0x96: {  	_ =	strace s2  }
0x97: {  	_ =	strace $0x8FFFFFFF  }
0x98: {  	s18 =	sld [smem:$0x3FDB];
	_ =	sdelay $0x1  }
0x99: {  	s19 =	simm.s32 $_scs_section_size  }
0x9a: {  	s4 =	simm.s32 $_size__tile_overlayer_lowered;
	s5 =	simm.s32 $_tile_overlayer_lowered  }
0x9b: {  	s22 =	simm.s32 $0x1BFF;
	s21 =	sshll.u32 s5, $0x1;
	s2 =	sadd.s32 s19, s18  }
0x9c: {  	s6 =	simm.s32 $0x0;
	s20 =	sshll.u32 s4, $0x1;
	s4 =	sadd.s32 s21, s2  }
0x9d: {  	[timem:s6], [sflag:s22] =	dma.local [hbm:s4], s20  }
0x9e: {  	_ =	swait.ge [sflag:s22], s20  }
0x9f: {  	s3 =	ssub.s32 $0x0, s20;
	[sflag:s22] =	ssyncset.done $0x0  }
0xa0: {  	[sflag:s22] =	ssyncadd.s32 s3;
	_ =	sdelay $0x1  }
0xa1: {  	s23 =	simm.s32 $0x1B8B  }
0xa2: {  	_ =	swait.ge [sflag:s23], $0x1  }
0xa3: {  	[sflag:s23] =	ssyncset.done $0x0  }
0xa4: {  	s25 =	simm.s32 $0x1B8E;
	s24 =	sld [smem:$0x3FFE];
	[sflag:s23] =	ssyncadd.s32 $0xFFFFFFFF  }
0xa5: {  	s26 =	simm.s32 $execute0_lowered;
	[smem:$0x3FD2] =	sst s25  }
0xa6: {  	s4 =	sshll.u32 s26, $0x1;
	_ =	strace $0x80000046;
	[dreg:$0x1] =	wrdreg $0xFFFFFFFF  }
0xa7: {  	s28 =	simm.s32 $_size_execute0_lowered;
	s2 =	sadd.s32 s2, s4;
	[dreg:$0x0] =	wrdreg $0x0  }
0xa8: {  	s4 =	sshll.u32 s28, $0x1;
	[dreg:$0x2] =	wrdreg s2  }
0xa9: {  	[dreg:$0x3] =	wrdreg s4  }
0xaa: {  	[dreg:$0x4] =	wrdreg $0xC0  }
0xab: {  	_ =	task [dreg:s6], $0x5FFFF  }
0xac: {  	[dreg:$0x1] =	wrdreg $0xFFFFFFFF  }
0xad: {  	[dreg:$0x0] =	wrdreg $0x60  }
0xae: {  	[dreg:$0x2] =	wrdreg s24  }
0xaf: {  	[dreg:$0x3] =	wrdreg $0x0  }
0xb0: {  	[dreg:$0x4] =	wrdreg $0xA0000  }
0xb1: {  	[dreg:$0x5] =	wrdreg $0x9  }
0xb2: {  	_ =	task.clear_ibuf [dreg:s6], $0x6FFFF;
	_ =	strace $0x90000046  }
0xb3: {  	s29 =	simm.s32 $0x9;
	_ =	strace $0x80000048  }
0xb4: {  	_ =	swait.ge [sflag:s29], $0x1  }
0xb5: {  	[sflag:s29] =	ssyncadd.s32 $0xFFFFFFFF  }
0xb6: {  	_ =	strace $0x90000048  }
0xb7: {  	_ =	sfence  }
0xb8: {  	s30 =	sld [smem:$0x0];
	_ =	sdelay $0x2  }
0xb9: {  	s31 =	sshll.u32 s1, $0xD;
	s1 =	sshrl.u32 s1, $0x2  }
0xba: {  	s3 =	sand.u32 $0x4000, s31;
	s1 =	sadd.s32 s1, s30  }
0xbb: {  	s0 =	sor.u32 s3, s0;
	s1 =	sshll.u32 s1, $0x11  }
0xbc: {  	s0 =	sor.u32 s1, s0  }
0xbd: {  	s0 =	sadd.s32 $0x8F2B, s0  }
0xbe: {  	[sflag:s0] =	ssyncadd.remote.s32 $0x1  }
0xbf: {  	_ =	sfence.sel $0xFFFF  }
0xc0: {  	[dreg:$0x0] =	wrdreg $0xFFFFFFFF;
	(pc) =	sbr.abs _section_cstart, $3  }
0xc1: {  	[dreg:$0x1] =	wrdreg $0xFFFFFFFF  }
0xc2: {  	_ =	task.clear_ibuf [dreg:s6], $0x2FFFF;
	_ =	strace $0x9FFFFFFF  }
0xc3: {  	(tm) =	ssettm $0x7FFFFFFF  }
tec
execute0_lowered:
.L_overlay_start_1:
0x0: {  	(tag) =	ssettag $0x1  }
0x1: {  	s0 =	srdreg.scid;
	s26 =	stileid.u32  }
0x2: {  	s11 =	rddreg [dreg:$0x0];
	s1 =	simm.s32 $0x0;
	s2 =	smul.u32 $0x280, s26  }
0x3: {  	s9 =	sand.u32 $0x1, s0;
	[smem:$0x7FF] =	sst s1;
	s15 =	smul.u32 $0xA000, s26  }
0x4: {  	s12 =	sadd.s32 $0x3E600, s11;
	s0 =	ssub.s32 $0x2, s9;
	s13 =	smul.u32 $0x2800, s9  }
0x5: {  	s10 =	smul.u32 $0xA0000, s9;
	p0 =	seq.s32 s9, $0x1;
	s3 =	sshrl.u32 s0, $0x1  }
0x6: {  	s4 =	sadd.s32 $0xA0, s2;
	s6 =	sadd.s32 $0xF0, s2;
	s7 =	sadd.s32 $0x140, s2  }
0x7: {  	s5 =	sadd.s32 $0x190, s2;
	s8 =	sadd.s32 $0x1E0, s2;
	s0 =	ssub.s32 s0, s3  }
0x8: {  	s3 =	sor.u32 $0x50, s2;
	s17 =	sshll.u32 s4, $0x6;
	s18 =	sshll.u32 s6, $0x6  }
0x9: {  	s19 =	sshll.u32 s7, $0x6;
	s20 =	sshll.u32 s5, $0x6;
	s14 =	sadd.s32 s15, s10  }
0xa: {  	[smem:$0x7F9] =	sst s0;
	s22 =	sshll.u32 s3, $0x6;
	s0 =	sshrl.u32 s14, $0x3  }
0xb: {  	s16 =	sadd.s32 s10, s17;
	s23 =	sadd.s32 s10, s19;
	s21 =	sadd.s32 s10, s22  }
0xc: {  	s9 =	sadd.s32 s12, s0;
	s25 =	sshrl.u32 s23, $0x3;
	s23 =	sadd.s32 $0x3E200, s11  }
0xd: {  	s1 =	sshrl.u32 s21, $0x3;
	[dreg:$0x4] =	wrdreg s9;
	s9 =	sshrl.u32 s16, $0x3  }
0xe: {  	s21 =	sadd.s32 s10, s18;
	s0 =	sadd.s32 s12, s25;
	s25 =	smul.u32 $0x9F0, s26  }
0xf: {  	s14 =	sadd.s32 s12, s1;
	s9 =	sadd.s32 s12, s9;
	[dreg:$0x8] =	wrdreg s0  }
0x10: {  	s24 =	sshrl.u32 s21, $0x3;
	s1 =	sadd.s32 s10, s20;
	[dreg:$0x5] =	wrdreg s14  }
0x11: {  	s21 =	sshll.u32 s8, $0x6;
	[dreg:$0x6] =	wrdreg s9;
	s9 =	sadd.s32 s12, s24  }
0x12: {  	s14 =	sadd.s32 s10, s21;
	[dreg:$0x7] =	wrdreg s9;
	s9 =	sshrl.u32 s1, $0x3  }
0x13: {  	s1 =	sadd.s32 $0x230, s2;
	s16 =	sshrl.u32 s14, $0x3;
	s9 =	sadd.s32 s12, s9  }
0x14: {  	s0 =	sshll.u32 s1, $0x6;
	s14 =	sadd.s32 s12, s16;
	[dreg:$0x9] =	wrdreg s9  }
0x15: {  	s16 =	sadd.s32 s25, s11;
	s10 =	sadd.s32 s10, s0;
	s9 =	rddreg [dreg:$0x1]  }
0x16: {  	[dreg:$0xa] =	wrdreg s14;
	s14 =	sadd.s32 $0x16400, s11;
	s24 =	sshrl.u32 s10, $0x3  }
0x17: {  	s10 =	rddreg [dreg:$0x2];
	s28 =	sadd.s32 s15, s9;
	s12 =	sadd.s32 s12, s24  }
0x18: {  	s15 =	smul.u32 $0x5000, s26;
	s24 =	sadd.s32 $0x3E000, s11;
	[dreg:$0xb] =	wrdreg s12  }
0x19: {  	s12 =	sadd.s32 s13, s11;
	_ =	strace $0x80000047;
	[dreg:$0xc] =	wrdreg s23  }
0x1a: {  	s13 =	sadd.s32 $0x2A00, s11;
	s11 =	sadd.s32 $0x3DE00, s11;
	[dreg:$0xd] =	wrdreg s24  }
0x1b: {  	s26 =	sadd.s32 s18, s9;
	s18 =	sadd.s32 s20, s9;
	[dreg:$0xe] =	wrdreg s11  }
0x1c: {  	s29 =	sadd.s32 s21, s9;
	[dreg:$0x17] =	wrdreg s18  }
0x1d: {  	s30 =	sadd.s32 s0, s9;
	[dreg:$0xf] =	wrdreg s29  }
0x1e: {  	[dreg:$0x10] =	wrdreg s30  }
0x1f: {  	[dreg:$0x12] =	wrdreg s28  }
0x20: {  	s24 =	sadd.s32 s17, s9;
	[dreg:$0x15] =	wrdreg s26  }
0x21: {  	s25 =	sshll.u32 s6, $0x3;
	s23 =	sadd.s32 s22, s9;
	[dreg:$0x13] =	wrdreg s24  }
0x22: {  	s22 =	sadd.s32 s19, s9;
	s11 =	sshrl.u32 s15, $0x2;
	[dreg:$0x14] =	wrdreg s23  }
0x23: {  	s21 =	sadd.s32 s11, s10;
	s11 =	sadd.s32 $0x66600, s12;
	[dreg:$0x16] =	wrdreg s22  }
0x24: {  	s20 =	sshll.u32 s4, $0x3;
	s2 =	sadd.s32 s2, s11;
	[dreg:$0x11] =	wrdreg s21  }
0x25: {  	s0 =	sshll.u32 s7, $0x3;
	s12 =	sadd.s32 s3, s11;
	[dreg:$0x18] =	wrdreg s2  }
0x26: {  	s19 =	sshll.u32 s3, $0x3;
	s17 =	sadd.s32 s4, s11;
	[dreg:$0x19] =	wrdreg s12  }
0x27: {  	s31 =	sadd.s32 s19, s10;
	s19 =	sadd.s32 s6, s11;
	[dreg:$0x1a] =	wrdreg s17  }
0x28: {  	s18 =	sadd.s32 s20, s10;
	s20 =	sadd.s32 s7, s11;
	[dreg:$0x1b] =	wrdreg s19  }
0x29: {  	s0 =	sadd.s32 s0, s10;
	s4 =	sadd.s32 s5, s11;
	[dreg:$0x1c] =	wrdreg s20  }
0x2a: {  	s15 =	sadd.s32 s25, s10;
	s6 =	sadd.s32 s8, s11;
	[dreg:$0x1d] =	wrdreg s4  }
0x2b: {  	s25 =	sshll.u32 s5, $0x3;
	s7 =	sadd.s32 s1, s11;
	[dreg:$0x1e] =	wrdreg s6  }
0x2c: {  	s5 =	sshll.u32 s8, $0x3;
	s11 =	sadd.s32 $0x29E00, s16;
	[dreg:$0x1f] =	wrdreg s7  }
0x2d: {  	s8 =	sshll.u32 s1, $0x3;
	s16 =	sadd.s32 $0x33E00, s16;
	[smem:$0x7F7] =	sst s11  }
0x2e: {  	s3 =	simm.s32 $0x1CB00;
	s12 =	sadd.s32 s25, s10;
	[smem:$0x7F8] =	sst s16  }
0x2f: {  	s19 =	sadd.s32 s5, s10;
	s20 =	sadd.s32 s8, s10;
	s17 =	sld [smem:$0x7F9]  }
.Ltmp0:
0x30: {  	s2 =	simm.s32 $0x6;
	s5 =	simm.s32 $0x1;
	(pc) =	sbr.rel .LBB2_1-.Ltmp0, $4  }
0x31: {  	s6 =	simm.s32 $0x2;
	s7 =	simm.s32 $0x3;
	[smem:$0x7FB] =	sst s12  }
0x32: {  	s16 =	simm.s32 $0x80;
	s8 =	simm.s32 $0x17300;
	[smem:$0x7FC] =	sst s19  }
0x33: {  	s4 =	simm.s32 $0x19300;
	[smem:$0x7FD] =	sst s20;
	s25 =	smax.u32 s17, $0x1  }
0x34: {  	s17 =	simm.s32 $0x15300;
	[smem:$0x7FA] =	sst s25;
	s25 =	simm.s32 $0x0  }
.LBB2_7:
0x35: {  	[sflag:s24] =	ssyncadd.s32 @!p2 $0xFFFFFC00  }
0x36: {  	[tilespmem:s4], [sflag:$0x3] =	stream.indirect.gather [hbm4b:s14+s16], $0x40, s23, s16, $0xb8;
	[tilespmem:$0x1CD80] =	vst v63  }
0x37: {  	_ =	swait.ge [sflag:s5], $0x2000  }
0x38: {  	[sflag:s5] =	ssyncset.done $0x0  }
0x39: {  	s12 =	simm.s32 $0x15180;
	[sflag:s5] =	ssyncadd.s32 $0xFFFFE000  }
0x3a: {  	[spmem:s9] =	stream.indirect.scatter.add.f32 [tilespmem:s17], [sflag:$0x6], $0x40, s12, s16, $0xb8;
	[tilespmem:$0x1CD80] =	vst v63  }
0x3b: {  	_ =	swait.ge [sflag:s2], $0x2000  }
0x3c: {  	[sflag:s2] =	ssyncset.done $0x0  }
0x3d: {  	s0 =	simm.s32 $0x1C700;
	[sflag:s2] =	ssyncadd.s32 $0xFFFFE000  }
0x3e: {  	[spmem:s10] =	stream.indirect.scatter.add.f32 [tilespmem:s0], [sflag:$0x6], $0x8, s12, s16, $0xb8;
	[tilespmem:$0x1CD80] =	vst v63  }
0x3f: {  	_ =	swait.ge [sflag:s2], $0x400  }
0x40: {  	[sflag:s2] =	ssyncset.done $0x0  }
0x41: {  	[sflag:s2] =	ssyncadd.s32 $0xFFFFFC00  }
0x42: {  	_ =	swait.ge [sflag:s6], $0x2000  }
0x43: {  	[sflag:s6] =	ssyncset.done $0x0  }
0x44: {  	s25 =	simm.s32 $0x15200;
	[sflag:s6] =	ssyncadd.s32 $0xFFFFE000  }
0x45: {  	[spmem:s9] =	stream.indirect.scatter.add.f32 [tilespmem:s8], [sflag:$0x6], $0x40, s25, s16, $0xb8;
	[tilespmem:$0x1CD80] =	vst v63  }
0x46: {  	_ =	swait.ge [sflag:s2], $0x2000  }
0x47: {  	[sflag:s2] =	ssyncset.done $0x0  }
0x48: {  	[sflag:s2] =	ssyncadd.s32 $0xFFFFE000  }
0x49: {  	[spmem:s10] =	stream.indirect.scatter.add.f32 [tilespmem:s0], [sflag:$0x6], $0x8, s25, s16, $0xb8;
	[tilespmem:$0x1CD80] =	vst v63  }
0x4a: {  	_ =	swait.ge [sflag:s2], $0x400  }
0x4b: {  	[sflag:s2] =	ssyncset.done $0x0  }
0x4c: {  	[sflag:s2] =	ssyncadd.s32 $0xFFFFFC00  }
0x4d: {  	_ =	swait.ge [sflag:s7], $0x2000  }
0x4e: {  	[sflag:s7] =	ssyncset.done $0x0  }
0x4f: {  	s26 =	simm.s32 $0x15280;
	[sflag:s7] =	ssyncadd.s32 $0xFFFFE000  }
0x50: {  	[spmem:s9] =	stream.indirect.scatter.add.f32 [tilespmem:s4], [sflag:$0x6], $0x40, s26, s16, $0xb8;
	[tilespmem:$0x1CD80] =	vst v63  }
0x51: {  	_ =	swait.ge [sflag:s2], $0x2000  }
0x52: {  	[sflag:s2] =	ssyncset.done $0x0  }
0x53: {  	[sflag:s2] =	ssyncadd.s32 $0xFFFFE000  }
0x54: {  	[spmem:s10] =	stream.indirect.scatter.add.f32 [tilespmem:s0], [sflag:$0x6], $0x8, s26, s16, $0xb8;
	[tilespmem:$0x1CD80] =	vst v63  }
0x55: {  	_ =	swait.ge [sflag:s2], $0x400  }
0x56: {  	s28 =	rddreg [dreg:$0x12]  }
0x57: {  	s12 =	rddreg [dreg:$0x14]  }
0x58: {  	s18 =	rddreg [dreg:$0x13]  }
0x59: {  	s26 =	rddreg [dreg:$0x15]  }
0x5a: {  	s19 =	rddreg [dreg:$0x16]  }
0x5b: {  	s15 =	smov.u32 s29;
	[sflag:s2] =	ssyncset.done $0x0;
	s20 =	rddreg [dreg:$0x17]  }
0x5c: {  	s0 =	smov.u32 s30;
	s25 =	sld [smem:$0x7F6];
	[sflag:s2] =	ssyncadd.s32 $0xFFFFFC00  }
.LBB2_8:
0x5d: {  	[bflag:$0x0] =	sbarrier.arrive $0xFFFF  }
0x5e: {  	[tilespmem:s17], [sflag:$0x1] =	stream.linear.gather [spmem:s28], $0x1400, $0x38;
	[tilespmem:$0x1CD80] =	vst v63  }
0x5f: {  	_ =	swait.ge [sflag:s5], $0x1400  }
0x60: {  	[sflag:s5] =	ssyncset.done $0x0  }
0x61: {  	s21 =	rddreg [dreg:$0x4];
	[sflag:s5] =	ssyncadd.s32 $0xFFFFEC00  }
0x62: {  	[hbm4b:s21+s1] =	stream.linear.scatter [tilespmem:s17], [sflag:$0x4], $0x1400, $0x38;
	[tilespmem:$0x1CD80] =	vst v63  }
0x63: {  	_ = 	snop  }
0x64: {  	[tilespmem:s8], [sflag:$0x2] =	stream.linear.gather [spmem:s12], $0x1400, $0x38;
	[tilespmem:$0x1CD80] =	vst v63  }
0x65: {  	_ =	swait.ge [sflag:s6], $0x1400  }
0x66: {  	[sflag:s6] =	ssyncset.done $0x0  }
0x67: {  	s23 =	smov.u32 s12;
	s12 =	rddreg [dreg:$0x5];
	[sflag:s6] =	ssyncadd.s32 $0xFFFFEC00  }
0x68: {  	[hbm4b:s12+s1] =	stream.linear.scatter [tilespmem:s8], [sflag:$0x5], $0x1400, $0x38;
	[tilespmem:$0x1CD80] =	vst v63  }
0x69: {  	s12 =	simm.s32 $0x4  }
0x6a: {  	_ =	swait.ge [sflag:s12], $0x1400  }
0x6b: {  	[sflag:s12] =	ssyncset.done $0x0  }
0x6c: {  	[sflag:s12] =	ssyncadd.s32 $0xFFFFEC00  }
0x6d: {  	[tilespmem:s17], [sflag:$0x1] =	stream.linear.gather [spmem:s18], $0x1400, $0x38;
	[tilespmem:$0x1CD80] =	vst v63  }
0x6e: {  	_ =	swait.ge [sflag:s5], $0x1400  }
0x6f: {  	[sflag:s5] =	ssyncset.done $0x0  }
0x70: {  	s24 =	smov.u32 s18;
	s18 =	rddreg [dreg:$0x6];
	[sflag:s5] =	ssyncadd.s32 $0xFFFFEC00  }
0x71: {  	[hbm4b:s18+s1] =	stream.linear.scatter [tilespmem:s17], [sflag:$0x4], $0x1400, $0x38;
	[tilespmem:$0x1CD80] =	vst v63  }
0x72: {  	s18 =	simm.s32 $0x5  }
0x73: {  	_ =	swait.ge [sflag:s18], $0x1400  }
0x74: {  	[sflag:s18] =	ssyncset.done $0x0  }
0x75: {  	[sflag:s18] =	ssyncadd.s32 $0xFFFFEC00  }
0x76: {  	[tilespmem:s8], [sflag:$0x2] =	stream.linear.gather [spmem:s26], $0x1400, $0x38;
	[tilespmem:$0x1CD80] =	vst v63  }
0x77: {  	_ =	swait.ge [sflag:s6], $0x1400  }
0x78: {  	[sflag:s6] =	ssyncset.done $0x0  }
0x79: {  	s22 =	rddreg [dreg:$0x7];
	[sflag:s6] =	ssyncadd.s32 $0xFFFFEC00  }
0x7a: {  	[hbm4b:s22+s1] =	stream.linear.scatter [tilespmem:s8], [sflag:$0x5], $0x1400, $0x38;
	[tilespmem:$0x1CD80] =	vst v63  }
0x7b: {  	_ =	swait.ge [sflag:s12], $0x1400  }
0x7c: {  	[sflag:s12] =	ssyncset.done $0x0  }
0x7d: {  	[sflag:s12] =	ssyncadd.s32 $0xFFFFEC00  }
0x7e: {  	[tilespmem:s17], [sflag:$0x1] =	stream.linear.gather [spmem:s19], $0x1400, $0x38;
	[tilespmem:$0x1CD80] =	vst v63  }
0x7f: {  	_ =	swait.ge [sflag:s5], $0x1400  }
0x80: {  	[sflag:s5] =	ssyncset.done $0x0  }
0x81: {  	s22 =	smov.u32 s19;
	s19 =	rddreg [dreg:$0x8];
	[sflag:s5] =	ssyncadd.s32 $0xFFFFEC00  }
0x82: {  	[hbm4b:s19+s1] =	stream.linear.scatter [tilespmem:s17], [sflag:$0x4], $0x1400, $0x38;
	[tilespmem:$0x1CD80] =	vst v63  }
0x83: {  	_ =	swait.ge [sflag:s18], $0x1400  }
0x84: {  	[sflag:s18] =	ssyncset.done $0x0  }
0x85: {  	[sflag:s18] =	ssyncadd.s32 $0xFFFFEC00  }
0x86: {  	[tilespmem:s8], [sflag:$0x2] =	stream.linear.gather [spmem:s20], $0x1400, $0x38;
	[tilespmem:$0x1CD80] =	vst v63  }
0x87: {  	_ =	swait.ge [sflag:s6], $0x1400  }
0x88: {  	[sflag:s6] =	ssyncset.done $0x0  }
0x89: {  	s19 =	rddreg [dreg:$0x9];
	[sflag:s6] =	ssyncadd.s32 $0xFFFFEC00  }
0x8a: {  	[hbm4b:s19+s1] =	stream.linear.scatter [tilespmem:s8], [sflag:$0x5], $0x1400, $0x38;
	[tilespmem:$0x1CD80] =	vst v63  }
0x8b: {  	_ =	swait.ge [sflag:s12], $0x1400  }
0x8c: {  	[sflag:s12] =	ssyncset.done $0x0  }
0x8d: {  	s29 =	rddreg [dreg:$0xf];
	[sflag:s12] =	ssyncadd.s32 $0xFFFFEC00  }
0x8e: {  	[tilespmem:s17], [sflag:$0x1] =	stream.linear.gather [spmem:s29], $0x1400, $0x38;
	[tilespmem:$0x1CD80] =	vst v63  }
0x8f: {  	_ =	swait.ge [sflag:s5], $0x1400  }
0x90: {  	[sflag:s5] =	ssyncset.done $0x0  }
0x91: {  	s20 =	rddreg [dreg:$0xa];
	[sflag:s5] =	ssyncadd.s32 $0xFFFFEC00  }
0x92: {  	[hbm4b:s20+s1] =	stream.linear.scatter [tilespmem:s17], [sflag:$0x4], $0x1400, $0x38;
	[tilespmem:$0x1CD80] =	vst v63  }
0x93: {  	_ =	swait.ge [sflag:s18], $0x1400  }
0x94: {  	[sflag:s18] =	ssyncset.done $0x0  }
0x95: {  	s30 =	rddreg [dreg:$0x10];
	[sflag:s18] =	ssyncadd.s32 $0xFFFFEC00  }
0x96: {  	[tilespmem:s8], [sflag:$0x2] =	stream.linear.gather [spmem:s30], $0x1400, $0x38;
	[tilespmem:$0x1CD80] =	vst v63  }
0x97: {  	_ =	swait.ge [sflag:s6], $0x1400  }
0x98: {  	[sflag:s6] =	ssyncset.done $0x0  }
0x99: {  	s19 =	rddreg [dreg:$0xb];
	[sflag:s6] =	ssyncadd.s32 $0xFFFFEC00  }
0x9a: {  	[hbm4b:s19+s1] =	stream.linear.scatter [tilespmem:s8], [sflag:$0x5], $0x1400, $0x38;
	[tilespmem:$0x1CD80] =	vst v63  }
0x9b: {  	_ =	swait.ge [sflag:s12], $0x1400  }
0x9c: {  	[sflag:s12] =	ssyncset.done $0x0  }
0x9d: {  	[sflag:s12] =	ssyncadd.s32 $0xFFFFEC00  }
0x9e: {  	_ =	swait.ge [sflag:s18], $0x1400  }
0x9f: {  	[sflag:s18] =	ssyncset.done $0x0  }
0xa0: {  	s21 =	rddreg [dreg:$0x11];
	[sflag:s18] =	ssyncadd.s32 $0xFFFFEC00  }
0xa1: {  	[tilespmem:s3], [sflag:$0x6] =	stream.linear.gather [spmem:s21], $0x280, $0x38;
	[tilespmem:$0x1CD80] =	vst v63  }
0xa2: {  	_ =	swait.ge [sflag:s2], $0x280  }
0xa3: {  	[sflag:s2] =	ssyncset.done $0x0  }
0xa4: {  	s20 =	rddreg [dreg:$0x18];
	[sflag:s2] =	ssyncadd.s32 $0xFFFFFD80  }
0xa5: {  	[hbm4b:s20+s1] =	stream.linear.scatter [tilespmem:s3], [sflag:$0x6], $0x280, $0x38;
	[tilespmem:$0x1CD80] =	vst v63  }
0xa6: {  	_ =	swait.ge [sflag:s2], $0x280  }
0xa7: {  	[sflag:s2] =	ssyncset.done $0x0  }
0xa8: {  	[sflag:s2] =	ssyncadd.s32 $0xFFFFFD80  }
0xa9: {  	[tilespmem:s3], [sflag:$0x6] =	stream.linear.gather [spmem:s31], $0x280, $0x38;
	[tilespmem:$0x1CD80] =	vst v63  }
0xaa: {  	_ =	swait.ge [sflag:s2], $0x280  }
0xab: {  	[sflag:s2] =	ssyncset.done $0x0  }
0xac: {  	s12 =	rddreg [dreg:$0x19];
	[sflag:s2] =	ssyncadd.s32 $0xFFFFFD80  }
0xad: {  	[hbm4b:s12+s1] =	stream.linear.scatter [tilespmem:s3], [sflag:$0x6], $0x280, $0x38;
	[tilespmem:$0x1CD80] =	vst v63  }
0xae: {  	_ =	swait.ge [sflag:s2], $0x280  }
0xaf: {  	[sflag:s2] =	ssyncset.done $0x0  }
0xb0: {  	[sflag:s2] =	ssyncadd.s32 $0xFFFFFD80  }
0xb1: {  	[tilespmem:s3], [sflag:$0x6] =	stream.linear.gather [spmem:s11], $0x280, $0x38;
	[tilespmem:$0x1CD80] =	vst v63  }
0xb2: {  	_ =	swait.ge [sflag:s2], $0x280  }
0xb3: {  	[sflag:s2] =	ssyncset.done $0x0  }
0xb4: {  	s19 =	rddreg [dreg:$0x1a];
	[sflag:s2] =	ssyncadd.s32 $0xFFFFFD80  }
0xb5: {  	[hbm4b:s19+s1] =	stream.linear.scatter [tilespmem:s3], [sflag:$0x6], $0x280, $0x38;
	[tilespmem:$0x1CD80] =	vst v63  }
0xb6: {  	_ =	swait.ge [sflag:s2], $0x280  }
0xb7: {  	[sflag:s2] =	ssyncset.done $0x0  }
0xb8: {  	[sflag:s2] =	ssyncadd.s32 $0xFFFFFD80  }
0xb9: {  	[tilespmem:s3], [sflag:$0x6] =	stream.linear.gather [spmem:s15], $0x280, $0x38;
	[tilespmem:$0x1CD80] =	vst v63  }
0xba: {  	_ =	swait.ge [sflag:s2], $0x280  }
0xbb: {  	[sflag:s2] =	ssyncset.done $0x0  }
0xbc: {  	s20 =	rddreg [dreg:$0x1b];
	[sflag:s2] =	ssyncadd.s32 $0xFFFFFD80  }
0xbd: {  	[hbm4b:s20+s1] =	stream.linear.scatter [tilespmem:s3], [sflag:$0x6], $0x280, $0x38;
	[tilespmem:$0x1CD80] =	vst v63  }
0xbe: {  	_ =	swait.ge [sflag:s2], $0x280  }
0xbf: {  	[sflag:s2] =	ssyncset.done $0x0  }
0xc0: {  	[sflag:s2] =	ssyncadd.s32 $0xFFFFFD80  }
0xc1: {  	[tilespmem:s3], [sflag:$0x6] =	stream.linear.gather [spmem:s0], $0x280, $0x38;
	[tilespmem:$0x1CD80] =	vst v63  }
0xc2: {  	_ =	swait.ge [sflag:s2], $0x280  }
0xc3: {  	[sflag:s2] =	ssyncset.done $0x0  }
0xc4: {  	s12 =	rddreg [dreg:$0x1c];
	[sflag:s2] =	ssyncadd.s32 $0xFFFFFD80  }
0xc5: {  	[hbm4b:s12+s1] =	stream.linear.scatter [tilespmem:s3], [sflag:$0x6], $0x280, $0x38;
	[tilespmem:$0x1CD80] =	vst v63  }
0xc6: {  	_ =	swait.ge [sflag:s2], $0x280  }
0xc7: {  	s12 =	sld [smem:$0x7FB]  }
0xc8: {  	[sflag:s2] =	ssyncset.done $0x0  }
0xc9: {  	[sflag:s2] =	ssyncadd.s32 $0xFFFFFD80  }
0xca: {  	[tilespmem:s3], [sflag:$0x6] =	stream.linear.gather [spmem:s12], $0x280, $0x38;
	[tilespmem:$0x1CD80] =	vst v63  }
0xcb: {  	_ =	swait.ge [sflag:s2], $0x280  }
0xcc: {  	[sflag:s2] =	ssyncset.done $0x0  }
0xcd: {  	s19 =	rddreg [dreg:$0x1d];
	[sflag:s2] =	ssyncadd.s32 $0xFFFFFD80  }
0xce: {  	[hbm4b:s19+s1] =	stream.linear.scatter [tilespmem:s3], [sflag:$0x6], $0x280, $0x38;
	[tilespmem:$0x1CD80] =	vst v63  }
0xcf: {  	_ =	swait.ge [sflag:s2], $0x280  }
0xd0: {  	s19 =	sld [smem:$0x7FC]  }
0xd1: {  	[sflag:s2] =	ssyncset.done $0x0  }
0xd2: {  	[sflag:s2] =	ssyncadd.s32 $0xFFFFFD80  }
0xd3: {  	[tilespmem:s3], [sflag:$0x6] =	stream.linear.gather [spmem:s19], $0x280, $0x38;
	[tilespmem:$0x1CD80] =	vst v63  }
0xd4: {  	_ =	swait.ge [sflag:s2], $0x280  }
0xd5: {  	[sflag:s2] =	ssyncset.done $0x0  }
0xd6: {  	s20 =	rddreg [dreg:$0x1e];
	[sflag:s2] =	ssyncadd.s32 $0xFFFFFD80  }
0xd7: {  	[hbm4b:s20+s1] =	stream.linear.scatter [tilespmem:s3], [sflag:$0x6], $0x280, $0x38;
	[tilespmem:$0x1CD80] =	vst v63  }
0xd8: {  	_ =	swait.ge [sflag:s2], $0x280  }
0xd9: {  	s20 =	sld [smem:$0x7FD]  }
0xda: {  	[sflag:s2] =	ssyncset.done $0x0  }
0xdb: {  	[sflag:s2] =	ssyncadd.s32 $0xFFFFFD80  }
0xdc: {  	[tilespmem:s3], [sflag:$0x6] =	stream.linear.gather [spmem:s20], $0x280, $0x38;
	[tilespmem:$0x1CD80] =	vst v63  }
0xdd: {  	_ =	swait.ge [sflag:s2], $0x280  }
0xde: {  	[sflag:s2] =	ssyncset.done $0x0  }
0xdf: {  	s18 =	rddreg [dreg:$0x1f];
	[sflag:s2] =	ssyncadd.s32 $0xFFFFFD80  }
0xe0: {  	[hbm4b:s18+s1] =	stream.linear.scatter [tilespmem:s3], [sflag:$0x6], $0x280, $0x38;
	[tilespmem:$0x1CD80] =	vst v63  }
0xe1: {  	_ =	swait.ge [sflag:s2], $0x280  }
0xe2: {  	s1 =	sld [smem:$0x7FA];
	_ =	sdelay $0x1  }
0xe3: {  	s25 =	sadd.s32 $0x1, s25  }
0xe4: {  	p1 =	sne.s32 s25, s1  }
.Ltmp1:
0xe5: {  	_ = 	snop;
	(pc) =	sbr.rel @!p1 .LBB2_9-.Ltmp1, $3  }
0xe6: {  	_ =	sdelay $0x1  }
0xe7: {  	[sflag:s2] =	ssyncset.done $0x0  }
0xe8: {  	s18 =	smov.u32 s11;
	[sflag:s2] =	ssyncadd.s32 $0xFFFFFD80  }
.LBB2_1:
0xe9: {  	[smem:$0x7F6] =	sst s25;
	s11 =	smov.u32 s31;
	s31 =	smov.u32 s21  }
0xea: {  	s21 =	rddreg [dreg:$0xc];
	s25 =	simm.s32 $0x0;
	s1 =	simm.s32 $0x1B300  }
0xeb: {  	[tilespmem:s1], [sflag:$0x6] =	stream.linear.gather [hbm4b:s21+s25], $0x1400, $0x38;
	[tilespmem:$0x1CD80] =	vst v63  }
0xec: {  	_ =	swait.ge [sflag:s2], $0x1400  }
0xed: {  	[sflag:s2] =	ssyncset.done $0x0  }
0xee: {  	s21 =	rddreg [dreg:$0xd];
	[sflag:s2] =	ssyncadd.s32 $0xFFFFEC00  }
0xef: {  	[tilespmem:s3], [sflag:$0x6] =	stream.linear.gather [hbm4b:s21+s25], $0x280, $0x38;
	[tilespmem:$0x1CD80] =	vst v63  }
0xf0: {  	_ =	swait.ge [sflag:s2], $0x280  }
0xf1: {  	s3 =	smov.u32 s26;
	s26 =	smov.u32 s28;
	[sflag:s2] =	ssyncset.done $0x0  }
0xf2: {  	s28 =	simm.s32 $0x1C700;
	s21 =	rddreg [dreg:$0xe];
	[sflag:s2] =	ssyncadd.s32 $0xFFFFFD80  }
0xf3: {  	[tilespmem:s28], [sflag:$0x6] =	stream.linear.gather [hbm4b:s21+s25], $0x400, $0x38;
	[tilespmem:$0x1CD80] =	vst v63  }
0xf4: {  	_ =	swait.ge [sflag:s2], $0x400  }
0xf5: {  	[sflag:s2] =	ssyncset.done $0x0  }
0xf6: {  	[sflag:s2] =	ssyncadd.s32 $0xFFFFFC00  }
0xf7: {  	[spmem:s26] =	stream.linear.scatter [tilespmem:s1], [sflag:$0x1], $0x1400, $0x38;
	[tilespmem:$0x1CD80] =	vst v63  }
0xf8: {  	_ = 	snop  }
0xf9: {  	[spmem:s23] =	stream.linear.scatter [tilespmem:s1], [sflag:$0x2], $0x1400, $0x38;
	[tilespmem:$0x1CD80] =	vst v63  }
0xfa: {  	_ = 	snop  }
0xfb: {  	[spmem:s24] =	stream.linear.scatter [tilespmem:s1], [sflag:$0x3], $0x1400, $0x38;
	[tilespmem:$0x1CD80] =	vst v63  }
0xfc: {  	_ = 	snop  }
0xfd: {  	[spmem:s3] =	stream.linear.scatter [tilespmem:s1], [sflag:$0x1], $0x1400, $0x38;
	[tilespmem:$0x1CD80] =	vst v63  }
0xfe: {  	_ = 	snop  }
0xff: {  	[spmem:s22] =	stream.linear.scatter [tilespmem:s1], [sflag:$0x2], $0x1400, $0x38;
	[tilespmem:$0x1CD80] =	vst v63  }
0x100: {  	s24 =	rddreg [dreg:$0x17]  }
0x101: {  	[spmem:s24] =	stream.linear.scatter [tilespmem:s1], [sflag:$0x3], $0x1400, $0x38;
	[tilespmem:$0x1CD80] =	vst v63  }
0x102: {  	_ = 	snop  }
0x103: {  	[spmem:s29] =	stream.linear.scatter [tilespmem:s1], [sflag:$0x1], $0x1400, $0x38;
	[tilespmem:$0x1CD80] =	vst v63  }
0x104: {  	_ = 	snop  }
0x105: {  	[spmem:s30] =	stream.linear.scatter [tilespmem:s1], [sflag:$0x2], $0x1400, $0x38;
	[tilespmem:$0x1CD80] =	vst v63  }
0x106: {  	_ =	swait.ge [sflag:s5], $0x1400  }
0x107: {  	[sflag:s5] =	ssyncset.done $0x0  }
0x108: {  	[sflag:s5] =	ssyncadd.s32 $0xFFFFEC00  }
0x109: {  	_ =	swait.ge [sflag:s6], $0x1400  }
0x10a: {  	[sflag:s6] =	ssyncset.done $0x0  }
0x10b: {  	[sflag:s6] =	ssyncadd.s32 $0xFFFFEC00  }
0x10c: {  	_ =	swait.ge [sflag:s7], $0x1400  }
0x10d: {  	[sflag:s7] =	ssyncset.done $0x0  }
0x10e: {  	[sflag:s7] =	ssyncadd.s32 $0xFFFFEC00  }
0x10f: {  	_ =	swait.ge [sflag:s5], $0x1400  }
0x110: {  	[sflag:s5] =	ssyncset.done $0x0  }
0x111: {  	[sflag:s5] =	ssyncadd.s32 $0xFFFFEC00  }
0x112: {  	_ =	swait.ge [sflag:s6], $0x1400  }
0x113: {  	[sflag:s6] =	ssyncset.done $0x0  }
0x114: {  	[sflag:s6] =	ssyncadd.s32 $0xFFFFEC00  }
0x115: {  	_ =	swait.ge [sflag:s7], $0x1400  }
0x116: {  	[sflag:s7] =	ssyncset.done $0x0  }
0x117: {  	[sflag:s7] =	ssyncadd.s32 $0xFFFFEC00  }
0x118: {  	_ =	swait.ge [sflag:s5], $0x1400  }
0x119: {  	[sflag:s5] =	ssyncset.done $0x0  }
0x11a: {  	[sflag:s5] =	ssyncadd.s32 $0xFFFFEC00  }
0x11b: {  	_ =	swait.ge [sflag:s6], $0x1400  }
0x11c: {  	[sflag:s6] =	ssyncset.done $0x0  }
0x11d: {  	s3 =	simm.s32 $0x1CB00;
	[sflag:s6] =	ssyncadd.s32 $0xFFFFEC00  }
0x11e: {  	[spmem:s31] =	stream.linear.scatter [tilespmem:s3], [sflag:$0x1], $0x280, $0x38;
	[tilespmem:$0x1CD80] =	vst v63  }
0x11f: {  	_ = 	snop  }
0x120: {  	[spmem:s11] =	stream.linear.scatter [tilespmem:s3], [sflag:$0x2], $0x280, $0x38;
	[tilespmem:$0x1CD80] =	vst v63  }
0x121: {  	_ = 	snop  }
0x122: {  	[spmem:s18] =	stream.linear.scatter [tilespmem:s3], [sflag:$0x3], $0x280, $0x38;
	[tilespmem:$0x1CD80] =	vst v63  }
0x123: {  	_ = 	snop  }
0x124: {  	[spmem:s15] =	stream.linear.scatter [tilespmem:s3], [sflag:$0x1], $0x280, $0x38;
	[tilespmem:$0x1CD80] =	vst v63  }
0x125: {  	_ = 	snop  }
0x126: {  	[spmem:s0] =	stream.linear.scatter [tilespmem:s3], [sflag:$0x2], $0x280, $0x38;
	[tilespmem:$0x1CD80] =	vst v63  }
0x127: {  	_ = 	snop  }
0x128: {  	[spmem:s12] =	stream.linear.scatter [tilespmem:s3], [sflag:$0x3], $0x280, $0x38;
	[tilespmem:$0x1CD80] =	vst v63  }
0x129: {  	_ = 	snop  }
0x12a: {  	[spmem:s19] =	stream.linear.scatter [tilespmem:s3], [sflag:$0x1], $0x280, $0x38;
	[tilespmem:$0x1CD80] =	vst v63  }
0x12b: {  	_ = 	snop  }
0x12c: {  	[spmem:s20] =	stream.linear.scatter [tilespmem:s3], [sflag:$0x2], $0x280, $0x38;
	[tilespmem:$0x1CD80] =	vst v63  }
0x12d: {  	_ =	swait.ge [sflag:s5], $0x280  }
0x12e: {  	[sflag:s5] =	ssyncset.done $0x0  }
0x12f: {  	[sflag:s5] =	ssyncadd.s32 $0xFFFFFD80  }
0x130: {  	_ =	swait.ge [sflag:s6], $0x280  }
0x131: {  	[sflag:s6] =	ssyncset.done $0x0  }
0x132: {  	[sflag:s6] =	ssyncadd.s32 $0xFFFFFD80  }
0x133: {  	_ =	swait.ge [sflag:s7], $0x280  }
0x134: {  	[sflag:s7] =	ssyncset.done $0x0  }
0x135: {  	[sflag:s7] =	ssyncadd.s32 $0xFFFFFD80  }
0x136: {  	_ =	swait.ge [sflag:s5], $0x280  }
0x137: {  	[sflag:s5] =	ssyncset.done $0x0  }
0x138: {  	[sflag:s5] =	ssyncadd.s32 $0xFFFFFD80  }
0x139: {  	_ =	swait.ge [sflag:s6], $0x280  }
0x13a: {  	[sflag:s6] =	ssyncset.done $0x0  }
0x13b: {  	[sflag:s6] =	ssyncadd.s32 $0xFFFFFD80  }
0x13c: {  	_ =	swait.ge [sflag:s7], $0x280  }
0x13d: {  	[sflag:s7] =	ssyncset.done $0x0  }
0x13e: {  	[sflag:s7] =	ssyncadd.s32 $0xFFFFFD80  }
0x13f: {  	_ =	swait.ge [sflag:s5], $0x280  }
0x140: {  	[sflag:s5] =	ssyncset.done $0x0  }
0x141: {  	[sflag:s5] =	ssyncadd.s32 $0xFFFFFD80  }
0x142: {  	_ =	swait.ge [sflag:s6], $0x280  }
0x143: {  	[sflag:s6] =	ssyncset.done $0x0  }
0x144: {  	[sflag:s6] =	ssyncadd.s32 $0xFFFFFD80  }
0x145: {  	[bflag:$0x0] =	sbarrier.arrive $0xFFFF  }
0x146: {  	s25 =	sld [smem:$0x7F7];
	_ =	sdelay $0x1  }
0x147: {  	s1 =	simm.s32 $0x0;
	s12 =	simm.s32 $0xB400  }
0x148: {  	[tilespmem:s12], [sflag:$0x6] =	stream.linear.gather [hbm4b:s25+s1], $0x4F80, $0x38;
	[tilespmem:$0x1CD80] =	vst v63  }
0x149: {  	_ =	swait.ge [sflag:s2], $0x4F80  }
0x14a: {  	s26 =	sld [smem:$0x7F8]  }
0x14b: {  	[sflag:s2] =	ssyncset.done $0x0  }
.Ltmp2:
0x14c: {  	s28 =	simm.s32 $0x10380;
	[sflag:s2] =	ssyncadd.s32 $0xFFFFB080;
	(pc) =	sbr.rel @!p0 .LBB2_2-.Ltmp2, $4  }
0x14d: {  	[tilespmem:s28], [sflag:$0x6] =	stream.linear.gather [hbm4b:s26+s1], $0x4F80, $0x38;
	[tilespmem:$0x1CD80] =	vst v63  }
0x14e: {  	_ =	swait.ge [sflag:s2], $0x4F80  }
0x14f: {  	s29 =	smov.u32 s15;
	s30 =	smov.u32 s0;
	[sflag:s2] =	ssyncset.done $0x0  }
0x150: {  	s31 =	smov.u32 s11;
	s11 =	smov.u32 s18;
	[sflag:s2] =	ssyncadd.s32 $0xFFFFB080  }
0x151: {  	[tilespmem:s17], [sflag:$0x1] =	stream.indirect.gather [hbm4b:s14+s16], $0x40, s12, s16, $0xb8;
	[tilespmem:$0x1CD80] =	vst v63  }
0x152: {  	s0 =	simm.s32 $0xB480  }
0x153: {  	[tilespmem:s8], [sflag:$0x2] =	stream.indirect.gather [hbm4b:s14+s16], $0x40, s0, s16, $0xb8;
	[tilespmem:$0x1CD80] =	vst v63  }
0x154: {  	s25 =	simm.s32 $0xB500  }
0x155: {  	[tilespmem:s4], [sflag:$0x3] =	stream.indirect.gather [hbm4b:s14+s16], $0x40, s25, s16, $0xb8;
	[tilespmem:$0x1CD80] =	vst v63  }
0x156: {  	_ =	swait.ge [sflag:s5], $0x2000  }
0x157: {  	[sflag:s5] =	ssyncset.done $0x0  }
0x158: {  	s21 =	simm.s32 $0x10380;
	[sflag:s5] =	ssyncadd.s32 $0xFFFFE000  }
0x159: {  	[spmem:s9] =	stream.indirect.scatter.add.f32 [tilespmem:s17], [sflag:$0x6], $0x40, s21, s16, $0xb8;
	[tilespmem:$0x1CD80] =	vst v63  }
0x15a: {  	_ =	swait.ge [sflag:s2], $0x2000  }
0x15b: {  	p1 =	por $0x1, $0x1;
	[sflag:s2] =	ssyncset.done $0x0  }
0x15c: {  	s22 =	simm.s32 @!p1 $0x80;
	s23 =	simm.s32 @!p1 $0x1C700;
	[sflag:s2] =	ssyncadd.s32 $0xFFFFE000  }
0x15d: {  	[spmem:s10] =	stream.indirect.scatter.add.f32 @!p1 [tilespmem:s23], [sflag:$0x6], $0x8, s21, s22, $0xb8;
	[tilespmem:$0x1CD80] =	vst v63  }
0x15e: {  	s21 =	simm.s32 @!p1 $0x6  }
0x15f: {  	_ =	swait.ge @!p1 [sflag:s21], $0x400  }
0x160: {  	[sflag:s21] =	ssyncset.done @!p1 $0x0  }
0x161: {  	s26 =	simm.s32 $0xB580;
	[sflag:s21] =	ssyncadd.s32 @!p1 $0xFFFFFC00  }
0x162: {  	[tilespmem:s17], [sflag:$0x1] =	stream.indirect.gather [hbm4b:s14+s16], $0x40, s26, s16, $0xb8;
	[tilespmem:$0x1CD80] =	vst v63  }
0x163: {  	_ =	swait.ge [sflag:s6], $0x2000  }
0x164: {  	[sflag:s6] =	ssyncset.done $0x0  }
0x165: {  	s21 =	simm.s32 $0x10400;
	[sflag:s6] =	ssyncadd.s32 $0xFFFFE000  }
0x166: {  	[spmem:s9] =	stream.indirect.scatter.add.f32 [tilespmem:s8], [sflag:$0x6], $0x40, s21, s16, $0xb8;
	[tilespmem:$0x1CD80] =	vst v63  }
0x167: {  	p1 =	por $0x1, $0x1;
	_ =	swait.ge [sflag:s2], $0x2000  }
0x168: {  	s22 =	simm.s32 @!p1 $0x80;
	[sflag:s2] =	ssyncset.done $0x0  }
0x169: {  	s23 =	simm.s32 @!p1 $0x1C700;
	s24 =	simm.s32 @!p1 $0x6;
	[sflag:s2] =	ssyncadd.s32 $0xFFFFE000  }
0x16a: {  	[spmem:s10] =	stream.indirect.scatter.add.f32 @!p1 [tilespmem:s23], [sflag:$0x6], $0x8, s21, s22, $0xb8;
	[tilespmem:$0x1CD80] =	vst v63  }
0x16b: {  	_ =	swait.ge @!p1 [sflag:s24], $0x400  }
0x16c: {  	[sflag:s24] =	ssyncset.done @!p1 $0x0  }
0x16d: {  	s28 =	simm.s32 $0xB600;
	[sflag:s24] =	ssyncadd.s32 @!p1 $0xFFFFFC00  }
0x16e: {  	[tilespmem:s8], [sflag:$0x2] =	stream.indirect.gather [hbm4b:s14+s16], $0x40, s28, s16, $0xb8;
	[tilespmem:$0x1CD80] =	vst v63  }
0x16f: {  	_ =	swait.ge [sflag:s7], $0x2000  }
0x170: {  	[sflag:s7] =	ssyncset.done $0x0  }
0x171: {  	s21 =	simm.s32 $0x10480;
	[sflag:s7] =	ssyncadd.s32 $0xFFFFE000  }
0x172: {  	[spmem:s9] =	stream.indirect.scatter.add.f32 [tilespmem:s4], [sflag:$0x6], $0x40, s21, s16, $0xb8;
	[tilespmem:$0x1CD80] =	vst v63  }
0x173: {  	p2 =	por $0x1, $0x1;
	_ =	swait.ge [sflag:s2], $0x2000  }
0x174: {  	s22 =	simm.s32 @!p2 $0x80;
	[sflag:s2] =	ssyncset.done $0x0  }
0x175: {  	s23 =	simm.s32 @!p2 $0x1C700;
	s24 =	simm.s32 @!p2 $0x6;
	[sflag:s2] =	ssyncadd.s32 $0xFFFFE000  }
0x176: {  	[spmem:s10] =	stream.indirect.scatter.add.f32 @!p2 [tilespmem:s23], [sflag:$0x6], $0x8, s21, s22, $0xb8;
	[tilespmem:$0x1CD80] =	vst v63  }
0x177: {  	s21 =	simm.s32 $0xFFFFFFB2;
	_ =	swait.ge @!p2 [sflag:s24], $0x400  }
0x178: {  	s22 =	simm.s32 $0x600;
	s23 =	simm.s32 $0xB680;
	[sflag:s24] =	ssyncset.done @!p2 $0x0  }
.LBB2_6:
0x179: {  	[sflag:s24] =	ssyncadd.s32 @!p2 $0xFFFFFC00  }
0x17a: {  	s21 =	sadd.s32 $0x3, s21;
	s24 =	smov.u32 s22;
	s22 =	sadd.s32 $0x600, s22  }
0x17b: {  	[tilespmem:s4], [sflag:$0x3] =	stream.indirect.gather [hbm4b:s14+s16], $0x40, s23, s16, $0xb8;
	[tilespmem:$0x1CD80] =	vst v63  }
0x17c: {  	p1 =	sne.s32 s22, $0x13800;
	_ =	swait.ge [sflag:s5], $0x2000  }
0x17d: {  	s23 =	sshra.s32 s24, $0x2;
	[sflag:s5] =	ssyncset.done $0x0  }
0x17e: {  	s24 =	sadd.s32 $0x10380, s23;
	[sflag:s5] =	ssyncadd.s32 $0xFFFFE000  }
0x17f: {  	[spmem:s9] =	stream.indirect.scatter.add.f32 [tilespmem:s17], [sflag:$0x6], $0x40, s24, s16, $0xb8;
	[tilespmem:$0x1CD80] =	vst v63  }
0x180: {  	s25 =	sadd.s32 $0xFFFFFFFE, s21;
	_ =	swait.ge [sflag:s2], $0x2000  }
0x181: {  	p2 =	sgt.u32 s25, $0x4E;
	[sflag:s2] =	ssyncset.done $0x0  }
0x182: {  	s25 =	simm.s32 @!p2 $0x80;
	s26 =	simm.s32 @!p2 $0x1C700;
	[sflag:s2] =	ssyncadd.s32 $0xFFFFE000  }
0x183: {  	[spmem:s10] =	stream.indirect.scatter.add.f32 @!p2 [tilespmem:s26], [sflag:$0x6], $0x8, s24, s25, $0xb8;
	[tilespmem:$0x1CD80] =	vst v63  }
0x184: {  	s24 =	simm.s32 @!p2 $0x6  }
0x185: {  	_ =	swait.ge @!p2 [sflag:s24], $0x400  }
0x186: {  	s25 =	sadd.s32 $0xB580, s23;
	[sflag:s24] =	ssyncset.done @!p2 $0x0  }
0x187: {  	[sflag:s24] =	ssyncadd.s32 @!p2 $0xFFFFFC00  }
0x188: {  	[tilespmem:s17], [sflag:$0x1] =	stream.indirect.gather [hbm4b:s14+s16], $0x40, s25, s16, $0xb8;
	[tilespmem:$0x1CD80] =	vst v63  }
0x189: {  	_ =	swait.ge [sflag:s6], $0x2000  }
0x18a: {  	s24 =	sadd.s32 $0x10400, s23;
	[sflag:s6] =	ssyncset.done $0x0  }
0x18b: {  	s25 =	sadd.s32 $0xFFFFFFFF, s21;
	[sflag:s6] =	ssyncadd.s32 $0xFFFFE000  }
0x18c: {  	[spmem:s9] =	stream.indirect.scatter.add.f32 [tilespmem:s8], [sflag:$0x6], $0x40, s24, s16, $0xb8;
	[tilespmem:$0x1CD80] =	vst v63  }
0x18d: {  	p2 =	sgt.u32 s25, $0x4E;
	_ =	swait.ge [sflag:s2], $0x2000  }
0x18e: {  	s25 =	simm.s32 @!p2 $0x80;
	s26 =	simm.s32 @!p2 $0x1C700;
	[sflag:s2] =	ssyncset.done $0x0  }
0x18f: {  	s28 =	simm.s32 @!p2 $0x6;
	[sflag:s2] =	ssyncadd.s32 $0xFFFFE000  }
0x190: {  	[spmem:s10] =	stream.indirect.scatter.add.f32 @!p2 [tilespmem:s26], [sflag:$0x6], $0x8, s24, s25, $0xb8;
	[tilespmem:$0x1CD80] =	vst v63  }
0x191: {  	_ =	swait.ge @!p2 [sflag:s28], $0x400  }
0x192: {  	s24 =	sadd.s32 $0xB600, s23;
	[sflag:s28] =	ssyncset.done @!p2 $0x0  }
0x193: {  	[sflag:s28] =	ssyncadd.s32 @!p2 $0xFFFFFC00  }
0x194: {  	[tilespmem:s8], [sflag:$0x2] =	stream.indirect.gather [hbm4b:s14+s16], $0x40, s24, s16, $0xb8;
	[tilespmem:$0x1CD80] =	vst v63  }
0x195: {  	_ =	swait.ge [sflag:s7], $0x2000  }
0x196: {  	s25 =	sadd.s32 $0x10480, s23;
	[sflag:s7] =	ssyncset.done $0x0  }
0x197: {  	p2 =	sgt.u32 s21, $0x4E;
	[sflag:s7] =	ssyncadd.s32 $0xFFFFE000  }
0x198: {  	[spmem:s9] =	stream.indirect.scatter.add.f32 [tilespmem:s4], [sflag:$0x6], $0x40, s25, s16, $0xb8;
	[tilespmem:$0x1CD80] =	vst v63  }
0x199: {  	s26 =	simm.s32 @!p2 $0x80;
	_ =	swait.ge [sflag:s2], $0x2000  }
.Ltmp3:
0x19a: {  	s28 =	simm.s32 @!p2 $0x1C700;
	[sflag:s2] =	ssyncset.done $0x0;
	(pc) =	sbr.rel @p1 .LBB2_6-.Ltmp3, $4  }
0x19b: {  	s24 =	simm.s32 @!p2 $0x6;
	[sflag:s2] =	ssyncadd.s32 $0xFFFFE000  }
0x19c: {  	[spmem:s10] =	stream.indirect.scatter.add.f32 @!p2 [tilespmem:s28], [sflag:$0x6], $0x8, s25, s26, $0xb8;
	[tilespmem:$0x1CD80] =	vst v63  }
0x19d: {  	_ =	swait.ge @!p2 [sflag:s24], $0x400  }
0x19e: {  	s23 =	sadd.s32 $0xB680, s23;
	[sflag:s24] =	ssyncset.done @!p2 $0x0  }
.Ltmp4:
0x19f: {  	_ = 	snop;
	(pc) =	sbr.rel .LBB2_7-.Ltmp4, $1  }
0x1a0: {  	_ =	sdelay $0x3  }
.LBB2_2:
0x1a1: {  	[tilespmem:s17], [sflag:$0x1] =	stream.indirect.gather [hbm4b:s13+s16], $0x40, s12, s16, $0xb8;
	[tilespmem:$0x1CD80] =	vst v63  }
0x1a2: {  	s0 =	simm.s32 $0xB480  }
0x1a3: {  	[tilespmem:s8], [sflag:$0x2] =	stream.indirect.gather [hbm4b:s13+s16], $0x40, s0, s16, $0xb8;
	[tilespmem:$0x1CD80] =	vst v63  }
0x1a4: {  	s26 =	simm.s32 $0xB500  }
0x1a5: {  	[tilespmem:s4], [sflag:$0x3] =	stream.indirect.gather [hbm4b:s13+s16], $0x40, s26, s16, $0xb8;
	[tilespmem:$0x1CD80] =	vst v63  }
0x1a6: {  	_ =	swait.ge [sflag:s5], $0x2000  }
0x1a7: {  	[sflag:s5] =	ssyncset.done $0x0  }
0x1a8: {  	s21 =	simm.s32 $0x10380;
	[sflag:s5] =	ssyncadd.s32 $0xFFFFE000  }
0x1a9: {  	[spmem:s9] =	stream.indirect.scatter.add.f32 [tilespmem:s17], [sflag:$0x6], $0x40, s21, s16, $0xb8;
	[tilespmem:$0x1CD80] =	vst v63  }
0x1aa: {  	_ =	swait.ge [sflag:s2], $0x2000  }
0x1ab: {  	p1 =	por $0x0, $0x0;
	[sflag:s2] =	ssyncset.done $0x0  }
0x1ac: {  	s22 =	simm.s32 @!p1 $0x80;
	s23 =	simm.s32 @!p1 $0x1C700;
	[sflag:s2] =	ssyncadd.s32 $0xFFFFE000  }
0x1ad: {  	[spmem:s10] =	stream.indirect.scatter.add.f32 @!p1 [tilespmem:s23], [sflag:$0x6], $0x8, s21, s22, $0xb8;
	[tilespmem:$0x1CD80] =	vst v63  }
0x1ae: {  	s21 =	simm.s32 @!p1 $0x6  }
0x1af: {  	_ =	swait.ge @!p1 [sflag:s21], $0x400  }
0x1b0: {  	[sflag:s21] =	ssyncset.done @!p1 $0x0  }
0x1b1: {  	s24 =	simm.s32 $0xB580;
	[sflag:s21] =	ssyncadd.s32 @!p1 $0xFFFFFC00  }
0x1b2: {  	[tilespmem:s17], [sflag:$0x1] =	stream.indirect.gather [hbm4b:s13+s16], $0x40, s24, s16, $0xb8;
	[tilespmem:$0x1CD80] =	vst v63  }
0x1b3: {  	_ =	swait.ge [sflag:s6], $0x2000  }
0x1b4: {  	[sflag:s6] =	ssyncset.done $0x0  }
0x1b5: {  	s24 =	simm.s32 $0x10400;
	[sflag:s6] =	ssyncadd.s32 $0xFFFFE000  }
0x1b6: {  	[spmem:s9] =	stream.indirect.scatter.add.f32 [tilespmem:s8], [sflag:$0x6], $0x40, s24, s16, $0xb8;
	[tilespmem:$0x1CD80] =	vst v63  }
0x1b7: {  	_ =	swait.ge [sflag:s2], $0x2000  }
0x1b8: {  	[sflag:s2] =	ssyncset.done $0x0  }
0x1b9: {  	[sflag:s2] =	ssyncadd.s32 $0xFFFFE000  }
0x1ba: {  	[spmem:s10] =	stream.indirect.scatter.add.f32 @!p1 [tilespmem:s23], [sflag:$0x6], $0x8, s24, s22, $0xb8;
	[tilespmem:$0x1CD80] =	vst v63  }
0x1bb: {  	_ =	swait.ge @!p1 [sflag:s21], $0x400  }
0x1bc: {  	[sflag:s21] =	ssyncset.done @!p1 $0x0  }
0x1bd: {  	s28 =	simm.s32 $0xB600;
	[sflag:s21] =	ssyncadd.s32 @!p1 $0xFFFFFC00  }
0x1be: {  	[tilespmem:s8], [sflag:$0x2] =	stream.indirect.gather [hbm4b:s13+s16], $0x40, s28, s16, $0xb8;
	[tilespmem:$0x1CD80] =	vst v63  }
0x1bf: {  	_ =	swait.ge [sflag:s7], $0x2000  }
0x1c0: {  	[sflag:s7] =	ssyncset.done $0x0  }
0x1c1: {  	s21 =	simm.s32 $0x10480;
	[sflag:s7] =	ssyncadd.s32 $0xFFFFE000  }
0x1c2: {  	[spmem:s9] =	stream.indirect.scatter.add.f32 [tilespmem:s4], [sflag:$0x6], $0x40, s21, s16, $0xb8;
	[tilespmem:$0x1CD80] =	vst v63  }
0x1c3: {  	p2 =	por $0x0, $0x0;
	_ =	swait.ge [sflag:s2], $0x2000  }
0x1c4: {  	s22 =	simm.s32 @!p2 $0x80;
	[sflag:s2] =	ssyncset.done $0x0  }
0x1c5: {  	s23 =	simm.s32 @!p2 $0x1C700;
	s24 =	simm.s32 @!p2 $0x6;
	[sflag:s2] =	ssyncadd.s32 $0xFFFFE000  }
0x1c6: {  	[spmem:s10] =	stream.indirect.scatter.add.f32 @!p2 [tilespmem:s23], [sflag:$0x6], $0x8, s21, s22, $0xb8;
	[tilespmem:$0x1CD80] =	vst v63  }
0x1c7: {  	s21 =	simm.s32 $0x0;
	_ =	swait.ge @!p2 [sflag:s24], $0x400  }
0x1c8: {  	s22 =	simm.s32 $0x600;
	s23 =	simm.s32 $0xB680;
	[sflag:s24] =	ssyncset.done @!p2 $0x0  }
.LBB2_3:
0x1c9: {  	[sflag:s24] =	ssyncadd.s32 @!p2 $0xFFFFFC00  }
0x1ca: {  	s21 =	sadd.s32 $0x1, s21;
	s24 =	smov.u32 s22;
	s22 =	sadd.s32 $0x600, s22  }
0x1cb: {  	[tilespmem:s4], [sflag:$0x3] =	stream.indirect.gather [hbm4b:s13+s16], $0x40, s23, s16, $0xb8;
	[tilespmem:$0x1CD80] =	vst v63  }
0x1cc: {  	p1 =	seq.s32 s22, $0x13800;
	_ =	swait.ge [sflag:s5], $0x2000  }
0x1cd: {  	s23 =	sshra.s32 s24, $0x2;
	[sflag:s5] =	ssyncset.done $0x0  }
0x1ce: {  	s24 =	sadd.s32 $0x10380, s23;
	[sflag:s5] =	ssyncadd.s32 $0xFFFFE000  }
0x1cf: {  	[spmem:s9] =	stream.indirect.scatter.add.f32 [tilespmem:s17], [sflag:$0x6], $0x40, s24, s16, $0xb8;
	[tilespmem:$0x1CD80] =	vst v63  }
0x1d0: {  	_ =	swait.ge [sflag:s2], $0x2000  }
0x1d1: {  	p2 =	sgt.u32 s21, $0x1A;
	[sflag:s2] =	ssyncset.done $0x0  }
0x1d2: {  	s25 =	simm.s32 @!p2 $0x80;
	s26 =	simm.s32 @!p2 $0x1C700;
	[sflag:s2] =	ssyncadd.s32 $0xFFFFE000  }
0x1d3: {  	[spmem:s10] =	stream.indirect.scatter.add.f32 @!p2 [tilespmem:s26], [sflag:$0x6], $0x8, s24, s25, $0xb8;
	[tilespmem:$0x1CD80] =	vst v63  }
0x1d4: {  	s24 =	simm.s32 @!p2 $0x6  }
0x1d5: {  	_ =	swait.ge @!p2 [sflag:s24], $0x400  }
0x1d6: {  	s28 =	sadd.s32 $0xB580, s23;
	[sflag:s24] =	ssyncset.done @!p2 $0x0  }
0x1d7: {  	[sflag:s24] =	ssyncadd.s32 @!p2 $0xFFFFFC00  }
0x1d8: {  	[tilespmem:s17], [sflag:$0x1] =	stream.indirect.gather [hbm4b:s13+s16], $0x40, s28, s16, $0xb8;
	[tilespmem:$0x1CD80] =	vst v63  }
0x1d9: {  	_ =	swait.ge [sflag:s6], $0x2000  }
0x1da: {  	s28 =	sadd.s32 $0x10400, s23;
	[sflag:s6] =	ssyncset.done $0x0  }
0x1db: {  	[sflag:s6] =	ssyncadd.s32 $0xFFFFE000  }
0x1dc: {  	[spmem:s9] =	stream.indirect.scatter.add.f32 [tilespmem:s8], [sflag:$0x6], $0x40, s28, s16, $0xb8;
	[tilespmem:$0x1CD80] =	vst v63  }
0x1dd: {  	_ =	swait.ge [sflag:s2], $0x2000  }
0x1de: {  	[sflag:s2] =	ssyncset.done $0x0  }
0x1df: {  	[sflag:s2] =	ssyncadd.s32 $0xFFFFE000  }
0x1e0: {  	[spmem:s10] =	stream.indirect.scatter.add.f32 @!p2 [tilespmem:s26], [sflag:$0x6], $0x8, s28, s25, $0xb8;
	[tilespmem:$0x1CD80] =	vst v63  }
0x1e1: {  	_ =	swait.ge @!p2 [sflag:s24], $0x400  }
0x1e2: {  	s25 =	sadd.s32 $0xB600, s23;
	[sflag:s24] =	ssyncset.done @!p2 $0x0  }
0x1e3: {  	[sflag:s24] =	ssyncadd.s32 @!p2 $0xFFFFFC00  }
0x1e4: {  	[tilespmem:s8], [sflag:$0x2] =	stream.indirect.gather [hbm4b:s13+s16], $0x40, s25, s16, $0xb8;
	[tilespmem:$0x1CD80] =	vst v63  }
0x1e5: {  	_ =	swait.ge [sflag:s7], $0x2000  }
0x1e6: {  	s25 =	sadd.s32 $0x10480, s23;
	[sflag:s7] =	ssyncset.done $0x0  }
0x1e7: {  	p2 =	sgt.u32 s21, $0x19;
	[sflag:s7] =	ssyncadd.s32 $0xFFFFE000  }
0x1e8: {  	[spmem:s9] =	stream.indirect.scatter.add.f32 [tilespmem:s4], [sflag:$0x6], $0x40, s25, s16, $0xb8;
	[tilespmem:$0x1CD80] =	vst v63  }
0x1e9: {  	s26 =	simm.s32 @!p2 $0x80;
	_ =	swait.ge [sflag:s2], $0x2000  }
.Ltmp5:
0x1ea: {  	s28 =	simm.s32 @!p2 $0x1C700;
	[sflag:s2] =	ssyncset.done $0x0;
	(pc) =	sbr.rel @!p1 .LBB2_3-.Ltmp5, $4  }
0x1eb: {  	s24 =	simm.s32 @!p2 $0x6;
	[sflag:s2] =	ssyncadd.s32 $0xFFFFE000  }
0x1ec: {  	[spmem:s10] =	stream.indirect.scatter.add.f32 @!p2 [tilespmem:s28], [sflag:$0x6], $0x8, s25, s26, $0xb8;
	[tilespmem:$0x1CD80] =	vst v63  }
0x1ed: {  	_ =	swait.ge @!p2 [sflag:s24], $0x400  }
0x1ee: {  	s23 =	sadd.s32 $0xB680, s23;
	[sflag:s24] =	ssyncset.done @!p2 $0x0  }
0x1ef: {  	[sflag:s24] =	ssyncadd.s32 @!p2 $0xFFFFFC00  }
0x1f0: {  	[tilespmem:s4], [sflag:$0x3] =	stream.indirect.gather [hbm4b:s13+s16], $0x40, s23, s16, $0xb8;
	[tilespmem:$0x1CD80] =	vst v63  }
0x1f1: {  	_ =	swait.ge [sflag:s5], $0x2000  }
0x1f2: {  	[sflag:s5] =	ssyncset.done $0x0  }
0x1f3: {  	s12 =	simm.s32 $0x15180;
	[sflag:s5] =	ssyncadd.s32 $0xFFFFE000  }
0x1f4: {  	[spmem:s9] =	stream.indirect.scatter.add.f32 [tilespmem:s17], [sflag:$0x6], $0x40, s12, s16, $0xb8;
	[tilespmem:$0x1CD80] =	vst v63  }
0x1f5: {  	_ =	swait.ge [sflag:s2], $0x2000  }
0x1f6: {  	[sflag:s2] =	ssyncset.done $0x0  }
0x1f7: {  	[sflag:s2] =	ssyncadd.s32 $0xFFFFE000  }
0x1f8: {  	_ =	swait.ge [sflag:s6], $0x2000  }
0x1f9: {  	[sflag:s6] =	ssyncset.done $0x0  }
0x1fa: {  	s15 =	smov.u32 s29;
	s29 =	simm.s32 $0x15200;
	[sflag:s6] =	ssyncadd.s32 $0xFFFFE000  }
0x1fb: {  	[spmem:s9] =	stream.indirect.scatter.add.f32 [tilespmem:s8], [sflag:$0x6], $0x40, s29, s16, $0xb8;
	[tilespmem:$0x1CD80] =	vst v63  }
0x1fc: {  	_ =	swait.ge [sflag:s2], $0x2000  }
0x1fd: {  	[sflag:s2] =	ssyncset.done $0x0  }
0x1fe: {  	[sflag:s2] =	ssyncadd.s32 $0xFFFFE000  }
0x1ff: {  	_ =	swait.ge [sflag:s7], $0x2000  }
0x200: {  	[sflag:s7] =	ssyncset.done $0x0  }
0x201: {  	s0 =	smov.u32 s30;
	s30 =	simm.s32 $0x15280;
	[sflag:s7] =	ssyncadd.s32 $0xFFFFE000  }
0x202: {  	[spmem:s9] =	stream.indirect.scatter.add.f32 [tilespmem:s4], [sflag:$0x6], $0x40, s30, s16, $0xb8;
	[tilespmem:$0x1CD80] =	vst v63  }
0x203: {  	_ =	swait.ge [sflag:s2], $0x2000  }
0x204: {  	s28 =	rddreg [dreg:$0x12]  }
0x205: {  	s12 =	rddreg [dreg:$0x14]  }
.Ltmp6:
0x206: {  	s18 =	rddreg [dreg:$0x13];
	(pc) =	sbr.rel .LBB2_8-.Ltmp6, $4  }
0x207: {  	s26 =	rddreg [dreg:$0x15]  }
0x208: {  	s19 =	rddreg [dreg:$0x16]  }
0x209: {  	[sflag:s2] =	ssyncset.done $0x0;
	s20 =	rddreg [dreg:$0x17]  }
0x20a: {  	s25 =	sld [smem:$0x7F6];
	[sflag:s2] =	ssyncadd.s32 $0xFFFFE000  }
.LBB2_9:
0x20b: {  	_ =	sfence.sel $0x180000  }
0x20c: {  	[bflag:$0x0] =	sbarrier.arrive $0xFFFF  }
0x20d: {  	_ =	strace $0x90000047  }
0x20e: {  	s0 =	stileid.u32;
	[bflag:$0x2] =	sbarrier.arrive $0xFFFF  }
0x20f: {  	p0 =	sne.s32 s0, $0x0;
	s0 =	rddreg [dreg:$0x3]  }
0x210: {  	s0 =	sadd.s32 @!p0 $0x100000, s0  }
0x211: {  	[sflag:s0] =	ssyncadd.tile.s32 @!p0 $0x1;
	_ =	shalt  }
.Lfunc_end2:
_tile_overlayer_lowered:
.L_overlay_start_2:
0x212: {  	(tag) =	ssettag $0x2  }
0x213: {  	s0 =	rddreg [dreg:$0x0];
	s2 =	stileid.u32  }
0x214: {  	s1 =	rddreg [dreg:$0x1];
	p0 =	sne.s32 s2, $0x0  }
0x215: {  	s3 =	rddreg [dreg:$0x2];
	[bflag:$0x3] =	sbarrier.arrive $0xFFFF;
	s2 =	simm.s32 @!p0 $0x1C06  }
0x216: {  	[timem:s3], [sflag:s2] =	dma.local @!p0 [hbm:s0], s1  }
0x217: {  	s0 =	simm.s32 @!p0 $0x6  }
0x218: {  	_ =	swait.ge @!p0 [sflag:s0], s1  }
0x219: {  	s1 =	ssub.s32 @!p0 $0x0, s1;
	[sflag:s0] =	ssyncset.done @!p0 $0x0  }
0x21a: {  	[sflag:s0] =	ssyncadd.s32 @!p0 s1  }
0x21b: {  	[bflag:$0x3] =	sbarrier.arrive $0xFFFF  }
0x21c: {  	_ =	shalt  }

</sc_bundles>
